<compile_context>
chip_gen: v7x
topology: tpu7x:2x2x1
jax: 0.10.2.dev20260603
libtpu: 0.0.44.dev20260713+nightly
codegen_flags: <defaults>
</compile_context>

<pallas_src>
import functools

import jax
import jax.numpy as jnp
from jax import lax
from jax.experimental import pallas as pl
from jax.experimental.pallas import tpu as pltpu
from jax.experimental.pallas import tpu_sc as plsc

N = 10000
E = 320000
SPATIAL = 12
HIDDEN = 64

NC = 2
NS = 16
NW = NC * NS
EPW = E // NW
K = 5
EPWK = EPW // K
CH = 80
NCHUNK = EPWK // CH
NBUF = 5
NGRP = NCHUNK // NBUF
ZROWS = E // 2
ZK = ZROWS // K

EB = 6400
_EPS = 1e-5


def _node_body(x_ref, wn_ref, bn_ref, gn_ref, bln_ref, we1_ref, we2_ref,
               be_ref, enc_ref, g_ref, h_ref):
    xs = x_ref[:, :SPATIAL]
    xm = jnp.dot(xs, wn_ref[...],
                 preferred_element_type=jnp.float32) + bn_ref[...]
    m = xm.mean(axis=-1, keepdims=True)
    v = ((xm - m) ** 2).mean(axis=-1, keepdims=True)
    enc = jnp.tanh((xm - m) * lax.rsqrt(v + _EPS) * gn_ref[...] + bln_ref[...])
    enc_ref[...] = enc
    g_ref[...] = jnp.dot(enc, we1_ref[...],
                         preferred_element_type=jnp.float32) + be_ref[...]
    h_ref[...] = jnp.dot(enc, we2_ref[...],
                         preferred_element_type=jnp.float32)


def _node_call(x, wn, bn, gn, bln, we1, we2, be):
    out_shape = [
        jax.ShapeDtypeStruct((N, HIDDEN), jnp.float32),
        jax.ShapeDtypeStruct((N, HIDDEN), jnp.float32),
        jax.ShapeDtypeStruct((N, HIDDEN), jnp.float32),
    ]
    return pl.pallas_call(_node_body, out_shape=out_shape)(
        x, wn, bn, gn, bln, we1, we2, be)


def _edge_ln_body(z_ref, ge_ref, be_ref, prev_ref, out_ref):
    del prev_ref
    z = z_ref[...]
    for p in range(2):
        t = z[:, p * HIDDEN:(p + 1) * HIDDEN]
        m = t.mean(axis=-1, keepdims=True)
        v = ((t - m) ** 2).mean(axis=-1, keepdims=True)
        out_ref[p] = jnp.tanh(
            (t - m) * lax.rsqrt(v + _EPS) * ge_ref[...] + be_ref[...])


def _edge_ln_call(zk, ge, be, prev, k):
    off = k * (ZK // EB)
    out_map = lambda i: (0, i + off, 0)
    return pl.pallas_call(
        _edge_ln_body,
        grid=(ZK // EB,),
        in_specs=[
            pl.BlockSpec((EB, 2 * HIDDEN), lambda i: (i, 0)),
            pl.BlockSpec((1, HIDDEN), lambda i: (0, 0)),
            pl.BlockSpec((1, HIDDEN), lambda i: (0, 0)),
            pl.BlockSpec(memory_space=pl.ANY),
        ],
        out_specs=pl.BlockSpec((2, EB, HIDDEN), out_map),
        out_shape=jax.ShapeDtypeStruct((2, ZROWS, HIDDEN), jnp.float32),
        input_output_aliases={3: 0},
    )(zk, ge, be, prev)


def _edge_ln_body0(z_ref, ge_ref, be_ref, out_ref):
    _edge_ln_body(z_ref, ge_ref, be_ref, None, out_ref)


def _edge_ln_first(zk, ge, be, k):
    off = k * (ZK // EB)
    return pl.pallas_call(
        _edge_ln_body0,
        grid=(ZK // EB,),
        in_specs=[
            pl.BlockSpec((EB, 2 * HIDDEN), lambda i: (i, 0)),
            pl.BlockSpec((1, HIDDEN), lambda i: (0, 0)),
            pl.BlockSpec((1, HIDDEN), lambda i: (0, 0)),
        ],
        out_specs=pl.BlockSpec((2, EB, HIDDEN), lambda i: (0, i + off, 0)),
        out_shape=jax.ShapeDtypeStruct((2, ZROWS, HIDDEN), jnp.float32),
    )(zk, ge, be)


def _gather_body(g_hbm, h_hbm, s_hbm, e_hbm, out_hbm,
                 sidx, eidx, bufs, semg, semh, semw):
    wid = lax.axis_index("s") * NC + lax.axis_index("c")
    pltpu.sync_copy(s_hbm.at[wid], sidx)
    pltpu.sync_copy(e_hbm.at[wid], eidx)
    lane = (wid // NS) * HIDDEN
    rowbase0 = (wid % NS) * EPWK

    def out_win(c):
        return out_hbm.at[pl.ds(rowbase0 + c * CH, CH), pl.ds(lane, HIDDEN)]

    def wait_w(c, b):
        pltpu.make_async_copy(bufs[b], out_win(c), semw[b]).wait()

    def issue_g(c, b):
        pltpu.async_copy(g_hbm.at[sidx.at[c]], bufs[b], semg[b])

    def wait_g(c, b):
        pltpu.make_async_copy(g_hbm.at[sidx.at[c]], bufs[b], semg[b]).wait()

    def issue_h(c, b):
        pltpu.async_copy(h_hbm.at[eidx.at[c]], bufs[b], semh[b], add=True)

    def wait_h_issue_w(c, b):
        pltpu.make_async_copy(h_hbm.at[eidx.at[c]], bufs[b], semh[b]).wait()
        pltpu.async_copy(bufs[b], out_win(c), semw[b])

    issue_g(0, 0)
    issue_g(1, 1)

    def body(g, carry):
        for b in range(NBUF):
            c = g * NBUF + b
            bw = (b - 3) % NBUF
            if b >= 3:
                wait_w(c - 3, bw)
            else:
                pl.when(g > 0)(lambda bw=bw, c=c: wait_w(c - 3, bw))
            bn = (b + 2) % NBUF
            if b <= 2:
                issue_g(c + 2, bn)
            else:
                pl.when(g < NGRP - 1)(lambda bn=bn, c=c: issue_g(c + 2, bn))
            wait_g(c, b)
            issue_h(c, b)
            bp = (b - 1) % NBUF
            if b >= 1:
                wait_h_issue_w(c - 1, bp)
            else:
                pl.when(g > 0)(
                    lambda bp=bp, c=c: wait_h_issue_w(c - 1, bp))
        return carry

    lax.fori_loop(0, NGRP, body, 0)
    last = NCHUNK - 1
    wait_h_issue_w(last, (NCHUNK - 1) % NBUF)
    wait_w(NCHUNK - 3, (NCHUNK - 3) % NBUF)
    wait_w(NCHUNK - 2, (NCHUNK - 2) % NBUF)
    wait_w(NCHUNK - 1, (NCHUNK - 1) % NBUF)


_gather_call = functools.partial(
    pl.kernel,
    out_type=jax.ShapeDtypeStruct((ZK, 2 * HIDDEN), jnp.float32),
    mesh=plsc.VectorSubcoreMesh(core_axis_name="c", subcore_axis_name="s"),
    compiler_params=pltpu.CompilerParams(use_tc_tiling_on_sc=False),
    scratch_types=[
        pltpu.VMEM((NCHUNK, CH), jnp.int32),
        pltpu.VMEM((NCHUNK, CH), jnp.int32),
        [pltpu.VMEM((CH, HIDDEN), jnp.float32) for _ in range(NBUF)],
        [pltpu.SemaphoreType.DMA for _ in range(NBUF)],
        [pltpu.SemaphoreType.DMA for _ in range(NBUF)],
        [pltpu.SemaphoreType.DMA for _ in range(NBUF)],
    ],
)(_gather_body)


def kernel(x, edge_index, Wn, bn, ln_g_n, ln_b_n, We, be, ln_g_e, ln_b_e):
    enc, g_tab, h_tab = _node_call(
        x, Wn, bn.reshape(1, -1), ln_g_n.reshape(1, -1),
        ln_b_n.reshape(1, -1), We[:HIDDEN], We[HIDDEN:], be.reshape(1, -1))
    ei = edge_index.reshape(2, 2, K, NS, NCHUNK, CH)
    ei = ei.transpose(0, 2, 1, 3, 4, 5).reshape(2, K, NW, NCHUNK, CH)
    ge = ln_g_e.reshape(1, -1)
    bee = ln_b_e.reshape(1, -1)
    out3 = None
    for k in range(K):
        zk = _gather_call(g_tab, h_tab, ei[0, k], ei[1, k])
        if out3 is None:
            out3 = _edge_ln_first(zk, ge, bee, k)
        else:
            out3 = _edge_ln_call(zk, ge, bee, out3, k)
    return (enc, out3.reshape(E, HIDDEN))

# --- scband reference (transcript-rebuilt; emitter-appended) ---
"""Pipeline reference for scband-homo-encoder-30305289240583 (READ-ONLY COPY).

The authoritative reference and input builder live on the scoring server;
editing this copy changes nothing except your own understanding.
"""

import jax, jax.numpy as jnp
import numpy as np

N = 10000
E = 320000
DFEAT = 128
SPATIAL = 12
HIDDEN = 64


def _layer_norm(x, g, b, eps=1e-5):
    m = x.mean(axis=-1, keepdims=True)
    v = x.var(axis=-1, keepdims=True)
    return (x - m) / jnp.sqrt(v + eps) * g + b


def setup_inputs(seed: int = 0) -> dict:
    key = jax.random.key(seed)
    ks = jax.random.split(key, 8)
    x = jax.random.normal(ks[0], (N, DFEAT), dtype=jnp.float32)
    edge_index = jax.random.randint(ks[1], (2, E), 0, N, dtype=jnp.int32)
    # node encoder: Linear(SPATIAL -> HIDDEN) + LayerNorm + Tanh (nb_node_layer=1)
    Wn = jax.random.normal(ks[2], (SPATIAL, HIDDEN), dtype=jnp.float32) / np.sqrt(SPATIAL)
    bn = jnp.zeros((HIDDEN,), dtype=jnp.float32)
    ln_g_n = jnp.ones((HIDDEN,), dtype=jnp.float32)
    ln_b_n = jnp.zeros((HIDDEN,), dtype=jnp.float32)
    # edge encoder: Linear(2*HIDDEN -> HIDDEN) + LayerNorm + Tanh (nb_edge_layer=1)
    We = jax.random.normal(ks[3], (2 * HIDDEN, HIDDEN), dtype=jnp.float32) / np.sqrt(2 * HIDDEN)
    be = jnp.zeros((HIDDEN,), dtype=jnp.float32)
    ln_g_e = jnp.ones((HIDDEN,), dtype=jnp.float32)
    ln_b_e = jnp.zeros((HIDDEN,), dtype=jnp.float32)
    return {
        "x": x,
        "edge_index": edge_index,
        "Wn": Wn, "bn": bn, "ln_g_n": ln_g_n, "ln_b_n": ln_b_n,
        "We": We, "be": be, "ln_g_e": ln_g_e, "ln_b_e": ln_b_e,
    }


def reference(x, edge_index, Wn, bn, ln_g_n, ln_b_n, We, be, ln_g_e, ln_b_e):
    # x = x[:, :spatial_channels]
    xs = x[:, :SPATIAL]
    # node MLP: single layer -> LayerNorm -> Tanh (output activation)
    encoded_nodes = jnp.tanh(_layer_norm(xs @ Wn + bn, ln_g_n, ln_b_n))
    start = edge_index[0]
    end = edge_index[1]
    h_start = jnp.take(encoded_nodes, start, axis=0)
    h_end = jnp.take(encoded_nodes, end, axis=0)
    eh = jnp.concatenate([h_start, h_end], axis=-1)
    encoded_edges = jnp.tanh(_layer_norm(eh @ We + be, ln_g_e, ln_b_e))
    return (encoded_nodes, encoded_edges)

if __name__ == "__main__":
    import jax
    _d = setup_inputs()
    print(jax.jit(kernel)(*tuple(_d.values())))

</pallas_src>

<mosaic_0001>
#map = affine_map<(d0, d1) -> (0, 0)>
#map1 = affine_map<(d0, d1) -> (0, 0, 0)>
module attributes {stable_mosaic.version = 14 : i64} {
  func.func @_gather_body(%arg0: i32, %arg1: i32, %arg2: memref<10000x64xf32, #tpu.memory_space<hbm>>, %arg3: memref<10000x64xf32, #tpu.memory_space<hbm>>, %arg4: memref<32x25x80xi32, #tpu.memory_space<hbm>>, %arg5: memref<32x25x80xi32, #tpu.memory_space<hbm>>, %arg6: memref<32000x128xf32, #tpu.memory_space<hbm>>, %arg7: memref<25x80xi32, #tpu.memory_space<vmem>>, %arg8: memref<25x80xi32, #tpu.memory_space<vmem>>, %arg9: memref<80x64xf32, #tpu.memory_space<vmem>>, %arg10: memref<80x64xf32, #tpu.memory_space<vmem>>, %arg11: memref<80x64xf32, #tpu.memory_space<vmem>>, %arg12: memref<80x64xf32, #tpu.memory_space<vmem>>, %arg13: memref<80x64xf32, #tpu.memory_space<vmem>>, %arg14: memref<!tpu.dma_semaphore, #tpu.memory_space<semaphore_mem>>, %arg15: memref<!tpu.dma_semaphore, #tpu.memory_space<semaphore_mem>>, %arg16: memref<!tpu.dma_semaphore, #tpu.memory_space<semaphore_mem>>, %arg17: memref<!tpu.dma_semaphore, #tpu.memory_space<semaphore_mem>>, %arg18: memref<!tpu.dma_semaphore, #tpu.memory_space<semaphore_mem>>, %arg19: memref<!tpu.dma_semaphore, #tpu.memory_space<semaphore_mem>>, %arg20: memref<!tpu.dma_semaphore, #tpu.memory_space<semaphore_mem>>, %arg21: memref<!tpu.dma_semaphore, #tpu.memory_space<semaphore_mem>>, %arg22: memref<!tpu.dma_semaphore, #tpu.memory_space<semaphore_mem>>, %arg23: memref<!tpu.dma_semaphore, #tpu.memory_space<semaphore_mem>>, %arg24: memref<!tpu.dma_semaphore, #tpu.memory_space<semaphore_mem>>, %arg25: memref<!tpu.dma_semaphore, #tpu.memory_space<semaphore_mem>>, %arg26: memref<!tpu.dma_semaphore, #tpu.memory_space<semaphore_mem>>, %arg27: memref<!tpu.dma_semaphore, #tpu.memory_space<semaphore_mem>>, %arg28: memref<!tpu.dma_semaphore, #tpu.memory_space<semaphore_mem>>) attributes {dimension_semantics = [#tpu.dimension_semantics<core_parallel>, #tpu.dimension_semantics<subcore_parallel>], iteration_bounds = array<i64: 2, 16>, scalar_prefetch = 0 : i64, scratch_operands = 22 : i64, tpu.core_type = #tpu.core_type<sc_vector_subcore>, window_params = [{transform_indices = #map}, {transform_indices = #map}, {transform_indices = #map1}, {transform_indices = #map1}, {transform_indices = #map}]} {
    %mul3A = arith.constant 2 : i32
    %mul3A_0 = arith.muli %arg1, %mul3A : i32
    %add3A = arith.addi %mul3A_0, %arg0 : i32
    "tpu.region"() ({
      %run_scoped3A = tpu.sem_alloc : memref<!tpu.dma_semaphore, #tpu.memory_space<semaphore_mem>>
      %dma_start3A_75 = arith.constant 0 : i32
      %dma_start3A_76 = arith.constant 0 : i32
      %dma_start3A_77 = tpu.memref_slice %arg4[%add3A, %dma_start3A_75, %dma_start3A_76] : memref<32x25x80xi32, #tpu.memory_space<hbm>> -> memref<1x25x80xi32, #tpu.memory_space<hbm>>
      %dma_start3A_78 = tpu.memref_squeeze %dma_start3A_77 : memref<1x25x80xi32, #tpu.memory_space<hbm>> -> memref<25x80xi32, #tpu.memory_space<hbm>>
      %dma_start3A_79 = arith.constant 0 : i32
      %dma_start3A_80 = arith.constant 0 : i32
      %dma_start3A_81 = tpu.memref_slice %arg4[%add3A, %dma_start3A_79, %dma_start3A_80] : memref<32x25x80xi32, #tpu.memory_space<hbm>> -> memref<1x25x80xi32, #tpu.memory_space<hbm>>
      %dma_start3A_82 = tpu.memref_squeeze %dma_start3A_81 : memref<1x25x80xi32, #tpu.memory_space<hbm>> -> memref<25x80xi32, #tpu.memory_space<hbm>>
      tpu.enqueue_dma source(%dma_start3A_82 : memref<25x80xi32, #tpu.memory_space<hbm>>) target(%arg7 : memref<25x80xi32, #tpu.memory_space<vmem>>) target_semaphore(%run_scoped3A : memref<!tpu.dma_semaphore, #tpu.memory_space<semaphore_mem>>)
      %dma_wait3A_83 = arith.constant 0 : i32
      %dma_wait3A_84 = arith.constant 0 : i32
      %dma_wait3A_85 = tpu.memref_slice %arg4[%add3A, %dma_wait3A_83, %dma_wait3A_84] : memref<32x25x80xi32, #tpu.memory_space<hbm>> -> memref<1x25x80xi32, #tpu.memory_space<hbm>>
      %dma_wait3A_86 = tpu.memref_squeeze %dma_wait3A_85 : memref<1x25x80xi32, #tpu.memory_space<hbm>> -> memref<25x80xi32, #tpu.memory_space<hbm>>
      %dma_wait3A_87 = arith.constant 0 : i32
      %dma_wait3A_88 = arith.constant 0 : i32
      %dma_wait3A_89 = tpu.memref_slice %arg4[%add3A, %dma_wait3A_87, %dma_wait3A_88] : memref<32x25x80xi32, #tpu.memory_space<hbm>> -> memref<1x25x80xi32, #tpu.memory_space<hbm>>
      %dma_wait3A_90 = tpu.memref_squeeze %dma_wait3A_89 : memref<1x25x80xi32, #tpu.memory_space<hbm>> -> memref<25x80xi32, #tpu.memory_space<hbm>>
      tpu.wait_dma2 semaphore(%run_scoped3A : memref<!tpu.dma_semaphore, #tpu.memory_space<semaphore_mem>>) src(%dma_wait3A_90 : memref<25x80xi32, #tpu.memory_space<hbm>>) dst(%arg7 : memref<25x80xi32, #tpu.memory_space<vmem>>)
      tpu.yield
    }) : () -> ()
    "tpu.region"() ({
      %run_scoped3A = tpu.sem_alloc : memref<!tpu.dma_semaphore, #tpu.memory_space<semaphore_mem>>
      %dma_start3A_75 = arith.constant 0 : i32
      %dma_start3A_76 = arith.constant 0 : i32
      %dma_start3A_77 = tpu.memref_slice %arg5[%add3A, %dma_start3A_75, %dma_start3A_76] : memref<32x25x80xi32, #tpu.memory_space<hbm>> -> memref<1x25x80xi32, #tpu.memory_space<hbm>>
      %dma_start3A_78 = tpu.memref_squeeze %dma_start3A_77 : memref<1x25x80xi32, #tpu.memory_space<hbm>> -> memref<25x80xi32, #tpu.memory_space<hbm>>
      %dma_start3A_79 = arith.constant 0 : i32
      %dma_start3A_80 = arith.constant 0 : i32
      %dma_start3A_81 = tpu.memref_slice %arg5[%add3A, %dma_start3A_79, %dma_start3A_80] : memref<32x25x80xi32, #tpu.memory_space<hbm>> -> memref<1x25x80xi32, #tpu.memory_space<hbm>>
      %dma_start3A_82 = tpu.memref_squeeze %dma_start3A_81 : memref<1x25x80xi32, #tpu.memory_space<hbm>> -> memref<25x80xi32, #tpu.memory_space<hbm>>
      tpu.enqueue_dma source(%dma_start3A_82 : memref<25x80xi32, #tpu.memory_space<hbm>>) target(%arg8 : memref<25x80xi32, #tpu.memory_space<vmem>>) target_semaphore(%run_scoped3A : memref<!tpu.dma_semaphore, #tpu.memory_space<semaphore_mem>>)
      %dma_wait3A_83 = arith.constant 0 : i32
      %dma_wait3A_84 = arith.constant 0 : i32
      %dma_wait3A_85 = tpu.memref_slice %arg5[%add3A, %dma_wait3A_83, %dma_wait3A_84] : memref<32x25x80xi32, #tpu.memory_space<hbm>> -> memref<1x25x80xi32, #tpu.memory_space<hbm>>
      %dma_wait3A_86 = tpu.memref_squeeze %dma_wait3A_85 : memref<1x25x80xi32, #tpu.memory_space<hbm>> -> memref<25x80xi32, #tpu.memory_space<hbm>>
      %dma_wait3A_87 = arith.constant 0 : i32
      %dma_wait3A_88 = arith.constant 0 : i32
      %dma_wait3A_89 = tpu.memref_slice %arg5[%add3A, %dma_wait3A_87, %dma_wait3A_88] : memref<32x25x80xi32, #tpu.memory_space<hbm>> -> memref<1x25x80xi32, #tpu.memory_space<hbm>>
      %dma_wait3A_90 = tpu.memref_squeeze %dma_wait3A_89 : memref<1x25x80xi32, #tpu.memory_space<hbm>> -> memref<25x80xi32, #tpu.memory_space<hbm>>
      tpu.wait_dma2 semaphore(%run_scoped3A : memref<!tpu.dma_semaphore, #tpu.memory_space<semaphore_mem>>) src(%dma_wait3A_90 : memref<25x80xi32, #tpu.memory_space<hbm>>) dst(%arg8 : memref<25x80xi32, #tpu.memory_space<vmem>>)
      tpu.yield
    }) : () -> ()
    %jit3A = arith.constant 16 : i32
    %div3A = arith.divsi %add3A, %jit3A : i32
    %sign3A = arith.constant 0 : i32
    %sign3A_1 = arith.cmpi sgt, %add3A, %sign3A : i32
    %sign3A_2 = arith.extui %sign3A_1 : i1 to i32
    %sign3A_3 = arith.constant 0 : i32
    %sign3A_4 = arith.cmpi slt, %add3A, %sign3A_3 : i32
    %sign3A_5 = arith.extui %sign3A_4 : i1 to i32
    %sign3A_6 = arith.subi %sign3A_2, %sign3A_5 : i32
    %sign3A_7 = arith.constant 0 : i32
    %sign3A_8 = arith.cmpi sgt, %jit3A, %sign3A_7 : i32
    %sign3A_9 = arith.extui %sign3A_8 : i1 to i32
    %sign3A_10 = arith.constant 0 : i32
    %sign3A_11 = arith.cmpi slt, %jit3A, %sign3A_10 : i32
    %sign3A_12 = arith.extui %sign3A_11 : i1 to i32
    %sign3A_13 = arith.subi %sign3A_9, %sign3A_12 : i32
    %ne3A = arith.cmpi ne, %sign3A_6, %sign3A_13 : i32
    %rem3A = arith.remsi %add3A, %jit3A : i32
    %ne3A_14 = arith.constant 0 : i32
    %ne3A_15 = arith.cmpi ne, %rem3A, %ne3A_14 : i32
    %and3A = arith.andi %ne3A, %ne3A_15 : i1
    %sub3A = arith.constant 1 : i32
    %sub3A_16 = arith.subi %div3A, %sub3A : i32
    %select_n3A = arith.select %and3A, %sub3A_16, %div3A : i32
    %mul3A_17 = arith.constant 64 : i32
    %mul3A_18 = arith.muli %select_n3A, %mul3A_17 : i32
    %jit3A_19 = arith.constant 16 : i32
    %eq3A = arith.constant 0 : i32
    %eq3A_20 = arith.cmpi eq, %jit3A_19, %eq3A : i32
    %jit3A_21 = arith.constant 1 : i32
    %select_n3A_22 = arith.select %eq3A_20, %jit3A_21, %jit3A_19 : i32
    %rem3A_23 = arith.remsi %add3A, %select_n3A_22 : i32
    %ne3A_24 = arith.constant 0 : i32
    %ne3A_25 = arith.cmpi ne, %rem3A_23, %ne3A_24 : i32
    %lt3A = arith.constant 0 : i32
    %lt3A_26 = arith.cmpi slt, %rem3A_23, %lt3A : i32
    %lt3A_27 = arith.constant 0 : i32
    %lt3A_28 = arith.cmpi slt, %select_n3A_22, %lt3A_27 : i32
    %ne3A_29 = arith.xori %lt3A_26, %lt3A_28 : i1
    %and3A_30 = arith.andi %ne3A_29, %ne3A_25 : i1
    %add3A_31 = arith.addi %rem3A_23, %select_n3A_22 : i32
    %select_n3A_32 = arith.select %and3A_30, %add3A_31, %rem3A_23 : i32
    %mul3A_33 = arith.constant 2000 : i32
    %mul3A_34 = arith.muli %select_n3A_32, %mul3A_33 : i32
    %dma_start3A = arith.constant 0 : i32
    %dma_start3A_35 = arith.constant 0 : i32
    %dma_start3A_36 = tpu.memref_slice %arg7[%dma_start3A, %dma_start3A_35] : memref<25x80xi32, #tpu.memory_space<vmem>> -> memref<1x80xi32, #tpu.memory_space<vmem>>
    %dma_start3A_37 = tpu.memref_squeeze %dma_start3A_36 : memref<1x80xi32, #tpu.memory_space<vmem>> -> memref<80xi32, #tpu.memory_space<vmem>>
    %dma_start3A_38 = arith.constant 0 : i32
    %dma_start3A_39 = arith.constant 0 : i32
    %dma_start3A_40 = tpu.memref_slice %arg2[%dma_start3A_38, %dma_start3A_39] : memref<10000x64xf32, #tpu.memory_space<hbm>> -> memref<10000x64xf32, #tpu.memory_space<hbm>>
    tpu.enqueue_indirect_dma source(%dma_start3A_40 : memref<10000x64xf32, #tpu.memory_space<hbm>>) target(%arg9 : memref<80x64xf32, #tpu.memory_space<vmem>>) offsets(%dma_start3A_37 : memref<80xi32, #tpu.memory_space<vmem>>) semaphore(%arg14 : memref<!tpu.dma_semaphore, #tpu.memory_space<semaphore_mem>>)
    %dma_start3A_41 = arith.constant 1 : i32
    %dma_start3A_42 = arith.constant 0 : i32
    %dma_start3A_43 = tpu.memref_slice %arg7[%dma_start3A_41, %dma_start3A_42] : memref<25x80xi32, #tpu.memory_space<vmem>> -> memref<1x80xi32, #tpu.memory_space<vmem>>
    %dma_start3A_44 = tpu.memref_squeeze %dma_start3A_43 : memref<1x80xi32, #tpu.memory_space<vmem>> -> memref<80xi32, #tpu.memory_space<vmem>>
    %dma_start3A_45 = arith.constant 0 : i32
    %dma_start3A_46 = arith.constant 0 : i32
    %dma_start3A_47 = tpu.memref_slice %arg2[%dma_start3A_45, %dma_start3A_46] : memref<10000x64xf32, #tpu.memory_space<hbm>> -> memref<10000x64xf32, #tpu.memory_space<hbm>>
    tpu.enqueue_indirect_dma source(%dma_start3A_47 : memref<10000x64xf32, #tpu.memory_space<hbm>>) target(%arg10 : memref<80x64xf32, #tpu.memory_space<vmem>>) offsets(%dma_start3A_44 : memref<80xi32, #tpu.memory_space<vmem>>) semaphore(%arg15 : memref<!tpu.dma_semaphore, #tpu.memory_space<semaphore_mem>>)
    %scan3A = arith.constant 0 : i32
    %scan3A_48 = arith.constant 0 : i32
    %scan3A_49 = arith.constant 5 : i32
    %scan3A_50 = arith.addi %scan3A_48, %scan3A_49 : i32
    %scan3A_51 = arith.constant 1 : i32
    scf.for %scan3A_75 = %scan3A_48 to %scan3A_50 step %scan3A_51  : i32 {
      %mul3A_76 = arith.constant 5 : i32
      %mul3A_77 = arith.muli %scan3A_75, %mul3A_76 : i32
      %add3A_78 = arith.constant 0 : i32
      %add3A_79 = arith.addi %mul3A_77, %add3A_78 : i32
      %gt3A = arith.constant 0 : i32
      %gt3A_80 = arith.cmpi sgt, %scan3A_75, %gt3A : i32
      %convert_element_type3A = arith.extui %gt3A_80 : i1 to i32
      %cond3A = arith.constant 0 : i32
      %cond3A_81 = arith.cmpi ne, %convert_element_type3A, %cond3A : i32
      scf.if %cond3A_81 {
        %sub3A_273 = arith.constant 3 : i32
        %sub3A_274 = arith.subi %add3A_79, %sub3A_273 : i32
        %mul3A_275 = arith.constant 80 : i32
        %mul3A_276 = arith.muli %sub3A_274, %mul3A_275 : i32
        %add3A_277 = arith.addi %mul3A_34, %mul3A_276 : i32
        %dma_wait3A_278 = tpu.memref_slice %arg6[%add3A_277, %mul3A_18] : memref<32000x128xf32, #tpu.memory_space<hbm>> -> memref<80x64xf32, #tpu.memory_space<hbm>>
        %dma_wait3A_279 = tpu.memref_slice %arg6[%add3A_277, %mul3A_18] : memref<32000x128xf32, #tpu.memory_space<hbm>> -> memref<80x64xf32, #tpu.memory_space<hbm>>
        tpu.wait_dma2 semaphore(%arg26 : memref<!tpu.dma_semaphore, #tpu.memory_space<semaphore_mem>>) src(%arg11 : memref<80x64xf32, #tpu.memory_space<vmem>>) dst(%dma_wait3A_279 : memref<80x64xf32, #tpu.memory_space<hbm>>)
      } else {
      }
      %add3A_82 = arith.constant 2 : i32
      %add3A_83 = arith.addi %add3A_79, %add3A_82 : i32
      %dma_start3A_84 = arith.constant 0 : i32
      %dma_start3A_85 = tpu.memref_slice %arg7[%add3A_83, %dma_start3A_84] : memref<25x80xi32, #tpu.memory_space<vmem>> -> memref<1x80xi32, #tpu.memory_space<vmem>>
      %dma_start3A_86 = tpu.memref_squeeze %dma_start3A_85 : memref<1x80xi32, #tpu.memory_space<vmem>> -> memref<80xi32, #tpu.memory_space<vmem>>
      %dma_start3A_87 = arith.constant 0 : i32
      %dma_start3A_88 = arith.constant 0 : i32
      %dma_start3A_89 = tpu.memref_slice %arg2[%dma_start3A_87, %dma_start3A_88] : memref<10000x64xf32, #tpu.memory_space<hbm>> -> memref<10000x64xf32, #tpu.memory_space<hbm>>
      tpu.enqueue_indirect_dma source(%dma_start3A_89 : memref<10000x64xf32, #tpu.memory_space<hbm>>) target(%arg11 : memref<80x64xf32, #tpu.memory_space<vmem>>) offsets(%dma_start3A_86 : memref<80xi32, #tpu.memory_space<vmem>>) semaphore(%arg16 : memref<!tpu.dma_semaphore, #tpu.memory_space<semaphore_mem>>)
      %dma_wait3A_90 = arith.constant 0 : i32
      %dma_wait3A_91 = tpu.memref_slice %arg7[%add3A_79, %dma_wait3A_90] : memref<25x80xi32, #tpu.memory_space<vmem>> -> memref<1x80xi32, #tpu.memory_space<vmem>>
      %dma_wait3A_92 = tpu.memref_squeeze %dma_wait3A_91 : memref<1x80xi32, #tpu.memory_space<vmem>> -> memref<80xi32, #tpu.memory_space<vmem>>
      %dma_wait3A_93 = arith.constant 0 : i32
      %dma_wait3A_94 = arith.constant 0 : i32
      %dma_wait3A_95 = tpu.memref_slice %arg2[%dma_wait3A_93, %dma_wait3A_94] : memref<10000x64xf32, #tpu.memory_space<hbm>> -> memref<10000x64xf32, #tpu.memory_space<hbm>>
      tpu.wait_indirect_dma semaphore(%arg14 : memref<!tpu.dma_semaphore, #tpu.memory_space<semaphore_mem>>) src(%dma_wait3A_95 : memref<10000x64xf32, #tpu.memory_space<hbm>>) dst(%arg9 : memref<80x64xf32, #tpu.memory_space<vmem>>)
      %dma_start3A_96 = arith.constant 0 : i32
      %dma_start3A_97 = tpu.memref_slice %arg8[%add3A_79, %dma_start3A_96] : memref<25x80xi32, #tpu.memory_space<vmem>> -> memref<1x80xi32, #tpu.memory_space<vmem>>
      %dma_start3A_98 = tpu.memref_squeeze %dma_start3A_97 : memref<1x80xi32, #tpu.memory_space<vmem>> -> memref<80xi32, #tpu.memory_space<vmem>>
      %dma_start3A_99 = arith.constant 0 : i32
      %dma_start3A_100 = arith.constant 0 : i32
      %dma_start3A_101 = tpu.memref_slice %arg3[%dma_start3A_99, %dma_start3A_100] : memref<10000x64xf32, #tpu.memory_space<hbm>> -> memref<10000x64xf32, #tpu.memory_space<hbm>>
      tpu.enqueue_indirect_dma source(%dma_start3A_101 : memref<10000x64xf32, #tpu.memory_space<hbm>>) target(%arg9 : memref<80x64xf32, #tpu.memory_space<vmem>>) offsets(%dma_start3A_98 : memref<80xi32, #tpu.memory_space<vmem>>) semaphore(%arg19 : memref<!tpu.dma_semaphore, #tpu.memory_space<semaphore_mem>>) {add = true}
      %gt3A_102 = arith.constant 0 : i32
      %gt3A_103 = arith.cmpi sgt, %scan3A_75, %gt3A_102 : i32
      %convert_element_type3A_104 = arith.extui %gt3A_103 : i1 to i32
      %cond3A_105 = arith.constant 0 : i32
      %cond3A_106 = arith.cmpi ne, %convert_element_type3A_104, %cond3A_105 : i32
      scf.if %cond3A_106 {
        %sub3A_273 = arith.constant 1 : i32
        %sub3A_274 = arith.subi %add3A_79, %sub3A_273 : i32
        %dma_wait3A_275 = arith.constant 0 : i32
        %dma_wait3A_276 = tpu.memref_slice %arg8[%sub3A_274, %dma_wait3A_275] : memref<25x80xi32, #tpu.memory_space<vmem>> -> memref<1x80xi32, #tpu.memory_space<vmem>>
        %dma_wait3A_277 = tpu.memref_squeeze %dma_wait3A_276 : memref<1x80xi32, #tpu.memory_space<vmem>> -> memref<80xi32, #tpu.memory_space<vmem>>
        %dma_wait3A_278 = arith.constant 0 : i32
        %dma_wait3A_279 = arith.constant 0 : i32
        %dma_wait3A_280 = tpu.memref_slice %arg3[%dma_wait3A_278, %dma_wait3A_279] : memref<10000x64xf32, #tpu.memory_space<hbm>> -> memref<10000x64xf32, #tpu.memory_space<hbm>>
        tpu.wait_indirect_dma semaphore(%arg23 : memref<!tpu.dma_semaphore, #tpu.memory_space<semaphore_mem>>) src(%dma_wait3A_280 : memref<10000x64xf32, #tpu.memory_space<hbm>>) dst(%arg13 : memref<80x64xf32, #tpu.memory_space<vmem>>)
        %mul3A_281 = arith.constant 80 : i32
        %mul3A_282 = arith.muli %sub3A_274, %mul3A_281 : i32
        %add3A_283 = arith.addi %mul3A_34, %mul3A_282 : i32
        %dma_start3A_284 = tpu.memref_slice %arg6[%add3A_283, %mul3A_18] : memref<32000x128xf32, #tpu.memory_space<hbm>> -> memref<80x64xf32, #tpu.memory_space<hbm>>
        %dma_start3A_285 = tpu.memref_slice %arg6[%add3A_283, %mul3A_18] : memref<32000x128xf32, #tpu.memory_space<hbm>> -> memref<80x64xf32, #tpu.memory_space<hbm>>
        tpu.enqueue_dma source(%arg13 : memref<80x64xf32, #tpu.memory_space<vmem>>) target(%dma_start3A_285 : memref<80x64xf32, #tpu.memory_space<hbm>>) target_semaphore(%arg28 : memref<!tpu.dma_semaphore, #tpu.memory_space<semaphore_mem>>)
      } else {
      }
      %mul3A_107 = arith.constant 5 : i32
      %mul3A_108 = arith.muli %scan3A_75, %mul3A_107 : i32
      %add3A_109 = arith.constant 1 : i32
      %add3A_110 = arith.addi %mul3A_108, %add3A_109 : i32
      %gt3A_111 = arith.constant 0 : i32
      %gt3A_112 = arith.cmpi sgt, %scan3A_75, %gt3A_111 : i32
      %convert_element_type3A_113 = arith.extui %gt3A_112 : i1 to i32
      %cond3A_114 = arith.constant 0 : i32
      %cond3A_115 = arith.cmpi ne, %convert_element_type3A_113, %cond3A_114 : i32
      scf.if %cond3A_115 {
        %sub3A_273 = arith.constant 3 : i32
        %sub3A_274 = arith.subi %add3A_110, %sub3A_273 : i32
        %mul3A_275 = arith.constant 80 : i32
        %mul3A_276 = arith.muli %sub3A_274, %mul3A_275 : i32
        %add3A_277 = arith.addi %mul3A_34, %mul3A_276 : i32
        %dma_wait3A_278 = tpu.memref_slice %arg6[%add3A_277, %mul3A_18] : memref<32000x128xf32, #tpu.memory_space<hbm>> -> memref<80x64xf32, #tpu.memory_space<hbm>>
        %dma_wait3A_279 = tpu.memref_slice %arg6[%add3A_277, %mul3A_18] : memref<32000x128xf32, #tpu.memory_space<hbm>> -> memref<80x64xf32, #tpu.memory_space<hbm>>
        tpu.wait_dma2 semaphore(%arg27 : memref<!tpu.dma_semaphore, #tpu.memory_space<semaphore_mem>>) src(%arg12 : memref<80x64xf32, #tpu.memory_space<vmem>>) dst(%dma_wait3A_279 : memref<80x64xf32, #tpu.memory_space<hbm>>)
      } else {
      }
      %add3A_116 = arith.constant 2 : i32
      %add3A_117 = arith.addi %add3A_110, %add3A_116 : i32
      %dma_start3A_118 = arith.constant 0 : i32
      %dma_start3A_119 = tpu.memref_slice %arg7[%add3A_117, %dma_start3A_118] : memref<25x80xi32, #tpu.memory_space<vmem>> -> memref<1x80xi32, #tpu.memory_space<vmem>>
      %dma_start3A_120 = tpu.memref_squeeze %dma_start3A_119 : memref<1x80xi32, #tpu.memory_space<vmem>> -> memref<80xi32, #tpu.memory_space<vmem>>
      %dma_start3A_121 = arith.constant 0 : i32
      %dma_start3A_122 = arith.constant 0 : i32
      %dma_start3A_123 = tpu.memref_slice %arg2[%dma_start3A_121, %dma_start3A_122] : memref<10000x64xf32, #tpu.memory_space<hbm>> -> memref<10000x64xf32, #tpu.memory_space<hbm>>
      tpu.enqueue_indirect_dma source(%dma_start3A_123 : memref<10000x64xf32, #tpu.memory_space<hbm>>) target(%arg12 : memref<80x64xf32, #tpu.memory_space<vmem>>) offsets(%dma_start3A_120 : memref<80xi32, #tpu.memory_space<vmem>>) semaphore(%arg17 : memref<!tpu.dma_semaphore, #tpu.memory_space<semaphore_mem>>)
      %dma_wait3A_124 = arith.constant 0 : i32
      %dma_wait3A_125 = tpu.memref_slice %arg7[%add3A_110, %dma_wait3A_124] : memref<25x80xi32, #tpu.memory_space<vmem>> -> memref<1x80xi32, #tpu.memory_space<vmem>>
      %dma_wait3A_126 = tpu.memref_squeeze %dma_wait3A_125 : memref<1x80xi32, #tpu.memory_space<vmem>> -> memref<80xi32, #tpu.memory_space<vmem>>
      %dma_wait3A_127 = arith.constant 0 : i32
      %dma_wait3A_128 = arith.constant 0 : i32
      %dma_wait3A_129 = tpu.memref_slice %arg2[%dma_wait3A_127, %dma_wait3A_128] : memref<10000x64xf32, #tpu.memory_space<hbm>> -> memref<10000x64xf32, #tpu.memory_space<hbm>>
      tpu.wait_indirect_dma semaphore(%arg15 : memref<!tpu.dma_semaphore, #tpu.memory_space<semaphore_mem>>) src(%dma_wait3A_129 : memref<10000x64xf32, #tpu.memory_space<hbm>>) dst(%arg10 : memref<80x64xf32, #tpu.memory_space<vmem>>)
      %dma_start3A_130 = arith.constant 0 : i32
      %dma_start3A_131 = tpu.memref_slice %arg8[%add3A_110, %dma_start3A_130] : memref<25x80xi32, #tpu.memory_space<vmem>> -> memref<1x80xi32, #tpu.memory_space<vmem>>
      %dma_start3A_132 = tpu.memref_squeeze %dma_start3A_131 : memref<1x80xi32, #tpu.memory_space<vmem>> -> memref<80xi32, #tpu.memory_space<vmem>>
      %dma_start3A_133 = arith.constant 0 : i32
      %dma_start3A_134 = arith.constant 0 : i32
      %dma_start3A_135 = tpu.memref_slice %arg3[%dma_start3A_133, %dma_start3A_134] : memref<10000x64xf32, #tpu.memory_space<hbm>> -> memref<10000x64xf32, #tpu.memory_space<hbm>>
      tpu.enqueue_indirect_dma source(%dma_start3A_135 : memref<10000x64xf32, #tpu.memory_space<hbm>>) target(%arg10 : memref<80x64xf32, #tpu.memory_space<vmem>>) offsets(%dma_start3A_132 : memref<80xi32, #tpu.memory_space<vmem>>) semaphore(%arg20 : memref<!tpu.dma_semaphore, #tpu.memory_space<semaphore_mem>>) {add = true}
      %sub3A_136 = arith.constant 1 : i32
      %sub3A_137 = arith.subi %add3A_110, %sub3A_136 : i32
      %dma_wait3A_138 = arith.constant 0 : i32
      %dma_wait3A_139 = tpu.memref_slice %arg8[%sub3A_137, %dma_wait3A_138] : memref<25x80xi32, #tpu.memory_space<vmem>> -> memref<1x80xi32, #tpu.memory_space<vmem>>
      %dma_wait3A_140 = tpu.memref_squeeze %dma_wait3A_139 : memref<1x80xi32, #tpu.memory_space<vmem>> -> memref<80xi32, #tpu.memory_space<vmem>>
      %dma_wait3A_141 = arith.constant 0 : i32
      %dma_wait3A_142 = arith.constant 0 : i32
      %dma_wait3A_143 = tpu.memref_slice %arg3[%dma_wait3A_141, %dma_wait3A_142] : memref<10000x64xf32, #tpu.memory_space<hbm>> -> memref<10000x64xf32, #tpu.memory_space<hbm>>
      tpu.wait_indirect_dma semaphore(%arg19 : memref<!tpu.dma_semaphore, #tpu.memory_space<semaphore_mem>>) src(%dma_wait3A_143 : memref<10000x64xf32, #tpu.memory_space<hbm>>) dst(%arg9 : memref<80x64xf32, #tpu.memory_space<vmem>>)
      %mul3A_144 = arith.constant 80 : i32
      %mul3A_145 = arith.muli %sub3A_137, %mul3A_144 : i32
      %add3A_146 = arith.addi %mul3A_34, %mul3A_145 : i32
      %dma_start3A_147 = tpu.memref_slice %arg6[%add3A_146, %mul3A_18] : memref<32000x128xf32, #tpu.memory_space<hbm>> -> memref<80x64xf32, #tpu.memory_space<hbm>>
      %dma_start3A_148 = tpu.memref_slice %arg6[%add3A_146, %mul3A_18] : memref<32000x128xf32, #tpu.memory_space<hbm>> -> memref<80x64xf32, #tpu.memory_space<hbm>>
      tpu.enqueue_dma source(%arg9 : memref<80x64xf32, #tpu.memory_space<vmem>>) target(%dma_start3A_148 : memref<80x64xf32, #tpu.memory_space<hbm>>) target_semaphore(%arg24 : memref<!tpu.dma_semaphore, #tpu.memory_space<semaphore_mem>>)
      %mul3A_149 = arith.constant 5 : i32
      %mul3A_150 = arith.muli %scan3A_75, %mul3A_149 : i32
      %add3A_151 = arith.constant 2 : i32
      %add3A_152 = arith.addi %mul3A_150, %add3A_151 : i32
      %gt3A_153 = arith.constant 0 : i32
      %gt3A_154 = arith.cmpi sgt, %scan3A_75, %gt3A_153 : i32
      %convert_element_type3A_155 = arith.extui %gt3A_154 : i1 to i32
      %cond3A_156 = arith.constant 0 : i32
      %cond3A_157 = arith.cmpi ne, %convert_element_type3A_155, %cond3A_156 : i32
      scf.if %cond3A_157 {
        %sub3A_273 = arith.constant 3 : i32
        %sub3A_274 = arith.subi %add3A_152, %sub3A_273 : i32
        %mul3A_275 = arith.constant 80 : i32
        %mul3A_276 = arith.muli %sub3A_274, %mul3A_275 : i32
        %add3A_277 = arith.addi %mul3A_34, %mul3A_276 : i32
        %dma_wait3A_278 = tpu.memref_slice %arg6[%add3A_277, %mul3A_18] : memref<32000x128xf32, #tpu.memory_space<hbm>> -> memref<80x64xf32, #tpu.memory_space<hbm>>
        %dma_wait3A_279 = tpu.memref_slice %arg6[%add3A_277, %mul3A_18] : memref<32000x128xf32, #tpu.memory_space<hbm>> -> memref<80x64xf32, #tpu.memory_space<hbm>>
        tpu.wait_dma2 semaphore(%arg28 : memref<!tpu.dma_semaphore, #tpu.memory_space<semaphore_mem>>) src(%arg13 : memref<80x64xf32, #tpu.memory_space<vmem>>) dst(%dma_wait3A_279 : memref<80x64xf32, #tpu.memory_space<hbm>>)
      } else {
      }
      %add3A_158 = arith.constant 2 : i32
      %add3A_159 = arith.addi %add3A_152, %add3A_158 : i32
      %dma_start3A_160 = arith.constant 0 : i32
      %dma_start3A_161 = tpu.memref_slice %arg7[%add3A_159, %dma_start3A_160] : memref<25x80xi32, #tpu.memory_space<vmem>> -> memref<1x80xi32, #tpu.memory_space<vmem>>
      %dma_start3A_162 = tpu.memref_squeeze %dma_start3A_161 : memref<1x80xi32, #tpu.memory_space<vmem>> -> memref<80xi32, #tpu.memory_space<vmem>>
      %dma_start3A_163 = arith.constant 0 : i32
      %dma_start3A_164 = arith.constant 0 : i32
      %dma_start3A_165 = tpu.memref_slice %arg2[%dma_start3A_163, %dma_start3A_164] : memref<10000x64xf32, #tpu.memory_space<hbm>> -> memref<10000x64xf32, #tpu.memory_space<hbm>>
      tpu.enqueue_indirect_dma source(%dma_start3A_165 : memref<10000x64xf32, #tpu.memory_space<hbm>>) target(%arg13 : memref<80x64xf32, #tpu.memory_space<vmem>>) offsets(%dma_start3A_162 : memref<80xi32, #tpu.memory_space<vmem>>) semaphore(%arg18 : memref<!tpu.dma_semaphore, #tpu.memory_space<semaphore_mem>>)
      %dma_wait3A_166 = arith.constant 0 : i32
      %dma_wait3A_167 = tpu.memref_slice %arg7[%add3A_152, %dma_wait3A_166] : memref<25x80xi32, #tpu.memory_space<vmem>> -> memref<1x80xi32, #tpu.memory_space<vmem>>
      %dma_wait3A_168 = tpu.memref_squeeze %dma_wait3A_167 : memref<1x80xi32, #tpu.memory_space<vmem>> -> memref<80xi32, #tpu.memory_space<vmem>>
      %dma_wait3A_169 = arith.constant 0 : i32
      %dma_wait3A_170 = arith.constant 0 : i32
      %dma_wait3A_171 = tpu.memref_slice %arg2[%dma_wait3A_169, %dma_wait3A_170] : memref<10000x64xf32, #tpu.memory_space<hbm>> -> memref<10000x64xf32, #tpu.memory_space<hbm>>
      tpu.wait_indirect_dma semaphore(%arg16 : memref<!tpu.dma_semaphore, #tpu.memory_space<semaphore_mem>>) src(%dma_wait3A_171 : memref<10000x64xf32, #tpu.memory_space<hbm>>) dst(%arg11 : memref<80x64xf32, #tpu.memory_space<vmem>>)
      %dma_start3A_172 = arith.constant 0 : i32
      %dma_start3A_173 = tpu.memref_slice %arg8[%add3A_152, %dma_start3A_172] : memref<25x80xi32, #tpu.memory_space<vmem>> -> memref<1x80xi32, #tpu.memory_space<vmem>>
      %dma_start3A_174 = tpu.memref_squeeze %dma_start3A_173 : memref<1x80xi32, #tpu.memory_space<vmem>> -> memref<80xi32, #tpu.memory_space<vmem>>
      %dma_start3A_175 = arith.constant 0 : i32
      %dma_start3A_176 = arith.constant 0 : i32
      %dma_start3A_177 = tpu.memref_slice %arg3[%dma_start3A_175, %dma_start3A_176] : memref<10000x64xf32, #tpu.memory_space<hbm>> -> memref<10000x64xf32, #tpu.memory_space<hbm>>
      tpu.enqueue_indirect_dma source(%dma_start3A_177 : memref<10000x64xf32, #tpu.memory_space<hbm>>) target(%arg11 : memref<80x64xf32, #tpu.memory_space<vmem>>) offsets(%dma_start3A_174 : memref<80xi32, #tpu.memory_space<vmem>>) semaphore(%arg21 : memref<!tpu.dma_semaphore, #tpu.memory_space<semaphore_mem>>) {add = true}
      %sub3A_178 = arith.constant 1 : i32
      %sub3A_179 = arith.subi %add3A_152, %sub3A_178 : i32
      %dma_wait3A_180 = arith.constant 0 : i32
      %dma_wait3A_181 = tpu.memref_slice %arg8[%sub3A_179, %dma_wait3A_180] : memref<25x80xi32, #tpu.memory_space<vmem>> -> memref<1x80xi32, #tpu.memory_space<vmem>>
      %dma_wait3A_182 = tpu.memref_squeeze %dma_wait3A_181 : memref<1x80xi32, #tpu.memory_space<vmem>> -> memref<80xi32, #tpu.memory_space<vmem>>
      %dma_wait3A_183 = arith.constant 0 : i32
      %dma_wait3A_184 = arith.constant 0 : i32
      %dma_wait3A_185 = tpu.memref_slice %arg3[%dma_wait3A_183, %dma_wait3A_184] : memref<10000x64xf32, #tpu.memory_space<hbm>> -> memref<10000x64xf32, #tpu.memory_space<hbm>>
      tpu.wait_indirect_dma semaphore(%arg20 : memref<!tpu.dma_semaphore, #tpu.memory_space<semaphore_mem>>) src(%dma_wait3A_185 : memref<10000x64xf32, #tpu.memory_space<hbm>>) dst(%arg10 : memref<80x64xf32, #tpu.memory_space<vmem>>)
      %mul3A_186 = arith.constant 80 : i32
      %mul3A_187 = arith.muli %sub3A_179, %mul3A_186 : i32
      %add3A_188 = arith.addi %mul3A_34, %mul3A_187 : i32
      %dma_start3A_189 = tpu.memref_slice %arg6[%add3A_188, %mul3A_18] : memref<32000x128xf32, #tpu.memory_space<hbm>> -> memref<80x64xf32, #tpu.memory_space<hbm>>
      %dma_start3A_190 = tpu.memref_slice %arg6[%add3A_188, %mul3A_18] : memref<32000x128xf32, #tpu.memory_space<hbm>> -> memref<80x64xf32, #tpu.memory_space<hbm>>
      tpu.enqueue_dma source(%arg10 : memref<80x64xf32, #tpu.memory_space<vmem>>) target(%dma_start3A_190 : memref<80x64xf32, #tpu.memory_space<hbm>>) target_semaphore(%arg25 : memref<!tpu.dma_semaphore, #tpu.memory_space<semaphore_mem>>)
      %mul3A_191 = arith.constant 5 : i32
      %mul3A_192 = arith.muli %scan3A_75, %mul3A_191 : i32
      %add3A_193 = arith.constant 3 : i32
      %add3A_194 = arith.addi %mul3A_192, %add3A_193 : i32
      %sub3A_195 = arith.constant 3 : i32
      %sub3A_196 = arith.subi %add3A_194, %sub3A_195 : i32
      %mul3A_197 = arith.constant 80 : i32
      %mul3A_198 = arith.muli %sub3A_196, %mul3A_197 : i32
      %add3A_199 = arith.addi %mul3A_34, %mul3A_198 : i32
      %dma_wait3A_200 = tpu.memref_slice %arg6[%add3A_199, %mul3A_18] : memref<32000x128xf32, #tpu.memory_space<hbm>> -> memref<80x64xf32, #tpu.memory_space<hbm>>
      %dma_wait3A_201 = tpu.memref_slice %arg6[%add3A_199, %mul3A_18] : memref<32000x128xf32, #tpu.memory_space<hbm>> -> memref<80x64xf32, #tpu.memory_space<hbm>>
      tpu.wait_dma2 semaphore(%arg24 : memref<!tpu.dma_semaphore, #tpu.memory_space<semaphore_mem>>) src(%arg9 : memref<80x64xf32, #tpu.memory_space<vmem>>) dst(%dma_wait3A_201 : memref<80x64xf32, #tpu.memory_space<hbm>>)
      %lt3A_202 = arith.constant 4 : i32
      %lt3A_203 = arith.cmpi slt, %scan3A_75, %lt3A_202 : i32
      %convert_element_type3A_204 = arith.extui %lt3A_203 : i1 to i32
      %cond3A_205 = arith.constant 0 : i32
      %cond3A_206 = arith.cmpi ne, %convert_element_type3A_204, %cond3A_205 : i32
      scf.if %cond3A_206 {
        %add3A_273 = arith.constant 2 : i32
        %add3A_274 = arith.addi %add3A_194, %add3A_273 : i32
        %dma_start3A_275 = arith.constant 0 : i32
        %dma_start3A_276 = tpu.memref_slice %arg7[%add3A_274, %dma_start3A_275] : memref<25x80xi32, #tpu.memory_space<vmem>> -> memref<1x80xi32, #tpu.memory_space<vmem>>
        %dma_start3A_277 = tpu.memref_squeeze %dma_start3A_276 : memref<1x80xi32, #tpu.memory_space<vmem>> -> memref<80xi32, #tpu.memory_space<vmem>>
        %dma_start3A_278 = arith.constant 0 : i32
        %dma_start3A_279 = arith.constant 0 : i32
        %dma_start3A_280 = tpu.memref_slice %arg2[%dma_start3A_278, %dma_start3A_279] : memref<10000x64xf32, #tpu.memory_space<hbm>> -> memref<10000x64xf32, #tpu.memory_space<hbm>>
        tpu.enqueue_indirect_dma source(%dma_start3A_280 : memref<10000x64xf32, #tpu.memory_space<hbm>>) target(%arg9 : memref<80x64xf32, #tpu.memory_space<vmem>>) offsets(%dma_start3A_277 : memref<80xi32, #tpu.memory_space<vmem>>) semaphore(%arg14 : memref<!tpu.dma_semaphore, #tpu.memory_space<semaphore_mem>>)
      } else {
      }
      %dma_wait3A_207 = arith.constant 0 : i32
      %dma_wait3A_208 = tpu.memref_slice %arg7[%add3A_194, %dma_wait3A_207] : memref<25x80xi32, #tpu.memory_space<vmem>> -> memref<1x80xi32, #tpu.memory_space<vmem>>
      %dma_wait3A_209 = tpu.memref_squeeze %dma_wait3A_208 : memref<1x80xi32, #tpu.memory_space<vmem>> -> memref<80xi32, #tpu.memory_space<vmem>>
      %dma_wait3A_210 = arith.constant 0 : i32
      %dma_wait3A_211 = arith.constant 0 : i32
      %dma_wait3A_212 = tpu.memref_slice %arg2[%dma_wait3A_210, %dma_wait3A_211] : memref<10000x64xf32, #tpu.memory_space<hbm>> -> memref<10000x64xf32, #tpu.memory_space<hbm>>
      tpu.wait_indirect_dma semaphore(%arg17 : memref<!tpu.dma_semaphore, #tpu.memory_space<semaphore_mem>>) src(%dma_wait3A_212 : memref<10000x64xf32, #tpu.memory_space<hbm>>) dst(%arg12 : memref<80x64xf32, #tpu.memory_space<vmem>>)
      %dma_start3A_213 = arith.constant 0 : i32
      %dma_start3A_214 = tpu.memref_slice %arg8[%add3A_194, %dma_start3A_213] : memref<25x80xi32, #tpu.memory_space<vmem>> -> memref<1x80xi32, #tpu.memory_space<vmem>>
      %dma_start3A_215 = tpu.memref_squeeze %dma_start3A_214 : memref<1x80xi32, #tpu.memory_space<vmem>> -> memref<80xi32, #tpu.memory_space<vmem>>
      %dma_start3A_216 = arith.constant 0 : i32
      %dma_start3A_217 = arith.constant 0 : i32
      %dma_start3A_218 = tpu.memref_slice %arg3[%dma_start3A_216, %dma_start3A_217] : memref<10000x64xf32, #tpu.memory_space<hbm>> -> memref<10000x64xf32, #tpu.memory_space<hbm>>
      tpu.enqueue_indirect_dma source(%dma_start3A_218 : memref<10000x64xf32, #tpu.memory_space<hbm>>) target(%arg12 : memref<80x64xf32, #tpu.memory_space<vmem>>) offsets(%dma_start3A_215 : memref<80xi32, #tpu.memory_space<vmem>>) semaphore(%arg22 : memref<!tpu.dma_semaphore, #tpu.memory_space<semaphore_mem>>) {add = true}
      %sub3A_219 = arith.constant 1 : i32
      %sub3A_220 = arith.subi %add3A_194, %sub3A_219 : i32
      %dma_wait3A_221 = arith.constant 0 : i32
      %dma_wait3A_222 = tpu.memref_slice %arg8[%sub3A_220, %dma_wait3A_221] : memref<25x80xi32, #tpu.memory_space<vmem>> -> memref<1x80xi32, #tpu.memory_space<vmem>>
      %dma_wait3A_223 = tpu.memref_squeeze %dma_wait3A_222 : memref<1x80xi32, #tpu.memory_space<vmem>> -> memref<80xi32, #tpu.memory_space<vmem>>
      %dma_wait3A_224 = arith.constant 0 : i32
      %dma_wait3A_225 = arith.constant 0 : i32
      %dma_wait3A_226 = tpu.memref_slice %arg3[%dma_wait3A_224, %dma_wait3A_225] : memref<10000x64xf32, #tpu.memory_space<hbm>> -> memref<10000x64xf32, #tpu.memory_space<hbm>>
      tpu.wait_indirect_dma semaphore(%arg21 : memref<!tpu.dma_semaphore, #tpu.memory_space<semaphore_mem>>) src(%dma_wait3A_226 : memref<10000x64xf32, #tpu.memory_space<hbm>>) dst(%arg11 : memref<80x64xf32, #tpu.memory_space<vmem>>)
      %mul3A_227 = arith.constant 80 : i32
      %mul3A_228 = arith.muli %sub3A_220, %mul3A_227 : i32
      %add3A_229 = arith.addi %mul3A_34, %mul3A_228 : i32
      %dma_start3A_230 = tpu.memref_slice %arg6[%add3A_229, %mul3A_18] : memref<32000x128xf32, #tpu.memory_space<hbm>> -> memref<80x64xf32, #tpu.memory_space<hbm>>
      %dma_start3A_231 = tpu.memref_slice %arg6[%add3A_229, %mul3A_18] : memref<32000x128xf32, #tpu.memory_space<hbm>> -> memref<80x64xf32, #tpu.memory_space<hbm>>
      tpu.enqueue_dma source(%arg11 : memref<80x64xf32, #tpu.memory_space<vmem>>) target(%dma_start3A_231 : memref<80x64xf32, #tpu.memory_space<hbm>>) target_semaphore(%arg26 : memref<!tpu.dma_semaphore, #tpu.memory_space<semaphore_mem>>)
      %mul3A_232 = arith.constant 5 : i32
      %mul3A_233 = arith.muli %scan3A_75, %mul3A_232 : i32
      %add3A_234 = arith.constant 4 : i32
      %add3A_235 = arith.addi %mul3A_233, %add3A_234 : i32
      %sub3A_236 = arith.constant 3 : i32
      %sub3A_237 = arith.subi %add3A_235, %sub3A_236 : i32
      %mul3A_238 = arith.constant 80 : i32
      %mul3A_239 = arith.muli %sub3A_237, %mul3A_238 : i32
      %add3A_240 = arith.addi %mul3A_34, %mul3A_239 : i32
      %dma_wait3A_241 = tpu.memref_slice %arg6[%add3A_240, %mul3A_18] : memref<32000x128xf32, #tpu.memory_space<hbm>> -> memref<80x64xf32, #tpu.memory_space<hbm>>
      %dma_wait3A_242 = tpu.memref_slice %arg6[%add3A_240, %mul3A_18] : memref<32000x128xf32, #tpu.memory_space<hbm>> -> memref<80x64xf32, #tpu.memory_space<hbm>>
      tpu.wait_dma2 semaphore(%arg25 : memref<!tpu.dma_semaphore, #tpu.memory_space<semaphore_mem>>) src(%arg10 : memref<80x64xf32, #tpu.memory_space<vmem>>) dst(%dma_wait3A_242 : memref<80x64xf32, #tpu.memory_space<hbm>>)
      %lt3A_243 = arith.constant 4 : i32
      %lt3A_244 = arith.cmpi slt, %scan3A_75, %lt3A_243 : i32
      %convert_element_type3A_245 = arith.extui %lt3A_244 : i1 to i32
      %cond3A_246 = arith.constant 0 : i32
      %cond3A_247 = arith.cmpi ne, %convert_element_type3A_245, %cond3A_246 : i32
      scf.if %cond3A_247 {
        %add3A_273 = arith.constant 2 : i32
        %add3A_274 = arith.addi %add3A_235, %add3A_273 : i32
        %dma_start3A_275 = arith.constant 0 : i32
        %dma_start3A_276 = tpu.memref_slice %arg7[%add3A_274, %dma_start3A_275] : memref<25x80xi32, #tpu.memory_space<vmem>> -> memref<1x80xi32, #tpu.memory_space<vmem>>
        %dma_start3A_277 = tpu.memref_squeeze %dma_start3A_276 : memref<1x80xi32, #tpu.memory_space<vmem>> -> memref<80xi32, #tpu.memory_space<vmem>>
        %dma_start3A_278 = arith.constant 0 : i32
        %dma_start3A_279 = arith.constant 0 : i32
        %dma_start3A_280 = tpu.memref_slice %arg2[%dma_start3A_278, %dma_start3A_279] : memref<10000x64xf32, #tpu.memory_space<hbm>> -> memref<10000x64xf32, #tpu.memory_space<hbm>>
        tpu.enqueue_indirect_dma source(%dma_start3A_280 : memref<10000x64xf32, #tpu.memory_space<hbm>>) target(%arg10 : memref<80x64xf32, #tpu.memory_space<vmem>>) offsets(%dma_start3A_277 : memref<80xi32, #tpu.memory_space<vmem>>) semaphore(%arg15 : memref<!tpu.dma_semaphore, #tpu.memory_space<semaphore_mem>>)
      } else {
      }
      %dma_wait3A_248 = arith.constant 0 : i32
      %dma_wait3A_249 = tpu.memref_slice %arg7[%add3A_235, %dma_wait3A_248] : memref<25x80xi32, #tpu.memory_space<vmem>> -> memref<1x80xi32, #tpu.memory_space<vmem>>
      %dma_wait3A_250 = tpu.memref_squeeze %dma_wait3A_249 : memref<1x80xi32, #tpu.memory_space<vmem>> -> memref<80xi32, #tpu.memory_space<vmem>>
      %dma_wait3A_251 = arith.constant 0 : i32
      %dma_wait3A_252 = arith.constant 0 : i32
      %dma_wait3A_253 = tpu.memref_slice %arg2[%dma_wait3A_251, %dma_wait3A_252] : memref<10000x64xf32, #tpu.memory_space<hbm>> -> memref<10000x64xf32, #tpu.memory_space<hbm>>
      tpu.wait_indirect_dma semaphore(%arg18 : memref<!tpu.dma_semaphore, #tpu.memory_space<semaphore_mem>>) src(%dma_wait3A_253 : memref<10000x64xf32, #tpu.memory_space<hbm>>) dst(%arg13 : memref<80x64xf32, #tpu.memory_space<vmem>>)
      %dma_start3A_254 = arith.constant 0 : i32
      %dma_start3A_255 = tpu.memref_slice %arg8[%add3A_235, %dma_start3A_254] : memref<25x80xi32, #tpu.memory_space<vmem>> -> memref<1x80xi32, #tpu.memory_space<vmem>>
      %dma_start3A_256 = tpu.memref_squeeze %dma_start3A_255 : memref<1x80xi32, #tpu.memory_space<vmem>> -> memref<80xi32, #tpu.memory_space<vmem>>
      %dma_start3A_257 = arith.constant 0 : i32
      %dma_start3A_258 = arith.constant 0 : i32
      %dma_start3A_259 = tpu.memref_slice %arg3[%dma_start3A_257, %dma_start3A_258] : memref<10000x64xf32, #tpu.memory_space<hbm>> -> memref<10000x64xf32, #tpu.memory_space<hbm>>
      tpu.enqueue_indirect_dma source(%dma_start3A_259 : memref<10000x64xf32, #tpu.memory_space<hbm>>) target(%arg13 : memref<80x64xf32, #tpu.memory_space<vmem>>) offsets(%dma_start3A_256 : memref<80xi32, #tpu.memory_space<vmem>>) semaphore(%arg23 : memref<!tpu.dma_semaphore, #tpu.memory_space<semaphore_mem>>) {add = true}
      %sub3A_260 = arith.constant 1 : i32
      %sub3A_261 = arith.subi %add3A_235, %sub3A_260 : i32
      %dma_wait3A_262 = arith.constant 0 : i32
      %dma_wait3A_263 = tpu.memref_slice %arg8[%sub3A_261, %dma_wait3A_262] : memref<25x80xi32, #tpu.memory_space<vmem>> -> memref<1x80xi32, #tpu.memory_space<vmem>>
      %dma_wait3A_264 = tpu.memref_squeeze %dma_wait3A_263 : memref<1x80xi32, #tpu.memory_space<vmem>> -> memref<80xi32, #tpu.memory_space<vmem>>
      %dma_wait3A_265 = arith.constant 0 : i32
      %dma_wait3A_266 = arith.constant 0 : i32
      %dma_wait3A_267 = tpu.memref_slice %arg3[%dma_wait3A_265, %dma_wait3A_266] : memref<10000x64xf32, #tpu.memory_space<hbm>> -> memref<10000x64xf32, #tpu.memory_space<hbm>>
      tpu.wait_indirect_dma semaphore(%arg22 : memref<!tpu.dma_semaphore, #tpu.memory_space<semaphore_mem>>) src(%dma_wait3A_267 : memref<10000x64xf32, #tpu.memory_space<hbm>>) dst(%arg12 : memref<80x64xf32, #tpu.memory_space<vmem>>)
      %mul3A_268 = arith.constant 80 : i32
      %mul3A_269 = arith.muli %sub3A_261, %mul3A_268 : i32
      %add3A_270 = arith.addi %mul3A_34, %mul3A_269 : i32
      %dma_start3A_271 = tpu.memref_slice %arg6[%add3A_270, %mul3A_18] : memref<32000x128xf32, #tpu.memory_space<hbm>> -> memref<80x64xf32, #tpu.memory_space<hbm>>
      %dma_start3A_272 = tpu.memref_slice %arg6[%add3A_270, %mul3A_18] : memref<32000x128xf32, #tpu.memory_space<hbm>> -> memref<80x64xf32, #tpu.memory_space<hbm>>
      tpu.enqueue_dma source(%arg12 : memref<80x64xf32, #tpu.memory_space<vmem>>) target(%dma_start3A_272 : memref<80x64xf32, #tpu.memory_space<hbm>>) target_semaphore(%arg27 : memref<!tpu.dma_semaphore, #tpu.memory_space<semaphore_mem>>)
    }
    %scan3A_52 = arith.constant 5 : i32
    %dma_wait3A = arith.constant 24 : i32
    %dma_wait3A_53 = arith.constant 0 : i32
    %dma_wait3A_54 = tpu.memref_slice %arg8[%dma_wait3A, %dma_wait3A_53] : memref<25x80xi32, #tpu.memory_space<vmem>> -> memref<1x80xi32, #tpu.memory_space<vmem>>
    %dma_wait3A_55 = tpu.memref_squeeze %dma_wait3A_54 : memref<1x80xi32, #tpu.memory_space<vmem>> -> memref<80xi32, #tpu.memory_space<vmem>>
    %dma_wait3A_56 = arith.constant 0 : i32
    %dma_wait3A_57 = arith.constant 0 : i32
    %dma_wait3A_58 = tpu.memref_slice %arg3[%dma_wait3A_56, %dma_wait3A_57] : memref<10000x64xf32, #tpu.memory_space<hbm>> -> memref<10000x64xf32, #tpu.memory_space<hbm>>
    tpu.wait_indirect_dma semaphore(%arg23 : memref<!tpu.dma_semaphore, #tpu.memory_space<semaphore_mem>>) src(%dma_wait3A_58 : memref<10000x64xf32, #tpu.memory_space<hbm>>) dst(%arg13 : memref<80x64xf32, #tpu.memory_space<vmem>>)
    %add3A_59 = arith.constant 1920 : i32
    %add3A_60 = arith.addi %mul3A_34, %add3A_59 : i32
    %dma_start3A_61 = tpu.memref_slice %arg6[%add3A_60, %mul3A_18] : memref<32000x128xf32, #tpu.memory_space<hbm>> -> memref<80x64xf32, #tpu.memory_space<hbm>>
    %dma_start3A_62 = tpu.memref_slice %arg6[%add3A_60, %mul3A_18] : memref<32000x128xf32, #tpu.memory_space<hbm>> -> memref<80x64xf32, #tpu.memory_space<hbm>>
    tpu.enqueue_dma source(%arg13 : memref<80x64xf32, #tpu.memory_space<vmem>>) target(%dma_start3A_62 : memref<80x64xf32, #tpu.memory_space<hbm>>) target_semaphore(%arg28 : memref<!tpu.dma_semaphore, #tpu.memory_space<semaphore_mem>>)
    %add3A_63 = arith.constant 1760 : i32
    %add3A_64 = arith.addi %mul3A_34, %add3A_63 : i32
    %dma_wait3A_65 = tpu.memref_slice %arg6[%add3A_64, %mul3A_18] : memref<32000x128xf32, #tpu.memory_space<hbm>> -> memref<80x64xf32, #tpu.memory_space<hbm>>
    %dma_wait3A_66 = tpu.memref_slice %arg6[%add3A_64, %mul3A_18] : memref<32000x128xf32, #tpu.memory_space<hbm>> -> memref<80x64xf32, #tpu.memory_space<hbm>>
    tpu.wait_dma2 semaphore(%arg26 : memref<!tpu.dma_semaphore, #tpu.memory_space<semaphore_mem>>) src(%arg11 : memref<80x64xf32, #tpu.memory_space<vmem>>) dst(%dma_wait3A_66 : memref<80x64xf32, #tpu.memory_space<hbm>>)
    %add3A_67 = arith.constant 1840 : i32
    %add3A_68 = arith.addi %mul3A_34, %add3A_67 : i32
    %dma_wait3A_69 = tpu.memref_slice %arg6[%add3A_68, %mul3A_18] : memref<32000x128xf32, #tpu.memory_space<hbm>> -> memref<80x64xf32, #tpu.memory_space<hbm>>
    %dma_wait3A_70 = tpu.memref_slice %arg6[%add3A_68, %mul3A_18] : memref<32000x128xf32, #tpu.memory_space<hbm>> -> memref<80x64xf32, #tpu.memory_space<hbm>>
    tpu.wait_dma2 semaphore(%arg27 : memref<!tpu.dma_semaphore, #tpu.memory_space<semaphore_mem>>) src(%arg12 : memref<80x64xf32, #tpu.memory_space<vmem>>) dst(%dma_wait3A_70 : memref<80x64xf32, #tpu.memory_space<hbm>>)
    %add3A_71 = arith.constant 1920 : i32
    %add3A_72 = arith.addi %mul3A_34, %add3A_71 : i32
    %dma_wait3A_73 = tpu.memref_slice %arg6[%add3A_72, %mul3A_18] : memref<32000x128xf32, #tpu.memory_space<hbm>> -> memref<80x64xf32, #tpu.memory_space<hbm>>
    %dma_wait3A_74 = tpu.memref_slice %arg6[%add3A_72, %mul3A_18] : memref<32000x128xf32, #tpu.memory_space<hbm>> -> memref<80x64xf32, #tpu.memory_space<hbm>>
    tpu.wait_dma2 semaphore(%arg28 : memref<!tpu.dma_semaphore, #tpu.memory_space<semaphore_mem>>) src(%arg13 : memref<80x64xf32, #tpu.memory_space<vmem>>) dst(%dma_wait3A_74 : memref<80x64xf32, #tpu.memory_space<hbm>>)
    return
  }
}

#map = affine_map<(d0, d1) -> (0, 0)>
#map1 = affine_map<(d0, d1) -> (0, 0, 0)>
module attributes {stable_mosaic.version = 14 : i64} {
  func.func @_gather_body(%arg0: i32, %arg1: i32, %arg2: memref<10000x64xf32, #tpu.memory_space<hbm>>, %arg3: memref<10000x64xf32, #tpu.memory_space<hbm>>, %arg4: memref<32x25x80xi32, #tpu.memory_space<hbm>>, %arg5: memref<32x25x80xi32, #tpu.memory_space<hbm>>, %arg6: memref<32000x128xf32, #tpu.memory_space<hbm>>, %arg7: memref<25x80xi32, #tpu.memory_space<vmem>>, %arg8: memref<25x80xi32, #tpu.memory_space<vmem>>, %arg9: memref<80x64xf32, #tpu.memory_space<vmem>>, %arg10: memref<80x64xf32, #tpu.memory_space<vmem>>, %arg11: memref<80x64xf32, #tpu.memory_space<vmem>>, %arg12: memref<80x64xf32, #tpu.memory_space<vmem>>, %arg13: memref<80x64xf32, #tpu.memory_space<vmem>>, %arg14: memref<!tpu.dma_semaphore, #tpu.memory_space<semaphore_mem>>, %arg15: memref<!tpu.dma_semaphore, #tpu.memory_space<semaphore_mem>>, %arg16: memref<!tpu.dma_semaphore, #tpu.memory_space<semaphore_mem>>, %arg17: memref<!tpu.dma_semaphore, #tpu.memory_space<semaphore_mem>>, %arg18: memref<!tpu.dma_semaphore, #tpu.memory_space<semaphore_mem>>, %arg19: memref<!tpu.dma_semaphore, #tpu.memory_space<semaphore_mem>>, %arg20: memref<!tpu.dma_semaphore, #tpu.memory_space<semaphore_mem>>, %arg21: memref<!tpu.dma_semaphore, #tpu.memory_space<semaphore_mem>>, %arg22: memref<!tpu.dma_semaphore, #tpu.memory_space<semaphore_mem>>, %arg23: memref<!tpu.dma_semaphore, #tpu.memory_space<semaphore_mem>>, %arg24: memref<!tpu.dma_semaphore, #tpu.memory_space<semaphore_mem>>, %arg25: memref<!tpu.dma_semaphore, #tpu.memory_space<semaphore_mem>>, %arg26: memref<!tpu.dma_semaphore, #tpu.memory_space<semaphore_mem>>, %arg27: memref<!tpu.dma_semaphore, #tpu.memory_space<semaphore_mem>>, %arg28: memref<!tpu.dma_semaphore, #tpu.memory_space<semaphore_mem>>) attributes {dimension_semantics = [#tpu.dimension_semantics<core_parallel>, #tpu.dimension_semantics<subcore_parallel>], iteration_bounds = array<i64: 2, 16>, scalar_prefetch = 0 : i64, scratch_operands = 22 : i64, tpu.core_type = #tpu.core_type<sc_vector_subcore>, window_params = [{transform_indices = #map}, {transform_indices = #map}, {transform_indices = #map1}, {transform_indices = #map1}, {transform_indices = #map}]} {
    %mul3A = arith.constant 2 : i32
    %mul3A_0 = arith.muli %arg1, %mul3A : i32
    %add3A = arith.addi %mul3A_0, %arg0 : i32
    "tpu.region"() ({
      %run_scoped3A = tpu.sem_alloc : memref<!tpu.dma_semaphore, #tpu.memory_space<semaphore_mem>>
      %dma_start3A_75 = arith.constant 0 : i32
      %dma_start3A_76 = arith.constant 0 : i32
      %dma_start3A_77 = tpu.memref_slice %arg4[%add3A, %dma_start3A_75, %dma_start3A_76] : memref<32x25x80xi32, #tpu.memory_space<hbm>> -> memref<1x25x80xi32, #tpu.memory_space<hbm>>
      %dma_start3A_78 = tpu.memref_squeeze %dma_start3A_77 : memref<1x25x80xi32, #tpu.memory_space<hbm>> -> memref<25x80xi32, #tpu.memory_space<hbm>>
      %dma_start3A_79 = arith.constant 0 : i32
      %dma_start3A_80 = arith.constant 0 : i32
      %dma_start3A_81 = tpu.memref_slice %arg4[%add3A, %dma_start3A_79, %dma_start3A_80] : memref<32x25x80xi32, #tpu.memory_space<hbm>> -> memref<1x25x80xi32, #tpu.memory_space<hbm>>
      %dma_start3A_82 = tpu.memref_squeeze %dma_start3A_81 : memref<1x25x80xi32, #tpu.memory_space<hbm>> -> memref<25x80xi32, #tpu.memory_space<hbm>>
      tpu.enqueue_dma source(%dma_start3A_82 : memref<25x80xi32, #tpu.memory_space<hbm>>) target(%arg7 : memref<25x80xi32, #tpu.memory_space<vmem>>) target_semaphore(%run_scoped3A : memref<!tpu.dma_semaphore, #tpu.memory_space<semaphore_mem>>)
      %dma_wait3A_83 = arith.constant 0 : i32
      %dma_wait3A_84 = arith.constant 0 : i32
      %dma_wait3A_85 = tpu.memref_slice %arg4[%add3A, %dma_wait3A_83, %dma_wait3A_84] : memref<32x25x80xi32, #tpu.memory_space<hbm>> -> memref<1x25x80xi32, #tpu.memory_space<hbm>>
      %dma_wait3A_86 = tpu.memref_squeeze %dma_wait3A_85 : memref<1x25x80xi32, #tpu.memory_space<hbm>> -> memref<25x80xi32, #tpu.memory_space<hbm>>
      %dma_wait3A_87 = arith.constant 0 : i32
      %dma_wait3A_88 = arith.constant 0 : i32
      %dma_wait3A_89 = tpu.memref_slice %arg4[%add3A, %dma_wait3A_87, %dma_wait3A_88] : memref<32x25x80xi32, #tpu.memory_space<hbm>> -> memref<1x25x80xi32, #tpu.memory_space<hbm>>
      %dma_wait3A_90 = tpu.memref_squeeze %dma_wait3A_89 : memref<1x25x80xi32, #tpu.memory_space<hbm>> -> memref<25x80xi32, #tpu.memory_space<hbm>>
      tpu.wait_dma2 semaphore(%run_scoped3A : memref<!tpu.dma_semaphore, #tpu.memory_space<semaphore_mem>>) src(%dma_wait3A_90 : memref<25x80xi32, #tpu.memory_space<hbm>>) dst(%arg7 : memref<25x80xi32, #tpu.memory_space<vmem>>)
      tpu.yield
    }) : () -> ()
    "tpu.region"() ({
      %run_scoped3A = tpu.sem_alloc : memref<!tpu.dma_semaphore, #tpu.memory_space<semaphore_mem>>
      %dma_start3A_75 = arith.constant 0 : i32
      %dma_start3A_76 = arith.constant 0 : i32
      %dma_start3A_77 = tpu.memref_slice %arg5[%add3A, %dma_start3A_75, %dma_start3A_76] : memref<32x25x80xi32, #tpu.memory_space<hbm>> -> memref<1x25x80xi32, #tpu.memory_space<hbm>>
      %dma_start3A_78 = tpu.memref_squeeze %dma_start3A_77 : memref<1x25x80xi32, #tpu.memory_space<hbm>> -> memref<25x80xi32, #tpu.memory_space<hbm>>
      %dma_start3A_79 = arith.constant 0 : i32
      %dma_start3A_80 = arith.constant 0 : i32
      %dma_start3A_81 = tpu.memref_slice %arg5[%add3A, %dma_start3A_79, %dma_start3A_80] : memref<32x25x80xi32, #tpu.memory_space<hbm>> -> memref<1x25x80xi32, #tpu.memory_space<hbm>>
      %dma_start3A_82 = tpu.memref_squeeze %dma_start3A_81 : memref<1x25x80xi32, #tpu.memory_space<hbm>> -> memref<25x80xi32, #tpu.memory_space<hbm>>
      tpu.enqueue_dma source(%dma_start3A_82 : memref<25x80xi32, #tpu.memory_space<hbm>>) target(%arg8 : memref<25x80xi32, #tpu.memory_space<vmem>>) target_semaphore(%run_scoped3A : memref<!tpu.dma_semaphore, #tpu.memory_space<semaphore_mem>>)
      %dma_wait3A_83 = arith.constant 0 : i32
      %dma_wait3A_84 = arith.constant 0 : i32
      %dma_wait3A_85 = tpu.memref_slice %arg5[%add3A, %dma_wait3A_83, %dma_wait3A_84] : memref<32x25x80xi32, #tpu.memory_space<hbm>> -> memref<1x25x80xi32, #tpu.memory_space<hbm>>
      %dma_wait3A_86 = tpu.memref_squeeze %dma_wait3A_85 : memref<1x25x80xi32, #tpu.memory_space<hbm>> -> memref<25x80xi32, #tpu.memory_space<hbm>>
      %dma_wait3A_87 = arith.constant 0 : i32
      %dma_wait3A_88 = arith.constant 0 : i32
      %dma_wait3A_89 = tpu.memref_slice %arg5[%add3A, %dma_wait3A_87, %dma_wait3A_88] : memref<32x25x80xi32, #tpu.memory_space<hbm>> -> memref<1x25x80xi32, #tpu.memory_space<hbm>>
      %dma_wait3A_90 = tpu.memref_squeeze %dma_wait3A_89 : memref<1x25x80xi32, #tpu.memory_space<hbm>> -> memref<25x80xi32, #tpu.memory_space<hbm>>
      tpu.wait_dma2 semaphore(%run_scoped3A : memref<!tpu.dma_semaphore, #tpu.memory_space<semaphore_mem>>) src(%dma_wait3A_90 : memref<25x80xi32, #tpu.memory_space<hbm>>) dst(%arg8 : memref<25x80xi32, #tpu.memory_space<vmem>>)
      tpu.yield
    }) : () -> ()
    %jit3A = arith.constant 16 : i32
    %div3A = arith.divsi %add3A, %jit3A : i32
    %sign3A = arith.constant 0 : i32
    %sign3A_1 = arith.cmpi sgt, %add3A, %sign3A : i32
    %sign3A_2 = arith.extui %sign3A_1 : i1 to i32
    %sign3A_3 = arith.constant 0 : i32
    %sign3A_4 = arith.cmpi slt, %add3A, %sign3A_3 : i32
    %sign3A_5 = arith.extui %sign3A_4 : i1 to i32
    %sign3A_6 = arith.subi %sign3A_2, %sign3A_5 : i32
    %sign3A_7 = arith.constant 0 : i32
    %sign3A_8 = arith.cmpi sgt, %jit3A, %sign3A_7 : i32
    %sign3A_9 = arith.extui %sign3A_8 : i1 to i32
    %sign3A_10 = arith.constant 0 : i32
    %sign3A_11 = arith.cmpi slt, %jit3A, %sign3A_10 : i32
    %sign3A_12 = arith.extui %sign3A_11 : i1 to i32
    %sign3A_13 = arith.subi %sign3A_9, %sign3A_12 : i32
    %ne3A = arith.cmpi ne, %sign3A_6, %sign3A_13 : i32
    %rem3A = arith.remsi %add3A, %jit3A : i32
    %ne3A_14 = arith.constant 0 : i32
    %ne3A_15 = arith.cmpi ne, %rem3A, %ne3A_14 : i32
    %and3A = arith.andi %ne3A, %ne3A_15 : i1
    %sub3A = arith.constant 1 : i32
    %sub3A_16 = arith.subi %div3A, %sub3A : i32
    %select_n3A = arith.select %and3A, %sub3A_16, %div3A : i32
    %mul3A_17 = arith.constant 64 : i32
    %mul3A_18 = arith.muli %select_n3A, %mul3A_17 : i32
    %jit3A_19 = arith.constant 16 : i32
    %eq3A = arith.constant 0 : i32
    %eq3A_20 = arith.cmpi eq, %jit3A_19, %eq3A : i32
    %jit3A_21 = arith.constant 1 : i32
    %select_n3A_22 = arith.select %eq3A_20, %jit3A_21, %jit3A_19 : i32
    %rem3A_23 = arith.remsi %add3A, %select_n3A_22 : i32
    %ne3A_24 = arith.constant 0 : i32
    %ne3A_25 = arith.cmpi ne, %rem3A_23, %ne3A_24 : i32
    %lt3A = arith.constant 0 : i32
    %lt3A_26 = arith.cmpi slt, %rem3A_23, %lt3A : i32
    %lt3A_27 = arith.constant 0 : i32
    %lt3A_28 = arith.cmpi slt, %select_n3A_22, %lt3A_27 : i32
    %ne3A_29 = arith.xori %lt3A_26, %lt3A_28 : i1
    %and3A_30 = arith.andi %ne3A_29, %ne3A_25 : i1
    %add3A_31 = arith.addi %rem3A_23, %select_n3A_22 : i32
    %select_n3A_32 = arith.select %and3A_30, %add3A_31, %rem3A_23 : i32
    %mul3A_33 = arith.constant 2000 : i32
    %mul3A_34 = arith.muli %select_n3A_32, %mul3A_33 : i32
    %dma_start3A = arith.constant 0 : i32
    %dma_start3A_35 = arith.constant 0 : i32
    %dma_start3A_36 = tpu.memref_slice %arg7[%dma_start3A, %dma_start3A_35] : memref<25x80xi32, #tpu.memory_space<vmem>> -> memref<1x80xi32, #tpu.memory_space<vmem>>
    %dma_start3A_37 = tpu.memref_squeeze %dma_start3A_36 : memref<1x80xi32, #tpu.memory_space<vmem>> -> memref<80xi32, #tpu.memory_space<vmem>>
    %dma_start3A_38 = arith.constant 0 : i32
    %dma_start3A_39 = arith.constant 0 : i32
    %dma_start3A_40 = tpu.memref_slice %arg2[%dma_start3A_38, %dma_start3A_39] : memref<10000x64xf32, #tpu.memory_space<hbm>> -> memref<10000x64xf32, #tpu.memory_space<hbm>>
    tpu.enqueue_indirect_dma source(%dma_start3A_40 : memref<10000x64xf32, #tpu.memory_space<hbm>>) target(%arg9 : memref<80x64xf32, #tpu.memory_space<vmem>>) offsets(%dma_start3A_37 : memref<80xi32, #tpu.memory_space<vmem>>) semaphore(%arg14 : memref<!tpu.dma_semaphore, #tpu.memory_space<semaphore_mem>>)
    %dma_start3A_41 = arith.constant 1 : i32
    %dma_start3A_42 = arith.constant 0 : i32
    %dma_start3A_43 = tpu.memref_slice %arg7[%dma_start3A_41, %dma_start3A_42] : memref<25x80xi32, #tpu.memory_space<vmem>> -> memref<1x80xi32, #tpu.memory_space<vmem>>
    %dma_start3A_44 = tpu.memref_squeeze %dma_start3A_43 : memref<1x80xi32, #tpu.memory_space<vmem>> -> memref<80xi32, #tpu.memory_space<vmem>>
    %dma_start3A_45 = arith.constant 0 : i32
    %dma_start3A_46 = arith.constant 0 : i32
    %dma_start3A_47 = tpu.memref_slice %arg2[%dma_start3A_45, %dma_start3A_46] : memref<10000x64xf32, #tpu.memory_space<hbm>> -> memref<10000x64xf32, #tpu.memory_space<hbm>>
    tpu.enqueue_indirect_dma source(%dma_start3A_47 : memref<10000x64xf32, #tpu.memory_space<hbm>>) target(%arg10 : memref<80x64xf32, #tpu.memory_space<vmem>>) offsets(%dma_start3A_44 : memref<80xi32, #tpu.memory_space<vmem>>) semaphore(%arg15 : memref<!tpu.dma_semaphore, #tpu.memory_space<semaphore_mem>>)
    %scan3A = arith.constant 0 : i32
    %scan3A_48 = arith.constant 0 : i32
    %scan3A_49 = arith.constant 5 : i32
    %scan3A_50 = arith.addi %scan3A_48, %scan3A_49 : i32
    %scan3A_51 = arith.constant 1 : i32
    scf.for %scan3A_75 = %scan3A_48 to %scan3A_50 step %scan3A_51  : i32 {
      %mul3A_76 = arith.constant 5 : i32
      %mul3A_77 = arith.muli %scan3A_75, %mul3A_76 : i32
      %add3A_78 = arith.constant 0 : i32
      %add3A_79 = arith.addi %mul3A_77, %add3A_78 : i32
      %gt3A = arith.constant 0 : i32
      %gt3A_80 = arith.cmpi sgt, %scan3A_75, %gt3A : i32
      %convert_element_type3A = arith.extui %gt3A_80 : i1 to i32
      %cond3A = arith.constant 0 : i32
      %cond3A_81 = arith.cmpi ne, %convert_element_type3A, %cond3A : i32
      scf.if %cond3A_81 {
        %sub3A_273 = arith.constant 3 : i32
        %sub3A_274 = arith.subi %add3A_79, %sub3A_273 : i32
        %mul3A_275 = arith.constant 80 : i32
        %mul3A_276 = arith.muli %sub3A_274, %mul3A_275 : i32
        %add3A_277 = arith.addi %mul3A_34, %mul3A_276 : i32
        %dma_wait3A_278 = tpu.memref_slice %arg6[%add3A_277, %mul3A_18] : memref<32000x128xf32, #tpu.memory_space<hbm>> -> memref<80x64xf32, #tpu.memory_space<hbm>>
        %dma_wait3A_279 = tpu.memref_slice %arg6[%add3A_277, %mul3A_18] : memref<32000x128xf32, #tpu.memory_space<hbm>> -> memref<80x64xf32, #tpu.memory_space<hbm>>
        tpu.wait_dma2 semaphore(%arg26 : memref<!tpu.dma_semaphore, #tpu.memory_space<semaphore_mem>>) src(%arg11 : memref<80x64xf32, #tpu.memory_space<vmem>>) dst(%dma_wait3A_279 : memref<80x64xf32, #tpu.memory_space<hbm>>)
      } else {
      }
      %add3A_82 = arith.constant 2 : i32
      %add3A_83 = arith.addi %add3A_79, %add3A_82 : i32
      %dma_start3A_84 = arith.constant 0 : i32
      %dma_start3A_85 = tpu.memref_slice %arg7[%add3A_83, %dma_start3A_84] : memref<25x80xi32, #tpu.memory_space<vmem>> -> memref<1x80xi32, #tpu.memory_space<vmem>>
      %dma_start3A_86 = tpu.memref_squeeze %dma_start3A_85 : memref<1x80xi32, #tpu.memory_space<vmem>> -> memref<80xi32, #tpu.memory_space<vmem>>
      %dma_start3A_87 = arith.constant 0 : i32
      %dma_start3A_88 = arith.constant 0 : i32
      %dma_start3A_89 = tpu.memref_slice %arg2[%dma_start3A_87, %dma_start3A_88] : memref<10000x64xf32, #tpu.memory_space<hbm>> -> memref<10000x64xf32, #tpu.memory_space<hbm>>
      tpu.enqueue_indirect_dma source(%dma_start3A_89 : memref<10000x64xf32, #tpu.memory_space<hbm>>) target(%arg11 : memref<80x64xf32, #tpu.memory_space<vmem>>) offsets(%dma_start3A_86 : memref<80xi32, #tpu.memory_space<vmem>>) semaphore(%arg16 : memref<!tpu.dma_semaphore, #tpu.memory_space<semaphore_mem>>)
      %dma_wait3A_90 = arith.constant 0 : i32
      %dma_wait3A_91 = tpu.memref_slice %arg7[%add3A_79, %dma_wait3A_90] : memref<25x80xi32, #tpu.memory_space<vmem>> -> memref<1x80xi32, #tpu.memory_space<vmem>>
      %dma_wait3A_92 = tpu.memref_squeeze %dma_wait3A_91 : memref<1x80xi32, #tpu.memory_space<vmem>> -> memref<80xi32, #tpu.memory_space<vmem>>
      %dma_wait3A_93 = arith.constant 0 : i32
      %dma_wait3A_94 = arith.constant 0 : i32
      %dma_wait3A_95 = tpu.memref_slice %arg2[%dma_wait3A_93, %dma_wait3A_94] : memref<10000x64xf32, #tpu.memory_space<hbm>> -> memref<10000x64xf32, #tpu.memory_space<hbm>>
      tpu.wait_indirect_dma semaphore(%arg14 : memref<!tpu.dma_semaphore, #tpu.memory_space<semaphore_mem>>) src(%dma_wait3A_95 : memref<10000x64xf32, #tpu.memory_space<hbm>>) dst(%arg9 : memref<80x64xf32, #tpu.memory_space<vmem>>)
      %dma_start3A_96 = arith.constant 0 : i32
      %dma_start3A_97 = tpu.memref_slice %arg8[%add3A_79, %dma_start3A_96] : memref<25x80xi32, #tpu.memory_space<vmem>> -> memref<1x80xi32, #tpu.memory_space<vmem>>
      %dma_start3A_98 = tpu.memref_squeeze %dma_start3A_97 : memref<1x80xi32, #tpu.memory_space<vmem>> -> memref<80xi32, #tpu.memory_space<vmem>>
      %dma_start3A_99 = arith.constant 0 : i32
      %dma_start3A_100 = arith.constant 0 : i32
      %dma_start3A_101 = tpu.memref_slice %arg3[%dma_start3A_99, %dma_start3A_100] : memref<10000x64xf32, #tpu.memory_space<hbm>> -> memref<10000x64xf32, #tpu.memory_space<hbm>>
      tpu.enqueue_indirect_dma source(%dma_start3A_101 : memref<10000x64xf32, #tpu.memory_space<hbm>>) target(%arg9 : memref<80x64xf32, #tpu.memory_space<vmem>>) offsets(%dma_start3A_98 : memref<80xi32, #tpu.memory_space<vmem>>) semaphore(%arg19 : memref<!tpu.dma_semaphore, #tpu.memory_space<semaphore_mem>>) {add = true}
      %gt3A_102 = arith.constant 0 : i32
      %gt3A_103 = arith.cmpi sgt, %scan3A_75, %gt3A_102 : i32
      %convert_element_type3A_104 = arith.extui %gt3A_103 : i1 to i32
      %cond3A_105 = arith.constant 0 : i32
      %cond3A_106 = arith.cmpi ne, %convert_element_type3A_104, %cond3A_105 : i32
      scf.if %cond3A_106 {
        %sub3A_273 = arith.constant 1 : i32
        %sub3A_274 = arith.subi %add3A_79, %sub3A_273 : i32
        %dma_wait3A_275 = arith.constant 0 : i32
        %dma_wait3A_276 = tpu.memref_slice %arg8[%sub3A_274, %dma_wait3A_275] : memref<25x80xi32, #tpu.memory_space<vmem>> -> memref<1x80xi32, #tpu.memory_space<vmem>>
        %dma_wait3A_277 = tpu.memref_squeeze %dma_wait3A_276 : memref<1x80xi32, #tpu.memory_space<vmem>> -> memref<80xi32, #tpu.memory_space<vmem>>
        %dma_wait3A_278 = arith.constant 0 : i32
        %dma_wait3A_279 = arith.constant 0 : i32
        %dma_wait3A_280 = tpu.memref_slice %arg3[%dma_wait3A_278, %dma_wait3A_279] : memref<10000x64xf32, #tpu.memory_space<hbm>> -> memref<10000x64xf32, #tpu.memory_space<hbm>>
        tpu.wait_indirect_dma semaphore(%arg23 : memref<!tpu.dma_semaphore, #tpu.memory_space<semaphore_mem>>) src(%dma_wait3A_280 : memref<10000x64xf32, #tpu.memory_space<hbm>>) dst(%arg13 : memref<80x64xf32, #tpu.memory_space<vmem>>)
        %mul3A_281 = arith.constant 80 : i32
        %mul3A_282 = arith.muli %sub3A_274, %mul3A_281 : i32
        %add3A_283 = arith.addi %mul3A_34, %mul3A_282 : i32
        %dma_start3A_284 = tpu.memref_slice %arg6[%add3A_283, %mul3A_18] : memref<32000x128xf32, #tpu.memory_space<hbm>> -> memref<80x64xf32, #tpu.memory_space<hbm>>
        %dma_start3A_285 = tpu.memref_slice %arg6[%add3A_283, %mul3A_18] : memref<32000x128xf32, #tpu.memory_space<hbm>> -> memref<80x64xf32, #tpu.memory_space<hbm>>
        tpu.enqueue_dma source(%arg13 : memref<80x64xf32, #tpu.memory_space<vmem>>) target(%dma_start3A_285 : memref<80x64xf32, #tpu.memory_space<hbm>>) target_semaphore(%arg28 : memref<!tpu.dma_semaphore, #tpu.memory_space<semaphore_mem>>)
      } else {
      }
      %mul3A_107 = arith.constant 5 : i32
      %mul3A_108 = arith.muli %scan3A_75, %mul3A_107 : i32
      %add3A_109 = arith.constant 1 : i32
      %add3A_110 = arith.addi %mul3A_108, %add3A_109 : i32
      %gt3A_111 = arith.constant 0 : i32
      %gt3A_112 = arith.cmpi sgt, %scan3A_75, %gt3A_111 : i32
      %convert_element_type3A_113 = arith.extui %gt3A_112 : i1 to i32
      %cond3A_114 = arith.constant 0 : i32
      %cond3A_115 = arith.cmpi ne, %convert_element_type3A_113, %cond3A_114 : i32
      scf.if %cond3A_115 {
        %sub3A_273 = arith.constant 3 : i32
        %sub3A_274 = arith.subi %add3A_110, %sub3A_273 : i32
        %mul3A_275 = arith.constant 80 : i32
        %mul3A_276 = arith.muli %sub3A_274, %mul3A_275 : i32
        %add3A_277 = arith.addi %mul3A_34, %mul3A_276 : i32
        %dma_wait3A_278 = tpu.memref_slice %arg6[%add3A_277, %mul3A_18] : memref<32000x128xf32, #tpu.memory_space<hbm>> -> memref<80x64xf32, #tpu.memory_space<hbm>>
        %dma_wait3A_279 = tpu.memref_slice %arg6[%add3A_277, %mul3A_18] : memref<32000x128xf32, #tpu.memory_space<hbm>> -> memref<80x64xf32, #tpu.memory_space<hbm>>
        tpu.wait_dma2 semaphore(%arg27 : memref<!tpu.dma_semaphore, #tpu.memory_space<semaphore_mem>>) src(%arg12 : memref<80x64xf32, #tpu.memory_space<vmem>>) dst(%dma_wait3A_279 : memref<80x64xf32, #tpu.memory_space<hbm>>)
      } else {
      }
      %add3A_116 = arith.constant 2 : i32
      %add3A_117 = arith.addi %add3A_110, %add3A_116 : i32
      %dma_start3A_118 = arith.constant 0 : i32
      %dma_start3A_119 = tpu.memref_slice %arg7[%add3A_117, %dma_start3A_118] : memref<25x80xi32, #tpu.memory_space<vmem>> -> memref<1x80xi32, #tpu.memory_space<vmem>>
      %dma_start3A_120 = tpu.memref_squeeze %dma_start3A_119 : memref<1x80xi32, #tpu.memory_space<vmem>> -> memref<80xi32, #tpu.memory_space<vmem>>
      %dma_start3A_121 = arith.constant 0 : i32
      %dma_start3A_122 = arith.constant 0 : i32
      %dma_start3A_123 = tpu.memref_slice %arg2[%dma_start3A_121, %dma_start3A_122] : memref<10000x64xf32, #tpu.memory_space<hbm>> -> memref<10000x64xf32, #tpu.memory_space<hbm>>
      tpu.enqueue_indirect_dma source(%dma_start3A_123 : memref<10000x64xf32, #tpu.memory_space<hbm>>) target(%arg12 : memref<80x64xf32, #tpu.memory_space<vmem>>) offsets(%dma_start3A_120 : memref<80xi32, #tpu.memory_space<vmem>>) semaphore(%arg17 : memref<!tpu.dma_semaphore, #tpu.memory_space<semaphore_mem>>)
      %dma_wait3A_124 = arith.constant 0 : i32
      %dma_wait3A_125 = tpu.memref_slice %arg7[%add3A_110, %dma_wait3A_124] : memref<25x80xi32, #tpu.memory_space<vmem>> -> memref<1x80xi32, #tpu.memory_space<vmem>>
      %dma_wait3A_126 = tpu.memref_squeeze %dma_wait3A_125 : memref<1x80xi32, #tpu.memory_space<vmem>> -> memref<80xi32, #tpu.memory_space<vmem>>
      %dma_wait3A_127 = arith.constant 0 : i32
      %dma_wait3A_128 = arith.constant 0 : i32
      %dma_wait3A_129 = tpu.memref_slice %arg2[%dma_wait3A_127, %dma_wait3A_128] : memref<10000x64xf32, #tpu.memory_space<hbm>> -> memref<10000x64xf32, #tpu.memory_space<hbm>>
      tpu.wait_indirect_dma semaphore(%arg15 : memref<!tpu.dma_semaphore, #tpu.memory_space<semaphore_mem>>) src(%dma_wait3A_129 : memref<10000x64xf32, #tpu.memory_space<hbm>>) dst(%arg10 : memref<80x64xf32, #tpu.memory_space<vmem>>)
      %dma_start3A_130 = arith.constant 0 : i32
      %dma_start3A_131 = tpu.memref_slice %arg8[%add3A_110, %dma_start3A_130] : memref<25x80xi32, #tpu.memory_space<vmem>> -> memref<1x80xi32, #tpu.memory_space<vmem>>
      %dma_start3A_132 = tpu.memref_squeeze %dma_start3A_131 : memref<1x80xi32, #tpu.memory_space<vmem>> -> memref<80xi32, #tpu.memory_space<vmem>>
      %dma_start3A_133 = arith.constant 0 : i32
      %dma_start3A_134 = arith.constant 0 : i32
      %dma_start3A_135 = tpu.memref_slice %arg3[%dma_start3A_133, %dma_start3A_134] : memref<10000x64xf32, #tpu.memory_space<hbm>> -> memref<10000x64xf32, #tpu.memory_space<hbm>>
      tpu.enqueue_indirect_dma source(%dma_start3A_135 : memref<10000x64xf32, #tpu.memory_space<hbm>>) target(%arg10 : memref<80x64xf32, #tpu.memory_space<vmem>>) offsets(%dma_start3A_132 : memref<80xi32, #tpu.memory_space<vmem>>) semaphore(%arg20 : memref<!tpu.dma_semaphore, #tpu.memory_space<semaphore_mem>>) {add = true}
      %sub3A_136 = arith.constant 1 : i32
      %sub3A_137 = arith.subi %add3A_110, %sub3A_136 : i32
      %dma_wait3A_138 = arith.constant 0 : i32
      %dma_wait3A_139 = tpu.memref_slice %arg8[%sub3A_137, %dma_wait3A_138] : memref<25x80xi32, #tpu.memory_space<vmem>> -> memref<1x80xi32, #tpu.memory_space<vmem>>
      %dma_wait3A_140 = tpu.memref_squeeze %dma_wait3A_139 : memref<1x80xi32, #tpu.memory_space<vmem>> -> memref<80xi32, #tpu.memory_space<vmem>>
      %dma_wait3A_141 = arith.constant 0 : i32
      %dma_wait3A_142 = arith.constant 0 : i32
      %dma_wait3A_143 = tpu.memref_slice %arg3[%dma_wait3A_141, %dma_wait3A_142] : memref<10000x64xf32, #tpu.memory_space<hbm>> -> memref<10000x64xf32, #tpu.memory_space<hbm>>
      tpu.wait_indirect_dma semaphore(%arg19 : memref<!tpu.dma_semaphore, #tpu.memory_space<semaphore_mem>>) src(%dma_wait3A_143 : memref<10000x64xf32, #tpu.memory_space<hbm>>) dst(%arg9 : memref<80x64xf32, #tpu.memory_space<vmem>>)
      %mul3A_144 = arith.constant 80 : i32
      %mul3A_145 = arith.muli %sub3A_137, %mul3A_144 : i32
      %add3A_146 = arith.addi %mul3A_34, %mul3A_145 : i32
      %dma_start3A_147 = tpu.memref_slice %arg6[%add3A_146, %mul3A_18] : memref<32000x128xf32, #tpu.memory_space<hbm>> -> memref<80x64xf32, #tpu.memory_space<hbm>>
      %dma_start3A_148 = tpu.memref_slice %arg6[%add3A_146, %mul3A_18] : memref<32000x128xf32, #tpu.memory_space<hbm>> -> memref<80x64xf32, #tpu.memory_space<hbm>>
      tpu.enqueue_dma source(%arg9 : memref<80x64xf32, #tpu.memory_space<vmem>>) target(%dma_start3A_148 : memref<80x64xf32, #tpu.memory_space<hbm>>) target_semaphore(%arg24 : memref<!tpu.dma_semaphore, #tpu.memory_space<semaphore_mem>>)
      %mul3A_149 = arith.constant 5 : i32
      %mul3A_150 = arith.muli %scan3A_75, %mul3A_149 : i32
      %add3A_151 = arith.constant 2 : i32
      %add3A_152 = arith.addi %mul3A_150, %add3A_151 : i32
      %gt3A_153 = arith.constant 0 : i32
      %gt3A_154 = arith.cmpi sgt, %scan3A_75, %gt3A_153 : i32
      %convert_element_type3A_155 = arith.extui %gt3A_154 : i1 to i32
      %cond3A_156 = arith.constant 0 : i32
      %cond3A_157 = arith.cmpi ne, %convert_element_type3A_155, %cond3A_156 : i32
      scf.if %cond3A_157 {
        %sub3A_273 = arith.constant 3 : i32
        %sub3A_274 = arith.subi %add3A_152, %sub3A_273 : i32
        %mul3A_275 = arith.constant 80 : i32
        %mul3A_276 = arith.muli %sub3A_274, %mul3A_275 : i32
        %add3A_277 = arith.addi %mul3A_34, %mul3A_276 : i32
        %dma_wait3A_278 = tpu.memref_slice %arg6[%add3A_277, %mul3A_18] : memref<32000x128xf32, #tpu.memory_space<hbm>> -> memref<80x64xf32, #tpu.memory_space<hbm>>
        %dma_wait3A_279 = tpu.memref_slice %arg6[%add3A_277, %mul3A_18] : memref<32000x128xf32, #tpu.memory_space<hbm>> -> memref<80x64xf32, #tpu.memory_space<hbm>>
        tpu.wait_dma2 semaphore(%arg28 : memref<!tpu.dma_semaphore, #tpu.memory_space<semaphore_mem>>) src(%arg13 : memref<80x64xf32, #tpu.memory_space<vmem>>) dst(%dma_wait3A_279 : memref<80x64xf32, #tpu.memory_space<hbm>>)
      } else {
      }
      %add3A_158 = arith.constant 2 : i32
      %add3A_159 = arith.addi %add3A_152, %add3A_158 : i32
      %dma_start3A_160 = arith.constant 0 : i32
      %dma_start3A_161 = tpu.memref_slice %arg7[%add3A_159, %dma_start3A_160] : memref<25x80xi32, #tpu.memory_space<vmem>> -> memref<1x80xi32, #tpu.memory_space<vmem>>
      %dma_start3A_162 = tpu.memref_squeeze %dma_start3A_161 : memref<1x80xi32, #tpu.memory_space<vmem>> -> memref<80xi32, #tpu.memory_space<vmem>>
      %dma_start3A_163 = arith.constant 0 : i32
      %dma_start3A_164 = arith.constant 0 : i32
      %dma_start3A_165 = tpu.memref_slice %arg2[%dma_start3A_163, %dma_start3A_164] : memref<10000x64xf32, #tpu.memory_space<hbm>> -> memref<10000x64xf32, #tpu.memory_space<hbm>>
      tpu.enqueue_indirect_dma source(%dma_start3A_165 : memref<10000x64xf32, #tpu.memory_space<hbm>>) target(%arg13 : memref<80x64xf32, #tpu.memory_space<vmem>>) offsets(%dma_start3A_162 : memref<80xi32, #tpu.memory_space<vmem>>) semaphore(%arg18 : memref<!tpu.dma_semaphore, #tpu.memory_space<semaphore_mem>>)
      %dma_wait3A_166 = arith.constant 0 : i32
      %dma_wait3A_167 = tpu.memref_slice %arg7[%add3A_152, %dma_wait3A_166] : memref<25x80xi32, #tpu.memory_space<vmem>> -> memref<1x80xi32, #tpu.memory_space<vmem>>
      %dma_wait3A_168 = tpu.memref_squeeze %dma_wait3A_167 : memref<1x80xi32, #tpu.memory_space<vmem>> -> memref<80xi32, #tpu.memory_space<vmem>>
      %dma_wait3A_169 = arith.constant 0 : i32
      %dma_wait3A_170 = arith.constant 0 : i32
      %dma_wait3A_171 = tpu.memref_slice %arg2[%dma_wait3A_169, %dma_wait3A_170] : memref<10000x64xf32, #tpu.memory_space<hbm>> -> memref<10000x64xf32, #tpu.memory_space<hbm>>
      tpu.wait_indirect_dma semaphore(%arg16 : memref<!tpu.dma_semaphore, #tpu.memory_space<semaphore_mem>>) src(%dma_wait3A_171 : memref<10000x64xf32, #tpu.memory_space<hbm>>) dst(%arg11 : memref<80x64xf32, #tpu.memory_space<vmem>>)
      %dma_start3A_172 = arith.constant 0 : i32
      %dma_start3A_173 = tpu.memref_slice %arg8[%add3A_152, %dma_start3A_172] : memref<25x80xi32, #tpu.memory_space<vmem>> -> memref<1x80xi32, #tpu.memory_space<vmem>>
      %dma_start3A_174 = tpu.memref_squeeze %dma_start3A_173 : memref<1x80xi32, #tpu.memory_space<vmem>> -> memref<80xi32, #tpu.memory_space<vmem>>
      %dma_start3A_175 = arith.constant 0 : i32
      %dma_start3A_176 = arith.constant 0 : i32
      %dma_start3A_177 = tpu.memref_slice %arg3[%dma_start3A_175, %dma_start3A_176] : memref<10000x64xf32, #tpu.memory_space<hbm>> -> memref<10000x64xf32, #tpu.memory_space<hbm>>
      tpu.enqueue_indirect_dma source(%dma_start3A_177 : memref<10000x64xf32, #tpu.memory_space<hbm>>) target(%arg11 : memref<80x64xf32, #tpu.memory_space<vmem>>) offsets(%dma_start3A_174 : memref<80xi32, #tpu.memory_space<vmem>>) semaphore(%arg21 : memref<!tpu.dma_semaphore, #tpu.memory_space<semaphore_mem>>) {add = true}
      %sub3A_178 = arith.constant 1 : i32
      %sub3A_179 = arith.subi %add3A_152, %sub3A_178 : i32
      %dma_wait3A_180 = arith.constant 0 : i32
      %dma_wait3A_181 = tpu.memref_slice %arg8[%sub3A_179, %dma_wait3A_180] : memref<25x80xi32, #tpu.memory_space<vmem>> -> memref<1x80xi32, #tpu.memory_space<vmem>>
      %dma_wait3A_182 = tpu.memref_squeeze %dma_wait3A_181 : memref<1x80xi32, #tpu.memory_space<vmem>> -> memref<80xi32, #tpu.memory_space<vmem>>
      %dma_wait3A_183 = arith.constant 0 : i32
      %dma_wait3A_184 = arith.constant 0 : i32
      %dma_wait3A_185 = tpu.memref_slice %arg3[%dma_wait3A_183, %dma_wait3A_184] : memref<10000x64xf32, #tpu.memory_space<hbm>> -> memref<10000x64xf32, #tpu.memory_space<hbm>>
      tpu.wait_indirect_dma semaphore(%arg20 : memref<!tpu.dma_semaphore, #tpu.memory_space<semaphore_mem>>) src(%dma_wait3A_185 : memref<10000x64xf32, #tpu.memory_space<hbm>>) dst(%arg10 : memref<80x64xf32, #tpu.memory_space<vmem>>)
      %mul3A_186 = arith.constant 80 : i32
      %mul3A_187 = arith.muli %sub3A_179, %mul3A_186 : i32
      %add3A_188 = arith.addi %mul3A_34, %mul3A_187 : i32
      %dma_start3A_189 = tpu.memref_slice %arg6[%add3A_188, %mul3A_18] : memref<32000x128xf32, #tpu.memory_space<hbm>> -> memref<80x64xf32, #tpu.memory_space<hbm>>
      %dma_start3A_190 = tpu.memref_slice %arg6[%add3A_188, %mul3A_18] : memref<32000x128xf32, #tpu.memory_space<hbm>> -> memref<80x64xf32, #tpu.memory_space<hbm>>
      tpu.enqueue_dma source(%arg10 : memref<80x64xf32, #tpu.memory_space<vmem>>) target(%dma_start3A_190 : memref<80x64xf32, #tpu.memory_space<hbm>>) target_semaphore(%arg25 : memref<!tpu.dma_semaphore, #tpu.memory_space<semaphore_mem>>)
      %mul3A_191 = arith.constant 5 : i32
      %mul3A_192 = arith.muli %scan3A_75, %mul3A_191 : i32
      %add3A_193 = arith.constant 3 : i32
      %add3A_194 = arith.addi %mul3A_192, %add3A_193 : i32
      %sub3A_195 = arith.constant 3 : i32
      %sub3A_196 = arith.subi %add3A_194, %sub3A_195 : i32
      %mul3A_197 = arith.constant 80 : i32
      %mul3A_198 = arith.muli %sub3A_196, %mul3A_197 : i32
      %add3A_199 = arith.addi %mul3A_34, %mul3A_198 : i32
      %dma_wait3A_200 = tpu.memref_slice %arg6[%add3A_199, %mul3A_18] : memref<32000x128xf32, #tpu.memory_space<hbm>> -> memref<80x64xf32, #tpu.memory_space<hbm>>
      %dma_wait3A_201 = tpu.memref_slice %arg6[%add3A_199, %mul3A_18] : memref<32000x128xf32, #tpu.memory_space<hbm>> -> memref<80x64xf32, #tpu.memory_space<hbm>>
      tpu.wait_dma2 semaphore(%arg24 : memref<!tpu.dma_semaphore, #tpu.memory_space<semaphore_mem>>) src(%arg9 : memref<80x64xf32, #tpu.memory_space<vmem>>) dst(%dma_wait3A_201 : memref<80x64xf32, #tpu.memory_space<hbm>>)
      %lt3A_202 = arith.constant 4 : i32
      %lt3A_203 = arith.cmpi slt, %scan3A_75, %lt3A_202 : i32
      %convert_element_type3A_204 = arith.extui %lt3A_203 : i1 to i32
      %cond3A_205 = arith.constant 0 : i32
      %cond3A_206 = arith.cmpi ne, %convert_element_type3A_204, %cond3A_205 : i32
      scf.if %cond3A_206 {
        %add3A_273 = arith.constant 2 : i32
        %add3A_274 = arith.addi %add3A_194, %add3A_273 : i32
        %dma_start3A_275 = arith.constant 0 : i32
        %dma_start3A_276 = tpu.memref_slice %arg7[%add3A_274, %dma_start3A_275] : memref<25x80xi32, #tpu.memory_space<vmem>> -> memref<1x80xi32, #tpu.memory_space<vmem>>
        %dma_start3A_277 = tpu.memref_squeeze %dma_start3A_276 : memref<1x80xi32, #tpu.memory_space<vmem>> -> memref<80xi32, #tpu.memory_space<vmem>>
        %dma_start3A_278 = arith.constant 0 : i32
        %dma_start3A_279 = arith.constant 0 : i32
        %dma_start3A_280 = tpu.memref_slice %arg2[%dma_start3A_278, %dma_start3A_279] : memref<10000x64xf32, #tpu.memory_space<hbm>> -> memref<10000x64xf32, #tpu.memory_space<hbm>>
        tpu.enqueue_indirect_dma source(%dma_start3A_280 : memref<10000x64xf32, #tpu.memory_space<hbm>>) target(%arg9 : memref<80x64xf32, #tpu.memory_space<vmem>>) offsets(%dma_start3A_277 : memref<80xi32, #tpu.memory_space<vmem>>) semaphore(%arg14 : memref<!tpu.dma_semaphore, #tpu.memory_space<semaphore_mem>>)
      } else {
      }
      %dma_wait3A_207 = arith.constant 0 : i32
      %dma_wait3A_208 = tpu.memref_slice %arg7[%add3A_194, %dma_wait3A_207] : memref<25x80xi32, #tpu.memory_space<vmem>> -> memref<1x80xi32, #tpu.memory_space<vmem>>
      %dma_wait3A_209 = tpu.memref_squeeze %dma_wait3A_208 : memref<1x80xi32, #tpu.memory_space<vmem>> -> memref<80xi32, #tpu.memory_space<vmem>>
      %dma_wait3A_210 = arith.constant 0 : i32
      %dma_wait3A_211 = arith.constant 0 : i32
      %dma_wait3A_212 = tpu.memref_slice %arg2[%dma_wait3A_210, %dma_wait3A_211] : memref<10000x64xf32, #tpu.memory_space<hbm>> -> memref<10000x64xf32, #tpu.memory_space<hbm>>
      tpu.wait_indirect_dma semaphore(%arg17 : memref<!tpu.dma_semaphore, #tpu.memory_space<semaphore_mem>>) src(%dma_wait3A_212 : memref<10000x64xf32, #tpu.memory_space<hbm>>) dst(%arg12 : memref<80x64xf32, #tpu.memory_space<vmem>>)
      %dma_start3A_213 = arith.constant 0 : i32
      %dma_start3A_214 = tpu.memref_slice %arg8[%add3A_194, %dma_start3A_213] : memref<25x80xi32, #tpu.memory_space<vmem>> -> memref<1x80xi32, #tpu.memory_space<vmem>>
      %dma_start3A_215 = tpu.memref_squeeze %dma_start3A_214 : memref<1x80xi32, #tpu.memory_space<vmem>> -> memref<80xi32, #tpu.memory_space<vmem>>
      %dma_start3A_216 = arith.constant 0 : i32
      %dma_start3A_217 = arith.constant 0 : i32
      %dma_start3A_218 = tpu.memref_slice %arg3[%dma_start3A_216, %dma_start3A_217] : memref<10000x64xf32, #tpu.memory_space<hbm>> -> memref<10000x64xf32, #tpu.memory_space<hbm>>
      tpu.enqueue_indirect_dma source(%dma_start3A_218 : memref<10000x64xf32, #tpu.memory_space<hbm>>) target(%arg12 : memref<80x64xf32, #tpu.memory_space<vmem>>) offsets(%dma_start3A_215 : memref<80xi32, #tpu.memory_space<vmem>>) semaphore(%arg22 : memref<!tpu.dma_semaphore, #tpu.memory_space<semaphore_mem>>) {add = true}
      %sub3A_219 = arith.constant 1 : i32
      %sub3A_220 = arith.subi %add3A_194, %sub3A_219 : i32
      %dma_wait3A_221 = arith.constant 0 : i32
      %dma_wait3A_222 = tpu.memref_slice %arg8[%sub3A_220, %dma_wait3A_221] : memref<25x80xi32, #tpu.memory_space<vmem>> -> memref<1x80xi32, #tpu.memory_space<vmem>>
      %dma_wait3A_223 = tpu.memref_squeeze %dma_wait3A_222 : memref<1x80xi32, #tpu.memory_space<vmem>> -> memref<80xi32, #tpu.memory_space<vmem>>
      %dma_wait3A_224 = arith.constant 0 : i32
      %dma_wait3A_225 = arith.constant 0 : i32
      %dma_wait3A_226 = tpu.memref_slice %arg3[%dma_wait3A_224, %dma_wait3A_225] : memref<10000x64xf32, #tpu.memory_space<hbm>> -> memref<10000x64xf32, #tpu.memory_space<hbm>>
      tpu.wait_indirect_dma semaphore(%arg21 : memref<!tpu.dma_semaphore, #tpu.memory_space<semaphore_mem>>) src(%dma_wait3A_226 : memref<10000x64xf32, #tpu.memory_space<hbm>>) dst(%arg11 : memref<80x64xf32, #tpu.memory_space<vmem>>)
      %mul3A_227 = arith.constant 80 : i32
      %mul3A_228 = arith.muli %sub3A_220, %mul3A_227 : i32
      %add3A_229 = arith.addi %mul3A_34, %mul3A_228 : i32
      %dma_start3A_230 = tpu.memref_slice %arg6[%add3A_229, %mul3A_18] : memref<32000x128xf32, #tpu.memory_space<hbm>> -> memref<80x64xf32, #tpu.memory_space<hbm>>
      %dma_start3A_231 = tpu.memref_slice %arg6[%add3A_229, %mul3A_18] : memref<32000x128xf32, #tpu.memory_space<hbm>> -> memref<80x64xf32, #tpu.memory_space<hbm>>
      tpu.enqueue_dma source(%arg11 : memref<80x64xf32, #tpu.memory_space<vmem>>) target(%dma_start3A_231 : memref<80x64xf32, #tpu.memory_space<hbm>>) target_semaphore(%arg26 : memref<!tpu.dma_semaphore, #tpu.memory_space<semaphore_mem>>)
      %mul3A_232 = arith.constant 5 : i32
      %mul3A_233 = arith.muli %scan3A_75, %mul3A_232 : i32
      %add3A_234 = arith.constant 4 : i32
      %add3A_235 = arith.addi %mul3A_233, %add3A_234 : i32
      %sub3A_236 = arith.constant 3 : i32
      %sub3A_237 = arith.subi %add3A_235, %sub3A_236 : i32
      %mul3A_238 = arith.constant 80 : i32
      %mul3A_239 = arith.muli %sub3A_237, %mul3A_238 : i32
      %add3A_240 = arith.addi %mul3A_34, %mul3A_239 : i32
      %dma_wait3A_241 = tpu.memref_slice %arg6[%add3A_240, %mul3A_18] : memref<32000x128xf32, #tpu.memory_space<hbm>> -> memref<80x64xf32, #tpu.memory_space<hbm>>
      %dma_wait3A_242 = tpu.memref_slice %arg6[%add3A_240, %mul3A_18] : memref<32000x128xf32, #tpu.memory_space<hbm>> -> memref<80x64xf32, #tpu.memory_space<hbm>>
      tpu.wait_dma2 semaphore(%arg25 : memref<!tpu.dma_semaphore, #tpu.memory_space<semaphore_mem>>) src(%arg10 : memref<80x64xf32, #tpu.memory_space<vmem>>) dst(%dma_wait3A_242 : memref<80x64xf32, #tpu.memory_space<hbm>>)
      %lt3A_243 = arith.constant 4 : i32
      %lt3A_244 = arith.cmpi slt, %scan3A_75, %lt3A_243 : i32
      %convert_element_type3A_245 = arith.extui %lt3A_244 : i1 to i32
      %cond3A_246 = arith.constant 0 : i32
      %cond3A_247 = arith.cmpi ne, %convert_element_type3A_245, %cond3A_246 : i32
      scf.if %cond3A_247 {
        %add3A_273 = arith.constant 2 : i32
        %add3A_274 = arith.addi %add3A_235, %add3A_273 : i32
        %dma_start3A_275 = arith.constant 0 : i32
        %dma_start3A_276 = tpu.memref_slice %arg7[%add3A_274, %dma_start3A_275] : memref<25x80xi32, #tpu.memory_space<vmem>> -> memref<1x80xi32, #tpu.memory_space<vmem>>
        %dma_start3A_277 = tpu.memref_squeeze %dma_start3A_276 : memref<1x80xi32, #tpu.memory_space<vmem>> -> memref<80xi32, #tpu.memory_space<vmem>>
        %dma_start3A_278 = arith.constant 0 : i32
        %dma_start3A_279 = arith.constant 0 : i32
        %dma_start3A_280 = tpu.memref_slice %arg2[%dma_start3A_278, %dma_start3A_279] : memref<10000x64xf32, #tpu.memory_space<hbm>> -> memref<10000x64xf32, #tpu.memory_space<hbm>>
        tpu.enqueue_indirect_dma source(%dma_start3A_280 : memref<10000x64xf32, #tpu.memory_space<hbm>>) target(%arg10 : memref<80x64xf32, #tpu.memory_space<vmem>>) offsets(%dma_start3A_277 : memref<80xi32, #tpu.memory_space<vmem>>) semaphore(%arg15 : memref<!tpu.dma_semaphore, #tpu.memory_space<semaphore_mem>>)
      } else {
      }
      %dma_wait3A_248 = arith.constant 0 : i32
      %dma_wait3A_249 = tpu.memref_slice %arg7[%add3A_235, %dma_wait3A_248] : memref<25x80xi32, #tpu.memory_space<vmem>> -> memref<1x80xi32, #tpu.memory_space<vmem>>
      %dma_wait3A_250 = tpu.memref_squeeze %dma_wait3A_249 : memref<1x80xi32, #tpu.memory_space<vmem>> -> memref<80xi32, #tpu.memory_space<vmem>>
      %dma_wait3A_251 = arith.constant 0 : i32
      %dma_wait3A_252 = arith.constant 0 : i32
      %dma_wait3A_253 = tpu.memref_slice %arg2[%dma_wait3A_251, %dma_wait3A_252] : memref<10000x64xf32, #tpu.memory_space<hbm>> -> memref<10000x64xf32, #tpu.memory_space<hbm>>
      tpu.wait_indirect_dma semaphore(%arg18 : memref<!tpu.dma_semaphore, #tpu.memory_space<semaphore_mem>>) src(%dma_wait3A_253 : memref<10000x64xf32, #tpu.memory_space<hbm>>) dst(%arg13 : memref<80x64xf32, #tpu.memory_space<vmem>>)
      %dma_start3A_254 = arith.constant 0 : i32
      %dma_start3A_255 = tpu.memref_slice %arg8[%add3A_235, %dma_start3A_254] : memref<25x80xi32, #tpu.memory_space<vmem>> -> memref<1x80xi32, #tpu.memory_space<vmem>>
      %dma_start3A_256 = tpu.memref_squeeze %dma_start3A_255 : memref<1x80xi32, #tpu.memory_space<vmem>> -> memref<80xi32, #tpu.memory_space<vmem>>
      %dma_start3A_257 = arith.constant 0 : i32
      %dma_start3A_258 = arith.constant 0 : i32
      %dma_start3A_259 = tpu.memref_slice %arg3[%dma_start3A_257, %dma_start3A_258] : memref<10000x64xf32, #tpu.memory_space<hbm>> -> memref<10000x64xf32, #tpu.memory_space<hbm>>
      tpu.enqueue_indirect_dma source(%dma_start3A_259 : memref<10000x64xf32, #tpu.memory_space<hbm>>) target(%arg13 : memref<80x64xf32, #tpu.memory_space<vmem>>) offsets(%dma_start3A_256 : memref<80xi32, #tpu.memory_space<vmem>>) semaphore(%arg23 : memref<!tpu.dma_semaphore, #tpu.memory_space<semaphore_mem>>) {add = true}
      %sub3A_260 = arith.constant 1 : i32
      %sub3A_261 = arith.subi %add3A_235, %sub3A_260 : i32
      %dma_wait3A_262 = arith.constant 0 : i32
      %dma_wait3A_263 = tpu.memref_slice %arg8[%sub3A_261, %dma_wait3A_262] : memref<25x80xi32, #tpu.memory_space<vmem>> -> memref<1x80xi32, #tpu.memory_space<vmem>>
      %dma_wait3A_264 = tpu.memref_squeeze %dma_wait3A_263 : memref<1x80xi32, #tpu.memory_space<vmem>> -> memref<80xi32, #tpu.memory_space<vmem>>
      %dma_wait3A_265 = arith.constant 0 : i32
      %dma_wait3A_266 = arith.constant 0 : i32
      %dma_wait3A_267 = tpu.memref_slice %arg3[%dma_wait3A_265, %dma_wait3A_266] : memref<10000x64xf32, #tpu.memory_space<hbm>> -> memref<10000x64xf32, #tpu.memory_space<hbm>>
      tpu.wait_indirect_dma semaphore(%arg22 : memref<!tpu.dma_semaphore, #tpu.memory_space<semaphore_mem>>) src(%dma_wait3A_267 : memref<10000x64xf32, #tpu.memory_space<hbm>>) dst(%arg12 : memref<80x64xf32, #tpu.memory_space<vmem>>)
      %mul3A_268 = arith.constant 80 : i32
      %mul3A_269 = arith.muli %sub3A_261, %mul3A_268 : i32
      %add3A_270 = arith.addi %mul3A_34, %mul3A_269 : i32
      %dma_start3A_271 = tpu.memref_slice %arg6[%add3A_270, %mul3A_18] : memref<32000x128xf32, #tpu.memory_space<hbm>> -> memref<80x64xf32, #tpu.memory_space<hbm>>
      %dma_start3A_272 = tpu.memref_slice %arg6[%add3A_270, %mul3A_18] : memref<32000x128xf32, #tpu.memory_space<hbm>> -> memref<80x64xf32, #tpu.memory_space<hbm>>
      tpu.enqueue_dma source(%arg12 : memref<80x64xf32, #tpu.memory_space<vmem>>) target(%dma_start3A_272 : memref<80x64xf32, #tpu.memory_space<hbm>>) target_semaphore(%arg27 : memref<!tpu.dma_semaphore, #tpu.memory_space<semaphore_mem>>)
    }
    %scan3A_52 = arith.constant 5 : i32
    %dma_wait3A = arith.constant 24 : i32
    %dma_wait3A_53 = arith.constant 0 : i32
    %dma_wait3A_54 = tpu.memref_slice %arg8[%dma_wait3A, %dma_wait3A_53] : memref<25x80xi32, #tpu.memory_space<vmem>> -> memref<1x80xi32, #tpu.memory_space<vmem>>
    %dma_wait3A_55 = tpu.memref_squeeze %dma_wait3A_54 : memref<1x80xi32, #tpu.memory_space<vmem>> -> memref<80xi32, #tpu.memory_space<vmem>>
    %dma_wait3A_56 = arith.constant 0 : i32
    %dma_wait3A_57 = arith.constant 0 : i32
    %dma_wait3A_58 = tpu.memref_slice %arg3[%dma_wait3A_56, %dma_wait3A_57] : memref<10000x64xf32, #tpu.memory_space<hbm>> -> memref<10000x64xf32, #tpu.memory_space<hbm>>
    tpu.wait_indirect_dma semaphore(%arg23 : memref<!tpu.dma_semaphore, #tpu.memory_space<semaphore_mem>>) src(%dma_wait3A_58 : memref<10000x64xf32, #tpu.memory_space<hbm>>) dst(%arg13 : memref<80x64xf32, #tpu.memory_space<vmem>>)
    %add3A_59 = arith.constant 1920 : i32
    %add3A_60 = arith.addi %mul3A_34, %add3A_59 : i32
    %dma_start3A_61 = tpu.memref_slice %arg6[%add3A_60, %mul3A_18] : memref<32000x128xf32, #tpu.memory_space<hbm>> -> memref<80x64xf32, #tpu.memory_space<hbm>>
    %dma_start3A_62 = tpu.memref_slice %arg6[%add3A_60, %mul3A_18] : memref<32000x128xf32, #tpu.memory_space<hbm>> -> memref<80x64xf32, #tpu.memory_space<hbm>>
    tpu.enqueue_dma source(%arg13 : memref<80x64xf32, #tpu.memory_space<vmem>>) target(%dma_start3A_62 : memref<80x64xf32, #tpu.memory_space<hbm>>) target_semaphore(%arg28 : memref<!tpu.dma_semaphore, #tpu.memory_space<semaphore_mem>>)
    %add3A_63 = arith.constant 1760 : i32
    %add3A_64 = arith.addi %mul3A_34, %add3A_63 : i32
    %dma_wait3A_65 = tpu.memref_slice %arg6[%add3A_64, %mul3A_18] : memref<32000x128xf32, #tpu.memory_space<hbm>> -> memref<80x64xf32, #tpu.memory_space<hbm>>
    %dma_wait3A_66 = tpu.memref_slice %arg6[%add3A_64, %mul3A_18] : memref<32000x128xf32, #tpu.memory_space<hbm>> -> memref<80x64xf32, #tpu.memory_space<hbm>>
    tpu.wait_dma2 semaphore(%arg26 : memref<!tpu.dma_semaphore, #tpu.memory_space<semaphore_mem>>) src(%arg11 : memref<80x64xf32, #tpu.memory_space<vmem>>) dst(%dma_wait3A_66 : memref<80x64xf32, #tpu.memory_space<hbm>>)
    %add3A_67 = arith.constant 1840 : i32
    %add3A_68 = arith.addi %mul3A_34, %add3A_67 : i32
    %dma_wait3A_69 = tpu.memref_slice %arg6[%add3A_68, %mul3A_18] : memref<32000x128xf32, #tpu.memory_space<hbm>> -> memref<80x64xf32, #tpu.memory_space<hbm>>
    %dma_wait3A_70 = tpu.memref_slice %arg6[%add3A_68, %mul3A_18] : memref<32000x128xf32, #tpu.memory_space<hbm>> -> memref<80x64xf32, #tpu.memory_space<hbm>>
    tpu.wait_dma2 semaphore(%arg27 : memref<!tpu.dma_semaphore, #tpu.memory_space<semaphore_mem>>) src(%arg12 : memref<80x64xf32, #tpu.memory_space<vmem>>) dst(%dma_wait3A_70 : memref<80x64xf32, #tpu.memory_space<hbm>>)
    %add3A_71 = arith.constant 1920 : i32
    %add3A_72 = arith.addi %mul3A_34, %add3A_71 : i32
    %dma_wait3A_73 = tpu.memref_slice %arg6[%add3A_72, %mul3A_18] : memref<32000x128xf32, #tpu.memory_space<hbm>> -> memref<80x64xf32, #tpu.memory_space<hbm>>
    %dma_wait3A_74 = tpu.memref_slice %arg6[%add3A_72, %mul3A_18] : memref<32000x128xf32, #tpu.memory_space<hbm>> -> memref<80x64xf32, #tpu.memory_space<hbm>>
    tpu.wait_dma2 semaphore(%arg28 : memref<!tpu.dma_semaphore, #tpu.memory_space<semaphore_mem>>) src(%arg13 : memref<80x64xf32, #tpu.memory_space<vmem>>) dst(%dma_wait3A_74 : memref<80x64xf32, #tpu.memory_space<hbm>>)
    return
  }
}

#map = affine_map<(d0, d1) -> (0, 0)>
#map1 = affine_map<(d0, d1) -> (0, 0, 0)>
module attributes {stable_mosaic.version = 14 : i64} {
  func.func @_gather_body(%arg0: i32, %arg1: i32, %arg2: memref<10000x64xf32, #tpu.memory_space<hbm>>, %arg3: memref<10000x64xf32, #tpu.memory_space<hbm>>, %arg4: memref<32x25x80xi32, #tpu.memory_space<hbm>>, %arg5: memref<32x25x80xi32, #tpu.memory_space<hbm>>, %arg6: memref<32000x128xf32, #tpu.memory_space<hbm>>, %arg7: memref<25x80xi32, #tpu.memory_space<vmem>>, %arg8: memref<25x80xi32, #tpu.memory_space<vmem>>, %arg9: memref<80x64xf32, #tpu.memory_space<vmem>>, %arg10: memref<80x64xf32, #tpu.memory_space<vmem>>, %arg11: memref<80x64xf32, #tpu.memory_space<vmem>>, %arg12: memref<80x64xf32, #tpu.memory_space<vmem>>, %arg13: memref<80x64xf32, #tpu.memory_space<vmem>>, %arg14: memref<!tpu.dma_semaphore, #tpu.memory_space<semaphore_mem>>, %arg15: memref<!tpu.dma_semaphore, #tpu.memory_space<semaphore_mem>>, %arg16: memref<!tpu.dma_semaphore, #tpu.memory_space<semaphore_mem>>, %arg17: memref<!tpu.dma_semaphore, #tpu.memory_space<semaphore_mem>>, %arg18: memref<!tpu.dma_semaphore, #tpu.memory_space<semaphore_mem>>, %arg19: memref<!tpu.dma_semaphore, #tpu.memory_space<semaphore_mem>>, %arg20: memref<!tpu.dma_semaphore, #tpu.memory_space<semaphore_mem>>, %arg21: memref<!tpu.dma_semaphore, #tpu.memory_space<semaphore_mem>>, %arg22: memref<!tpu.dma_semaphore, #tpu.memory_space<semaphore_mem>>, %arg23: memref<!tpu.dma_semaphore, #tpu.memory_space<semaphore_mem>>, %arg24: memref<!tpu.dma_semaphore, #tpu.memory_space<semaphore_mem>>, %arg25: memref<!tpu.dma_semaphore, #tpu.memory_space<semaphore_mem>>, %arg26: memref<!tpu.dma_semaphore, #tpu.memory_space<semaphore_mem>>, %arg27: memref<!tpu.dma_semaphore, #tpu.memory_space<semaphore_mem>>, %arg28: memref<!tpu.dma_semaphore, #tpu.memory_space<semaphore_mem>>) attributes {dimension_semantics = [#tpu.dimension_semantics<core_parallel>, #tpu.dimension_semantics<subcore_parallel>], iteration_bounds = array<i64: 2, 16>, scalar_prefetch = 0 : i64, scratch_operands = 22 : i64, tpu.core_type = #tpu.core_type<sc_vector_subcore>, window_params = [{transform_indices = #map}, {transform_indices = #map}, {transform_indices = #map1}, {transform_indices = #map1}, {transform_indices = #map}]} {
    %mul3A = arith.constant 2 : i32
    %mul3A_0 = arith.muli %arg1, %mul3A : i32
    %add3A = arith.addi %mul3A_0, %arg0 : i32
    "tpu.region"() ({
      %run_scoped3A = tpu.sem_alloc : memref<!tpu.dma_semaphore, #tpu.memory_space<semaphore_mem>>
      %dma_start3A_75 = arith.constant 0 : i32
      %dma_start3A_76 = arith.constant 0 : i32
      %dma_start3A_77 = tpu.memref_slice %arg4[%add3A, %dma_start3A_75, %dma_start3A_76] : memref<32x25x80xi32, #tpu.memory_space<hbm>> -> memref<1x25x80xi32, #tpu.memory_space<hbm>>
      %dma_start3A_78 = tpu.memref_squeeze %dma_start3A_77 : memref<1x25x80xi32, #tpu.memory_space<hbm>> -> memref<25x80xi32, #tpu.memory_space<hbm>>
      %dma_start3A_79 = arith.constant 0 : i32
      %dma_start3A_80 = arith.constant 0 : i32
      %dma_start3A_81 = tpu.memref_slice %arg4[%add3A, %dma_start3A_79, %dma_start3A_80] : memref<32x25x80xi32, #tpu.memory_space<hbm>> -> memref<1x25x80xi32, #tpu.memory_space<hbm>>
      %dma_start3A_82 = tpu.memref_squeeze %dma_start3A_81 : memref<1x25x80xi32, #tpu.memory_space<hbm>> -> memref<25x80xi32, #tpu.memory_space<hbm>>
      tpu.enqueue_dma source(%dma_start3A_82 : memref<25x80xi32, #tpu.memory_space<hbm>>) target(%arg7 : memref<25x80xi32, #tpu.memory_space<vmem>>) target_semaphore(%run_scoped3A : memref<!tpu.dma_semaphore, #tpu.memory_space<semaphore_mem>>)
      %dma_wait3A_83 = arith.constant 0 : i32
      %dma_wait3A_84 = arith.constant 0 : i32
      %dma_wait3A_85 = tpu.memref_slice %arg4[%add3A, %dma_wait3A_83, %dma_wait3A_84] : memref<32x25x80xi32, #tpu.memory_space<hbm>> -> memref<1x25x80xi32, #tpu.memory_space<hbm>>
      %dma_wait3A_86 = tpu.memref_squeeze %dma_wait3A_85 : memref<1x25x80xi32, #tpu.memory_space<hbm>> -> memref<25x80xi32, #tpu.memory_space<hbm>>
      %dma_wait3A_87 = arith.constant 0 : i32
      %dma_wait3A_88 = arith.constant 0 : i32
      %dma_wait3A_89 = tpu.memref_slice %arg4[%add3A, %dma_wait3A_87, %dma_wait3A_88] : memref<32x25x80xi32, #tpu.memory_space<hbm>> -> memref<1x25x80xi32, #tpu.memory_space<hbm>>
      %dma_wait3A_90 = tpu.memref_squeeze %dma_wait3A_89 : memref<1x25x80xi32, #tpu.memory_space<hbm>> -> memref<25x80xi32, #tpu.memory_space<hbm>>
      tpu.wait_dma2 semaphore(%run_scoped3A : memref<!tpu.dma_semaphore, #tpu.memory_space<semaphore_mem>>) src(%dma_wait3A_90 : memref<25x80xi32, #tpu.memory_space<hbm>>) dst(%arg7 : memref<25x80xi32, #tpu.memory_space<vmem>>)
      tpu.yield
    }) : () -> ()
    "tpu.region"() ({
      %run_scoped3A = tpu.sem_alloc : memref<!tpu.dma_semaphore, #tpu.memory_space<semaphore_mem>>
      %dma_start3A_75 = arith.constant 0 : i32
      %dma_start3A_76 = arith.constant 0 : i32
      %dma_start3A_77 = tpu.memref_slice %arg5[%add3A, %dma_start3A_75, %dma_start3A_76] : memref<32x25x80xi32, #tpu.memory_space<hbm>> -> memref<1x25x80xi32, #tpu.memory_space<hbm>>
      %dma_start3A_78 = tpu.memref_squeeze %dma_start3A_77 : memref<1x25x80xi32, #tpu.memory_space<hbm>> -> memref<25x80xi32, #tpu.memory_space<hbm>>
      %dma_start3A_79 = arith.constant 0 : i32
      %dma_start3A_80 = arith.constant 0 : i32
      %dma_start3A_81 = tpu.memref_slice %arg5[%add3A, %dma_start3A_79, %dma_start3A_80] : memref<32x25x80xi32, #tpu.memory_space<hbm>> -> memref<1x25x80xi32, #tpu.memory_space<hbm>>
      %dma_start3A_82 = tpu.memref_squeeze %dma_start3A_81 : memref<1x25x80xi32, #tpu.memory_space<hbm>> -> memref<25x80xi32, #tpu.memory_space<hbm>>
      tpu.enqueue_dma source(%dma_start3A_82 : memref<25x80xi32, #tpu.memory_space<hbm>>) target(%arg8 : memref<25x80xi32, #tpu.memory_space<vmem>>) target_semaphore(%run_scoped3A : memref<!tpu.dma_semaphore, #tpu.memory_space<semaphore_mem>>)
      %dma_wait3A_83 = arith.constant 0 : i32
      %dma_wait3A_84 = arith.constant 0 : i32
      %dma_wait3A_85 = tpu.memref_slice %arg5[%add3A, %dma_wait3A_83, %dma_wait3A_84] : memref<32x25x80xi32, #tpu.memory_space<hbm>> -> memref<1x25x80xi32, #tpu.memory_space<hbm>>
      %dma_wait3A_86 = tpu.memref_squeeze %dma_wait3A_85 : memref<1x25x80xi32, #tpu.memory_space<hbm>> -> memref<25x80xi32, #tpu.memory_space<hbm>>
      %dma_wait3A_87 = arith.constant 0 : i32
      %dma_wait3A_88 = arith.constant 0 : i32
      %dma_wait3A_89 = tpu.memref_slice %arg5[%add3A, %dma_wait3A_87, %dma_wait3A_88] : memref<32x25x80xi32, #tpu.memory_space<hbm>> -> memref<1x25x80xi32, #tpu.memory_space<hbm>>
      %dma_wait3A_90 = tpu.memref_squeeze %dma_wait3A_89 : memref<1x25x80xi32, #tpu.memory_space<hbm>> -> memref<25x80xi32, #tpu.memory_space<hbm>>
      tpu.wait_dma2 semaphore(%run_scoped3A : memref<!tpu.dma_semaphore, #tpu.memory_space<semaphore_mem>>) src(%dma_wait3A_90 : memref<25x80xi32, #tpu.memory_space<hbm>>) dst(%arg8 : memref<25x80xi32, #tpu.memory_space<vmem>>)
      tpu.yield
    }) : () -> ()
    %jit3A = arith.constant 16 : i32
    %div3A = arith.divsi %add3A, %jit3A : i32
    %sign3A = arith.constant 0 : i32
    %sign3A_1 = arith.cmpi sgt, %add3A, %sign3A : i32
    %sign3A_2 = arith.extui %sign3A_1 : i1 to i32
    %sign3A_3 = arith.constant 0 : i32
    %sign3A_4 = arith.cmpi slt, %add3A, %sign3A_3 : i32
    %sign3A_5 = arith.extui %sign3A_4 : i1 to i32
    %sign3A_6 = arith.subi %sign3A_2, %sign3A_5 : i32
    %sign3A_7 = arith.constant 0 : i32
    %sign3A_8 = arith.cmpi sgt, %jit3A, %sign3A_7 : i32
    %sign3A_9 = arith.extui %sign3A_8 : i1 to i32
    %sign3A_10 = arith.constant 0 : i32
    %sign3A_11 = arith.cmpi slt, %jit3A, %sign3A_10 : i32
    %sign3A_12 = arith.extui %sign3A_11 : i1 to i32
    %sign3A_13 = arith.subi %sign3A_9, %sign3A_12 : i32
    %ne3A = arith.cmpi ne, %sign3A_6, %sign3A_13 : i32
    %rem3A = arith.remsi %add3A, %jit3A : i32
    %ne3A_14 = arith.constant 0 : i32
    %ne3A_15 = arith.cmpi ne, %rem3A, %ne3A_14 : i32
    %and3A = arith.andi %ne3A, %ne3A_15 : i1
    %sub3A = arith.constant 1 : i32
    %sub3A_16 = arith.subi %div3A, %sub3A : i32
    %select_n3A = arith.select %and3A, %sub3A_16, %div3A : i32
    %mul3A_17 = arith.constant 64 : i32
    %mul3A_18 = arith.muli %select_n3A, %mul3A_17 : i32
    %jit3A_19 = arith.constant 16 : i32
    %eq3A = arith.constant 0 : i32
    %eq3A_20 = arith.cmpi eq, %jit3A_19, %eq3A : i32
    %jit3A_21 = arith.constant 1 : i32
    %select_n3A_22 = arith.select %eq3A_20, %jit3A_21, %jit3A_19 : i32
    %rem3A_23 = arith.remsi %add3A, %select_n3A_22 : i32
    %ne3A_24 = arith.constant 0 : i32
    %ne3A_25 = arith.cmpi ne, %rem3A_23, %ne3A_24 : i32
    %lt3A = arith.constant 0 : i32
    %lt3A_26 = arith.cmpi slt, %rem3A_23, %lt3A : i32
    %lt3A_27 = arith.constant 0 : i32
    %lt3A_28 = arith.cmpi slt, %select_n3A_22, %lt3A_27 : i32
    %ne3A_29 = arith.xori %lt3A_26, %lt3A_28 : i1
    %and3A_30 = arith.andi %ne3A_29, %ne3A_25 : i1
    %add3A_31 = arith.addi %rem3A_23, %select_n3A_22 : i32
    %select_n3A_32 = arith.select %and3A_30, %add3A_31, %rem3A_23 : i32
    %mul3A_33 = arith.constant 2000 : i32
    %mul3A_34 = arith.muli %select_n3A_32, %mul3A_33 : i32
    %dma_start3A = arith.constant 0 : i32
    %dma_start3A_35 = arith.constant 0 : i32
    %dma_start3A_36 = tpu.memref_slice %arg7[%dma_start3A, %dma_start3A_35] : memref<25x80xi32, #tpu.memory_space<vmem>> -> memref<1x80xi32, #tpu.memory_space<vmem>>
    %dma_start3A_37 = tpu.memref_squeeze %dma_start3A_36 : memref<1x80xi32, #tpu.memory_space<vmem>> -> memref<80xi32, #tpu.memory_space<vmem>>
    %dma_start3A_38 = arith.constant 0 : i32
    %dma_start3A_39 = arith.constant 0 : i32
    %dma_start3A_40 = tpu.memref_slice %arg2[%dma_start3A_38, %dma_start3A_39] : memref<10000x64xf32, #tpu.memory_space<hbm>> -> memref<10000x64xf32, #tpu.memory_space<hbm>>
    tpu.enqueue_indirect_dma source(%dma_start3A_40 : memref<10000x64xf32, #tpu.memory_space<hbm>>) target(%arg9 : memref<80x64xf32, #tpu.memory_space<vmem>>) offsets(%dma_start3A_37 : memref<80xi32, #tpu.memory_space<vmem>>) semaphore(%arg14 : memref<!tpu.dma_semaphore, #tpu.memory_space<semaphore_mem>>)
    %dma_start3A_41 = arith.constant 1 : i32
    %dma_start3A_42 = arith.constant 0 : i32
    %dma_start3A_43 = tpu.memref_slice %arg7[%dma_start3A_41, %dma_start3A_42] : memref<25x80xi32, #tpu.memory_space<vmem>> -> memref<1x80xi32, #tpu.memory_space<vmem>>
    %dma_start3A_44 = tpu.memref_squeeze %dma_start3A_43 : memref<1x80xi32, #tpu.memory_space<vmem>> -> memref<80xi32, #tpu.memory_space<vmem>>
    %dma_start3A_45 = arith.constant 0 : i32
    %dma_start3A_46 = arith.constant 0 : i32
    %dma_start3A_47 = tpu.memref_slice %arg2[%dma_start3A_45, %dma_start3A_46] : memref<10000x64xf32, #tpu.memory_space<hbm>> -> memref<10000x64xf32, #tpu.memory_space<hbm>>
    tpu.enqueue_indirect_dma source(%dma_start3A_47 : memref<10000x64xf32, #tpu.memory_space<hbm>>) target(%arg10 : memref<80x64xf32, #tpu.memory_space<vmem>>) offsets(%dma_start3A_44 : memref<80xi32, #tpu.memory_space<vmem>>) semaphore(%arg15 : memref<!tpu.dma_semaphore, #tpu.memory_space<semaphore_mem>>)
    %scan3A = arith.constant 0 : i32
    %scan3A_48 = arith.constant 0 : i32
    %scan3A_49 = arith.constant 5 : i32
    %scan3A_50 = arith.addi %scan3A_48, %scan3A_49 : i32
    %scan3A_51 = arith.constant 1 : i32
    scf.for %scan3A_75 = %scan3A_48 to %scan3A_50 step %scan3A_51  : i32 {
      %mul3A_76 = arith.constant 5 : i32
      %mul3A_77 = arith.muli %scan3A_75, %mul3A_76 : i32
      %add3A_78 = arith.constant 0 : i32
      %add3A_79 = arith.addi %mul3A_77, %add3A_78 : i32
      %gt3A = arith.constant 0 : i32
      %gt3A_80 = arith.cmpi sgt, %scan3A_75, %gt3A : i32
      %convert_element_type3A = arith.extui %gt3A_80 : i1 to i32
      %cond3A = arith.constant 0 : i32
      %cond3A_81 = arith.cmpi ne, %convert_element_type3A, %cond3A : i32
      scf.if %cond3A_81 {
        %sub3A_273 = arith.constant 3 : i32
        %sub3A_274 = arith.subi %add3A_79, %sub3A_273 : i32
        %mul3A_275 = arith.constant 80 : i32
        %mul3A_276 = arith.muli %sub3A_274, %mul3A_275 : i32
        %add3A_277 = arith.addi %mul3A_34, %mul3A_276 : i32
        %dma_wait3A_278 = tpu.memref_slice %arg6[%add3A_277, %mul3A_18] : memref<32000x128xf32, #tpu.memory_space<hbm>> -> memref<80x64xf32, #tpu.memory_space<hbm>>
        %dma_wait3A_279 = tpu.memref_slice %arg6[%add3A_277, %mul3A_18] : memref<32000x128xf32, #tpu.memory_space<hbm>> -> memref<80x64xf32, #tpu.memory_space<hbm>>
        tpu.wait_dma2 semaphore(%arg26 : memref<!tpu.dma_semaphore, #tpu.memory_space<semaphore_mem>>) src(%arg11 : memref<80x64xf32, #tpu.memory_space<vmem>>) dst(%dma_wait3A_279 : memref<80x64xf32, #tpu.memory_space<hbm>>)
      } else {
      }
      %add3A_82 = arith.constant 2 : i32
      %add3A_83 = arith.addi %add3A_79, %add3A_82 : i32
      %dma_start3A_84 = arith.constant 0 : i32
      %dma_start3A_85 = tpu.memref_slice %arg7[%add3A_83, %dma_start3A_84] : memref<25x80xi32, #tpu.memory_space<vmem>> -> memref<1x80xi32, #tpu.memory_space<vmem>>
      %dma_start3A_86 = tpu.memref_squeeze %dma_start3A_85 : memref<1x80xi32, #tpu.memory_space<vmem>> -> memref<80xi32, #tpu.memory_space<vmem>>
      %dma_start3A_87 = arith.constant 0 : i32
      %dma_start3A_88 = arith.constant 0 : i32
      %dma_start3A_89 = tpu.memref_slice %arg2[%dma_start3A_87, %dma_start3A_88] : memref<10000x64xf32, #tpu.memory_space<hbm>> -> memref<10000x64xf32, #tpu.memory_space<hbm>>
      tpu.enqueue_indirect_dma source(%dma_start3A_89 : memref<10000x64xf32, #tpu.memory_space<hbm>>) target(%arg11 : memref<80x64xf32, #tpu.memory_space<vmem>>) offsets(%dma_start3A_86 : memref<80xi32, #tpu.memory_space<vmem>>) semaphore(%arg16 : memref<!tpu.dma_semaphore, #tpu.memory_space<semaphore_mem>>)
      %dma_wait3A_90 = arith.constant 0 : i32
      %dma_wait3A_91 = tpu.memref_slice %arg7[%add3A_79, %dma_wait3A_90] : memref<25x80xi32, #tpu.memory_space<vmem>> -> memref<1x80xi32, #tpu.memory_space<vmem>>
      %dma_wait3A_92 = tpu.memref_squeeze %dma_wait3A_91 : memref<1x80xi32, #tpu.memory_space<vmem>> -> memref<80xi32, #tpu.memory_space<vmem>>
      %dma_wait3A_93 = arith.constant 0 : i32
      %dma_wait3A_94 = arith.constant 0 : i32
      %dma_wait3A_95 = tpu.memref_slice %arg2[%dma_wait3A_93, %dma_wait3A_94] : memref<10000x64xf32, #tpu.memory_space<hbm>> -> memref<10000x64xf32, #tpu.memory_space<hbm>>
      tpu.wait_indirect_dma semaphore(%arg14 : memref<!tpu.dma_semaphore, #tpu.memory_space<semaphore_mem>>) src(%dma_wait3A_95 : memref<10000x64xf32, #tpu.memory_space<hbm>>) dst(%arg9 : memref<80x64xf32, #tpu.memory_space<vmem>>)
      %dma_start3A_96 = arith.constant 0 : i32
      %dma_start3A_97 = tpu.memref_slice %arg8[%add3A_79, %dma_start3A_96] : memref<25x80xi32, #tpu.memory_space<vmem>> -> memref<1x80xi32, #tpu.memory_space<vmem>>
      %dma_start3A_98 = tpu.memref_squeeze %dma_start3A_97 : memref<1x80xi32, #tpu.memory_space<vmem>> -> memref<80xi32, #tpu.memory_space<vmem>>
      %dma_start3A_99 = arith.constant 0 : i32
      %dma_start3A_100 = arith.constant 0 : i32
      %dma_start3A_101 = tpu.memref_slice %arg3[%dma_start3A_99, %dma_start3A_100] : memref<10000x64xf32, #tpu.memory_space<hbm>> -> memref<10000x64xf32, #tpu.memory_space<hbm>>
      tpu.enqueue_indirect_dma source(%dma_start3A_101 : memref<10000x64xf32, #tpu.memory_space<hbm>>) target(%arg9 : memref<80x64xf32, #tpu.memory_space<vmem>>) offsets(%dma_start3A_98 : memref<80xi32, #tpu.memory_space<vmem>>) semaphore(%arg19 : memref<!tpu.dma_semaphore, #tpu.memory_space<semaphore_mem>>) {add = true}
      %gt3A_102 = arith.constant 0 : i32
      %gt3A_103 = arith.cmpi sgt, %scan3A_75, %gt3A_102 : i32
      %convert_element_type3A_104 = arith.extui %gt3A_103 : i1 to i32
      %cond3A_105 = arith.constant 0 : i32
      %cond3A_106 = arith.cmpi ne, %convert_element_type3A_104, %cond3A_105 : i32
      scf.if %cond3A_106 {
        %sub3A_273 = arith.constant 1 : i32
        %sub3A_274 = arith.subi %add3A_79, %sub3A_273 : i32
        %dma_wait3A_275 = arith.constant 0 : i32
        %dma_wait3A_276 = tpu.memref_slice %arg8[%sub3A_274, %dma_wait3A_275] : memref<25x80xi32, #tpu.memory_space<vmem>> -> memref<1x80xi32, #tpu.memory_space<vmem>>
        %dma_wait3A_277 = tpu.memref_squeeze %dma_wait3A_276 : memref<1x80xi32, #tpu.memory_space<vmem>> -> memref<80xi32, #tpu.memory_space<vmem>>
        %dma_wait3A_278 = arith.constant 0 : i32
        %dma_wait3A_279 = arith.constant 0 : i32
        %dma_wait3A_280 = tpu.memref_slice %arg3[%dma_wait3A_278, %dma_wait3A_279] : memref<10000x64xf32, #tpu.memory_space<hbm>> -> memref<10000x64xf32, #tpu.memory_space<hbm>>
        tpu.wait_indirect_dma semaphore(%arg23 : memref<!tpu.dma_semaphore, #tpu.memory_space<semaphore_mem>>) src(%dma_wait3A_280 : memref<10000x64xf32, #tpu.memory_space<hbm>>) dst(%arg13 : memref<80x64xf32, #tpu.memory_space<vmem>>)
        %mul3A_281 = arith.constant 80 : i32
        %mul3A_282 = arith.muli %sub3A_274, %mul3A_281 : i32
        %add3A_283 = arith.addi %mul3A_34, %mul3A_282 : i32
        %dma_start3A_284 = tpu.memref_slice %arg6[%add3A_283, %mul3A_18] : memref<32000x128xf32, #tpu.memory_space<hbm>> -> memref<80x64xf32, #tpu.memory_space<hbm>>
        %dma_start3A_285 = tpu.memref_slice %arg6[%add3A_283, %mul3A_18] : memref<32000x128xf32, #tpu.memory_space<hbm>> -> memref<80x64xf32, #tpu.memory_space<hbm>>
        tpu.enqueue_dma source(%arg13 : memref<80x64xf32, #tpu.memory_space<vmem>>) target(%dma_start3A_285 : memref<80x64xf32, #tpu.memory_space<hbm>>) target_semaphore(%arg28 : memref<!tpu.dma_semaphore, #tpu.memory_space<semaphore_mem>>)
      } else {
      }
      %mul3A_107 = arith.constant 5 : i32
      %mul3A_108 = arith.muli %scan3A_75, %mul3A_107 : i32
      %add3A_109 = arith.constant 1 : i32
      %add3A_110 = arith.addi %mul3A_108, %add3A_109 : i32
      %gt3A_111 = arith.constant 0 : i32
      %gt3A_112 = arith.cmpi sgt, %scan3A_75, %gt3A_111 : i32
      %convert_element_type3A_113 = arith.extui %gt3A_112 : i1 to i32
      %cond3A_114 = arith.constant 0 : i32
      %cond3A_115 = arith.cmpi ne, %convert_element_type3A_113, %cond3A_114 : i32
      scf.if %cond3A_115 {
        %sub3A_273 = arith.constant 3 : i32
        %sub3A_274 = arith.subi %add3A_110, %sub3A_273 : i32
        %mul3A_275 = arith.constant 80 : i32
        %mul3A_276 = arith.muli %sub3A_274, %mul3A_275 : i32
        %add3A_277 = arith.addi %mul3A_34, %mul3A_276 : i32
        %dma_wait3A_278 = tpu.memref_slice %arg6[%add3A_277, %mul3A_18] : memref<32000x128xf32, #tpu.memory_space<hbm>> -> memref<80x64xf32, #tpu.memory_space<hbm>>
        %dma_wait3A_279 = tpu.memref_slice %arg6[%add3A_277, %mul3A_18] : memref<32000x128xf32, #tpu.memory_space<hbm>> -> memref<80x64xf32, #tpu.memory_space<hbm>>
        tpu.wait_dma2 semaphore(%arg27 : memref<!tpu.dma_semaphore, #tpu.memory_space<semaphore_mem>>) src(%arg12 : memref<80x64xf32, #tpu.memory_space<vmem>>) dst(%dma_wait3A_279 : memref<80x64xf32, #tpu.memory_space<hbm>>)
      } else {
      }
      %add3A_116 = arith.constant 2 : i32
      %add3A_117 = arith.addi %add3A_110, %add3A_116 : i32
      %dma_start3A_118 = arith.constant 0 : i32
      %dma_start3A_119 = tpu.memref_slice %arg7[%add3A_117, %dma_start3A_118] : memref<25x80xi32, #tpu.memory_space<vmem>> -> memref<1x80xi32, #tpu.memory_space<vmem>>
      %dma_start3A_120 = tpu.memref_squeeze %dma_start3A_119 : memref<1x80xi32, #tpu.memory_space<vmem>> -> memref<80xi32, #tpu.memory_space<vmem>>
      %dma_start3A_121 = arith.constant 0 : i32
      %dma_start3A_122 = arith.constant 0 : i32
      %dma_start3A_123 = tpu.memref_slice %arg2[%dma_start3A_121, %dma_start3A_122] : memref<10000x64xf32, #tpu.memory_space<hbm>> -> memref<10000x64xf32, #tpu.memory_space<hbm>>
      tpu.enqueue_indirect_dma source(%dma_start3A_123 : memref<10000x64xf32, #tpu.memory_space<hbm>>) target(%arg12 : memref<80x64xf32, #tpu.memory_space<vmem>>) offsets(%dma_start3A_120 : memref<80xi32, #tpu.memory_space<vmem>>) semaphore(%arg17 : memref<!tpu.dma_semaphore, #tpu.memory_space<semaphore_mem>>)
      %dma_wait3A_124 = arith.constant 0 : i32
      %dma_wait3A_125 = tpu.memref_slice %arg7[%add3A_110, %dma_wait3A_124] : memref<25x80xi32, #tpu.memory_space<vmem>> -> memref<1x80xi32, #tpu.memory_space<vmem>>
      %dma_wait3A_126 = tpu.memref_squeeze %dma_wait3A_125 : memref<1x80xi32, #tpu.memory_space<vmem>> -> memref<80xi32, #tpu.memory_space<vmem>>
      %dma_wait3A_127 = arith.constant 0 : i32
      %dma_wait3A_128 = arith.constant 0 : i32
      %dma_wait3A_129 = tpu.memref_slice %arg2[%dma_wait3A_127, %dma_wait3A_128] : memref<10000x64xf32, #tpu.memory_space<hbm>> -> memref<10000x64xf32, #tpu.memory_space<hbm>>
      tpu.wait_indirect_dma semaphore(%arg15 : memref<!tpu.dma_semaphore, #tpu.memory_space<semaphore_mem>>) src(%dma_wait3A_129 : memref<10000x64xf32, #tpu.memory_space<hbm>>) dst(%arg10 : memref<80x64xf32, #tpu.memory_space<vmem>>)
      %dma_start3A_130 = arith.constant 0 : i32
      %dma_start3A_131 = tpu.memref_slice %arg8[%add3A_110, %dma_start3A_130] : memref<25x80xi32, #tpu.memory_space<vmem>> -> memref<1x80xi32, #tpu.memory_space<vmem>>
      %dma_start3A_132 = tpu.memref_squeeze %dma_start3A_131 : memref<1x80xi32, #tpu.memory_space<vmem>> -> memref<80xi32, #tpu.memory_space<vmem>>
      %dma_start3A_133 = arith.constant 0 : i32
      %dma_start3A_134 = arith.constant 0 : i32
      %dma_start3A_135 = tpu.memref_slice %arg3[%dma_start3A_133, %dma_start3A_134] : memref<10000x64xf32, #tpu.memory_space<hbm>> -> memref<10000x64xf32, #tpu.memory_space<hbm>>
      tpu.enqueue_indirect_dma source(%dma_start3A_135 : memref<10000x64xf32, #tpu.memory_space<hbm>>) target(%arg10 : memref<80x64xf32, #tpu.memory_space<vmem>>) offsets(%dma_start3A_132 : memref<80xi32, #tpu.memory_space<vmem>>) semaphore(%arg20 : memref<!tpu.dma_semaphore, #tpu.memory_space<semaphore_mem>>) {add = true}
      %sub3A_136 = arith.constant 1 : i32
      %sub3A_137 = arith.subi %add3A_110, %sub3A_136 : i32
      %dma_wait3A_138 = arith.constant 0 : i32
      %dma_wait3A_139 = tpu.memref_slice %arg8[%sub3A_137, %dma_wait3A_138] : memref<25x80xi32, #tpu.memory_space<vmem>> -> memref<1x80xi32, #tpu.memory_space<vmem>>
      %dma_wait3A_140 = tpu.memref_squeeze %dma_wait3A_139 : memref<1x80xi32, #tpu.memory_space<vmem>> -> memref<80xi32, #tpu.memory_space<vmem>>
      %dma_wait3A_141 = arith.constant 0 : i32
      %dma_wait3A_142 = arith.constant 0 : i32
      %dma_wait3A_143 = tpu.memref_slice %arg3[%dma_wait3A_141, %dma_wait3A_142] : memref<10000x64xf32, #tpu.memory_space<hbm>> -> memref<10000x64xf32, #tpu.memory_space<hbm>>
      tpu.wait_indirect_dma semaphore(%arg19 : memref<!tpu.dma_semaphore, #tpu.memory_space<semaphore_mem>>) src(%dma_wait3A_143 : memref<10000x64xf32, #tpu.memory_space<hbm>>) dst(%arg9 : memref<80x64xf32, #tpu.memory_space<vmem>>)
      %mul3A_144 = arith.constant 80 : i32
      %mul3A_145 = arith.muli %sub3A_137, %mul3A_144 : i32
      %add3A_146 = arith.addi %mul3A_34, %mul3A_145 : i32
      %dma_start3A_147 = tpu.memref_slice %arg6[%add3A_146, %mul3A_18] : memref<32000x128xf32, #tpu.memory_space<hbm>> -> memref<80x64xf32, #tpu.memory_space<hbm>>
      %dma_start3A_148 = tpu.memref_slice %arg6[%add3A_146, %mul3A_18] : memref<32000x128xf32, #tpu.memory_space<hbm>> -> memref<80x64xf32, #tpu.memory_space<hbm>>
      tpu.enqueue_dma source(%arg9 : memref<80x64xf32, #tpu.memory_space<vmem>>) target(%dma_start3A_148 : memref<80x64xf32, #tpu.memory_space<hbm>>) target_semaphore(%arg24 : memref<!tpu.dma_semaphore, #tpu.memory_space<semaphore_mem>>)
      %mul3A_149 = arith.constant 5 : i32
      %mul3A_150 = arith.muli %scan3A_75, %mul3A_149 : i32
      %add3A_151 = arith.constant 2 : i32
      %add3A_152 = arith.addi %mul3A_150, %add3A_151 : i32
      %gt3A_153 = arith.constant 0 : i32
      %gt3A_154 = arith.cmpi sgt, %scan3A_75, %gt3A_153 : i32
      %convert_element_type3A_155 = arith.extui %gt3A_154 : i1 to i32
      %cond3A_156 = arith.constant 0 : i32
      %cond3A_157 = arith.cmpi ne, %convert_element_type3A_155, %cond3A_156 : i32
      scf.if %cond3A_157 {
        %sub3A_273 = arith.constant 3 : i32
        %sub3A_274 = arith.subi %add3A_152, %sub3A_273 : i32
        %mul3A_275 = arith.constant 80 : i32
        %mul3A_276 = arith.muli %sub3A_274, %mul3A_275 : i32
        %add3A_277 = arith.addi %mul3A_34, %mul3A_276 : i32
        %dma_wait3A_278 = tpu.memref_slice %arg6[%add3A_277, %mul3A_18] : memref<32000x128xf32, #tpu.memory_space<hbm>> -> memref<80x64xf32, #tpu.memory_space<hbm>>
        %dma_wait3A_279 = tpu.memref_slice %arg6[%add3A_277, %mul3A_18] : memref<32000x128xf32, #tpu.memory_space<hbm>> -> memref<80x64xf32, #tpu.memory_space<hbm>>
        tpu.wait_dma2 semaphore(%arg28 : memref<!tpu.dma_semaphore, #tpu.memory_space<semaphore_mem>>) src(%arg13 : memref<80x64xf32, #tpu.memory_space<vmem>>) dst(%dma_wait3A_279 : memref<80x64xf32, #tpu.memory_space<hbm>>)
      } else {
      }
      %add3A_158 = arith.constant 2 : i32
      %add3A_159 = arith.addi %add3A_152, %add3A_158 : i32
      %dma_start3A_160 = arith.constant 0 : i32
      %dma_start3A_161 = tpu.memref_slice %arg7[%add3A_159, %dma_start3A_160] : memref<25x80xi32, #tpu.memory_space<vmem>> -> memref<1x80xi32, #tpu.memory_space<vmem>>
      %dma_start3A_162 = tpu.memref_squeeze %dma_start3A_161 : memref<1x80xi32, #tpu.memory_space<vmem>> -> memref<80xi32, #tpu.memory_space<vmem>>
      %dma_start3A_163 = arith.constant 0 : i32
      %dma_start3A_164 = arith.constant 0 : i32
      %dma_start3A_165 = tpu.memref_slice %arg2[%dma_start3A_163, %dma_start3A_164] : memref<10000x64xf32, #tpu.memory_space<hbm>> -> memref<10000x64xf32, #tpu.memory_space<hbm>>
      tpu.enqueue_indirect_dma source(%dma_start3A_165 : memref<10000x64xf32, #tpu.memory_space<hbm>>) target(%arg13 : memref<80x64xf32, #tpu.memory_space<vmem>>) offsets(%dma_start3A_162 : memref<80xi32, #tpu.memory_space<vmem>>) semaphore(%arg18 : memref<!tpu.dma_semaphore, #tpu.memory_space<semaphore_mem>>)
      %dma_wait3A_166 = arith.constant 0 : i32
      %dma_wait3A_167 = tpu.memref_slice %arg7[%add3A_152, %dma_wait3A_166] : memref<25x80xi32, #tpu.memory_space<vmem>> -> memref<1x80xi32, #tpu.memory_space<vmem>>
      %dma_wait3A_168 = tpu.memref_squeeze %dma_wait3A_167 : memref<1x80xi32, #tpu.memory_space<vmem>> -> memref<80xi32, #tpu.memory_space<vmem>>
      %dma_wait3A_169 = arith.constant 0 : i32
      %dma_wait3A_170 = arith.constant 0 : i32
      %dma_wait3A_171 = tpu.memref_slice %arg2[%dma_wait3A_169, %dma_wait3A_170] : memref<10000x64xf32, #tpu.memory_space<hbm>> -> memref<10000x64xf32, #tpu.memory_space<hbm>>
      tpu.wait_indirect_dma semaphore(%arg16 : memref<!tpu.dma_semaphore, #tpu.memory_space<semaphore_mem>>) src(%dma_wait3A_171 : memref<10000x64xf32, #tpu.memory_space<hbm>>) dst(%arg11 : memref<80x64xf32, #tpu.memory_space<vmem>>)
      %dma_start3A_172 = arith.constant 0 : i32
      %dma_start3A_173 = tpu.memref_slice %arg8[%add3A_152, %dma_start3A_172] : memref<25x80xi32, #tpu.memory_space<vmem>> -> memref<1x80xi32, #tpu.memory_space<vmem>>
      %dma_start3A_174 = tpu.memref_squeeze %dma_start3A_173 : memref<1x80xi32, #tpu.memory_space<vmem>> -> memref<80xi32, #tpu.memory_space<vmem>>
      %dma_start3A_175 = arith.constant 0 : i32
      %dma_start3A_176 = arith.constant 0 : i32
      %dma_start3A_177 = tpu.memref_slice %arg3[%dma_start3A_175, %dma_start3A_176] : memref<10000x64xf32, #tpu.memory_space<hbm>> -> memref<10000x64xf32, #tpu.memory_space<hbm>>
      tpu.enqueue_indirect_dma source(%dma_start3A_177 : memref<10000x64xf32, #tpu.memory_space<hbm>>) target(%arg11 : memref<80x64xf32, #tpu.memory_space<vmem>>) offsets(%dma_start3A_174 : memref<80xi32, #tpu.memory_space<vmem>>) semaphore(%arg21 : memref<!tpu.dma_semaphore, #tpu.memory_space<semaphore_mem>>) {add = true}
      %sub3A_178 = arith.constant 1 : i32
      %sub3A_179 = arith.subi %add3A_152, %sub3A_178 : i32
      %dma_wait3A_180 = arith.constant 0 : i32
      %dma_wait3A_181 = tpu.memref_slice %arg8[%sub3A_179, %dma_wait3A_180] : memref<25x80xi32, #tpu.memory_space<vmem>> -> memref<1x80xi32, #tpu.memory_space<vmem>>
      %dma_wait3A_182 = tpu.memref_squeeze %dma_wait3A_181 : memref<1x80xi32, #tpu.memory_space<vmem>> -> memref<80xi32, #tpu.memory_space<vmem>>
      %dma_wait3A_183 = arith.constant 0 : i32
      %dma_wait3A_184 = arith.constant 0 : i32
      %dma_wait3A_185 = tpu.memref_slice %arg3[%dma_wait3A_183, %dma_wait3A_184] : memref<10000x64xf32, #tpu.memory_space<hbm>> -> memref<10000x64xf32, #tpu.memory_space<hbm>>
      tpu.wait_indirect_dma semaphore(%arg20 : memref<!tpu.dma_semaphore, #tpu.memory_space<semaphore_mem>>) src(%dma_wait3A_185 : memref<10000x64xf32, #tpu.memory_space<hbm>>) dst(%arg10 : memref<80x64xf32, #tpu.memory_space<vmem>>)
      %mul3A_186 = arith.constant 80 : i32
      %mul3A_187 = arith.muli %sub3A_179, %mul3A_186 : i32
      %add3A_188 = arith.addi %mul3A_34, %mul3A_187 : i32
      %dma_start3A_189 = tpu.memref_slice %arg6[%add3A_188, %mul3A_18] : memref<32000x128xf32, #tpu.memory_space<hbm>> -> memref<80x64xf32, #tpu.memory_space<hbm>>
      %dma_start3A_190 = tpu.memref_slice %arg6[%add3A_188, %mul3A_18] : memref<32000x128xf32, #tpu.memory_space<hbm>> -> memref<80x64xf32, #tpu.memory_space<hbm>>
      tpu.enqueue_dma source(%arg10 : memref<80x64xf32, #tpu.memory_space<vmem>>) target(%dma_start3A_190 : memref<80x64xf32, #tpu.memory_space<hbm>>) target_semaphore(%arg25 : memref<!tpu.dma_semaphore, #tpu.memory_space<semaphore_mem>>)
      %mul3A_191 = arith.constant 5 : i32
      %mul3A_192 = arith.muli %scan3A_75, %mul3A_191 : i32
      %add3A_193 = arith.constant 3 : i32
      %add3A_194 = arith.addi %mul3A_192, %add3A_193 : i32
      %sub3A_195 = arith.constant 3 : i32
      %sub3A_196 = arith.subi %add3A_194, %sub3A_195 : i32
      %mul3A_197 = arith.constant 80 : i32
      %mul3A_198 = arith.muli %sub3A_196, %mul3A_197 : i32
      %add3A_199 = arith.addi %mul3A_34, %mul3A_198 : i32
      %dma_wait3A_200 = tpu.memref_slice %arg6[%add3A_199, %mul3A_18] : memref<32000x128xf32, #tpu.memory_space<hbm>> -> memref<80x64xf32, #tpu.memory_space<hbm>>
      %dma_wait3A_201 = tpu.memref_slice %arg6[%add3A_199, %mul3A_18] : memref<32000x128xf32, #tpu.memory_space<hbm>> -> memref<80x64xf32, #tpu.memory_space<hbm>>
      tpu.wait_dma2 semaphore(%arg24 : memref<!tpu.dma_semaphore, #tpu.memory_space<semaphore_mem>>) src(%arg9 : memref<80x64xf32, #tpu.memory_space<vmem>>) dst(%dma_wait3A_201 : memref<80x64xf32, #tpu.memory_space<hbm>>)
      %lt3A_202 = arith.constant 4 : i32
      %lt3A_203 = arith.cmpi slt, %scan3A_75, %lt3A_202 : i32
      %convert_element_type3A_204 = arith.extui %lt3A_203 : i1 to i32
      %cond3A_205 = arith.constant 0 : i32
      %cond3A_206 = arith.cmpi ne, %convert_element_type3A_204, %cond3A_205 : i32
      scf.if %cond3A_206 {
        %add3A_273 = arith.constant 2 : i32
        %add3A_274 = arith.addi %add3A_194, %add3A_273 : i32
        %dma_start3A_275 = arith.constant 0 : i32
        %dma_start3A_276 = tpu.memref_slice %arg7[%add3A_274, %dma_start3A_275] : memref<25x80xi32, #tpu.memory_space<vmem>> -> memref<1x80xi32, #tpu.memory_space<vmem>>
        %dma_start3A_277 = tpu.memref_squeeze %dma_start3A_276 : memref<1x80xi32, #tpu.memory_space<vmem>> -> memref<80xi32, #tpu.memory_space<vmem>>
        %dma_start3A_278 = arith.constant 0 : i32
        %dma_start3A_279 = arith.constant 0 : i32
        %dma_start3A_280 = tpu.memref_slice %arg2[%dma_start3A_278, %dma_start3A_279] : memref<10000x64xf32, #tpu.memory_space<hbm>> -> memref<10000x64xf32, #tpu.memory_space<hbm>>
        tpu.enqueue_indirect_dma source(%dma_start3A_280 : memref<10000x64xf32, #tpu.memory_space<hbm>>) target(%arg9 : memref<80x64xf32, #tpu.memory_space<vmem>>) offsets(%dma_start3A_277 : memref<80xi32, #tpu.memory_space<vmem>>) semaphore(%arg14 : memref<!tpu.dma_semaphore, #tpu.memory_space<semaphore_mem>>)
      } else {
      }
      %dma_wait3A_207 = arith.constant 0 : i32
      %dma_wait3A_208 = tpu.memref_slice %arg7[%add3A_194, %dma_wait3A_207] : memref<25x80xi32, #tpu.memory_space<vmem>> -> memref<1x80xi32, #tpu.memory_space<vmem>>
      %dma_wait3A_209 = tpu.memref_squeeze %dma_wait3A_208 : memref<1x80xi32, #tpu.memory_space<vmem>> -> memref<80xi32, #tpu.memory_space<vmem>>
      %dma_wait3A_210 = arith.constant 0 : i32
      %dma_wait3A_211 = arith.constant 0 : i32
      %dma_wait3A_212 = tpu.memref_slice %arg2[%dma_wait3A_210, %dma_wait3A_211] : memref<10000x64xf32, #tpu.memory_space<hbm>> -> memref<10000x64xf32, #tpu.memory_space<hbm>>
      tpu.wait_indirect_dma semaphore(%arg17 : memref<!tpu.dma_semaphore, #tpu.memory_space<semaphore_mem>>) src(%dma_wait3A_212 : memref<10000x64xf32, #tpu.memory_space<hbm>>) dst(%arg12 : memref<80x64xf32, #tpu.memory_space<vmem>>)
      %dma_start3A_213 = arith.constant 0 : i32
      %dma_start3A_214 = tpu.memref_slice %arg8[%add3A_194, %dma_start3A_213] : memref<25x80xi32, #tpu.memory_space<vmem>> -> memref<1x80xi32, #tpu.memory_space<vmem>>
      %dma_start3A_215 = tpu.memref_squeeze %dma_start3A_214 : memref<1x80xi32, #tpu.memory_space<vmem>> -> memref<80xi32, #tpu.memory_space<vmem>>
      %dma_start3A_216 = arith.constant 0 : i32
      %dma_start3A_217 = arith.constant 0 : i32
      %dma_start3A_218 = tpu.memref_slice %arg3[%dma_start3A_216, %dma_start3A_217] : memref<10000x64xf32, #tpu.memory_space<hbm>> -> memref<10000x64xf32, #tpu.memory_space<hbm>>
      tpu.enqueue_indirect_dma source(%dma_start3A_218 : memref<10000x64xf32, #tpu.memory_space<hbm>>) target(%arg12 : memref<80x64xf32, #tpu.memory_space<vmem>>) offsets(%dma_start3A_215 : memref<80xi32, #tpu.memory_space<vmem>>) semaphore(%arg22 : memref<!tpu.dma_semaphore, #tpu.memory_space<semaphore_mem>>) {add = true}
      %sub3A_219 = arith.constant 1 : i32
      %sub3A_220 = arith.subi %add3A_194, %sub3A_219 : i32
      %dma_wait3A_221 = arith.constant 0 : i32
      %dma_wait3A_222 = tpu.memref_slice %arg8[%sub3A_220, %dma_wait3A_221] : memref<25x80xi32, #tpu.memory_space<vmem>> -> memref<1x80xi32, #tpu.memory_space<vmem>>
      %dma_wait3A_223 = tpu.memref_squeeze %dma_wait3A_222 : memref<1x80xi32, #tpu.memory_space<vmem>> -> memref<80xi32, #tpu.memory_space<vmem>>
      %dma_wait3A_224 = arith.constant 0 : i32
      %dma_wait3A_225 = arith.constant 0 : i32
      %dma_wait3A_226 = tpu.memref_slice %arg3[%dma_wait3A_224, %dma_wait3A_225] : memref<10000x64xf32, #tpu.memory_space<hbm>> -> memref<10000x64xf32, #tpu.memory_space<hbm>>
      tpu.wait_indirect_dma semaphore(%arg21 : memref<!tpu.dma_semaphore, #tpu.memory_space<semaphore_mem>>) src(%dma_wait3A_226 : memref<10000x64xf32, #tpu.memory_space<hbm>>) dst(%arg11 : memref<80x64xf32, #tpu.memory_space<vmem>>)
      %mul3A_227 = arith.constant 80 : i32
      %mul3A_228 = arith.muli %sub3A_220, %mul3A_227 : i32
      %add3A_229 = arith.addi %mul3A_34, %mul3A_228 : i32
      %dma_start3A_230 = tpu.memref_slice %arg6[%add3A_229, %mul3A_18] : memref<32000x128xf32, #tpu.memory_space<hbm>> -> memref<80x64xf32, #tpu.memory_space<hbm>>
      %dma_start3A_231 = tpu.memref_slice %arg6[%add3A_229, %mul3A_18] : memref<32000x128xf32, #tpu.memory_space<hbm>> -> memref<80x64xf32, #tpu.memory_space<hbm>>
      tpu.enqueue_dma source(%arg11 : memref<80x64xf32, #tpu.memory_space<vmem>>) target(%dma_start3A_231 : memref<80x64xf32, #tpu.memory_space<hbm>>) target_semaphore(%arg26 : memref<!tpu.dma_semaphore, #tpu.memory_space<semaphore_mem>>)
      %mul3A_232 = arith.constant 5 : i32
      %mul3A_233 = arith.muli %scan3A_75, %mul3A_232 : i32
      %add3A_234 = arith.constant 4 : i32
      %add3A_235 = arith.addi %mul3A_233, %add3A_234 : i32
      %sub3A_236 = arith.constant 3 : i32
      %sub3A_237 = arith.subi %add3A_235, %sub3A_236 : i32
      %mul3A_238 = arith.constant 80 : i32
      %mul3A_239 = arith.muli %sub3A_237, %mul3A_238 : i32
      %add3A_240 = arith.addi %mul3A_34, %mul3A_239 : i32
      %dma_wait3A_241 = tpu.memref_slice %arg6[%add3A_240, %mul3A_18] : memref<32000x128xf32, #tpu.memory_space<hbm>> -> memref<80x64xf32, #tpu.memory_space<hbm>>
      %dma_wait3A_242 = tpu.memref_slice %arg6[%add3A_240, %mul3A_18] : memref<32000x128xf32, #tpu.memory_space<hbm>> -> memref<80x64xf32, #tpu.memory_space<hbm>>
      tpu.wait_dma2 semaphore(%arg25 : memref<!tpu.dma_semaphore, #tpu.memory_space<semaphore_mem>>) src(%arg10 : memref<80x64xf32, #tpu.memory_space<vmem>>) dst(%dma_wait3A_242 : memref<80x64xf32, #tpu.memory_space<hbm>>)
      %lt3A_243 = arith.constant 4 : i32
      %lt3A_244 = arith.cmpi slt, %scan3A_75, %lt3A_243 : i32
      %convert_element_type3A_245 = arith.extui %lt3A_244 : i1 to i32
      %cond3A_246 = arith.constant 0 : i32
      %cond3A_247 = arith.cmpi ne, %convert_element_type3A_245, %cond3A_246 : i32
      scf.if %cond3A_247 {
        %add3A_273 = arith.constant 2 : i32
        %add3A_274 = arith.addi %add3A_235, %add3A_273 : i32
        %dma_start3A_275 = arith.constant 0 : i32
        %dma_start3A_276 = tpu.memref_slice %arg7[%add3A_274, %dma_start3A_275] : memref<25x80xi32, #tpu.memory_space<vmem>> -> memref<1x80xi32, #tpu.memory_space<vmem>>
        %dma_start3A_277 = tpu.memref_squeeze %dma_start3A_276 : memref<1x80xi32, #tpu.memory_space<vmem>> -> memref<80xi32, #tpu.memory_space<vmem>>
        %dma_start3A_278 = arith.constant 0 : i32
        %dma_start3A_279 = arith.constant 0 : i32
        %dma_start3A_280 = tpu.memref_slice %arg2[%dma_start3A_278, %dma_start3A_279] : memref<10000x64xf32, #tpu.memory_space<hbm>> -> memref<10000x64xf32, #tpu.memory_space<hbm>>
        tpu.enqueue_indirect_dma source(%dma_start3A_280 : memref<10000x64xf32, #tpu.memory_space<hbm>>) target(%arg10 : memref<80x64xf32, #tpu.memory_space<vmem>>) offsets(%dma_start3A_277 : memref<80xi32, #tpu.memory_space<vmem>>) semaphore(%arg15 : memref<!tpu.dma_semaphore, #tpu.memory_space<semaphore_mem>>)
      } else {
      }
      %dma_wait3A_248 = arith.constant 0 : i32
      %dma_wait3A_249 = tpu.memref_slice %arg7[%add3A_235, %dma_wait3A_248] : memref<25x80xi32, #tpu.memory_space<vmem>> -> memref<1x80xi32, #tpu.memory_space<vmem>>
      %dma_wait3A_250 = tpu.memref_squeeze %dma_wait3A_249 : memref<1x80xi32, #tpu.memory_space<vmem>> -> memref<80xi32, #tpu.memory_space<vmem>>
      %dma_wait3A_251 = arith.constant 0 : i32
      %dma_wait3A_252 = arith.constant 0 : i32
      %dma_wait3A_253 = tpu.memref_slice %arg2[%dma_wait3A_251, %dma_wait3A_252] : memref<10000x64xf32, #tpu.memory_space<hbm>> -> memref<10000x64xf32, #tpu.memory_space<hbm>>
      tpu.wait_indirect_dma semaphore(%arg18 : memref<!tpu.dma_semaphore, #tpu.memory_space<semaphore_mem>>) src(%dma_wait3A_253 : memref<10000x64xf32, #tpu.memory_space<hbm>>) dst(%arg13 : memref<80x64xf32, #tpu.memory_space<vmem>>)
      %dma_start3A_254 = arith.constant 0 : i32
      %dma_start3A_255 = tpu.memref_slice %arg8[%add3A_235, %dma_start3A_254] : memref<25x80xi32, #tpu.memory_space<vmem>> -> memref<1x80xi32, #tpu.memory_space<vmem>>
      %dma_start3A_256 = tpu.memref_squeeze %dma_start3A_255 : memref<1x80xi32, #tpu.memory_space<vmem>> -> memref<80xi32, #tpu.memory_space<vmem>>
      %dma_start3A_257 = arith.constant 0 : i32
      %dma_start3A_258 = arith.constant 0 : i32
      %dma_start3A_259 = tpu.memref_slice %arg3[%dma_start3A_257, %dma_start3A_258] : memref<10000x64xf32, #tpu.memory_space<hbm>> -> memref<10000x64xf32, #tpu.memory_space<hbm>>
      tpu.enqueue_indirect_dma source(%dma_start3A_259 : memref<10000x64xf32, #tpu.memory_space<hbm>>) target(%arg13 : memref<80x64xf32, #tpu.memory_space<vmem>>) offsets(%dma_start3A_256 : memref<80xi32, #tpu.memory_space<vmem>>) semaphore(%arg23 : memref<!tpu.dma_semaphore, #tpu.memory_space<semaphore_mem>>) {add = true}
      %sub3A_260 = arith.constant 1 : i32
      %sub3A_261 = arith.subi %add3A_235, %sub3A_260 : i32
      %dma_wait3A_262 = arith.constant 0 : i32
      %dma_wait3A_263 = tpu.memref_slice %arg8[%sub3A_261, %dma_wait3A_262] : memref<25x80xi32, #tpu.memory_space<vmem>> -> memref<1x80xi32, #tpu.memory_space<vmem>>
      %dma_wait3A_264 = tpu.memref_squeeze %dma_wait3A_263 : memref<1x80xi32, #tpu.memory_space<vmem>> -> memref<80xi32, #tpu.memory_space<vmem>>
      %dma_wait3A_265 = arith.constant 0 : i32
      %dma_wait3A_266 = arith.constant 0 : i32
      %dma_wait3A_267 = tpu.memref_slice %arg3[%dma_wait3A_265, %dma_wait3A_266] : memref<10000x64xf32, #tpu.memory_space<hbm>> -> memref<10000x64xf32, #tpu.memory_space<hbm>>
      tpu.wait_indirect_dma semaphore(%arg22 : memref<!tpu.dma_semaphore, #tpu.memory_space<semaphore_mem>>) src(%dma_wait3A_267 : memref<10000x64xf32, #tpu.memory_space<hbm>>) dst(%arg12 : memref<80x64xf32, #tpu.memory_space<vmem>>)
      %mul3A_268 = arith.constant 80 : i32
      %mul3A_269 = arith.muli %sub3A_261, %mul3A_268 : i32
      %add3A_270 = arith.addi %mul3A_34, %mul3A_269 : i32
      %dma_start3A_271 = tpu.memref_slice %arg6[%add3A_270, %mul3A_18] : memref<32000x128xf32, #tpu.memory_space<hbm>> -> memref<80x64xf32, #tpu.memory_space<hbm>>
      %dma_start3A_272 = tpu.memref_slice %arg6[%add3A_270, %mul3A_18] : memref<32000x128xf32, #tpu.memory_space<hbm>> -> memref<80x64xf32, #tpu.memory_space<hbm>>
      tpu.enqueue_dma source(%arg12 : memref<80x64xf32, #tpu.memory_space<vmem>>) target(%dma_start3A_272 : memref<80x64xf32, #tpu.memory_space<hbm>>) target_semaphore(%arg27 : memref<!tpu.dma_semaphore, #tpu.memory_space<semaphore_mem>>)
    }
    %scan3A_52 = arith.constant 5 : i32
    %dma_wait3A = arith.constant 24 : i32
    %dma_wait3A_53 = arith.constant 0 : i32
    %dma_wait3A_54 = tpu.memref_slice %arg8[%dma_wait3A, %dma_wait3A_53] : memref<25x80xi32, #tpu.memory_space<vmem>> -> memref<1x80xi32, #tpu.memory_space<vmem>>
    %dma_wait3A_55 = tpu.memref_squeeze %dma_wait3A_54 : memref<1x80xi32, #tpu.memory_space<vmem>> -> memref<80xi32, #tpu.memory_space<vmem>>
    %dma_wait3A_56 = arith.constant 0 : i32
    %dma_wait3A_57 = arith.constant 0 : i32
    %dma_wait3A_58 = tpu.memref_slice %arg3[%dma_wait3A_56, %dma_wait3A_57] : memref<10000x64xf32, #tpu.memory_space<hbm>> -> memref<10000x64xf32, #tpu.memory_space<hbm>>
    tpu.wait_indirect_dma semaphore(%arg23 : memref<!tpu.dma_semaphore, #tpu.memory_space<semaphore_mem>>) src(%dma_wait3A_58 : memref<10000x64xf32, #tpu.memory_space<hbm>>) dst(%arg13 : memref<80x64xf32, #tpu.memory_space<vmem>>)
    %add3A_59 = arith.constant 1920 : i32
    %add3A_60 = arith.addi %mul3A_34, %add3A_59 : i32
    %dma_start3A_61 = tpu.memref_slice %arg6[%add3A_60, %mul3A_18] : memref<32000x128xf32, #tpu.memory_space<hbm>> -> memref<80x64xf32, #tpu.memory_space<hbm>>
    %dma_start3A_62 = tpu.memref_slice %arg6[%add3A_60, %mul3A_18] : memref<32000x128xf32, #tpu.memory_space<hbm>> -> memref<80x64xf32, #tpu.memory_space<hbm>>
    tpu.enqueue_dma source(%arg13 : memref<80x64xf32, #tpu.memory_space<vmem>>) target(%dma_start3A_62 : memref<80x64xf32, #tpu.memory_space<hbm>>) target_semaphore(%arg28 : memref<!tpu.dma_semaphore, #tpu.memory_space<semaphore_mem>>)
    %add3A_63 = arith.constant 1760 : i32
    %add3A_64 = arith.addi %mul3A_34, %add3A_63 : i32
    %dma_wait3A_65 = tpu.memref_slice %arg6[%add3A_64, %mul3A_18] : memref<32000x128xf32, #tpu.memory_space<hbm>> -> memref<80x64xf32, #tpu.memory_space<hbm>>
    %dma_wait3A_66 = tpu.memref_slice %arg6[%add3A_64, %mul3A_18] : memref<32000x128xf32, #tpu.memory_space<hbm>> -> memref<80x64xf32, #tpu.memory_space<hbm>>
    tpu.wait_dma2 semaphore(%arg26 : memref<!tpu.dma_semaphore, #tpu.memory_space<semaphore_mem>>) src(%arg11 : memref<80x64xf32, #tpu.memory_space<vmem>>) dst(%dma_wait3A_66 : memref<80x64xf32, #tpu.memory_space<hbm>>)
    %add3A_67 = arith.constant 1840 : i32
    %add3A_68 = arith.addi %mul3A_34, %add3A_67 : i32
    %dma_wait3A_69 = tpu.memref_slice %arg6[%add3A_68, %mul3A_18] : memref<32000x128xf32, #tpu.memory_space<hbm>> -> memref<80x64xf32, #tpu.memory_space<hbm>>
    %dma_wait3A_70 = tpu.memref_slice %arg6[%add3A_68, %mul3A_18] : memref<32000x128xf32, #tpu.memory_space<hbm>> -> memref<80x64xf32, #tpu.memory_space<hbm>>
    tpu.wait_dma2 semaphore(%arg27 : memref<!tpu.dma_semaphore, #tpu.memory_space<semaphore_mem>>) src(%arg12 : memref<80x64xf32, #tpu.memory_space<vmem>>) dst(%dma_wait3A_70 : memref<80x64xf32, #tpu.memory_space<hbm>>)
    %add3A_71 = arith.constant 1920 : i32
    %add3A_72 = arith.addi %mul3A_34, %add3A_71 : i32
    %dma_wait3A_73 = tpu.memref_slice %arg6[%add3A_72, %mul3A_18] : memref<32000x128xf32, #tpu.memory_space<hbm>> -> memref<80x64xf32, #tpu.memory_space<hbm>>
    %dma_wait3A_74 = tpu.memref_slice %arg6[%add3A_72, %mul3A_18] : memref<32000x128xf32, #tpu.memory_space<hbm>> -> memref<80x64xf32, #tpu.memory_space<hbm>>
    tpu.wait_dma2 semaphore(%arg28 : memref<!tpu.dma_semaphore, #tpu.memory_space<semaphore_mem>>) src(%arg13 : memref<80x64xf32, #tpu.memory_space<vmem>>) dst(%dma_wait3A_74 : memref<80x64xf32, #tpu.memory_space<hbm>>)
    return
  }
}

#map = affine_map<(d0, d1) -> (0, 0)>
#map1 = affine_map<(d0, d1) -> (0, 0, 0)>
module attributes {stable_mosaic.version = 14 : i64} {
  func.func @_gather_body(%arg0: i32, %arg1: i32, %arg2: memref<10000x64xf32, #tpu.memory_space<hbm>>, %arg3: memref<10000x64xf32, #tpu.memory_space<hbm>>, %arg4: memref<32x25x80xi32, #tpu.memory_space<hbm>>, %arg5: memref<32x25x80xi32, #tpu.memory_space<hbm>>, %arg6: memref<32000x128xf32, #tpu.memory_space<hbm>>, %arg7: memref<25x80xi32, #tpu.memory_space<vmem>>, %arg8: memref<25x80xi32, #tpu.memory_space<vmem>>, %arg9: memref<80x64xf32, #tpu.memory_space<vmem>>, %arg10: memref<80x64xf32, #tpu.memory_space<vmem>>, %arg11: memref<80x64xf32, #tpu.memory_space<vmem>>, %arg12: memref<80x64xf32, #tpu.memory_space<vmem>>, %arg13: memref<80x64xf32, #tpu.memory_space<vmem>>, %arg14: memref<!tpu.dma_semaphore, #tpu.memory_space<semaphore_mem>>, %arg15: memref<!tpu.dma_semaphore, #tpu.memory_space<semaphore_mem>>, %arg16: memref<!tpu.dma_semaphore, #tpu.memory_space<semaphore_mem>>, %arg17: memref<!tpu.dma_semaphore, #tpu.memory_space<semaphore_mem>>, %arg18: memref<!tpu.dma_semaphore, #tpu.memory_space<semaphore_mem>>, %arg19: memref<!tpu.dma_semaphore, #tpu.memory_space<semaphore_mem>>, %arg20: memref<!tpu.dma_semaphore, #tpu.memory_space<semaphore_mem>>, %arg21: memref<!tpu.dma_semaphore, #tpu.memory_space<semaphore_mem>>, %arg22: memref<!tpu.dma_semaphore, #tpu.memory_space<semaphore_mem>>, %arg23: memref<!tpu.dma_semaphore, #tpu.memory_space<semaphore_mem>>, %arg24: memref<!tpu.dma_semaphore, #tpu.memory_space<semaphore_mem>>, %arg25: memref<!tpu.dma_semaphore, #tpu.memory_space<semaphore_mem>>, %arg26: memref<!tpu.dma_semaphore, #tpu.memory_space<semaphore_mem>>, %arg27: memref<!tpu.dma_semaphore, #tpu.memory_space<semaphore_mem>>, %arg28: memref<!tpu.dma_semaphore, #tpu.memory_space<semaphore_mem>>) attributes {dimension_semantics = [#tpu.dimension_semantics<core_parallel>, #tpu.dimension_semantics<subcore_parallel>], iteration_bounds = array<i64: 2, 16>, scalar_prefetch = 0 : i64, scratch_operands = 22 : i64, tpu.core_type = #tpu.core_type<sc_vector_subcore>, window_params = [{transform_indices = #map}, {transform_indices = #map}, {transform_indices = #map1}, {transform_indices = #map1}, {transform_indices = #map}]} {
    %mul3A = arith.constant 2 : i32
    %mul3A_0 = arith.muli %arg1, %mul3A : i32
    %add3A = arith.addi %mul3A_0, %arg0 : i32
    "tpu.region"() ({
      %run_scoped3A = tpu.sem_alloc : memref<!tpu.dma_semaphore, #tpu.memory_space<semaphore_mem>>
      %dma_start3A_75 = arith.constant 0 : i32
      %dma_start3A_76 = arith.constant 0 : i32
      %dma_start3A_77 = tpu.memref_slice %arg4[%add3A, %dma_start3A_75, %dma_start3A_76] : memref<32x25x80xi32, #tpu.memory_space<hbm>> -> memref<1x25x80xi32, #tpu.memory_space<hbm>>
      %dma_start3A_78 = tpu.memref_squeeze %dma_start3A_77 : memref<1x25x80xi32, #tpu.memory_space<hbm>> -> memref<25x80xi32, #tpu.memory_space<hbm>>
      %dma_start3A_79 = arith.constant 0 : i32
      %dma_start3A_80 = arith.constant 0 : i32
      %dma_start3A_81 = tpu.memref_slice %arg4[%add3A, %dma_start3A_79, %dma_start3A_80] : memref<32x25x80xi32, #tpu.memory_space<hbm>> -> memref<1x25x80xi32, #tpu.memory_space<hbm>>
      %dma_start3A_82 = tpu.memref_squeeze %dma_start3A_81 : memref<1x25x80xi32, #tpu.memory_space<hbm>> -> memref<25x80xi32, #tpu.memory_space<hbm>>
      tpu.enqueue_dma source(%dma_start3A_82 : memref<25x80xi32, #tpu.memory_space<hbm>>) target(%arg7 : memref<25x80xi32, #tpu.memory_space<vmem>>) target_semaphore(%run_scoped3A : memref<!tpu.dma_semaphore, #tpu.memory_space<semaphore_mem>>)
      %dma_wait3A_83 = arith.constant 0 : i32
      %dma_wait3A_84 = arith.constant 0 : i32
      %dma_wait3A_85 = tpu.memref_slice %arg4[%add3A, %dma_wait3A_83, %dma_wait3A_84] : memref<32x25x80xi32, #tpu.memory_space<hbm>> -> memref<1x25x80xi32, #tpu.memory_space<hbm>>
      %dma_wait3A_86 = tpu.memref_squeeze %dma_wait3A_85 : memref<1x25x80xi32, #tpu.memory_space<hbm>> -> memref<25x80xi32, #tpu.memory_space<hbm>>
      %dma_wait3A_87 = arith.constant 0 : i32
      %dma_wait3A_88 = arith.constant 0 : i32
      %dma_wait3A_89 = tpu.memref_slice %arg4[%add3A, %dma_wait3A_87, %dma_wait3A_88] : memref<32x25x80xi32, #tpu.memory_space<hbm>> -> memref<1x25x80xi32, #tpu.memory_space<hbm>>
      %dma_wait3A_90 = tpu.memref_squeeze %dma_wait3A_89 : memref<1x25x80xi32, #tpu.memory_space<hbm>> -> memref<25x80xi32, #tpu.memory_space<hbm>>
      tpu.wait_dma2 semaphore(%run_scoped3A : memref<!tpu.dma_semaphore, #tpu.memory_space<semaphore_mem>>) src(%dma_wait3A_90 : memref<25x80xi32, #tpu.memory_space<hbm>>) dst(%arg7 : memref<25x80xi32, #tpu.memory_space<vmem>>)
      tpu.yield
    }) : () -> ()
    "tpu.region"() ({
      %run_scoped3A = tpu.sem_alloc : memref<!tpu.dma_semaphore, #tpu.memory_space<semaphore_mem>>
      %dma_start3A_75 = arith.constant 0 : i32
      %dma_start3A_76 = arith.constant 0 : i32
      %dma_start3A_77 = tpu.memref_slice %arg5[%add3A, %dma_start3A_75, %dma_start3A_76] : memref<32x25x80xi32, #tpu.memory_space<hbm>> -> memref<1x25x80xi32, #tpu.memory_space<hbm>>
      %dma_start3A_78 = tpu.memref_squeeze %dma_start3A_77 : memref<1x25x80xi32, #tpu.memory_space<hbm>> -> memref<25x80xi32, #tpu.memory_space<hbm>>
      %dma_start3A_79 = arith.constant 0 : i32
      %dma_start3A_80 = arith.constant 0 : i32
      %dma_start3A_81 = tpu.memref_slice %arg5[%add3A, %dma_start3A_79, %dma_start3A_80] : memref<32x25x80xi32, #tpu.memory_space<hbm>> -> memref<1x25x80xi32, #tpu.memory_space<hbm>>
      %dma_start3A_82 = tpu.memref_squeeze %dma_start3A_81 : memref<1x25x80xi32, #tpu.memory_space<hbm>> -> memref<25x80xi32, #tpu.memory_space<hbm>>
      tpu.enqueue_dma source(%dma_start3A_82 : memref<25x80xi32, #tpu.memory_space<hbm>>) target(%arg8 : memref<25x80xi32, #tpu.memory_space<vmem>>) target_semaphore(%run_scoped3A : memref<!tpu.dma_semaphore, #tpu.memory_space<semaphore_mem>>)
      %dma_wait3A_83 = arith.constant 0 : i32
      %dma_wait3A_84 = arith.constant 0 : i32
      %dma_wait3A_85 = tpu.memref_slice %arg5[%add3A, %dma_wait3A_83, %dma_wait3A_84] : memref<32x25x80xi32, #tpu.memory_space<hbm>> -> memref<1x25x80xi32, #tpu.memory_space<hbm>>
      %dma_wait3A_86 = tpu.memref_squeeze %dma_wait3A_85 : memref<1x25x80xi32, #tpu.memory_space<hbm>> -> memref<25x80xi32, #tpu.memory_space<hbm>>
      %dma_wait3A_87 = arith.constant 0 : i32
      %dma_wait3A_88 = arith.constant 0 : i32
      %dma_wait3A_89 = tpu.memref_slice %arg5[%add3A, %dma_wait3A_87, %dma_wait3A_88] : memref<32x25x80xi32, #tpu.memory_space<hbm>> -> memref<1x25x80xi32, #tpu.memory_space<hbm>>
      %dma_wait3A_90 = tpu.memref_squeeze %dma_wait3A_89 : memref<1x25x80xi32, #tpu.memory_space<hbm>> -> memref<25x80xi32, #tpu.memory_space<hbm>>
      tpu.wait_dma2 semaphore(%run_scoped3A : memref<!tpu.dma_semaphore, #tpu.memory_space<semaphore_mem>>) src(%dma_wait3A_90 : memref<25x80xi32, #tpu.memory_space<hbm>>) dst(%arg8 : memref<25x80xi32, #tpu.memory_space<vmem>>)
      tpu.yield
    }) : () -> ()
    %jit3A = arith.constant 16 : i32
    %div3A = arith.divsi %add3A, %jit3A : i32
    %sign3A = arith.constant 0 : i32
    %sign3A_1 = arith.cmpi sgt, %add3A, %sign3A : i32
    %sign3A_2 = arith.extui %sign3A_1 : i1 to i32
    %sign3A_3 = arith.constant 0 : i32
    %sign3A_4 = arith.cmpi slt, %add3A, %sign3A_3 : i32
    %sign3A_5 = arith.extui %sign3A_4 : i1 to i32
    %sign3A_6 = arith.subi %sign3A_2, %sign3A_5 : i32
    %sign3A_7 = arith.constant 0 : i32
    %sign3A_8 = arith.cmpi sgt, %jit3A, %sign3A_7 : i32
    %sign3A_9 = arith.extui %sign3A_8 : i1 to i32
    %sign3A_10 = arith.constant 0 : i32
    %sign3A_11 = arith.cmpi slt, %jit3A, %sign3A_10 : i32
    %sign3A_12 = arith.extui %sign3A_11 : i1 to i32
    %sign3A_13 = arith.subi %sign3A_9, %sign3A_12 : i32
    %ne3A = arith.cmpi ne, %sign3A_6, %sign3A_13 : i32
    %rem3A = arith.remsi %add3A, %jit3A : i32
    %ne3A_14 = arith.constant 0 : i32
    %ne3A_15 = arith.cmpi ne, %rem3A, %ne3A_14 : i32
    %and3A = arith.andi %ne3A, %ne3A_15 : i1
    %sub3A = arith.constant 1 : i32
    %sub3A_16 = arith.subi %div3A, %sub3A : i32
    %select_n3A = arith.select %and3A, %sub3A_16, %div3A : i32
    %mul3A_17 = arith.constant 64 : i32
    %mul3A_18 = arith.muli %select_n3A, %mul3A_17 : i32
    %jit3A_19 = arith.constant 16 : i32
    %eq3A = arith.constant 0 : i32
    %eq3A_20 = arith.cmpi eq, %jit3A_19, %eq3A : i32
    %jit3A_21 = arith.constant 1 : i32
    %select_n3A_22 = arith.select %eq3A_20, %jit3A_21, %jit3A_19 : i32
    %rem3A_23 = arith.remsi %add3A, %select_n3A_22 : i32
    %ne3A_24 = arith.constant 0 : i32
    %ne3A_25 = arith.cmpi ne, %rem3A_23, %ne3A_24 : i32
    %lt3A = arith.constant 0 : i32
    %lt3A_26 = arith.cmpi slt, %rem3A_23, %lt3A : i32
    %lt3A_27 = arith.constant 0 : i32
    %lt3A_28 = arith.cmpi slt, %select_n3A_22, %lt3A_27 : i32
    %ne3A_29 = arith.xori %lt3A_26, %lt3A_28 : i1
    %and3A_30 = arith.andi %ne3A_29, %ne3A_25 : i1
    %add3A_31 = arith.addi %rem3A_23, %select_n3A_22 : i32
    %select_n3A_32 = arith.select %and3A_30, %add3A_31, %rem3A_23 : i32
    %mul3A_33 = arith.constant 2000 : i32
    %mul3A_34 = arith.muli %select_n3A_32, %mul3A_33 : i32
    %dma_start3A = arith.constant 0 : i32
    %dma_start3A_35 = arith.constant 0 : i32
    %dma_start3A_36 = tpu.memref_slice %arg7[%dma_start3A, %dma_start3A_35] : memref<25x80xi32, #tpu.memory_space<vmem>> -> memref<1x80xi32, #tpu.memory_space<vmem>>
    %dma_start3A_37 = tpu.memref_squeeze %dma_start3A_36 : memref<1x80xi32, #tpu.memory_space<vmem>> -> memref<80xi32, #tpu.memory_space<vmem>>
    %dma_start3A_38 = arith.constant 0 : i32
    %dma_start3A_39 = arith.constant 0 : i32
    %dma_start3A_40 = tpu.memref_slice %arg2[%dma_start3A_38, %dma_start3A_39] : memref<10000x64xf32, #tpu.memory_space<hbm>> -> memref<10000x64xf32, #tpu.memory_space<hbm>>
    tpu.enqueue_indirect_dma source(%dma_start3A_40 : memref<10000x64xf32, #tpu.memory_space<hbm>>) target(%arg9 : memref<80x64xf32, #tpu.memory_space<vmem>>) offsets(%dma_start3A_37 : memref<80xi32, #tpu.memory_space<vmem>>) semaphore(%arg14 : memref<!tpu.dma_semaphore, #tpu.memory_space<semaphore_mem>>)
    %dma_start3A_41 = arith.constant 1 : i32
    %dma_start3A_42 = arith.constant 0 : i32
    %dma_start3A_43 = tpu.memref_slice %arg7[%dma_start3A_41, %dma_start3A_42] : memref<25x80xi32, #tpu.memory_space<vmem>> -> memref<1x80xi32, #tpu.memory_space<vmem>>
    %dma_start3A_44 = tpu.memref_squeeze %dma_start3A_43 : memref<1x80xi32, #tpu.memory_space<vmem>> -> memref<80xi32, #tpu.memory_space<vmem>>
    %dma_start3A_45 = arith.constant 0 : i32
    %dma_start3A_46 = arith.constant 0 : i32
    %dma_start3A_47 = tpu.memref_slice %arg2[%dma_start3A_45, %dma_start3A_46] : memref<10000x64xf32, #tpu.memory_space<hbm>> -> memref<10000x64xf32, #tpu.memory_space<hbm>>
    tpu.enqueue_indirect_dma source(%dma_start3A_47 : memref<10000x64xf32, #tpu.memory_space<hbm>>) target(%arg10 : memref<80x64xf32, #tpu.memory_space<vmem>>) offsets(%dma_start3A_44 : memref<80xi32, #tpu.memory_space<vmem>>) semaphore(%arg15 : memref<!tpu.dma_semaphore, #tpu.memory_space<semaphore_mem>>)
    %scan3A = arith.constant 0 : i32
    %scan3A_48 = arith.constant 0 : i32
    %scan3A_49 = arith.constant 5 : i32
    %scan3A_50 = arith.addi %scan3A_48, %scan3A_49 : i32
    %scan3A_51 = arith.constant 1 : i32
    scf.for %scan3A_75 = %scan3A_48 to %scan3A_50 step %scan3A_51  : i32 {
      %mul3A_76 = arith.constant 5 : i32
      %mul3A_77 = arith.muli %scan3A_75, %mul3A_76 : i32
      %add3A_78 = arith.constant 0 : i32
      %add3A_79 = arith.addi %mul3A_77, %add3A_78 : i32
      %gt3A = arith.constant 0 : i32
      %gt3A_80 = arith.cmpi sgt, %scan3A_75, %gt3A : i32
      %convert_element_type3A = arith.extui %gt3A_80 : i1 to i32
      %cond3A = arith.constant 0 : i32
      %cond3A_81 = arith.cmpi ne, %convert_element_type3A, %cond3A : i32
      scf.if %cond3A_81 {
        %sub3A_273 = arith.constant 3 : i32
        %sub3A_274 = arith.subi %add3A_79, %sub3A_273 : i32
        %mul3A_275 = arith.constant 80 : i32
        %mul3A_276 = arith.muli %sub3A_274, %mul3A_275 : i32
        %add3A_277 = arith.addi %mul3A_34, %mul3A_276 : i32
        %dma_wait3A_278 = tpu.memref_slice %arg6[%add3A_277, %mul3A_18] : memref<32000x128xf32, #tpu.memory_space<hbm>> -> memref<80x64xf32, #tpu.memory_space<hbm>>
        %dma_wait3A_279 = tpu.memref_slice %arg6[%add3A_277, %mul3A_18] : memref<32000x128xf32, #tpu.memory_space<hbm>> -> memref<80x64xf32, #tpu.memory_space<hbm>>
        tpu.wait_dma2 semaphore(%arg26 : memref<!tpu.dma_semaphore, #tpu.memory_space<semaphore_mem>>) src(%arg11 : memref<80x64xf32, #tpu.memory_space<vmem>>) dst(%dma_wait3A_279 : memref<80x64xf32, #tpu.memory_space<hbm>>)
      } else {
      }
      %add3A_82 = arith.constant 2 : i32
      %add3A_83 = arith.addi %add3A_79, %add3A_82 : i32
      %dma_start3A_84 = arith.constant 0 : i32
      %dma_start3A_85 = tpu.memref_slice %arg7[%add3A_83, %dma_start3A_84] : memref<25x80xi32, #tpu.memory_space<vmem>> -> memref<1x80xi32, #tpu.memory_space<vmem>>
      %dma_start3A_86 = tpu.memref_squeeze %dma_start3A_85 : memref<1x80xi32, #tpu.memory_space<vmem>> -> memref<80xi32, #tpu.memory_space<vmem>>
      %dma_start3A_87 = arith.constant 0 : i32
      %dma_start3A_88 = arith.constant 0 : i32
      %dma_start3A_89 = tpu.memref_slice %arg2[%dma_start3A_87, %dma_start3A_88] : memref<10000x64xf32, #tpu.memory_space<hbm>> -> memref<10000x64xf32, #tpu.memory_space<hbm>>
      tpu.enqueue_indirect_dma source(%dma_start3A_89 : memref<10000x64xf32, #tpu.memory_space<hbm>>) target(%arg11 : memref<80x64xf32, #tpu.memory_space<vmem>>) offsets(%dma_start3A_86 : memref<80xi32, #tpu.memory_space<vmem>>) semaphore(%arg16 : memref<!tpu.dma_semaphore, #tpu.memory_space<semaphore_mem>>)
      %dma_wait3A_90 = arith.constant 0 : i32
      %dma_wait3A_91 = tpu.memref_slice %arg7[%add3A_79, %dma_wait3A_90] : memref<25x80xi32, #tpu.memory_space<vmem>> -> memref<1x80xi32, #tpu.memory_space<vmem>>
      %dma_wait3A_92 = tpu.memref_squeeze %dma_wait3A_91 : memref<1x80xi32, #tpu.memory_space<vmem>> -> memref<80xi32, #tpu.memory_space<vmem>>
      %dma_wait3A_93 = arith.constant 0 : i32
      %dma_wait3A_94 = arith.constant 0 : i32
      %dma_wait3A_95 = tpu.memref_slice %arg2[%dma_wait3A_93, %dma_wait3A_94] : memref<10000x64xf32, #tpu.memory_space<hbm>> -> memref<10000x64xf32, #tpu.memory_space<hbm>>
      tpu.wait_indirect_dma semaphore(%arg14 : memref<!tpu.dma_semaphore, #tpu.memory_space<semaphore_mem>>) src(%dma_wait3A_95 : memref<10000x64xf32, #tpu.memory_space<hbm>>) dst(%arg9 : memref<80x64xf32, #tpu.memory_space<vmem>>)
      %dma_start3A_96 = arith.constant 0 : i32
      %dma_start3A_97 = tpu.memref_slice %arg8[%add3A_79, %dma_start3A_96] : memref<25x80xi32, #tpu.memory_space<vmem>> -> memref<1x80xi32, #tpu.memory_space<vmem>>
      %dma_start3A_98 = tpu.memref_squeeze %dma_start3A_97 : memref<1x80xi32, #tpu.memory_space<vmem>> -> memref<80xi32, #tpu.memory_space<vmem>>
      %dma_start3A_99 = arith.constant 0 : i32
      %dma_start3A_100 = arith.constant 0 : i32
      %dma_start3A_101 = tpu.memref_slice %arg3[%dma_start3A_99, %dma_start3A_100] : memref<10000x64xf32, #tpu.memory_space<hbm>> -> memref<10000x64xf32, #tpu.memory_space<hbm>>
      tpu.enqueue_indirect_dma source(%dma_start3A_101 : memref<10000x64xf32, #tpu.memory_space<hbm>>) target(%arg9 : memref<80x64xf32, #tpu.memory_space<vmem>>) offsets(%dma_start3A_98 : memref<80xi32, #tpu.memory_space<vmem>>) semaphore(%arg19 : memref<!tpu.dma_semaphore, #tpu.memory_space<semaphore_mem>>) {add = true}
      %gt3A_102 = arith.constant 0 : i32
      %gt3A_103 = arith.cmpi sgt, %scan3A_75, %gt3A_102 : i32
      %convert_element_type3A_104 = arith.extui %gt3A_103 : i1 to i32
      %cond3A_105 = arith.constant 0 : i32
      %cond3A_106 = arith.cmpi ne, %convert_element_type3A_104, %cond3A_105 : i32
      scf.if %cond3A_106 {
        %sub3A_273 = arith.constant 1 : i32
        %sub3A_274 = arith.subi %add3A_79, %sub3A_273 : i32
        %dma_wait3A_275 = arith.constant 0 : i32
        %dma_wait3A_276 = tpu.memref_slice %arg8[%sub3A_274, %dma_wait3A_275] : memref<25x80xi32, #tpu.memory_space<vmem>> -> memref<1x80xi32, #tpu.memory_space<vmem>>
        %dma_wait3A_277 = tpu.memref_squeeze %dma_wait3A_276 : memref<1x80xi32, #tpu.memory_space<vmem>> -> memref<80xi32, #tpu.memory_space<vmem>>
        %dma_wait3A_278 = arith.constant 0 : i32
        %dma_wait3A_279 = arith.constant 0 : i32
        %dma_wait3A_280 = tpu.memref_slice %arg3[%dma_wait3A_278, %dma_wait3A_279] : memref<10000x64xf32, #tpu.memory_space<hbm>> -> memref<10000x64xf32, #tpu.memory_space<hbm>>
        tpu.wait_indirect_dma semaphore(%arg23 : memref<!tpu.dma_semaphore, #tpu.memory_space<semaphore_mem>>) src(%dma_wait3A_280 : memref<10000x64xf32, #tpu.memory_space<hbm>>) dst(%arg13 : memref<80x64xf32, #tpu.memory_space<vmem>>)
        %mul3A_281 = arith.constant 80 : i32
        %mul3A_282 = arith.muli %sub3A_274, %mul3A_281 : i32
        %add3A_283 = arith.addi %mul3A_34, %mul3A_282 : i32
        %dma_start3A_284 = tpu.memref_slice %arg6[%add3A_283, %mul3A_18] : memref<32000x128xf32, #tpu.memory_space<hbm>> -> memref<80x64xf32, #tpu.memory_space<hbm>>
        %dma_start3A_285 = tpu.memref_slice %arg6[%add3A_283, %mul3A_18] : memref<32000x128xf32, #tpu.memory_space<hbm>> -> memref<80x64xf32, #tpu.memory_space<hbm>>
        tpu.enqueue_dma source(%arg13 : memref<80x64xf32, #tpu.memory_space<vmem>>) target(%dma_start3A_285 : memref<80x64xf32, #tpu.memory_space<hbm>>) target_semaphore(%arg28 : memref<!tpu.dma_semaphore, #tpu.memory_space<semaphore_mem>>)
      } else {
      }
      %mul3A_107 = arith.constant 5 : i32
      %mul3A_108 = arith.muli %scan3A_75, %mul3A_107 : i32
      %add3A_109 = arith.constant 1 : i32
      %add3A_110 = arith.addi %mul3A_108, %add3A_109 : i32
      %gt3A_111 = arith.constant 0 : i32
      %gt3A_112 = arith.cmpi sgt, %scan3A_75, %gt3A_111 : i32
      %convert_element_type3A_113 = arith.extui %gt3A_112 : i1 to i32
      %cond3A_114 = arith.constant 0 : i32
      %cond3A_115 = arith.cmpi ne, %convert_element_type3A_113, %cond3A_114 : i32
      scf.if %cond3A_115 {
        %sub3A_273 = arith.constant 3 : i32
        %sub3A_274 = arith.subi %add3A_110, %sub3A_273 : i32
        %mul3A_275 = arith.constant 80 : i32
        %mul3A_276 = arith.muli %sub3A_274, %mul3A_275 : i32
        %add3A_277 = arith.addi %mul3A_34, %mul3A_276 : i32
        %dma_wait3A_278 = tpu.memref_slice %arg6[%add3A_277, %mul3A_18] : memref<32000x128xf32, #tpu.memory_space<hbm>> -> memref<80x64xf32, #tpu.memory_space<hbm>>
        %dma_wait3A_279 = tpu.memref_slice %arg6[%add3A_277, %mul3A_18] : memref<32000x128xf32, #tpu.memory_space<hbm>> -> memref<80x64xf32, #tpu.memory_space<hbm>>
        tpu.wait_dma2 semaphore(%arg27 : memref<!tpu.dma_semaphore, #tpu.memory_space<semaphore_mem>>) src(%arg12 : memref<80x64xf32, #tpu.memory_space<vmem>>) dst(%dma_wait3A_279 : memref<80x64xf32, #tpu.memory_space<hbm>>)
      } else {
      }
      %add3A_116 = arith.constant 2 : i32
      %add3A_117 = arith.addi %add3A_110, %add3A_116 : i32
      %dma_start3A_118 = arith.constant 0 : i32
      %dma_start3A_119 = tpu.memref_slice %arg7[%add3A_117, %dma_start3A_118] : memref<25x80xi32, #tpu.memory_space<vmem>> -> memref<1x80xi32, #tpu.memory_space<vmem>>
      %dma_start3A_120 = tpu.memref_squeeze %dma_start3A_119 : memref<1x80xi32, #tpu.memory_space<vmem>> -> memref<80xi32, #tpu.memory_space<vmem>>
      %dma_start3A_121 = arith.constant 0 : i32
      %dma_start3A_122 = arith.constant 0 : i32
      %dma_start3A_123 = tpu.memref_slice %arg2[%dma_start3A_121, %dma_start3A_122] : memref<10000x64xf32, #tpu.memory_space<hbm>> -> memref<10000x64xf32, #tpu.memory_space<hbm>>
      tpu.enqueue_indirect_dma source(%dma_start3A_123 : memref<10000x64xf32, #tpu.memory_space<hbm>>) target(%arg12 : memref<80x64xf32, #tpu.memory_space<vmem>>) offsets(%dma_start3A_120 : memref<80xi32, #tpu.memory_space<vmem>>) semaphore(%arg17 : memref<!tpu.dma_semaphore, #tpu.memory_space<semaphore_mem>>)
      %dma_wait3A_124 = arith.constant 0 : i32
      %dma_wait3A_125 = tpu.memref_slice %arg7[%add3A_110, %dma_wait3A_124] : memref<25x80xi32, #tpu.memory_space<vmem>> -> memref<1x80xi32, #tpu.memory_space<vmem>>
      %dma_wait3A_126 = tpu.memref_squeeze %dma_wait3A_125 : memref<1x80xi32, #tpu.memory_space<vmem>> -> memref<80xi32, #tpu.memory_space<vmem>>
      %dma_wait3A_127 = arith.constant 0 : i32
      %dma_wait3A_128 = arith.constant 0 : i32
      %dma_wait3A_129 = tpu.memref_slice %arg2[%dma_wait3A_127, %dma_wait3A_128] : memref<10000x64xf32, #tpu.memory_space<hbm>> -> memref<10000x64xf32, #tpu.memory_space<hbm>>
      tpu.wait_indirect_dma semaphore(%arg15 : memref<!tpu.dma_semaphore, #tpu.memory_space<semaphore_mem>>) src(%dma_wait3A_129 : memref<10000x64xf32, #tpu.memory_space<hbm>>) dst(%arg10 : memref<80x64xf32, #tpu.memory_space<vmem>>)
      %dma_start3A_130 = arith.constant 0 : i32
      %dma_start3A_131 = tpu.memref_slice %arg8[%add3A_110, %dma_start3A_130] : memref<25x80xi32, #tpu.memory_space<vmem>> -> memref<1x80xi32, #tpu.memory_space<vmem>>
      %dma_start3A_132 = tpu.memref_squeeze %dma_start3A_131 : memref<1x80xi32, #tpu.memory_space<vmem>> -> memref<80xi32, #tpu.memory_space<vmem>>
      %dma_start3A_133 = arith.constant 0 : i32
      %dma_start3A_134 = arith.constant 0 : i32
      %dma_start3A_135 = tpu.memref_slice %arg3[%dma_start3A_133, %dma_start3A_134] : memref<10000x64xf32, #tpu.memory_space<hbm>> -> memref<10000x64xf32, #tpu.memory_space<hbm>>
      tpu.enqueue_indirect_dma source(%dma_start3A_135 : memref<10000x64xf32, #tpu.memory_space<hbm>>) target(%arg10 : memref<80x64xf32, #tpu.memory_space<vmem>>) offsets(%dma_start3A_132 : memref<80xi32, #tpu.memory_space<vmem>>) semaphore(%arg20 : memref<!tpu.dma_semaphore, #tpu.memory_space<semaphore_mem>>) {add = true}
      %sub3A_136 = arith.constant 1 : i32
      %sub3A_137 = arith.subi %add3A_110, %sub3A_136 : i32
      %dma_wait3A_138 = arith.constant 0 : i32
      %dma_wait3A_139 = tpu.memref_slice %arg8[%sub3A_137, %dma_wait3A_138] : memref<25x80xi32, #tpu.memory_space<vmem>> -> memref<1x80xi32, #tpu.memory_space<vmem>>
      %dma_wait3A_140 = tpu.memref_squeeze %dma_wait3A_139 : memref<1x80xi32, #tpu.memory_space<vmem>> -> memref<80xi32, #tpu.memory_space<vmem>>
      %dma_wait3A_141 = arith.constant 0 : i32
      %dma_wait3A_142 = arith.constant 0 : i32
      %dma_wait3A_143 = tpu.memref_slice %arg3[%dma_wait3A_141, %dma_wait3A_142] : memref<10000x64xf32, #tpu.memory_space<hbm>> -> memref<10000x64xf32, #tpu.memory_space<hbm>>
      tpu.wait_indirect_dma semaphore(%arg19 : memref<!tpu.dma_semaphore, #tpu.memory_space<semaphore_mem>>) src(%dma_wait3A_143 : memref<10000x64xf32, #tpu.memory_space<hbm>>) dst(%arg9 : memref<80x64xf32, #tpu.memory_space<vmem>>)
      %mul3A_144 = arith.constant 80 : i32
      %mul3A_145 = arith.muli %sub3A_137, %mul3A_144 : i32
      %add3A_146 = arith.addi %mul3A_34, %mul3A_145 : i32
      %dma_start3A_147 = tpu.memref_slice %arg6[%add3A_146, %mul3A_18] : memref<32000x128xf32, #tpu.memory_space<hbm>> -> memref<80x64xf32, #tpu.memory_space<hbm>>
      %dma_start3A_148 = tpu.memref_slice %arg6[%add3A_146, %mul3A_18] : memref<32000x128xf32, #tpu.memory_space<hbm>> -> memref<80x64xf32, #tpu.memory_space<hbm>>
      tpu.enqueue_dma source(%arg9 : memref<80x64xf32, #tpu.memory_space<vmem>>) target(%dma_start3A_148 : memref<80x64xf32, #tpu.memory_space<hbm>>) target_semaphore(%arg24 : memref<!tpu.dma_semaphore, #tpu.memory_space<semaphore_mem>>)
      %mul3A_149 = arith.constant 5 : i32
      %mul3A_150 = arith.muli %scan3A_75, %mul3A_149 : i32
      %add3A_151 = arith.constant 2 : i32
      %add3A_152 = arith.addi %mul3A_150, %add3A_151 : i32
      %gt3A_153 = arith.constant 0 : i32
      %gt3A_154 = arith.cmpi sgt, %scan3A_75, %gt3A_153 : i32
      %convert_element_type3A_155 = arith.extui %gt3A_154 : i1 to i32
      %cond3A_156 = arith.constant 0 : i32
      %cond3A_157 = arith.cmpi ne, %convert_element_type3A_155, %cond3A_156 : i32
      scf.if %cond3A_157 {
        %sub3A_273 = arith.constant 3 : i32
        %sub3A_274 = arith.subi %add3A_152, %sub3A_273 : i32
        %mul3A_275 = arith.constant 80 : i32
        %mul3A_276 = arith.muli %sub3A_274, %mul3A_275 : i32
        %add3A_277 = arith.addi %mul3A_34, %mul3A_276 : i32
        %dma_wait3A_278 = tpu.memref_slice %arg6[%add3A_277, %mul3A_18] : memref<32000x128xf32, #tpu.memory_space<hbm>> -> memref<80x64xf32, #tpu.memory_space<hbm>>
        %dma_wait3A_279 = tpu.memref_slice %arg6[%add3A_277, %mul3A_18] : memref<32000x128xf32, #tpu.memory_space<hbm>> -> memref<80x64xf32, #tpu.memory_space<hbm>>
        tpu.wait_dma2 semaphore(%arg28 : memref<!tpu.dma_semaphore, #tpu.memory_space<semaphore_mem>>) src(%arg13 : memref<80x64xf32, #tpu.memory_space<vmem>>) dst(%dma_wait3A_279 : memref<80x64xf32, #tpu.memory_space<hbm>>)
      } else {
      }
      %add3A_158 = arith.constant 2 : i32
      %add3A_159 = arith.addi %add3A_152, %add3A_158 : i32
      %dma_start3A_160 = arith.constant 0 : i32
      %dma_start3A_161 = tpu.memref_slice %arg7[%add3A_159, %dma_start3A_160] : memref<25x80xi32, #tpu.memory_space<vmem>> -> memref<1x80xi32, #tpu.memory_space<vmem>>
      %dma_start3A_162 = tpu.memref_squeeze %dma_start3A_161 : memref<1x80xi32, #tpu.memory_space<vmem>> -> memref<80xi32, #tpu.memory_space<vmem>>
      %dma_start3A_163 = arith.constant 0 : i32
      %dma_start3A_164 = arith.constant 0 : i32
      %dma_start3A_165 = tpu.memref_slice %arg2[%dma_start3A_163, %dma_start3A_164] : memref<10000x64xf32, #tpu.memory_space<hbm>> -> memref<10000x64xf32, #tpu.memory_space<hbm>>
      tpu.enqueue_indirect_dma source(%dma_start3A_165 : memref<10000x64xf32, #tpu.memory_space<hbm>>) target(%arg13 : memref<80x64xf32, #tpu.memory_space<vmem>>) offsets(%dma_start3A_162 : memref<80xi32, #tpu.memory_space<vmem>>) semaphore(%arg18 : memref<!tpu.dma_semaphore, #tpu.memory_space<semaphore_mem>>)
      %dma_wait3A_166 = arith.constant 0 : i32
      %dma_wait3A_167 = tpu.memref_slice %arg7[%add3A_152, %dma_wait3A_166] : memref<25x80xi32, #tpu.memory_space<vmem>> -> memref<1x80xi32, #tpu.memory_space<vmem>>
      %dma_wait3A_168 = tpu.memref_squeeze %dma_wait3A_167 : memref<1x80xi32, #tpu.memory_space<vmem>> -> memref<80xi32, #tpu.memory_space<vmem>>
      %dma_wait3A_169 = arith.constant 0 : i32
      %dma_wait3A_170 = arith.constant 0 : i32
      %dma_wait3A_171 = tpu.memref_slice %arg2[%dma_wait3A_169, %dma_wait3A_170] : memref<10000x64xf32, #tpu.memory_space<hbm>> -> memref<10000x64xf32, #tpu.memory_space<hbm>>
      tpu.wait_indirect_dma semaphore(%arg16 : memref<!tpu.dma_semaphore, #tpu.memory_space<semaphore_mem>>) src(%dma_wait3A_171 : memref<10000x64xf32, #tpu.memory_space<hbm>>) dst(%arg11 : memref<80x64xf32, #tpu.memory_space<vmem>>)
      %dma_start3A_172 = arith.constant 0 : i32
      %dma_start3A_173 = tpu.memref_slice %arg8[%add3A_152, %dma_start3A_172] : memref<25x80xi32, #tpu.memory_space<vmem>> -> memref<1x80xi32, #tpu.memory_space<vmem>>
      %dma_start3A_174 = tpu.memref_squeeze %dma_start3A_173 : memref<1x80xi32, #tpu.memory_space<vmem>> -> memref<80xi32, #tpu.memory_space<vmem>>
      %dma_start3A_175 = arith.constant 0 : i32
      %dma_start3A_176 = arith.constant 0 : i32
      %dma_start3A_177 = tpu.memref_slice %arg3[%dma_start3A_175, %dma_start3A_176] : memref<10000x64xf32, #tpu.memory_space<hbm>> -> memref<10000x64xf32, #tpu.memory_space<hbm>>
      tpu.enqueue_indirect_dma source(%dma_start3A_177 : memref<10000x64xf32, #tpu.memory_space<hbm>>) target(%arg11 : memref<80x64xf32, #tpu.memory_space<vmem>>) offsets(%dma_start3A_174 : memref<80xi32, #tpu.memory_space<vmem>>) semaphore(%arg21 : memref<!tpu.dma_semaphore, #tpu.memory_space<semaphore_mem>>) {add = true}
      %sub3A_178 = arith.constant 1 : i32
      %sub3A_179 = arith.subi %add3A_152, %sub3A_178 : i32
      %dma_wait3A_180 = arith.constant 0 : i32
      %dma_wait3A_181 = tpu.memref_slice %arg8[%sub3A_179, %dma_wait3A_180] : memref<25x80xi32, #tpu.memory_space<vmem>> -> memref<1x80xi32, #tpu.memory_space<vmem>>
      %dma_wait3A_182 = tpu.memref_squeeze %dma_wait3A_181 : memref<1x80xi32, #tpu.memory_space<vmem>> -> memref<80xi32, #tpu.memory_space<vmem>>
      %dma_wait3A_183 = arith.constant 0 : i32
      %dma_wait3A_184 = arith.constant 0 : i32
      %dma_wait3A_185 = tpu.memref_slice %arg3[%dma_wait3A_183, %dma_wait3A_184] : memref<10000x64xf32, #tpu.memory_space<hbm>> -> memref<10000x64xf32, #tpu.memory_space<hbm>>
      tpu.wait_indirect_dma semaphore(%arg20 : memref<!tpu.dma_semaphore, #tpu.memory_space<semaphore_mem>>) src(%dma_wait3A_185 : memref<10000x64xf32, #tpu.memory_space<hbm>>) dst(%arg10 : memref<80x64xf32, #tpu.memory_space<vmem>>)
      %mul3A_186 = arith.constant 80 : i32
      %mul3A_187 = arith.muli %sub3A_179, %mul3A_186 : i32
      %add3A_188 = arith.addi %mul3A_34, %mul3A_187 : i32
      %dma_start3A_189 = tpu.memref_slice %arg6[%add3A_188, %mul3A_18] : memref<32000x128xf32, #tpu.memory_space<hbm>> -> memref<80x64xf32, #tpu.memory_space<hbm>>
      %dma_start3A_190 = tpu.memref_slice %arg6[%add3A_188, %mul3A_18] : memref<32000x128xf32, #tpu.memory_space<hbm>> -> memref<80x64xf32, #tpu.memory_space<hbm>>
      tpu.enqueue_dma source(%arg10 : memref<80x64xf32, #tpu.memory_space<vmem>>) target(%dma_start3A_190 : memref<80x64xf32, #tpu.memory_space<hbm>>) target_semaphore(%arg25 : memref<!tpu.dma_semaphore, #tpu.memory_space<semaphore_mem>>)
      %mul3A_191 = arith.constant 5 : i32
      %mul3A_192 = arith.muli %scan3A_75, %mul3A_191 : i32
      %add3A_193 = arith.constant 3 : i32
      %add3A_194 = arith.addi %mul3A_192, %add3A_193 : i32
      %sub3A_195 = arith.constant 3 : i32
      %sub3A_196 = arith.subi %add3A_194, %sub3A_195 : i32
      %mul3A_197 = arith.constant 80 : i32
      %mul3A_198 = arith.muli %sub3A_196, %mul3A_197 : i32
      %add3A_199 = arith.addi %mul3A_34, %mul3A_198 : i32
      %dma_wait3A_200 = tpu.memref_slice %arg6[%add3A_199, %mul3A_18] : memref<32000x128xf32, #tpu.memory_space<hbm>> -> memref<80x64xf32, #tpu.memory_space<hbm>>
      %dma_wait3A_201 = tpu.memref_slice %arg6[%add3A_199, %mul3A_18] : memref<32000x128xf32, #tpu.memory_space<hbm>> -> memref<80x64xf32, #tpu.memory_space<hbm>>
      tpu.wait_dma2 semaphore(%arg24 : memref<!tpu.dma_semaphore, #tpu.memory_space<semaphore_mem>>) src(%arg9 : memref<80x64xf32, #tpu.memory_space<vmem>>) dst(%dma_wait3A_201 : memref<80x64xf32, #tpu.memory_space<hbm>>)
      %lt3A_202 = arith.constant 4 : i32
      %lt3A_203 = arith.cmpi slt, %scan3A_75, %lt3A_202 : i32
      %convert_element_type3A_204 = arith.extui %lt3A_203 : i1 to i32
      %cond3A_205 = arith.constant 0 : i32
      %cond3A_206 = arith.cmpi ne, %convert_element_type3A_204, %cond3A_205 : i32
      scf.if %cond3A_206 {
        %add3A_273 = arith.constant 2 : i32
        %add3A_274 = arith.addi %add3A_194, %add3A_273 : i32
        %dma_start3A_275 = arith.constant 0 : i32
        %dma_start3A_276 = tpu.memref_slice %arg7[%add3A_274, %dma_start3A_275] : memref<25x80xi32, #tpu.memory_space<vmem>> -> memref<1x80xi32, #tpu.memory_space<vmem>>
        %dma_start3A_277 = tpu.memref_squeeze %dma_start3A_276 : memref<1x80xi32, #tpu.memory_space<vmem>> -> memref<80xi32, #tpu.memory_space<vmem>>
        %dma_start3A_278 = arith.constant 0 : i32
        %dma_start3A_279 = arith.constant 0 : i32
        %dma_start3A_280 = tpu.memref_slice %arg2[%dma_start3A_278, %dma_start3A_279] : memref<10000x64xf32, #tpu.memory_space<hbm>> -> memref<10000x64xf32, #tpu.memory_space<hbm>>
        tpu.enqueue_indirect_dma source(%dma_start3A_280 : memref<10000x64xf32, #tpu.memory_space<hbm>>) target(%arg9 : memref<80x64xf32, #tpu.memory_space<vmem>>) offsets(%dma_start3A_277 : memref<80xi32, #tpu.memory_space<vmem>>) semaphore(%arg14 : memref<!tpu.dma_semaphore, #tpu.memory_space<semaphore_mem>>)
      } else {
      }
      %dma_wait3A_207 = arith.constant 0 : i32
      %dma_wait3A_208 = tpu.memref_slice %arg7[%add3A_194, %dma_wait3A_207] : memref<25x80xi32, #tpu.memory_space<vmem>> -> memref<1x80xi32, #tpu.memory_space<vmem>>
      %dma_wait3A_209 = tpu.memref_squeeze %dma_wait3A_208 : memref<1x80xi32, #tpu.memory_space<vmem>> -> memref<80xi32, #tpu.memory_space<vmem>>
      %dma_wait3A_210 = arith.constant 0 : i32
      %dma_wait3A_211 = arith.constant 0 : i32
      %dma_wait3A_212 = tpu.memref_slice %arg2[%dma_wait3A_210, %dma_wait3A_211] : memref<10000x64xf32, #tpu.memory_space<hbm>> -> memref<10000x64xf32, #tpu.memory_space<hbm>>
      tpu.wait_indirect_dma semaphore(%arg17 : memref<!tpu.dma_semaphore, #tpu.memory_space<semaphore_mem>>) src(%dma_wait3A_212 : memref<10000x64xf32, #tpu.memory_space<hbm>>) dst(%arg12 : memref<80x64xf32, #tpu.memory_space<vmem>>)
      %dma_start3A_213 = arith.constant 0 : i32
      %dma_start3A_214 = tpu.memref_slice %arg8[%add3A_194, %dma_start3A_213] : memref<25x80xi32, #tpu.memory_space<vmem>> -> memref<1x80xi32, #tpu.memory_space<vmem>>
      %dma_start3A_215 = tpu.memref_squeeze %dma_start3A_214 : memref<1x80xi32, #tpu.memory_space<vmem>> -> memref<80xi32, #tpu.memory_space<vmem>>
      %dma_start3A_216 = arith.constant 0 : i32
      %dma_start3A_217 = arith.constant 0 : i32
      %dma_start3A_218 = tpu.memref_slice %arg3[%dma_start3A_216, %dma_start3A_217] : memref<10000x64xf32, #tpu.memory_space<hbm>> -> memref<10000x64xf32, #tpu.memory_space<hbm>>
      tpu.enqueue_indirect_dma source(%dma_start3A_218 : memref<10000x64xf32, #tpu.memory_space<hbm>>) target(%arg12 : memref<80x64xf32, #tpu.memory_space<vmem>>) offsets(%dma_start3A_215 : memref<80xi32, #tpu.memory_space<vmem>>) semaphore(%arg22 : memref<!tpu.dma_semaphore, #tpu.memory_space<semaphore_mem>>) {add = true}
      %sub3A_219 = arith.constant 1 : i32
      %sub3A_220 = arith.subi %add3A_194, %sub3A_219 : i32
      %dma_wait3A_221 = arith.constant 0 : i32
      %dma_wait3A_222 = tpu.memref_slice %arg8[%sub3A_220, %dma_wait3A_221] : memref<25x80xi32, #tpu.memory_space<vmem>> -> memref<1x80xi32, #tpu.memory_space<vmem>>
      %dma_wait3A_223 = tpu.memref_squeeze %dma_wait3A_222 : memref<1x80xi32, #tpu.memory_space<vmem>> -> memref<80xi32, #tpu.memory_space<vmem>>
      %dma_wait3A_224 = arith.constant 0 : i32
      %dma_wait3A_225 = arith.constant 0 : i32
      %dma_wait3A_226 = tpu.memref_slice %arg3[%dma_wait3A_224, %dma_wait3A_225] : memref<10000x64xf32, #tpu.memory_space<hbm>> -> memref<10000x64xf32, #tpu.memory_space<hbm>>
      tpu.wait_indirect_dma semaphore(%arg21 : memref<!tpu.dma_semaphore, #tpu.memory_space<semaphore_mem>>) src(%dma_wait3A_226 : memref<10000x64xf32, #tpu.memory_space<hbm>>) dst(%arg11 : memref<80x64xf32, #tpu.memory_space<vmem>>)
      %mul3A_227 = arith.constant 80 : i32
      %mul3A_228 = arith.muli %sub3A_220, %mul3A_227 : i32
      %add3A_229 = arith.addi %mul3A_34, %mul3A_228 : i32
      %dma_start3A_230 = tpu.memref_slice %arg6[%add3A_229, %mul3A_18] : memref<32000x128xf32, #tpu.memory_space<hbm>> -> memref<80x64xf32, #tpu.memory_space<hbm>>
      %dma_start3A_231 = tpu.memref_slice %arg6[%add3A_229, %mul3A_18] : memref<32000x128xf32, #tpu.memory_space<hbm>> -> memref<80x64xf32, #tpu.memory_space<hbm>>
      tpu.enqueue_dma source(%arg11 : memref<80x64xf32, #tpu.memory_space<vmem>>) target(%dma_start3A_231 : memref<80x64xf32, #tpu.memory_space<hbm>>) target_semaphore(%arg26 : memref<!tpu.dma_semaphore, #tpu.memory_space<semaphore_mem>>)
      %mul3A_232 = arith.constant 5 : i32
      %mul3A_233 = arith.muli %scan3A_75, %mul3A_232 : i32
      %add3A_234 = arith.constant 4 : i32
      %add3A_235 = arith.addi %mul3A_233, %add3A_234 : i32
      %sub3A_236 = arith.constant 3 : i32
      %sub3A_237 = arith.subi %add3A_235, %sub3A_236 : i32
      %mul3A_238 = arith.constant 80 : i32
      %mul3A_239 = arith.muli %sub3A_237, %mul3A_238 : i32
      %add3A_240 = arith.addi %mul3A_34, %mul3A_239 : i32
      %dma_wait3A_241 = tpu.memref_slice %arg6[%add3A_240, %mul3A_18] : memref<32000x128xf32, #tpu.memory_space<hbm>> -> memref<80x64xf32, #tpu.memory_space<hbm>>
      %dma_wait3A_242 = tpu.memref_slice %arg6[%add3A_240, %mul3A_18] : memref<32000x128xf32, #tpu.memory_space<hbm>> -> memref<80x64xf32, #tpu.memory_space<hbm>>
      tpu.wait_dma2 semaphore(%arg25 : memref<!tpu.dma_semaphore, #tpu.memory_space<semaphore_mem>>) src(%arg10 : memref<80x64xf32, #tpu.memory_space<vmem>>) dst(%dma_wait3A_242 : memref<80x64xf32, #tpu.memory_space<hbm>>)
      %lt3A_243 = arith.constant 4 : i32
      %lt3A_244 = arith.cmpi slt, %scan3A_75, %lt3A_243 : i32
      %convert_element_type3A_245 = arith.extui %lt3A_244 : i1 to i32
      %cond3A_246 = arith.constant 0 : i32
      %cond3A_247 = arith.cmpi ne, %convert_element_type3A_245, %cond3A_246 : i32
      scf.if %cond3A_247 {
        %add3A_273 = arith.constant 2 : i32
        %add3A_274 = arith.addi %add3A_235, %add3A_273 : i32
        %dma_start3A_275 = arith.constant 0 : i32
        %dma_start3A_276 = tpu.memref_slice %arg7[%add3A_274, %dma_start3A_275] : memref<25x80xi32, #tpu.memory_space<vmem>> -> memref<1x80xi32, #tpu.memory_space<vmem>>
        %dma_start3A_277 = tpu.memref_squeeze %dma_start3A_276 : memref<1x80xi32, #tpu.memory_space<vmem>> -> memref<80xi32, #tpu.memory_space<vmem>>
        %dma_start3A_278 = arith.constant 0 : i32
        %dma_start3A_279 = arith.constant 0 : i32
        %dma_start3A_280 = tpu.memref_slice %arg2[%dma_start3A_278, %dma_start3A_279] : memref<10000x64xf32, #tpu.memory_space<hbm>> -> memref<10000x64xf32, #tpu.memory_space<hbm>>
        tpu.enqueue_indirect_dma source(%dma_start3A_280 : memref<10000x64xf32, #tpu.memory_space<hbm>>) target(%arg10 : memref<80x64xf32, #tpu.memory_space<vmem>>) offsets(%dma_start3A_277 : memref<80xi32, #tpu.memory_space<vmem>>) semaphore(%arg15 : memref<!tpu.dma_semaphore, #tpu.memory_space<semaphore_mem>>)
      } else {
      }
      %dma_wait3A_248 = arith.constant 0 : i32
      %dma_wait3A_249 = tpu.memref_slice %arg7[%add3A_235, %dma_wait3A_248] : memref<25x80xi32, #tpu.memory_space<vmem>> -> memref<1x80xi32, #tpu.memory_space<vmem>>
      %dma_wait3A_250 = tpu.memref_squeeze %dma_wait3A_249 : memref<1x80xi32, #tpu.memory_space<vmem>> -> memref<80xi32, #tpu.memory_space<vmem>>
      %dma_wait3A_251 = arith.constant 0 : i32
      %dma_wait3A_252 = arith.constant 0 : i32
      %dma_wait3A_253 = tpu.memref_slice %arg2[%dma_wait3A_251, %dma_wait3A_252] : memref<10000x64xf32, #tpu.memory_space<hbm>> -> memref<10000x64xf32, #tpu.memory_space<hbm>>
      tpu.wait_indirect_dma semaphore(%arg18 : memref<!tpu.dma_semaphore, #tpu.memory_space<semaphore_mem>>) src(%dma_wait3A_253 : memref<10000x64xf32, #tpu.memory_space<hbm>>) dst(%arg13 : memref<80x64xf32, #tpu.memory_space<vmem>>)
      %dma_start3A_254 = arith.constant 0 : i32
      %dma_start3A_255 = tpu.memref_slice %arg8[%add3A_235, %dma_start3A_254] : memref<25x80xi32, #tpu.memory_space<vmem>> -> memref<1x80xi32, #tpu.memory_space<vmem>>
      %dma_start3A_256 = tpu.memref_squeeze %dma_start3A_255 : memref<1x80xi32, #tpu.memory_space<vmem>> -> memref<80xi32, #tpu.memory_space<vmem>>
      %dma_start3A_257 = arith.constant 0 : i32
      %dma_start3A_258 = arith.constant 0 : i32
      %dma_start3A_259 = tpu.memref_slice %arg3[%dma_start3A_257, %dma_start3A_258] : memref<10000x64xf32, #tpu.memory_space<hbm>> -> memref<10000x64xf32, #tpu.memory_space<hbm>>
      tpu.enqueue_indirect_dma source(%dma_start3A_259 : memref<10000x64xf32, #tpu.memory_space<hbm>>) target(%arg13 : memref<80x64xf32, #tpu.memory_space<vmem>>) offsets(%dma_start3A_256 : memref<80xi32, #tpu.memory_space<vmem>>) semaphore(%arg23 : memref<!tpu.dma_semaphore, #tpu.memory_space<semaphore_mem>>) {add = true}
      %sub3A_260 = arith.constant 1 : i32
      %sub3A_261 = arith.subi %add3A_235, %sub3A_260 : i32
      %dma_wait3A_262 = arith.constant 0 : i32
      %dma_wait3A_263 = tpu.memref_slice %arg8[%sub3A_261, %dma_wait3A_262] : memref<25x80xi32, #tpu.memory_space<vmem>> -> memref<1x80xi32, #tpu.memory_space<vmem>>
      %dma_wait3A_264 = tpu.memref_squeeze %dma_wait3A_263 : memref<1x80xi32, #tpu.memory_space<vmem>> -> memref<80xi32, #tpu.memory_space<vmem>>
      %dma_wait3A_265 = arith.constant 0 : i32
      %dma_wait3A_266 = arith.constant 0 : i32
      %dma_wait3A_267 = tpu.memref_slice %arg3[%dma_wait3A_265, %dma_wait3A_266] : memref<10000x64xf32, #tpu.memory_space<hbm>> -> memref<10000x64xf32, #tpu.memory_space<hbm>>
      tpu.wait_indirect_dma semaphore(%arg22 : memref<!tpu.dma_semaphore, #tpu.memory_space<semaphore_mem>>) src(%dma_wait3A_267 : memref<10000x64xf32, #tpu.memory_space<hbm>>) dst(%arg12 : memref<80x64xf32, #tpu.memory_space<vmem>>)
      %mul3A_268 = arith.constant 80 : i32
      %mul3A_269 = arith.muli %sub3A_261, %mul3A_268 : i32
      %add3A_270 = arith.addi %mul3A_34, %mul3A_269 : i32
      %dma_start3A_271 = tpu.memref_slice %arg6[%add3A_270, %mul3A_18] : memref<32000x128xf32, #tpu.memory_space<hbm>> -> memref<80x64xf32, #tpu.memory_space<hbm>>
      %dma_start3A_272 = tpu.memref_slice %arg6[%add3A_270, %mul3A_18] : memref<32000x128xf32, #tpu.memory_space<hbm>> -> memref<80x64xf32, #tpu.memory_space<hbm>>
      tpu.enqueue_dma source(%arg12 : memref<80x64xf32, #tpu.memory_space<vmem>>) target(%dma_start3A_272 : memref<80x64xf32, #tpu.memory_space<hbm>>) target_semaphore(%arg27 : memref<!tpu.dma_semaphore, #tpu.memory_space<semaphore_mem>>)
    }
    %scan3A_52 = arith.constant 5 : i32
    %dma_wait3A = arith.constant 24 : i32
    %dma_wait3A_53 = arith.constant 0 : i32
    %dma_wait3A_54 = tpu.memref_slice %arg8[%dma_wait3A, %dma_wait3A_53] : memref<25x80xi32, #tpu.memory_space<vmem>> -> memref<1x80xi32, #tpu.memory_space<vmem>>
    %dma_wait3A_55 = tpu.memref_squeeze %dma_wait3A_54 : memref<1x80xi32, #tpu.memory_space<vmem>> -> memref<80xi32, #tpu.memory_space<vmem>>
    %dma_wait3A_56 = arith.constant 0 : i32
    %dma_wait3A_57 = arith.constant 0 : i32
    %dma_wait3A_58 = tpu.memref_slice %arg3[%dma_wait3A_56, %dma_wait3A_57] : memref<10000x64xf32, #tpu.memory_space<hbm>> -> memref<10000x64xf32, #tpu.memory_space<hbm>>
    tpu.wait_indirect_dma semaphore(%arg23 : memref<!tpu.dma_semaphore, #tpu.memory_space<semaphore_mem>>) src(%dma_wait3A_58 : memref<10000x64xf32, #tpu.memory_space<hbm>>) dst(%arg13 : memref<80x64xf32, #tpu.memory_space<vmem>>)
    %add3A_59 = arith.constant 1920 : i32
    %add3A_60 = arith.addi %mul3A_34, %add3A_59 : i32
    %dma_start3A_61 = tpu.memref_slice %arg6[%add3A_60, %mul3A_18] : memref<32000x128xf32, #tpu.memory_space<hbm>> -> memref<80x64xf32, #tpu.memory_space<hbm>>
    %dma_start3A_62 = tpu.memref_slice %arg6[%add3A_60, %mul3A_18] : memref<32000x128xf32, #tpu.memory_space<hbm>> -> memref<80x64xf32, #tpu.memory_space<hbm>>
    tpu.enqueue_dma source(%arg13 : memref<80x64xf32, #tpu.memory_space<vmem>>) target(%dma_start3A_62 : memref<80x64xf32, #tpu.memory_space<hbm>>) target_semaphore(%arg28 : memref<!tpu.dma_semaphore, #tpu.memory_space<semaphore_mem>>)
    %add3A_63 = arith.constant 1760 : i32
    %add3A_64 = arith.addi %mul3A_34, %add3A_63 : i32
    %dma_wait3A_65 = tpu.memref_slice %arg6[%add3A_64, %mul3A_18] : memref<32000x128xf32, #tpu.memory_space<hbm>> -> memref<80x64xf32, #tpu.memory_space<hbm>>
    %dma_wait3A_66 = tpu.memref_slice %arg6[%add3A_64, %mul3A_18] : memref<32000x128xf32, #tpu.memory_space<hbm>> -> memref<80x64xf32, #tpu.memory_space<hbm>>
    tpu.wait_dma2 semaphore(%arg26 : memref<!tpu.dma_semaphore, #tpu.memory_space<semaphore_mem>>) src(%arg11 : memref<80x64xf32, #tpu.memory_space<vmem>>) dst(%dma_wait3A_66 : memref<80x64xf32, #tpu.memory_space<hbm>>)
    %add3A_67 = arith.constant 1840 : i32
    %add3A_68 = arith.addi %mul3A_34, %add3A_67 : i32
    %dma_wait3A_69 = tpu.memref_slice %arg6[%add3A_68, %mul3A_18] : memref<32000x128xf32, #tpu.memory_space<hbm>> -> memref<80x64xf32, #tpu.memory_space<hbm>>
    %dma_wait3A_70 = tpu.memref_slice %arg6[%add3A_68, %mul3A_18] : memref<32000x128xf32, #tpu.memory_space<hbm>> -> memref<80x64xf32, #tpu.memory_space<hbm>>
    tpu.wait_dma2 semaphore(%arg27 : memref<!tpu.dma_semaphore, #tpu.memory_space<semaphore_mem>>) src(%arg12 : memref<80x64xf32, #tpu.memory_space<vmem>>) dst(%dma_wait3A_70 : memref<80x64xf32, #tpu.memory_space<hbm>>)
    %add3A_71 = arith.constant 1920 : i32
    %add3A_72 = arith.addi %mul3A_34, %add3A_71 : i32
    %dma_wait3A_73 = tpu.memref_slice %arg6[%add3A_72, %mul3A_18] : memref<32000x128xf32, #tpu.memory_space<hbm>> -> memref<80x64xf32, #tpu.memory_space<hbm>>
    %dma_wait3A_74 = tpu.memref_slice %arg6[%add3A_72, %mul3A_18] : memref<32000x128xf32, #tpu.memory_space<hbm>> -> memref<80x64xf32, #tpu.memory_space<hbm>>
    tpu.wait_dma2 semaphore(%arg28 : memref<!tpu.dma_semaphore, #tpu.memory_space<semaphore_mem>>) src(%arg13 : memref<80x64xf32, #tpu.memory_space<vmem>>) dst(%dma_wait3A_74 : memref<80x64xf32, #tpu.memory_space<hbm>>)
    return
  }
}

#map = affine_map<(d0, d1) -> (0, 0)>
#map1 = affine_map<(d0, d1) -> (0, 0, 0)>
module attributes {stable_mosaic.version = 14 : i64} {
  func.func @_gather_body(%arg0: i32, %arg1: i32, %arg2: memref<10000x64xf32, #tpu.memory_space<hbm>>, %arg3: memref<10000x64xf32, #tpu.memory_space<hbm>>, %arg4: memref<32x25x80xi32, #tpu.memory_space<hbm>>, %arg5: memref<32x25x80xi32, #tpu.memory_space<hbm>>, %arg6: memref<32000x128xf32, #tpu.memory_space<hbm>>, %arg7: memref<25x80xi32, #tpu.memory_space<vmem>>, %arg8: memref<25x80xi32, #tpu.memory_space<vmem>>, %arg9: memref<80x64xf32, #tpu.memory_space<vmem>>, %arg10: memref<80x64xf32, #tpu.memory_space<vmem>>, %arg11: memref<80x64xf32, #tpu.memory_space<vmem>>, %arg12: memref<80x64xf32, #tpu.memory_space<vmem>>, %arg13: memref<80x64xf32, #tpu.memory_space<vmem>>, %arg14: memref<!tpu.dma_semaphore, #tpu.memory_space<semaphore_mem>>, %arg15: memref<!tpu.dma_semaphore, #tpu.memory_space<semaphore_mem>>, %arg16: memref<!tpu.dma_semaphore, #tpu.memory_space<semaphore_mem>>, %arg17: memref<!tpu.dma_semaphore, #tpu.memory_space<semaphore_mem>>, %arg18: memref<!tpu.dma_semaphore, #tpu.memory_space<semaphore_mem>>, %arg19: memref<!tpu.dma_semaphore, #tpu.memory_space<semaphore_mem>>, %arg20: memref<!tpu.dma_semaphore, #tpu.memory_space<semaphore_mem>>, %arg21: memref<!tpu.dma_semaphore, #tpu.memory_space<semaphore_mem>>, %arg22: memref<!tpu.dma_semaphore, #tpu.memory_space<semaphore_mem>>, %arg23: memref<!tpu.dma_semaphore, #tpu.memory_space<semaphore_mem>>, %arg24: memref<!tpu.dma_semaphore, #tpu.memory_space<semaphore_mem>>, %arg25: memref<!tpu.dma_semaphore, #tpu.memory_space<semaphore_mem>>, %arg26: memref<!tpu.dma_semaphore, #tpu.memory_space<semaphore_mem>>, %arg27: memref<!tpu.dma_semaphore, #tpu.memory_space<semaphore_mem>>, %arg28: memref<!tpu.dma_semaphore, #tpu.memory_space<semaphore_mem>>) attributes {dimension_semantics = [#tpu.dimension_semantics<core_parallel>, #tpu.dimension_semantics<subcore_parallel>], iteration_bounds = array<i64: 2, 16>, scalar_prefetch = 0 : i64, scratch_operands = 22 : i64, tpu.core_type = #tpu.core_type<sc_vector_subcore>, window_params = [{transform_indices = #map}, {transform_indices = #map}, {transform_indices = #map1}, {transform_indices = #map1}, {transform_indices = #map}]} {
    %mul3A = arith.constant 2 : i32
    %mul3A_0 = arith.muli %arg1, %mul3A : i32
    %add3A = arith.addi %mul3A_0, %arg0 : i32
    "tpu.region"() ({
      %run_scoped3A = tpu.sem_alloc : memref<!tpu.dma_semaphore, #tpu.memory_space<semaphore_mem>>
      %dma_start3A_75 = arith.constant 0 : i32
      %dma_start3A_76 = arith.constant 0 : i32
      %dma_start3A_77 = tpu.memref_slice %arg4[%add3A, %dma_start3A_75, %dma_start3A_76] : memref<32x25x80xi32, #tpu.memory_space<hbm>> -> memref<1x25x80xi32, #tpu.memory_space<hbm>>
      %dma_start3A_78 = tpu.memref_squeeze %dma_start3A_77 : memref<1x25x80xi32, #tpu.memory_space<hbm>> -> memref<25x80xi32, #tpu.memory_space<hbm>>
      %dma_start3A_79 = arith.constant 0 : i32
      %dma_start3A_80 = arith.constant 0 : i32
      %dma_start3A_81 = tpu.memref_slice %arg4[%add3A, %dma_start3A_79, %dma_start3A_80] : memref<32x25x80xi32, #tpu.memory_space<hbm>> -> memref<1x25x80xi32, #tpu.memory_space<hbm>>
      %dma_start3A_82 = tpu.memref_squeeze %dma_start3A_81 : memref<1x25x80xi32, #tpu.memory_space<hbm>> -> memref<25x80xi32, #tpu.memory_space<hbm>>
      tpu.enqueue_dma source(%dma_start3A_82 : memref<25x80xi32, #tpu.memory_space<hbm>>) target(%arg7 : memref<25x80xi32, #tpu.memory_space<vmem>>) target_semaphore(%run_scoped3A : memref<!tpu.dma_semaphore, #tpu.memory_space<semaphore_mem>>)
      %dma_wait3A_83 = arith.constant 0 : i32
      %dma_wait3A_84 = arith.constant 0 : i32
      %dma_wait3A_85 = tpu.memref_slice %arg4[%add3A, %dma_wait3A_83, %dma_wait3A_84] : memref<32x25x80xi32, #tpu.memory_space<hbm>> -> memref<1x25x80xi32, #tpu.memory_space<hbm>>
      %dma_wait3A_86 = tpu.memref_squeeze %dma_wait3A_85 : memref<1x25x80xi32, #tpu.memory_space<hbm>> -> memref<25x80xi32, #tpu.memory_space<hbm>>
      %dma_wait3A_87 = arith.constant 0 : i32
      %dma_wait3A_88 = arith.constant 0 : i32
      %dma_wait3A_89 = tpu.memref_slice %arg4[%add3A, %dma_wait3A_87, %dma_wait3A_88] : memref<32x25x80xi32, #tpu.memory_space<hbm>> -> memref<1x25x80xi32, #tpu.memory_space<hbm>>
      %dma_wait3A_90 = tpu.memref_squeeze %dma_wait3A_89 : memref<1x25x80xi32, #tpu.memory_space<hbm>> -> memref<25x80xi32, #tpu.memory_space<hbm>>
      tpu.wait_dma2 semaphore(%run_scoped3A : memref<!tpu.dma_semaphore, #tpu.memory_space<semaphore_mem>>) src(%dma_wait3A_90 : memref<25x80xi32, #tpu.memory_space<hbm>>) dst(%arg7 : memref<25x80xi32, #tpu.memory_space<vmem>>)
      tpu.yield
    }) : () -> ()
    "tpu.region"() ({
      %run_scoped3A = tpu.sem_alloc : memref<!tpu.dma_semaphore, #tpu.memory_space<semaphore_mem>>
      %dma_start3A_75 = arith.constant 0 : i32
      %dma_start3A_76 = arith.constant 0 : i32
      %dma_start3A_77 = tpu.memref_slice %arg5[%add3A, %dma_start3A_75, %dma_start3A_76] : memref<32x25x80xi32, #tpu.memory_space<hbm>> -> memref<1x25x80xi32, #tpu.memory_space<hbm>>
      %dma_start3A_78 = tpu.memref_squeeze %dma_start3A_77 : memref<1x25x80xi32, #tpu.memory_space<hbm>> -> memref<25x80xi32, #tpu.memory_space<hbm>>
      %dma_start3A_79 = arith.constant 0 : i32
      %dma_start3A_80 = arith.constant 0 : i32
      %dma_start3A_81 = tpu.memref_slice %arg5[%add3A, %dma_start3A_79, %dma_start3A_80] : memref<32x25x80xi32, #tpu.memory_space<hbm>> -> memref<1x25x80xi32, #tpu.memory_space<hbm>>
      %dma_start3A_82 = tpu.memref_squeeze %dma_start3A_81 : memref<1x25x80xi32, #tpu.memory_space<hbm>> -> memref<25x80xi32, #tpu.memory_space<hbm>>
      tpu.enqueue_dma source(%dma_start3A_82 : memref<25x80xi32, #tpu.memory_space<hbm>>) target(%arg8 : memref<25x80xi32, #tpu.memory_space<vmem>>) target_semaphore(%run_scoped3A : memref<!tpu.dma_semaphore, #tpu.memory_space<semaphore_mem>>)
      %dma_wait3A_83 = arith.constant 0 : i32
      %dma_wait3A_84 = arith.constant 0 : i32
      %dma_wait3A_85 = tpu.memref_slice %arg5[%add3A, %dma_wait3A_83, %dma_wait3A_84] : memref<32x25x80xi32, #tpu.memory_space<hbm>> -> memref<1x25x80xi32, #tpu.memory_space<hbm>>
      %dma_wait3A_86 = tpu.memref_squeeze %dma_wait3A_85 : memref<1x25x80xi32, #tpu.memory_space<hbm>> -> memref<25x80xi32, #tpu.memory_space<hbm>>
      %dma_wait3A_87 = arith.constant 0 : i32
      %dma_wait3A_88 = arith.constant 0 : i32
      %dma_wait3A_89 = tpu.memref_slice %arg5[%add3A, %dma_wait3A_87, %dma_wait3A_88] : memref<32x25x80xi32, #tpu.memory_space<hbm>> -> memref<1x25x80xi32, #tpu.memory_space<hbm>>
      %dma_wait3A_90 = tpu.memref_squeeze %dma_wait3A_89 : memref<1x25x80xi32, #tpu.memory_space<hbm>> -> memref<25x80xi32, #tpu.memory_space<hbm>>
      tpu.wait_dma2 semaphore(%run_scoped3A : memref<!tpu.dma_semaphore, #tpu.memory_space<semaphore_mem>>) src(%dma_wait3A_90 : memref<25x80xi32, #tpu.memory_space<hbm>>) dst(%arg8 : memref<25x80xi32, #tpu.memory_space<vmem>>)
      tpu.yield
    }) : () -> ()
    %jit3A = arith.constant 16 : i32
    %div3A = arith.divsi %add3A, %jit3A : i32
    %sign3A = arith.constant 0 : i32
    %sign3A_1 = arith.cmpi sgt, %add3A, %sign3A : i32
    %sign3A_2 = arith.extui %sign3A_1 : i1 to i32
    %sign3A_3 = arith.constant 0 : i32
    %sign3A_4 = arith.cmpi slt, %add3A, %sign3A_3 : i32
    %sign3A_5 = arith.extui %sign3A_4 : i1 to i32
    %sign3A_6 = arith.subi %sign3A_2, %sign3A_5 : i32
    %sign3A_7 = arith.constant 0 : i32
    %sign3A_8 = arith.cmpi sgt, %jit3A, %sign3A_7 : i32
    %sign3A_9 = arith.extui %sign3A_8 : i1 to i32
    %sign3A_10 = arith.constant 0 : i32
    %sign3A_11 = arith.cmpi slt, %jit3A, %sign3A_10 : i32
    %sign3A_12 = arith.extui %sign3A_11 : i1 to i32
    %sign3A_13 = arith.subi %sign3A_9, %sign3A_12 : i32
    %ne3A = arith.cmpi ne, %sign3A_6, %sign3A_13 : i32
    %rem3A = arith.remsi %add3A, %jit3A : i32
    %ne3A_14 = arith.constant 0 : i32
    %ne3A_15 = arith.cmpi ne, %rem3A, %ne3A_14 : i32
    %and3A = arith.andi %ne3A, %ne3A_15 : i1
    %sub3A = arith.constant 1 : i32
    %sub3A_16 = arith.subi %div3A, %sub3A : i32
    %select_n3A = arith.select %and3A, %sub3A_16, %div3A : i32
    %mul3A_17 = arith.constant 64 : i32
    %mul3A_18 = arith.muli %select_n3A, %mul3A_17 : i32
    %jit3A_19 = arith.constant 16 : i32
    %eq3A = arith.constant 0 : i32
    %eq3A_20 = arith.cmpi eq, %jit3A_19, %eq3A : i32
    %jit3A_21 = arith.constant 1 : i32
    %select_n3A_22 = arith.select %eq3A_20, %jit3A_21, %jit3A_19 : i32
    %rem3A_23 = arith.remsi %add3A, %select_n3A_22 : i32
    %ne3A_24 = arith.constant 0 : i32
    %ne3A_25 = arith.cmpi ne, %rem3A_23, %ne3A_24 : i32
    %lt3A = arith.constant 0 : i32
    %lt3A_26 = arith.cmpi slt, %rem3A_23, %lt3A : i32
    %lt3A_27 = arith.constant 0 : i32
    %lt3A_28 = arith.cmpi slt, %select_n3A_22, %lt3A_27 : i32
    %ne3A_29 = arith.xori %lt3A_26, %lt3A_28 : i1
    %and3A_30 = arith.andi %ne3A_29, %ne3A_25 : i1
    %add3A_31 = arith.addi %rem3A_23, %select_n3A_22 : i32
    %select_n3A_32 = arith.select %and3A_30, %add3A_31, %rem3A_23 : i32
    %mul3A_33 = arith.constant 2000 : i32
    %mul3A_34 = arith.muli %select_n3A_32, %mul3A_33 : i32
    %dma_start3A = arith.constant 0 : i32
    %dma_start3A_35 = arith.constant 0 : i32
    %dma_start3A_36 = tpu.memref_slice %arg7[%dma_start3A, %dma_start3A_35] : memref<25x80xi32, #tpu.memory_space<vmem>> -> memref<1x80xi32, #tpu.memory_space<vmem>>
    %dma_start3A_37 = tpu.memref_squeeze %dma_start3A_36 : memref<1x80xi32, #tpu.memory_space<vmem>> -> memref<80xi32, #tpu.memory_space<vmem>>
    %dma_start3A_38 = arith.constant 0 : i32
    %dma_start3A_39 = arith.constant 0 : i32
    %dma_start3A_40 = tpu.memref_slice %arg2[%dma_start3A_38, %dma_start3A_39] : memref<10000x64xf32, #tpu.memory_space<hbm>> -> memref<10000x64xf32, #tpu.memory_space<hbm>>
    tpu.enqueue_indirect_dma source(%dma_start3A_40 : memref<10000x64xf32, #tpu.memory_space<hbm>>) target(%arg9 : memref<80x64xf32, #tpu.memory_space<vmem>>) offsets(%dma_start3A_37 : memref<80xi32, #tpu.memory_space<vmem>>) semaphore(%arg14 : memref<!tpu.dma_semaphore, #tpu.memory_space<semaphore_mem>>)
    %dma_start3A_41 = arith.constant 1 : i32
    %dma_start3A_42 = arith.constant 0 : i32
    %dma_start3A_43 = tpu.memref_slice %arg7[%dma_start3A_41, %dma_start3A_42] : memref<25x80xi32, #tpu.memory_space<vmem>> -> memref<1x80xi32, #tpu.memory_space<vmem>>
    %dma_start3A_44 = tpu.memref_squeeze %dma_start3A_43 : memref<1x80xi32, #tpu.memory_space<vmem>> -> memref<80xi32, #tpu.memory_space<vmem>>
    %dma_start3A_45 = arith.constant 0 : i32
    %dma_start3A_46 = arith.constant 0 : i32
    %dma_start3A_47 = tpu.memref_slice %arg2[%dma_start3A_45, %dma_start3A_46] : memref<10000x64xf32, #tpu.memory_space<hbm>> -> memref<10000x64xf32, #tpu.memory_space<hbm>>
    tpu.enqueue_indirect_dma source(%dma_start3A_47 : memref<10000x64xf32, #tpu.memory_space<hbm>>) target(%arg10 : memref<80x64xf32, #tpu.memory_space<vmem>>) offsets(%dma_start3A_44 : memref<80xi32, #tpu.memory_space<vmem>>) semaphore(%arg15 : memref<!tpu.dma_semaphore, #tpu.memory_space<semaphore_mem>>)
    %scan3A = arith.constant 0 : i32
    %scan3A_48 = arith.constant 0 : i32
    %scan3A_49 = arith.constant 5 : i32
    %scan3A_50 = arith.addi %scan3A_48, %scan3A_49 : i32
    %scan3A_51 = arith.constant 1 : i32
    scf.for %scan3A_75 = %scan3A_48 to %scan3A_50 step %scan3A_51  : i32 {
      %mul3A_76 = arith.constant 5 : i32
      %mul3A_77 = arith.muli %scan3A_75, %mul3A_76 : i32
      %add3A_78 = arith.constant 0 : i32
      %add3A_79 = arith.addi %mul3A_77, %add3A_78 : i32
      %gt3A = arith.constant 0 : i32
      %gt3A_80 = arith.cmpi sgt, %scan3A_75, %gt3A : i32
      %convert_element_type3A = arith.extui %gt3A_80 : i1 to i32
      %cond3A = arith.constant 0 : i32
      %cond3A_81 = arith.cmpi ne, %convert_element_type3A, %cond3A : i32
      scf.if %cond3A_81 {
        %sub3A_273 = arith.constant 3 : i32
        %sub3A_274 = arith.subi %add3A_79, %sub3A_273 : i32
        %mul3A_275 = arith.constant 80 : i32
        %mul3A_276 = arith.muli %sub3A_274, %mul3A_275 : i32
        %add3A_277 = arith.addi %mul3A_34, %mul3A_276 : i32
        %dma_wait3A_278 = tpu.memref_slice %arg6[%add3A_277, %mul3A_18] : memref<32000x128xf32, #tpu.memory_space<hbm>> -> memref<80x64xf32, #tpu.memory_space<hbm>>
        %dma_wait3A_279 = tpu.memref_slice %arg6[%add3A_277, %mul3A_18] : memref<32000x128xf32, #tpu.memory_space<hbm>> -> memref<80x64xf32, #tpu.memory_space<hbm>>
        tpu.wait_dma2 semaphore(%arg26 : memref<!tpu.dma_semaphore, #tpu.memory_space<semaphore_mem>>) src(%arg11 : memref<80x64xf32, #tpu.memory_space<vmem>>) dst(%dma_wait3A_279 : memref<80x64xf32, #tpu.memory_space<hbm>>)
      } else {
      }
      %add3A_82 = arith.constant 2 : i32
      %add3A_83 = arith.addi %add3A_79, %add3A_82 : i32
      %dma_start3A_84 = arith.constant 0 : i32
      %dma_start3A_85 = tpu.memref_slice %arg7[%add3A_83, %dma_start3A_84] : memref<25x80xi32, #tpu.memory_space<vmem>> -> memref<1x80xi32, #tpu.memory_space<vmem>>
      %dma_start3A_86 = tpu.memref_squeeze %dma_start3A_85 : memref<1x80xi32, #tpu.memory_space<vmem>> -> memref<80xi32, #tpu.memory_space<vmem>>
      %dma_start3A_87 = arith.constant 0 : i32
      %dma_start3A_88 = arith.constant 0 : i32
      %dma_start3A_89 = tpu.memref_slice %arg2[%dma_start3A_87, %dma_start3A_88] : memref<10000x64xf32, #tpu.memory_space<hbm>> -> memref<10000x64xf32, #tpu.memory_space<hbm>>
      tpu.enqueue_indirect_dma source(%dma_start3A_89 : memref<10000x64xf32, #tpu.memory_space<hbm>>) target(%arg11 : memref<80x64xf32, #tpu.memory_space<vmem>>) offsets(%dma_start3A_86 : memref<80xi32, #tpu.memory_space<vmem>>) semaphore(%arg16 : memref<!tpu.dma_semaphore, #tpu.memory_space<semaphore_mem>>)
      %dma_wait3A_90 = arith.constant 0 : i32
      %dma_wait3A_91 = tpu.memref_slice %arg7[%add3A_79, %dma_wait3A_90] : memref<25x80xi32, #tpu.memory_space<vmem>> -> memref<1x80xi32, #tpu.memory_space<vmem>>
      %dma_wait3A_92 = tpu.memref_squeeze %dma_wait3A_91 : memref<1x80xi32, #tpu.memory_space<vmem>> -> memref<80xi32, #tpu.memory_space<vmem>>
      %dma_wait3A_93 = arith.constant 0 : i32
      %dma_wait3A_94 = arith.constant 0 : i32
      %dma_wait3A_95 = tpu.memref_slice %arg2[%dma_wait3A_93, %dma_wait3A_94] : memref<10000x64xf32, #tpu.memory_space<hbm>> -> memref<10000x64xf32, #tpu.memory_space<hbm>>
      tpu.wait_indirect_dma semaphore(%arg14 : memref<!tpu.dma_semaphore, #tpu.memory_space<semaphore_mem>>) src(%dma_wait3A_95 : memref<10000x64xf32, #tpu.memory_space<hbm>>) dst(%arg9 : memref<80x64xf32, #tpu.memory_space<vmem>>)
      %dma_start3A_96 = arith.constant 0 : i32
      %dma_start3A_97 = tpu.memref_slice %arg8[%add3A_79, %dma_start3A_96] : memref<25x80xi32, #tpu.memory_space<vmem>> -> memref<1x80xi32, #tpu.memory_space<vmem>>
      %dma_start3A_98 = tpu.memref_squeeze %dma_start3A_97 : memref<1x80xi32, #tpu.memory_space<vmem>> -> memref<80xi32, #tpu.memory_space<vmem>>
      %dma_start3A_99 = arith.constant 0 : i32
      %dma_start3A_100 = arith.constant 0 : i32
      %dma_start3A_101 = tpu.memref_slice %arg3[%dma_start3A_99, %dma_start3A_100] : memref<10000x64xf32, #tpu.memory_space<hbm>> -> memref<10000x64xf32, #tpu.memory_space<hbm>>
      tpu.enqueue_indirect_dma source(%dma_start3A_101 : memref<10000x64xf32, #tpu.memory_space<hbm>>) target(%arg9 : memref<80x64xf32, #tpu.memory_space<vmem>>) offsets(%dma_start3A_98 : memref<80xi32, #tpu.memory_space<vmem>>) semaphore(%arg19 : memref<!tpu.dma_semaphore, #tpu.memory_space<semaphore_mem>>) {add = true}
      %gt3A_102 = arith.constant 0 : i32
      %gt3A_103 = arith.cmpi sgt, %scan3A_75, %gt3A_102 : i32
      %convert_element_type3A_104 = arith.extui %gt3A_103 : i1 to i32
      %cond3A_105 = arith.constant 0 : i32
      %cond3A_106 = arith.cmpi ne, %convert_element_type3A_104, %cond3A_105 : i32
      scf.if %cond3A_106 {
        %sub3A_273 = arith.constant 1 : i32
        %sub3A_274 = arith.subi %add3A_79, %sub3A_273 : i32
        %dma_wait3A_275 = arith.constant 0 : i32
        %dma_wait3A_276 = tpu.memref_slice %arg8[%sub3A_274, %dma_wait3A_275] : memref<25x80xi32, #tpu.memory_space<vmem>> -> memref<1x80xi32, #tpu.memory_space<vmem>>
        %dma_wait3A_277 = tpu.memref_squeeze %dma_wait3A_276 : memref<1x80xi32, #tpu.memory_space<vmem>> -> memref<80xi32, #tpu.memory_space<vmem>>
        %dma_wait3A_278 = arith.constant 0 : i32
        %dma_wait3A_279 = arith.constant 0 : i32
        %dma_wait3A_280 = tpu.memref_slice %arg3[%dma_wait3A_278, %dma_wait3A_279] : memref<10000x64xf32, #tpu.memory_space<hbm>> -> memref<10000x64xf32, #tpu.memory_space<hbm>>
        tpu.wait_indirect_dma semaphore(%arg23 : memref<!tpu.dma_semaphore, #tpu.memory_space<semaphore_mem>>) src(%dma_wait3A_280 : memref<10000x64xf32, #tpu.memory_space<hbm>>) dst(%arg13 : memref<80x64xf32, #tpu.memory_space<vmem>>)
        %mul3A_281 = arith.constant 80 : i32
        %mul3A_282 = arith.muli %sub3A_274, %mul3A_281 : i32
        %add3A_283 = arith.addi %mul3A_34, %mul3A_282 : i32
        %dma_start3A_284 = tpu.memref_slice %arg6[%add3A_283, %mul3A_18] : memref<32000x128xf32, #tpu.memory_space<hbm>> -> memref<80x64xf32, #tpu.memory_space<hbm>>
        %dma_start3A_285 = tpu.memref_slice %arg6[%add3A_283, %mul3A_18] : memref<32000x128xf32, #tpu.memory_space<hbm>> -> memref<80x64xf32, #tpu.memory_space<hbm>>
        tpu.enqueue_dma source(%arg13 : memref<80x64xf32, #tpu.memory_space<vmem>>) target(%dma_start3A_285 : memref<80x64xf32, #tpu.memory_space<hbm>>) target_semaphore(%arg28 : memref<!tpu.dma_semaphore, #tpu.memory_space<semaphore_mem>>)
      } else {
      }
      %mul3A_107 = arith.constant 5 : i32
      %mul3A_108 = arith.muli %scan3A_75, %mul3A_107 : i32
      %add3A_109 = arith.constant 1 : i32
      %add3A_110 = arith.addi %mul3A_108, %add3A_109 : i32
      %gt3A_111 = arith.constant 0 : i32
      %gt3A_112 = arith.cmpi sgt, %scan3A_75, %gt3A_111 : i32
      %convert_element_type3A_113 = arith.extui %gt3A_112 : i1 to i32
      %cond3A_114 = arith.constant 0 : i32
      %cond3A_115 = arith.cmpi ne, %convert_element_type3A_113, %cond3A_114 : i32
      scf.if %cond3A_115 {
        %sub3A_273 = arith.constant 3 : i32
        %sub3A_274 = arith.subi %add3A_110, %sub3A_273 : i32
        %mul3A_275 = arith.constant 80 : i32
        %mul3A_276 = arith.muli %sub3A_274, %mul3A_275 : i32
        %add3A_277 = arith.addi %mul3A_34, %mul3A_276 : i32
        %dma_wait3A_278 = tpu.memref_slice %arg6[%add3A_277, %mul3A_18] : memref<32000x128xf32, #tpu.memory_space<hbm>> -> memref<80x64xf32, #tpu.memory_space<hbm>>
        %dma_wait3A_279 = tpu.memref_slice %arg6[%add3A_277, %mul3A_18] : memref<32000x128xf32, #tpu.memory_space<hbm>> -> memref<80x64xf32, #tpu.memory_space<hbm>>
        tpu.wait_dma2 semaphore(%arg27 : memref<!tpu.dma_semaphore, #tpu.memory_space<semaphore_mem>>) src(%arg12 : memref<80x64xf32, #tpu.memory_space<vmem>>) dst(%dma_wait3A_279 : memref<80x64xf32, #tpu.memory_space<hbm>>)
      } else {
      }
      %add3A_116 = arith.constant 2 : i32
      %add3A_117 = arith.addi %add3A_110, %add3A_116 : i32
      %dma_start3A_118 = arith.constant 0 : i32
      %dma_start3A_119 = tpu.memref_slice %arg7[%add3A_117, %dma_start3A_118] : memref<25x80xi32, #tpu.memory_space<vmem>> -> memref<1x80xi32, #tpu.memory_space<vmem>>
      %dma_start3A_120 = tpu.memref_squeeze %dma_start3A_119 : memref<1x80xi32, #tpu.memory_space<vmem>> -> memref<80xi32, #tpu.memory_space<vmem>>
      %dma_start3A_121 = arith.constant 0 : i32
      %dma_start3A_122 = arith.constant 0 : i32
      %dma_start3A_123 = tpu.memref_slice %arg2[%dma_start3A_121, %dma_start3A_122] : memref<10000x64xf32, #tpu.memory_space<hbm>> -> memref<10000x64xf32, #tpu.memory_space<hbm>>
      tpu.enqueue_indirect_dma source(%dma_start3A_123 : memref<10000x64xf32, #tpu.memory_space<hbm>>) target(%arg12 : memref<80x64xf32, #tpu.memory_space<vmem>>) offsets(%dma_start3A_120 : memref<80xi32, #tpu.memory_space<vmem>>) semaphore(%arg17 : memref<!tpu.dma_semaphore, #tpu.memory_space<semaphore_mem>>)
      %dma_wait3A_124 = arith.constant 0 : i32
      %dma_wait3A_125 = tpu.memref_slice %arg7[%add3A_110, %dma_wait3A_124] : memref<25x80xi32, #tpu.memory_space<vmem>> -> memref<1x80xi32, #tpu.memory_space<vmem>>
      %dma_wait3A_126 = tpu.memref_squeeze %dma_wait3A_125 : memref<1x80xi32, #tpu.memory_space<vmem>> -> memref<80xi32, #tpu.memory_space<vmem>>
      %dma_wait3A_127 = arith.constant 0 : i32
      %dma_wait3A_128 = arith.constant 0 : i32
      %dma_wait3A_129 = tpu.memref_slice %arg2[%dma_wait3A_127, %dma_wait3A_128] : memref<10000x64xf32, #tpu.memory_space<hbm>> -> memref<10000x64xf32, #tpu.memory_space<hbm>>
      tpu.wait_indirect_dma semaphore(%arg15 : memref<!tpu.dma_semaphore, #tpu.memory_space<semaphore_mem>>) src(%dma_wait3A_129 : memref<10000x64xf32, #tpu.memory_space<hbm>>) dst(%arg10 : memref<80x64xf32, #tpu.memory_space<vmem>>)
      %dma_start3A_130 = arith.constant 0 : i32
      %dma_start3A_131 = tpu.memref_slice %arg8[%add3A_110, %dma_start3A_130] : memref<25x80xi32, #tpu.memory_space<vmem>> -> memref<1x80xi32, #tpu.memory_space<vmem>>
      %dma_start3A_132 = tpu.memref_squeeze %dma_start3A_131 : memref<1x80xi32, #tpu.memory_space<vmem>> -> memref<80xi32, #tpu.memory_space<vmem>>
      %dma_start3A_133 = arith.constant 0 : i32
      %dma_start3A_134 = arith.constant 0 : i32
      %dma_start3A_135 = tpu.memref_slice %arg3[%dma_start3A_133, %dma_start3A_134] : memref<10000x64xf32, #tpu.memory_space<hbm>> -> memref<10000x64xf32, #tpu.memory_space<hbm>>
      tpu.enqueue_indirect_dma source(%dma_start3A_135 : memref<10000x64xf32, #tpu.memory_space<hbm>>) target(%arg10 : memref<80x64xf32, #tpu.memory_space<vmem>>) offsets(%dma_start3A_132 : memref<80xi32, #tpu.memory_space<vmem>>) semaphore(%arg20 : memref<!tpu.dma_semaphore, #tpu.memory_space<semaphore_mem>>) {add = true}
      %sub3A_136 = arith.constant 1 : i32
      %sub3A_137 = arith.subi %add3A_110, %sub3A_136 : i32
      %dma_wait3A_138 = arith.constant 0 : i32
      %dma_wait3A_139 = tpu.memref_slice %arg8[%sub3A_137, %dma_wait3A_138] : memref<25x80xi32, #tpu.memory_space<vmem>> -> memref<1x80xi32, #tpu.memory_space<vmem>>
      %dma_wait3A_140 = tpu.memref_squeeze %dma_wait3A_139 : memref<1x80xi32, #tpu.memory_space<vmem>> -> memref<80xi32, #tpu.memory_space<vmem>>
      %dma_wait3A_141 = arith.constant 0 : i32
      %dma_wait3A_142 = arith.constant 0 : i32
      %dma_wait3A_143 = tpu.memref_slice %arg3[%dma_wait3A_141, %dma_wait3A_142] : memref<10000x64xf32, #tpu.memory_space<hbm>> -> memref<10000x64xf32, #tpu.memory_space<hbm>>
      tpu.wait_indirect_dma semaphore(%arg19 : memref<!tpu.dma_semaphore, #tpu.memory_space<semaphore_mem>>) src(%dma_wait3A_143 : memref<10000x64xf32, #tpu.memory_space<hbm>>) dst(%arg9 : memref<80x64xf32, #tpu.memory_space<vmem>>)
      %mul3A_144 = arith.constant 80 : i32
      %mul3A_145 = arith.muli %sub3A_137, %mul3A_144 : i32
      %add3A_146 = arith.addi %mul3A_34, %mul3A_145 : i32
      %dma_start3A_147 = tpu.memref_slice %arg6[%add3A_146, %mul3A_18] : memref<32000x128xf32, #tpu.memory_space<hbm>> -> memref<80x64xf32, #tpu.memory_space<hbm>>
      %dma_start3A_148 = tpu.memref_slice %arg6[%add3A_146, %mul3A_18] : memref<32000x128xf32, #tpu.memory_space<hbm>> -> memref<80x64xf32, #tpu.memory_space<hbm>>
      tpu.enqueue_dma source(%arg9 : memref<80x64xf32, #tpu.memory_space<vmem>>) target(%dma_start3A_148 : memref<80x64xf32, #tpu.memory_space<hbm>>) target_semaphore(%arg24 : memref<!tpu.dma_semaphore, #tpu.memory_space<semaphore_mem>>)
      %mul3A_149 = arith.constant 5 : i32
      %mul3A_150 = arith.muli %scan3A_75, %mul3A_149 : i32
      %add3A_151 = arith.constant 2 : i32
      %add3A_152 = arith.addi %mul3A_150, %add3A_151 : i32
      %gt3A_153 = arith.constant 0 : i32
      %gt3A_154 = arith.cmpi sgt, %scan3A_75, %gt3A_153 : i32
      %convert_element_type3A_155 = arith.extui %gt3A_154 : i1 to i32
      %cond3A_156 = arith.constant 0 : i32
      %cond3A_157 = arith.cmpi ne, %convert_element_type3A_155, %cond3A_156 : i32
      scf.if %cond3A_157 {
        %sub3A_273 = arith.constant 3 : i32
        %sub3A_274 = arith.subi %add3A_152, %sub3A_273 : i32
        %mul3A_275 = arith.constant 80 : i32
        %mul3A_276 = arith.muli %sub3A_274, %mul3A_275 : i32
        %add3A_277 = arith.addi %mul3A_34, %mul3A_276 : i32
        %dma_wait3A_278 = tpu.memref_slice %arg6[%add3A_277, %mul3A_18] : memref<32000x128xf32, #tpu.memory_space<hbm>> -> memref<80x64xf32, #tpu.memory_space<hbm>>
        %dma_wait3A_279 = tpu.memref_slice %arg6[%add3A_277, %mul3A_18] : memref<32000x128xf32, #tpu.memory_space<hbm>> -> memref<80x64xf32, #tpu.memory_space<hbm>>
        tpu.wait_dma2 semaphore(%arg28 : memref<!tpu.dma_semaphore, #tpu.memory_space<semaphore_mem>>) src(%arg13 : memref<80x64xf32, #tpu.memory_space<vmem>>) dst(%dma_wait3A_279 : memref<80x64xf32, #tpu.memory_space<hbm>>)
      } else {
      }
      %add3A_158 = arith.constant 2 : i32
      %add3A_159 = arith.addi %add3A_152, %add3A_158 : i32
      %dma_start3A_160 = arith.constant 0 : i32
      %dma_start3A_161 = tpu.memref_slice %arg7[%add3A_159, %dma_start3A_160] : memref<25x80xi32, #tpu.memory_space<vmem>> -> memref<1x80xi32, #tpu.memory_space<vmem>>
      %dma_start3A_162 = tpu.memref_squeeze %dma_start3A_161 : memref<1x80xi32, #tpu.memory_space<vmem>> -> memref<80xi32, #tpu.memory_space<vmem>>
      %dma_start3A_163 = arith.constant 0 : i32
      %dma_start3A_164 = arith.constant 0 : i32
      %dma_start3A_165 = tpu.memref_slice %arg2[%dma_start3A_163, %dma_start3A_164] : memref<10000x64xf32, #tpu.memory_space<hbm>> -> memref<10000x64xf32, #tpu.memory_space<hbm>>
      tpu.enqueue_indirect_dma source(%dma_start3A_165 : memref<10000x64xf32, #tpu.memory_space<hbm>>) target(%arg13 : memref<80x64xf32, #tpu.memory_space<vmem>>) offsets(%dma_start3A_162 : memref<80xi32, #tpu.memory_space<vmem>>) semaphore(%arg18 : memref<!tpu.dma_semaphore, #tpu.memory_space<semaphore_mem>>)
      %dma_wait3A_166 = arith.constant 0 : i32
      %dma_wait3A_167 = tpu.memref_slice %arg7[%add3A_152, %dma_wait3A_166] : memref<25x80xi32, #tpu.memory_space<vmem>> -> memref<1x80xi32, #tpu.memory_space<vmem>>
      %dma_wait3A_168 = tpu.memref_squeeze %dma_wait3A_167 : memref<1x80xi32, #tpu.memory_space<vmem>> -> memref<80xi32, #tpu.memory_space<vmem>>
      %dma_wait3A_169 = arith.constant 0 : i32
      %dma_wait3A_170 = arith.constant 0 : i32
      %dma_wait3A_171 = tpu.memref_slice %arg2[%dma_wait3A_169, %dma_wait3A_170] : memref<10000x64xf32, #tpu.memory_space<hbm>> -> memref<10000x64xf32, #tpu.memory_space<hbm>>
      tpu.wait_indirect_dma semaphore(%arg16 : memref<!tpu.dma_semaphore, #tpu.memory_space<semaphore_mem>>) src(%dma_wait3A_171 : memref<10000x64xf32, #tpu.memory_space<hbm>>) dst(%arg11 : memref<80x64xf32, #tpu.memory_space<vmem>>)
      %dma_start3A_172 = arith.constant 0 : i32
      %dma_start3A_173 = tpu.memref_slice %arg8[%add3A_152, %dma_start3A_172] : memref<25x80xi32, #tpu.memory_space<vmem>> -> memref<1x80xi32, #tpu.memory_space<vmem>>
      %dma_start3A_174 = tpu.memref_squeeze %dma_start3A_173 : memref<1x80xi32, #tpu.memory_space<vmem>> -> memref<80xi32, #tpu.memory_space<vmem>>
      %dma_start3A_175 = arith.constant 0 : i32
      %dma_start3A_176 = arith.constant 0 : i32
      %dma_start3A_177 = tpu.memref_slice %arg3[%dma_start3A_175, %dma_start3A_176] : memref<10000x64xf32, #tpu.memory_space<hbm>> -> memref<10000x64xf32, #tpu.memory_space<hbm>>
      tpu.enqueue_indirect_dma source(%dma_start3A_177 : memref<10000x64xf32, #tpu.memory_space<hbm>>) target(%arg11 : memref<80x64xf32, #tpu.memory_space<vmem>>) offsets(%dma_start3A_174 : memref<80xi32, #tpu.memory_space<vmem>>) semaphore(%arg21 : memref<!tpu.dma_semaphore, #tpu.memory_space<semaphore_mem>>) {add = true}
      %sub3A_178 = arith.constant 1 : i32
      %sub3A_179 = arith.subi %add3A_152, %sub3A_178 : i32
      %dma_wait3A_180 = arith.constant 0 : i32
      %dma_wait3A_181 = tpu.memref_slice %arg8[%sub3A_179, %dma_wait3A_180] : memref<25x80xi32, #tpu.memory_space<vmem>> -> memref<1x80xi32, #tpu.memory_space<vmem>>
      %dma_wait3A_182 = tpu.memref_squeeze %dma_wait3A_181 : memref<1x80xi32, #tpu.memory_space<vmem>> -> memref<80xi32, #tpu.memory_space<vmem>>
      %dma_wait3A_183 = arith.constant 0 : i32
      %dma_wait3A_184 = arith.constant 0 : i32
      %dma_wait3A_185 = tpu.memref_slice %arg3[%dma_wait3A_183, %dma_wait3A_184] : memref<10000x64xf32, #tpu.memory_space<hbm>> -> memref<10000x64xf32, #tpu.memory_space<hbm>>
      tpu.wait_indirect_dma semaphore(%arg20 : memref<!tpu.dma_semaphore, #tpu.memory_space<semaphore_mem>>) src(%dma_wait3A_185 : memref<10000x64xf32, #tpu.memory_space<hbm>>) dst(%arg10 : memref<80x64xf32, #tpu.memory_space<vmem>>)
      %mul3A_186 = arith.constant 80 : i32
      %mul3A_187 = arith.muli %sub3A_179, %mul3A_186 : i32
      %add3A_188 = arith.addi %mul3A_34, %mul3A_187 : i32
      %dma_start3A_189 = tpu.memref_slice %arg6[%add3A_188, %mul3A_18] : memref<32000x128xf32, #tpu.memory_space<hbm>> -> memref<80x64xf32, #tpu.memory_space<hbm>>
      %dma_start3A_190 = tpu.memref_slice %arg6[%add3A_188, %mul3A_18] : memref<32000x128xf32, #tpu.memory_space<hbm>> -> memref<80x64xf32, #tpu.memory_space<hbm>>
      tpu.enqueue_dma source(%arg10 : memref<80x64xf32, #tpu.memory_space<vmem>>) target(%dma_start3A_190 : memref<80x64xf32, #tpu.memory_space<hbm>>) target_semaphore(%arg25 : memref<!tpu.dma_semaphore, #tpu.memory_space<semaphore_mem>>)
      %mul3A_191 = arith.constant 5 : i32
      %mul3A_192 = arith.muli %scan3A_75, %mul3A_191 : i32
      %add3A_193 = arith.constant 3 : i32
      %add3A_194 = arith.addi %mul3A_192, %add3A_193 : i32
      %sub3A_195 = arith.constant 3 : i32
      %sub3A_196 = arith.subi %add3A_194, %sub3A_195 : i32
      %mul3A_197 = arith.constant 80 : i32
      %mul3A_198 = arith.muli %sub3A_196, %mul3A_197 : i32
      %add3A_199 = arith.addi %mul3A_34, %mul3A_198 : i32
      %dma_wait3A_200 = tpu.memref_slice %arg6[%add3A_199, %mul3A_18] : memref<32000x128xf32, #tpu.memory_space<hbm>> -> memref<80x64xf32, #tpu.memory_space<hbm>>
      %dma_wait3A_201 = tpu.memref_slice %arg6[%add3A_199, %mul3A_18] : memref<32000x128xf32, #tpu.memory_space<hbm>> -> memref<80x64xf32, #tpu.memory_space<hbm>>
      tpu.wait_dma2 semaphore(%arg24 : memref<!tpu.dma_semaphore, #tpu.memory_space<semaphore_mem>>) src(%arg9 : memref<80x64xf32, #tpu.memory_space<vmem>>) dst(%dma_wait3A_201 : memref<80x64xf32, #tpu.memory_space<hbm>>)
      %lt3A_202 = arith.constant 4 : i32
      %lt3A_203 = arith.cmpi slt, %scan3A_75, %lt3A_202 : i32
      %convert_element_type3A_204 = arith.extui %lt3A_203 : i1 to i32
      %cond3A_205 = arith.constant 0 : i32
      %cond3A_206 = arith.cmpi ne, %convert_element_type3A_204, %cond3A_205 : i32
      scf.if %cond3A_206 {
        %add3A_273 = arith.constant 2 : i32
        %add3A_274 = arith.addi %add3A_194, %add3A_273 : i32
        %dma_start3A_275 = arith.constant 0 : i32
        %dma_start3A_276 = tpu.memref_slice %arg7[%add3A_274, %dma_start3A_275] : memref<25x80xi32, #tpu.memory_space<vmem>> -> memref<1x80xi32, #tpu.memory_space<vmem>>
        %dma_start3A_277 = tpu.memref_squeeze %dma_start3A_276 : memref<1x80xi32, #tpu.memory_space<vmem>> -> memref<80xi32, #tpu.memory_space<vmem>>
        %dma_start3A_278 = arith.constant 0 : i32
        %dma_start3A_279 = arith.constant 0 : i32
        %dma_start3A_280 = tpu.memref_slice %arg2[%dma_start3A_278, %dma_start3A_279] : memref<10000x64xf32, #tpu.memory_space<hbm>> -> memref<10000x64xf32, #tpu.memory_space<hbm>>
        tpu.enqueue_indirect_dma source(%dma_start3A_280 : memref<10000x64xf32, #tpu.memory_space<hbm>>) target(%arg9 : memref<80x64xf32, #tpu.memory_space<vmem>>) offsets(%dma_start3A_277 : memref<80xi32, #tpu.memory_space<vmem>>) semaphore(%arg14 : memref<!tpu.dma_semaphore, #tpu.memory_space<semaphore_mem>>)
      } else {
      }
      %dma_wait3A_207 = arith.constant 0 : i32
      %dma_wait3A_208 = tpu.memref_slice %arg7[%add3A_194, %dma_wait3A_207] : memref<25x80xi32, #tpu.memory_space<vmem>> -> memref<1x80xi32, #tpu.memory_space<vmem>>
      %dma_wait3A_209 = tpu.memref_squeeze %dma_wait3A_208 : memref<1x80xi32, #tpu.memory_space<vmem>> -> memref<80xi32, #tpu.memory_space<vmem>>
      %dma_wait3A_210 = arith.constant 0 : i32
      %dma_wait3A_211 = arith.constant 0 : i32
      %dma_wait3A_212 = tpu.memref_slice %arg2[%dma_wait3A_210, %dma_wait3A_211] : memref<10000x64xf32, #tpu.memory_space<hbm>> -> memref<10000x64xf32, #tpu.memory_space<hbm>>
      tpu.wait_indirect_dma semaphore(%arg17 : memref<!tpu.dma_semaphore, #tpu.memory_space<semaphore_mem>>) src(%dma_wait3A_212 : memref<10000x64xf32, #tpu.memory_space<hbm>>) dst(%arg12 : memref<80x64xf32, #tpu.memory_space<vmem>>)
      %dma_start3A_213 = arith.constant 0 : i32
      %dma_start3A_214 = tpu.memref_slice %arg8[%add3A_194, %dma_start3A_213] : memref<25x80xi32, #tpu.memory_space<vmem>> -> memref<1x80xi32, #tpu.memory_space<vmem>>
      %dma_start3A_215 = tpu.memref_squeeze %dma_start3A_214 : memref<1x80xi32, #tpu.memory_space<vmem>> -> memref<80xi32, #tpu.memory_space<vmem>>
      %dma_start3A_216 = arith.constant 0 : i32
      %dma_start3A_217 = arith.constant 0 : i32
      %dma_start3A_218 = tpu.memref_slice %arg3[%dma_start3A_216, %dma_start3A_217] : memref<10000x64xf32, #tpu.memory_space<hbm>> -> memref<10000x64xf32, #tpu.memory_space<hbm>>
      tpu.enqueue_indirect_dma source(%dma_start3A_218 : memref<10000x64xf32, #tpu.memory_space<hbm>>) target(%arg12 : memref<80x64xf32, #tpu.memory_space<vmem>>) offsets(%dma_start3A_215 : memref<80xi32, #tpu.memory_space<vmem>>) semaphore(%arg22 : memref<!tpu.dma_semaphore, #tpu.memory_space<semaphore_mem>>) {add = true}
      %sub3A_219 = arith.constant 1 : i32
      %sub3A_220 = arith.subi %add3A_194, %sub3A_219 : i32
      %dma_wait3A_221 = arith.constant 0 : i32
      %dma_wait3A_222 = tpu.memref_slice %arg8[%sub3A_220, %dma_wait3A_221] : memref<25x80xi32, #tpu.memory_space<vmem>> -> memref<1x80xi32, #tpu.memory_space<vmem>>
      %dma_wait3A_223 = tpu.memref_squeeze %dma_wait3A_222 : memref<1x80xi32, #tpu.memory_space<vmem>> -> memref<80xi32, #tpu.memory_space<vmem>>
      %dma_wait3A_224 = arith.constant 0 : i32
      %dma_wait3A_225 = arith.constant 0 : i32
      %dma_wait3A_226 = tpu.memref_slice %arg3[%dma_wait3A_224, %dma_wait3A_225] : memref<10000x64xf32, #tpu.memory_space<hbm>> -> memref<10000x64xf32, #tpu.memory_space<hbm>>
      tpu.wait_indirect_dma semaphore(%arg21 : memref<!tpu.dma_semaphore, #tpu.memory_space<semaphore_mem>>) src(%dma_wait3A_226 : memref<10000x64xf32, #tpu.memory_space<hbm>>) dst(%arg11 : memref<80x64xf32, #tpu.memory_space<vmem>>)
      %mul3A_227 = arith.constant 80 : i32
      %mul3A_228 = arith.muli %sub3A_220, %mul3A_227 : i32
      %add3A_229 = arith.addi %mul3A_34, %mul3A_228 : i32
      %dma_start3A_230 = tpu.memref_slice %arg6[%add3A_229, %mul3A_18] : memref<32000x128xf32, #tpu.memory_space<hbm>> -> memref<80x64xf32, #tpu.memory_space<hbm>>
      %dma_start3A_231 = tpu.memref_slice %arg6[%add3A_229, %mul3A_18] : memref<32000x128xf32, #tpu.memory_space<hbm>> -> memref<80x64xf32, #tpu.memory_space<hbm>>
      tpu.enqueue_dma source(%arg11 : memref<80x64xf32, #tpu.memory_space<vmem>>) target(%dma_start3A_231 : memref<80x64xf32, #tpu.memory_space<hbm>>) target_semaphore(%arg26 : memref<!tpu.dma_semaphore, #tpu.memory_space<semaphore_mem>>)
      %mul3A_232 = arith.constant 5 : i32
      %mul3A_233 = arith.muli %scan3A_75, %mul3A_232 : i32
      %add3A_234 = arith.constant 4 : i32
      %add3A_235 = arith.addi %mul3A_233, %add3A_234 : i32
      %sub3A_236 = arith.constant 3 : i32
      %sub3A_237 = arith.subi %add3A_235, %sub3A_236 : i32
      %mul3A_238 = arith.constant 80 : i32
      %mul3A_239 = arith.muli %sub3A_237, %mul3A_238 : i32
      %add3A_240 = arith.addi %mul3A_34, %mul3A_239 : i32
      %dma_wait3A_241 = tpu.memref_slice %arg6[%add3A_240, %mul3A_18] : memref<32000x128xf32, #tpu.memory_space<hbm>> -> memref<80x64xf32, #tpu.memory_space<hbm>>
      %dma_wait3A_242 = tpu.memref_slice %arg6[%add3A_240, %mul3A_18] : memref<32000x128xf32, #tpu.memory_space<hbm>> -> memref<80x64xf32, #tpu.memory_space<hbm>>
      tpu.wait_dma2 semaphore(%arg25 : memref<!tpu.dma_semaphore, #tpu.memory_space<semaphore_mem>>) src(%arg10 : memref<80x64xf32, #tpu.memory_space<vmem>>) dst(%dma_wait3A_242 : memref<80x64xf32, #tpu.memory_space<hbm>>)
      %lt3A_243 = arith.constant 4 : i32
      %lt3A_244 = arith.cmpi slt, %scan3A_75, %lt3A_243 : i32
      %convert_element_type3A_245 = arith.extui %lt3A_244 : i1 to i32
      %cond3A_246 = arith.constant 0 : i32
      %cond3A_247 = arith.cmpi ne, %convert_element_type3A_245, %cond3A_246 : i32
      scf.if %cond3A_247 {
        %add3A_273 = arith.constant 2 : i32
        %add3A_274 = arith.addi %add3A_235, %add3A_273 : i32
        %dma_start3A_275 = arith.constant 0 : i32
        %dma_start3A_276 = tpu.memref_slice %arg7[%add3A_274, %dma_start3A_275] : memref<25x80xi32, #tpu.memory_space<vmem>> -> memref<1x80xi32, #tpu.memory_space<vmem>>
        %dma_start3A_277 = tpu.memref_squeeze %dma_start3A_276 : memref<1x80xi32, #tpu.memory_space<vmem>> -> memref<80xi32, #tpu.memory_space<vmem>>
        %dma_start3A_278 = arith.constant 0 : i32
        %dma_start3A_279 = arith.constant 0 : i32
        %dma_start3A_280 = tpu.memref_slice %arg2[%dma_start3A_278, %dma_start3A_279] : memref<10000x64xf32, #tpu.memory_space<hbm>> -> memref<10000x64xf32, #tpu.memory_space<hbm>>
        tpu.enqueue_indirect_dma source(%dma_start3A_280 : memref<10000x64xf32, #tpu.memory_space<hbm>>) target(%arg10 : memref<80x64xf32, #tpu.memory_space<vmem>>) offsets(%dma_start3A_277 : memref<80xi32, #tpu.memory_space<vmem>>) semaphore(%arg15 : memref<!tpu.dma_semaphore, #tpu.memory_space<semaphore_mem>>)
      } else {
      }
      %dma_wait3A_248 = arith.constant 0 : i32
      %dma_wait3A_249 = tpu.memref_slice %arg7[%add3A_235, %dma_wait3A_248] : memref<25x80xi32, #tpu.memory_space<vmem>> -> memref<1x80xi32, #tpu.memory_space<vmem>>
      %dma_wait3A_250 = tpu.memref_squeeze %dma_wait3A_249 : memref<1x80xi32, #tpu.memory_space<vmem>> -> memref<80xi32, #tpu.memory_space<vmem>>
      %dma_wait3A_251 = arith.constant 0 : i32
      %dma_wait3A_252 = arith.constant 0 : i32
      %dma_wait3A_253 = tpu.memref_slice %arg2[%dma_wait3A_251, %dma_wait3A_252] : memref<10000x64xf32, #tpu.memory_space<hbm>> -> memref<10000x64xf32, #tpu.memory_space<hbm>>
      tpu.wait_indirect_dma semaphore(%arg18 : memref<!tpu.dma_semaphore, #tpu.memory_space<semaphore_mem>>) src(%dma_wait3A_253 : memref<10000x64xf32, #tpu.memory_space<hbm>>) dst(%arg13 : memref<80x64xf32, #tpu.memory_space<vmem>>)
      %dma_start3A_254 = arith.constant 0 : i32
      %dma_start3A_255 = tpu.memref_slice %arg8[%add3A_235, %dma_start3A_254] : memref<25x80xi32, #tpu.memory_space<vmem>> -> memref<1x80xi32, #tpu.memory_space<vmem>>
      %dma_start3A_256 = tpu.memref_squeeze %dma_start3A_255 : memref<1x80xi32, #tpu.memory_space<vmem>> -> memref<80xi32, #tpu.memory_space<vmem>>
      %dma_start3A_257 = arith.constant 0 : i32
      %dma_start3A_258 = arith.constant 0 : i32
      %dma_start3A_259 = tpu.memref_slice %arg3[%dma_start3A_257, %dma_start3A_258] : memref<10000x64xf32, #tpu.memory_space<hbm>> -> memref<10000x64xf32, #tpu.memory_space<hbm>>
      tpu.enqueue_indirect_dma source(%dma_start3A_259 : memref<10000x64xf32, #tpu.memory_space<hbm>>) target(%arg13 : memref<80x64xf32, #tpu.memory_space<vmem>>) offsets(%dma_start3A_256 : memref<80xi32, #tpu.memory_space<vmem>>) semaphore(%arg23 : memref<!tpu.dma_semaphore, #tpu.memory_space<semaphore_mem>>) {add = true}
      %sub3A_260 = arith.constant 1 : i32
      %sub3A_261 = arith.subi %add3A_235, %sub3A_260 : i32
      %dma_wait3A_262 = arith.constant 0 : i32
      %dma_wait3A_263 = tpu.memref_slice %arg8[%sub3A_261, %dma_wait3A_262] : memref<25x80xi32, #tpu.memory_space<vmem>> -> memref<1x80xi32, #tpu.memory_space<vmem>>
      %dma_wait3A_264 = tpu.memref_squeeze %dma_wait3A_263 : memref<1x80xi32, #tpu.memory_space<vmem>> -> memref<80xi32, #tpu.memory_space<vmem>>
      %dma_wait3A_265 = arith.constant 0 : i32
      %dma_wait3A_266 = arith.constant 0 : i32
      %dma_wait3A_267 = tpu.memref_slice %arg3[%dma_wait3A_265, %dma_wait3A_266] : memref<10000x64xf32, #tpu.memory_space<hbm>> -> memref<10000x64xf32, #tpu.memory_space<hbm>>
      tpu.wait_indirect_dma semaphore(%arg22 : memref<!tpu.dma_semaphore, #tpu.memory_space<semaphore_mem>>) src(%dma_wait3A_267 : memref<10000x64xf32, #tpu.memory_space<hbm>>) dst(%arg12 : memref<80x64xf32, #tpu.memory_space<vmem>>)
      %mul3A_268 = arith.constant 80 : i32
      %mul3A_269 = arith.muli %sub3A_261, %mul3A_268 : i32
      %add3A_270 = arith.addi %mul3A_34, %mul3A_269 : i32
      %dma_start3A_271 = tpu.memref_slice %arg6[%add3A_270, %mul3A_18] : memref<32000x128xf32, #tpu.memory_space<hbm>> -> memref<80x64xf32, #tpu.memory_space<hbm>>
      %dma_start3A_272 = tpu.memref_slice %arg6[%add3A_270, %mul3A_18] : memref<32000x128xf32, #tpu.memory_space<hbm>> -> memref<80x64xf32, #tpu.memory_space<hbm>>
      tpu.enqueue_dma source(%arg12 : memref<80x64xf32, #tpu.memory_space<vmem>>) target(%dma_start3A_272 : memref<80x64xf32, #tpu.memory_space<hbm>>) target_semaphore(%arg27 : memref<!tpu.dma_semaphore, #tpu.memory_space<semaphore_mem>>)
    }
    %scan3A_52 = arith.constant 5 : i32
    %dma_wait3A = arith.constant 24 : i32
    %dma_wait3A_53 = arith.constant 0 : i32
    %dma_wait3A_54 = tpu.memref_slice %arg8[%dma_wait3A, %dma_wait3A_53] : memref<25x80xi32, #tpu.memory_space<vmem>> -> memref<1x80xi32, #tpu.memory_space<vmem>>
    %dma_wait3A_55 = tpu.memref_squeeze %dma_wait3A_54 : memref<1x80xi32, #tpu.memory_space<vmem>> -> memref<80xi32, #tpu.memory_space<vmem>>
    %dma_wait3A_56 = arith.constant 0 : i32
    %dma_wait3A_57 = arith.constant 0 : i32
    %dma_wait3A_58 = tpu.memref_slice %arg3[%dma_wait3A_56, %dma_wait3A_57] : memref<10000x64xf32, #tpu.memory_space<hbm>> -> memref<10000x64xf32, #tpu.memory_space<hbm>>
    tpu.wait_indirect_dma semaphore(%arg23 : memref<!tpu.dma_semaphore, #tpu.memory_space<semaphore_mem>>) src(%dma_wait3A_58 : memref<10000x64xf32, #tpu.memory_space<hbm>>) dst(%arg13 : memref<80x64xf32, #tpu.memory_space<vmem>>)
    %add3A_59 = arith.constant 1920 : i32
    %add3A_60 = arith.addi %mul3A_34, %add3A_59 : i32
    %dma_start3A_61 = tpu.memref_slice %arg6[%add3A_60, %mul3A_18] : memref<32000x128xf32, #tpu.memory_space<hbm>> -> memref<80x64xf32, #tpu.memory_space<hbm>>
    %dma_start3A_62 = tpu.memref_slice %arg6[%add3A_60, %mul3A_18] : memref<32000x128xf32, #tpu.memory_space<hbm>> -> memref<80x64xf32, #tpu.memory_space<hbm>>
    tpu.enqueue_dma source(%arg13 : memref<80x64xf32, #tpu.memory_space<vmem>>) target(%dma_start3A_62 : memref<80x64xf32, #tpu.memory_space<hbm>>) target_semaphore(%arg28 : memref<!tpu.dma_semaphore, #tpu.memory_space<semaphore_mem>>)
    %add3A_63 = arith.constant 1760 : i32
    %add3A_64 = arith.addi %mul3A_34, %add3A_63 : i32
    %dma_wait3A_65 = tpu.memref_slice %arg6[%add3A_64, %mul3A_18] : memref<32000x128xf32, #tpu.memory_space<hbm>> -> memref<80x64xf32, #tpu.memory_space<hbm>>
    %dma_wait3A_66 = tpu.memref_slice %arg6[%add3A_64, %mul3A_18] : memref<32000x128xf32, #tpu.memory_space<hbm>> -> memref<80x64xf32, #tpu.memory_space<hbm>>
    tpu.wait_dma2 semaphore(%arg26 : memref<!tpu.dma_semaphore, #tpu.memory_space<semaphore_mem>>) src(%arg11 : memref<80x64xf32, #tpu.memory_space<vmem>>) dst(%dma_wait3A_66 : memref<80x64xf32, #tpu.memory_space<hbm>>)
    %add3A_67 = arith.constant 1840 : i32
    %add3A_68 = arith.addi %mul3A_34, %add3A_67 : i32
    %dma_wait3A_69 = tpu.memref_slice %arg6[%add3A_68, %mul3A_18] : memref<32000x128xf32, #tpu.memory_space<hbm>> -> memref<80x64xf32, #tpu.memory_space<hbm>>
    %dma_wait3A_70 = tpu.memref_slice %arg6[%add3A_68, %mul3A_18] : memref<32000x128xf32, #tpu.memory_space<hbm>> -> memref<80x64xf32, #tpu.memory_space<hbm>>
    tpu.wait_dma2 semaphore(%arg27 : memref<!tpu.dma_semaphore, #tpu.memory_space<semaphore_mem>>) src(%arg12 : memref<80x64xf32, #tpu.memory_space<vmem>>) dst(%dma_wait3A_70 : memref<80x64xf32, #tpu.memory_space<hbm>>)
    %add3A_71 = arith.constant 1920 : i32
    %add3A_72 = arith.addi %mul3A_34, %add3A_71 : i32
    %dma_wait3A_73 = tpu.memref_slice %arg6[%add3A_72, %mul3A_18] : memref<32000x128xf32, #tpu.memory_space<hbm>> -> memref<80x64xf32, #tpu.memory_space<hbm>>
    %dma_wait3A_74 = tpu.memref_slice %arg6[%add3A_72, %mul3A_18] : memref<32000x128xf32, #tpu.memory_space<hbm>> -> memref<80x64xf32, #tpu.memory_space<hbm>>
    tpu.wait_dma2 semaphore(%arg28 : memref<!tpu.dma_semaphore, #tpu.memory_space<semaphore_mem>>) src(%arg13 : memref<80x64xf32, #tpu.memory_space<vmem>>) dst(%dma_wait3A_74 : memref<80x64xf32, #tpu.memory_space<hbm>>)
    return
  }
}

module attributes {stable_mosaic.version = 14 : i64} {
  func.func @_node_body(%arg0: memref<10000x128xf32, #tpu.memory_space<vmem>>, %arg1: memref<12x64xf32, #tpu.memory_space<vmem>>, %arg2: memref<1x64xf32, #tpu.memory_space<vmem>>, %arg3: memref<1x64xf32, #tpu.memory_space<vmem>>, %arg4: memref<1x64xf32, #tpu.memory_space<vmem>>, %arg5: memref<64x64xf32, #tpu.memory_space<vmem>>, %arg6: memref<64x64xf32, #tpu.memory_space<vmem>>, %arg7: memref<1x64xf32, #tpu.memory_space<vmem>>, %arg8: memref<10000x64xf32, #tpu.memory_space<vmem>>, %arg9: memref<10000x64xf32, #tpu.memory_space<vmem>>, %arg10: memref<10000x64xf32, #tpu.memory_space<vmem>>) attributes {dimension_semantics = [], scalar_prefetch = 0 : i64, scratch_operands = 0 : i64, tpu.core_type = #tpu.core_type<tc>} {
    %get3A = arith.constant 0 : index
    %get3A_0 = arith.constant 0 : index
    %get3A_1 = vector.load %arg0[%get3A, %get3A_0] : memref<10000x128xf32, #tpu.memory_space<vmem>>, vector<10000x12xf32>
    %get3A_2 = arith.constant 0 : index
    %get3A_3 = arith.constant 0 : index
    %get3A_4 = vector.load %arg1[%get3A_2, %get3A_3] : memref<12x64xf32, #tpu.memory_space<vmem>>, vector<12x64xf32>
    %dot_general3A = arith.constant dense<0.000000e+00> : vector<10000x64xf32>
    %dot_general3A_5 = tpu.matmul %get3A_1, %get3A_4, %dot_general3A {dimension_numbers = #tpu.dot_dimension_numbers<[1], [0], [0], [1], [0, 0, 1, 1], [], []>, transpose_lhs_hint = false} : vector<10000x12xf32>, vector<12x64xf32>, vector<10000x64xf32> -> vector<10000x64xf32>
    %get3A_6 = arith.constant 0 : index
    %get3A_7 = arith.constant 0 : index
    %get3A_8 = vector.load %arg2[%get3A_6, %get3A_7] : memref<1x64xf32, #tpu.memory_space<vmem>>, vector<1x64xf32>
    %add3A = vector.broadcast %get3A_8 : vector<1x64xf32> to vector<10000x64xf32>
    %add3A_9 = arith.addf %dot_general3A_5, %add3A : vector<10000x64xf32>
    %reduce_sum3A = arith.constant dense<0.000000e+00> : vector<10000xf32>
    %reduce_sum3A_10 = vector.multi_reduction <add>, %add3A_9, %reduce_sum3A [1] : vector<10000x64xf32> to vector<10000xf32>
    %broadcast_in_dim3A = vector.shape_cast %reduce_sum3A_10 : vector<10000xf32> to vector<10000x1xf32>
    %div3A = arith.constant 6.400000e+01 : f32
    %div3A_11 = vector.broadcast %div3A : f32 to vector<10000x1xf32>
    %div3A_12 = arith.divf %broadcast_in_dim3A, %div3A_11 : vector<10000x1xf32>
    %sub3A = vector.broadcast %div3A_12 : vector<10000x1xf32> to vector<10000x64xf32>
    %sub3A_13 = arith.subf %add3A_9, %sub3A : vector<10000x64xf32>
    %integer_pow3A = arith.mulf %sub3A_13, %sub3A_13 : vector<10000x64xf32>
    %reduce_sum3A_14 = arith.constant dense<0.000000e+00> : vector<10000xf32>
    %reduce_sum3A_15 = vector.multi_reduction <add>, %integer_pow3A, %reduce_sum3A_14 [1] : vector<10000x64xf32> to vector<10000xf32>
    %broadcast_in_dim3A_16 = vector.shape_cast %reduce_sum3A_15 : vector<10000xf32> to vector<10000x1xf32>
    %div3A_17 = arith.constant 6.400000e+01 : f32
    %div3A_18 = vector.broadcast %div3A_17 : f32 to vector<10000x1xf32>
    %div3A_19 = arith.divf %broadcast_in_dim3A_16, %div3A_18 : vector<10000x1xf32>
    %sub3A_20 = vector.broadcast %div3A_12 : vector<10000x1xf32> to vector<10000x64xf32>
    %sub3A_21 = arith.subf %add3A_9, %sub3A_20 : vector<10000x64xf32>
    %add3A_22 = arith.constant 9.99999974E-6 : f32
    %add3A_23 = vector.broadcast %add3A_22 : f32 to vector<10000x1xf32>
    %add3A_24 = arith.addf %div3A_19, %add3A_23 : vector<10000x1xf32>
    %rsqrt3A = math.rsqrt %add3A_24 : vector<10000x1xf32>
    %mul3A = vector.broadcast %rsqrt3A : vector<10000x1xf32> to vector<10000x64xf32>
    %mul3A_25 = arith.mulf %sub3A_21, %mul3A : vector<10000x64xf32>
    %get3A_26 = arith.constant 0 : index
    %get3A_27 = arith.constant 0 : index
    %get3A_28 = vector.load %arg3[%get3A_26, %get3A_27] : memref<1x64xf32, #tpu.memory_space<vmem>>, vector<1x64xf32>
    %mul3A_29 = vector.broadcast %get3A_28 : vector<1x64xf32> to vector<10000x64xf32>
    %mul3A_30 = arith.mulf %mul3A_25, %mul3A_29 : vector<10000x64xf32>
    %get3A_31 = arith.constant 0 : index
    %get3A_32 = arith.constant 0 : index
    %get3A_33 = vector.load %arg4[%get3A_31, %get3A_32] : memref<1x64xf32, #tpu.memory_space<vmem>>, vector<1x64xf32>
    %add3A_34 = vector.broadcast %get3A_33 : vector<1x64xf32> to vector<10000x64xf32>
    %add3A_35 = arith.addf %mul3A_30, %add3A_34 : vector<10000x64xf32>
    %tanh3A = math.tanh %add3A_35 : vector<10000x64xf32>
    %swap3A = arith.constant 0 : index
    %swap3A_36 = arith.constant 0 : index
    %swap3A_37 = vector.load %arg8[%swap3A, %swap3A_36] : memref<10000x64xf32, #tpu.memory_space<vmem>>, vector<10000x64xf32>
    tpu.vector_store %arg8[%swap3A, %swap3A_36], %tanh3A {strides = array<i32>} : memref<10000x64xf32, #tpu.memory_space<vmem>>, vector<10000x64xf32>,
    %get3A_38 = arith.constant 0 : index
    %get3A_39 = arith.constant 0 : index
    %get3A_40 = vector.load %arg5[%get3A_38, %get3A_39] : memref<64x64xf32, #tpu.memory_space<vmem>>, vector<64x64xf32>
    %dot_general3A_41 = arith.constant dense<0.000000e+00> : vector<10000x64xf32>
    %dot_general3A_42 = tpu.matmul %tanh3A, %get3A_40, %dot_general3A_41 {dimension_numbers = #tpu.dot_dimension_numbers<[1], [0], [0], [1], [0, 0, 1, 1], [], []>, transpose_lhs_hint = false} : vector<10000x64xf32>, vector<64x64xf32>, vector<10000x64xf32> -> vector<10000x64xf32>
    %get3A_43 = arith.constant 0 : index
    %get3A_44 = arith.constant 0 : index
    %get3A_45 = vector.load %arg7[%get3A_43, %get3A_44] : memref<1x64xf32, #tpu.memory_space<vmem>>, vector<1x64xf32>
    %add3A_46 = vector.broadcast %get3A_45 : vector<1x64xf32> to vector<10000x64xf32>
    %add3A_47 = arith.addf %dot_general3A_42, %add3A_46 : vector<10000x64xf32>
    %swap3A_48 = arith.constant 0 : index
    %swap3A_49 = arith.constant 0 : index
    %swap3A_50 = vector.load %arg9[%swap3A_48, %swap3A_49] : memref<10000x64xf32, #tpu.memory_space<vmem>>, vector<10000x64xf32>
    tpu.vector_store %arg9[%swap3A_48, %swap3A_49], %add3A_47 {strides = array<i32>} : memref<10000x64xf32, #tpu.memory_space<vmem>>, vector<10000x64xf32>,
    %get3A_51 = arith.constant 0 : index
    %get3A_52 = arith.constant 0 : index
    %get3A_53 = vector.load %arg6[%get3A_51, %get3A_52] : memref<64x64xf32, #tpu.memory_space<vmem>>, vector<64x64xf32>
    %dot_general3A_54 = arith.constant dense<0.000000e+00> : vector<10000x64xf32>
    %dot_general3A_55 = tpu.matmul %tanh3A, %get3A_53, %dot_general3A_54 {dimension_numbers = #tpu.dot_dimension_numbers<[1], [0], [0], [1], [0, 0, 1, 1], [], []>, transpose_lhs_hint = false} : vector<10000x64xf32>, vector<64x64xf32>, vector<10000x64xf32> -> vector<10000x64xf32>
    %swap3A_56 = arith.constant 0 : index
    %swap3A_57 = arith.constant 0 : index
    %swap3A_58 = vector.load %arg10[%swap3A_56, %swap3A_57] : memref<10000x64xf32, #tpu.memory_space<vmem>>, vector<10000x64xf32>
    tpu.vector_store %arg10[%swap3A_56, %swap3A_57], %dot_general3A_55 {strides = array<i32>} : memref<10000x64xf32, #tpu.memory_space<vmem>>, vector<10000x64xf32>,
    return
  }
}

module attributes {stable_mosaic.version = 14 : i64} {
  func.func @_edge_ln_body0(%arg0: i32, %arg1: memref<6400x128xf32, #tpu.memory_space<vmem>>, %arg2: memref<1x64xf32, #tpu.memory_space<vmem>>, %arg3: memref<1x64xf32, #tpu.memory_space<vmem>>, %arg4: memref<2x6400x64xf32, #tpu.memory_space<vmem>>) attributes {dimension_semantics = [#tpu.dimension_semantics<arbitrary>], iteration_bounds = array<i64: 5>, scalar_prefetch = 0 : i64, scratch_operands = 0 : i64, tpu.core_type = #tpu.core_type<tc>, window_params = [{transform_indices = @transform_0, window_bounds = array<i64: 6400, 128>}, {pipeline_mode = #tpu.pipeline_mode<synchronous>, transform_indices = @transform_1, window_bounds = array<i64: 1, 64>}, {pipeline_mode = #tpu.pipeline_mode<synchronous>, transform_indices = @transform_2, window_bounds = array<i64: 1, 64>}, {transform_indices = @transform_3, window_bounds = array<i64: 2, 6400, 64>}]} {
    %get3A = arith.constant 0 : index
    %get3A_0 = arith.constant 0 : index
    %get3A_1 = vector.load %arg1[%get3A, %get3A_0] : memref<6400x128xf32, #tpu.memory_space<vmem>>, vector<6400x128xf32>
    %slice3A = vector.extract_strided_slice %get3A_1 {offsets = [0, 0], sizes = [6400, 64], strides = [1, 1]} : vector<6400x128xf32> to vector<6400x64xf32>
    %reduce_sum3A = arith.constant dense<0.000000e+00> : vector<6400xf32>
    %reduce_sum3A_2 = vector.multi_reduction <add>, %slice3A, %reduce_sum3A [1] : vector<6400x64xf32> to vector<6400xf32>
    %broadcast_in_dim3A = vector.shape_cast %reduce_sum3A_2 : vector<6400xf32> to vector<6400x1xf32>
    %div3A = arith.constant 6.400000e+01 : f32
    %div3A_3 = vector.broadcast %div3A : f32 to vector<6400x1xf32>
    %div3A_4 = arith.divf %broadcast_in_dim3A, %div3A_3 : vector<6400x1xf32>
    %sub3A = vector.broadcast %div3A_4 : vector<6400x1xf32> to vector<6400x64xf32>
    %sub3A_5 = arith.subf %slice3A, %sub3A : vector<6400x64xf32>
    %integer_pow3A = arith.mulf %sub3A_5, %sub3A_5 : vector<6400x64xf32>
    %reduce_sum3A_6 = arith.constant dense<0.000000e+00> : vector<6400xf32>
    %reduce_sum3A_7 = vector.multi_reduction <add>, %integer_pow3A, %reduce_sum3A_6 [1] : vector<6400x64xf32> to vector<6400xf32>
    %broadcast_in_dim3A_8 = vector.shape_cast %reduce_sum3A_7 : vector<6400xf32> to vector<6400x1xf32>
    %div3A_9 = arith.constant 6.400000e+01 : f32
    %div3A_10 = vector.broadcast %div3A_9 : f32 to vector<6400x1xf32>
    %div3A_11 = arith.divf %broadcast_in_dim3A_8, %div3A_10 : vector<6400x1xf32>
    %sub3A_12 = vector.broadcast %div3A_4 : vector<6400x1xf32> to vector<6400x64xf32>
    %sub3A_13 = arith.subf %slice3A, %sub3A_12 : vector<6400x64xf32>
    %add3A = arith.constant 9.99999974E-6 : f32
    %add3A_14 = vector.broadcast %add3A : f32 to vector<6400x1xf32>
    %add3A_15 = arith.addf %div3A_11, %add3A_14 : vector<6400x1xf32>
    %rsqrt3A = math.rsqrt %add3A_15 : vector<6400x1xf32>
    %mul3A = vector.broadcast %rsqrt3A : vector<6400x1xf32> to vector<6400x64xf32>
    %mul3A_16 = arith.mulf %sub3A_13, %mul3A : vector<6400x64xf32>
    %get3A_17 = arith.constant 0 : index
    %get3A_18 = arith.constant 0 : index
    %get3A_19 = vector.load %arg2[%get3A_17, %get3A_18] : memref<1x64xf32, #tpu.memory_space<vmem>>, vector<1x64xf32>
    %mul3A_20 = vector.broadcast %get3A_19 : vector<1x64xf32> to vector<6400x64xf32>
    %mul3A_21 = arith.mulf %mul3A_16, %mul3A_20 : vector<6400x64xf32>
    %get3A_22 = arith.constant 0 : index
    %get3A_23 = arith.constant 0 : index
    %get3A_24 = vector.load %arg3[%get3A_22, %get3A_23] : memref<1x64xf32, #tpu.memory_space<vmem>>, vector<1x64xf32>
    %add3A_25 = vector.broadcast %get3A_24 : vector<1x64xf32> to vector<6400x64xf32>
    %add3A_26 = arith.addf %mul3A_21, %add3A_25 : vector<6400x64xf32>
    %tanh3A = math.tanh %add3A_26 : vector<6400x64xf32>
    %swap3A = arith.constant 0 : index
    %swap3A_27 = arith.constant 0 : index
    %swap3A_28 = arith.constant 0 : index
    %swap3A_29 = vector.load %arg4[%swap3A, %swap3A_27, %swap3A_28] : memref<2x6400x64xf32, #tpu.memory_space<vmem>>, vector<1x6400x64xf32>
    %swap3A_30 = vector.shape_cast %swap3A_29 : vector<1x6400x64xf32> to vector<6400x64xf32>
    %swap3A_31 = vector.shape_cast %tanh3A : vector<6400x64xf32> to vector<1x6400x64xf32>
    tpu.vector_store %arg4[%swap3A, %swap3A_27, %swap3A_28], %swap3A_31 {strides = array<i32>} : memref<2x6400x64xf32, #tpu.memory_space<vmem>>, vector<1x6400x64xf32>,
    %slice3A_32 = vector.extract_strided_slice %get3A_1 {offsets = [0, 64], sizes = [6400, 64], strides = [1, 1]} : vector<6400x128xf32> to vector<6400x64xf32>
    %reduce_sum3A_33 = arith.constant dense<0.000000e+00> : vector<6400xf32>
    %reduce_sum3A_34 = vector.multi_reduction <add>, %slice3A_32, %reduce_sum3A_33 [1] : vector<6400x64xf32> to vector<6400xf32>
    %broadcast_in_dim3A_35 = vector.shape_cast %reduce_sum3A_34 : vector<6400xf32> to vector<6400x1xf32>
    %div3A_36 = arith.constant 6.400000e+01 : f32
    %div3A_37 = vector.broadcast %div3A_36 : f32 to vector<6400x1xf32>
    %div3A_38 = arith.divf %broadcast_in_dim3A_35, %div3A_37 : vector<6400x1xf32>
    %sub3A_39 = vector.broadcast %div3A_38 : vector<6400x1xf32> to vector<6400x64xf32>
    %sub3A_40 = arith.subf %slice3A_32, %sub3A_39 : vector<6400x64xf32>
    %integer_pow3A_41 = arith.mulf %sub3A_40, %sub3A_40 : vector<6400x64xf32>
    %reduce_sum3A_42 = arith.constant dense<0.000000e+00> : vector<6400xf32>
    %reduce_sum3A_43 = vector.multi_reduction <add>, %integer_pow3A_41, %reduce_sum3A_42 [1] : vector<6400x64xf32> to vector<6400xf32>
    %broadcast_in_dim3A_44 = vector.shape_cast %reduce_sum3A_43 : vector<6400xf32> to vector<6400x1xf32>
    %div3A_45 = arith.constant 6.400000e+01 : f32
    %div3A_46 = vector.broadcast %div3A_45 : f32 to vector<6400x1xf32>
    %div3A_47 = arith.divf %broadcast_in_dim3A_44, %div3A_46 : vector<6400x1xf32>
    %sub3A_48 = vector.broadcast %div3A_38 : vector<6400x1xf32> to vector<6400x64xf32>
    %sub3A_49 = arith.subf %slice3A_32, %sub3A_48 : vector<6400x64xf32>
    %add3A_50 = arith.constant 9.99999974E-6 : f32
    %add3A_51 = vector.broadcast %add3A_50 : f32 to vector<6400x1xf32>
    %add3A_52 = arith.addf %div3A_47, %add3A_51 : vector<6400x1xf32>
    %rsqrt3A_53 = math.rsqrt %add3A_52 : vector<6400x1xf32>
    %mul3A_54 = vector.broadcast %rsqrt3A_53 : vector<6400x1xf32> to vector<6400x64xf32>
    %mul3A_55 = arith.mulf %sub3A_49, %mul3A_54 : vector<6400x64xf32>
    %get3A_56 = arith.constant 0 : index
    %get3A_57 = arith.constant 0 : index
    %get3A_58 = vector.load %arg2[%get3A_56, %get3A_57] : memref<1x64xf32, #tpu.memory_space<vmem>>, vector<1x64xf32>
    %mul3A_59 = vector.broadcast %get3A_58 : vector<1x64xf32> to vector<6400x64xf32>
    %mul3A_60 = arith.mulf %mul3A_55, %mul3A_59 : vector<6400x64xf32>
    %get3A_61 = arith.constant 0 : index
    %get3A_62 = arith.constant 0 : index
    %get3A_63 = vector.load %arg3[%get3A_61, %get3A_62] : memref<1x64xf32, #tpu.memory_space<vmem>>, vector<1x64xf32>
    %add3A_64 = vector.broadcast %get3A_63 : vector<1x64xf32> to vector<6400x64xf32>
    %add3A_65 = arith.addf %mul3A_60, %add3A_64 : vector<6400x64xf32>
    %tanh3A_66 = math.tanh %add3A_65 : vector<6400x64xf32>
    %swap3A_67 = arith.constant 1 : index
    %swap3A_68 = arith.constant 0 : index
    %swap3A_69 = arith.constant 0 : index
    %swap3A_70 = vector.load %arg4[%swap3A_67, %swap3A_68, %swap3A_69] : memref<2x6400x64xf32, #tpu.memory_space<vmem>>, vector<1x6400x64xf32>
    %swap3A_71 = vector.shape_cast %swap3A_70 : vector<1x6400x64xf32> to vector<6400x64xf32>
    %swap3A_72 = vector.shape_cast %tanh3A_66 : vector<6400x64xf32> to vector<1x6400x64xf32>
    tpu.vector_store %arg4[%swap3A_67, %swap3A_68, %swap3A_69], %swap3A_72 {strides = array<i32>} : memref<2x6400x64xf32, #tpu.memory_space<vmem>>, vector<1x6400x64xf32>,
    return
  }
  func.func @transform_0(%arg0: i32) -> (i32, i32) {
    %c0_i32 = arith.constant 0 : i32
    %c0_i32_0 = arith.constant 0 : i32
    return %arg0, %c0_i32 : i32, i32
  }
  func.func @transform_1(%arg0: i32) -> (i32, i32) {
    %c0_i32 = arith.constant 0 : i32
    %c0_i32_0 = arith.constant 0 : i32
    %c0_i32_1 = arith.constant 0 : i32
    return %c0_i32, %c0_i32_0 : i32, i32
  }
  func.func @transform_2(%arg0: i32) -> (i32, i32) {
    %c0_i32 = arith.constant 0 : i32
    %c0_i32_0 = arith.constant 0 : i32
    %c0_i32_1 = arith.constant 0 : i32
    return %c0_i32, %c0_i32_0 : i32, i32
  }
  func.func @transform_3(%arg0: i32) -> (i32, i32, i32) {
    %add3A = arith.constant 0 : i32
    %add3A_0 = arith.addi %arg0, %add3A : i32
    %c0_i32 = arith.constant 0 : i32
    %c0_i32_1 = arith.constant 0 : i32
    %c0_i32_2 = arith.constant 0 : i32
    return %c0_i32, %add3A_0, %c0_i32_1 : i32, i32, i32
  }
}

module attributes {stable_mosaic.version = 14 : i64} {
  func.func @_edge_ln_body(%arg0: i32, %arg1: memref<6400x128xf32, #tpu.memory_space<vmem>>, %arg2: memref<1x64xf32, #tpu.memory_space<vmem>>, %arg3: memref<1x64xf32, #tpu.memory_space<vmem>>, %arg4: memref<2x160000x64xf32, #tpu.memory_space<any>>, %arg5: memref<2x6400x64xf32, #tpu.memory_space<vmem>>) attributes {dimension_semantics = [#tpu.dimension_semantics<arbitrary>], iteration_bounds = array<i64: 5>, scalar_prefetch = 0 : i64, scratch_operands = 0 : i64, tpu.core_type = #tpu.core_type<tc>, window_params = [{transform_indices = @transform_0, window_bounds = array<i64: 6400, 128>}, {pipeline_mode = #tpu.pipeline_mode<synchronous>, transform_indices = @transform_1, window_bounds = array<i64: 1, 64>}, {pipeline_mode = #tpu.pipeline_mode<synchronous>, transform_indices = @transform_2, window_bounds = array<i64: 1, 64>}, {}, {transform_indices = @transform_4, window_bounds = array<i64: 2, 6400, 64>}]} {
    %get3A = arith.constant 0 : index
    %get3A_0 = arith.constant 0 : index
    %get3A_1 = vector.load %arg1[%get3A, %get3A_0] : memref<6400x128xf32, #tpu.memory_space<vmem>>, vector<6400x128xf32>
    %slice3A = vector.extract_strided_slice %get3A_1 {offsets = [0, 0], sizes = [6400, 64], strides = [1, 1]} : vector<6400x128xf32> to vector<6400x64xf32>
    %reduce_sum3A = arith.constant dense<0.000000e+00> : vector<6400xf32>
    %reduce_sum3A_2 = vector.multi_reduction <add>, %slice3A, %reduce_sum3A [1] : vector<6400x64xf32> to vector<6400xf32>
    %broadcast_in_dim3A = vector.shape_cast %reduce_sum3A_2 : vector<6400xf32> to vector<6400x1xf32>
    %div3A = arith.constant 6.400000e+01 : f32
    %div3A_3 = vector.broadcast %div3A : f32 to vector<6400x1xf32>
    %div3A_4 = arith.divf %broadcast_in_dim3A, %div3A_3 : vector<6400x1xf32>
    %sub3A = vector.broadcast %div3A_4 : vector<6400x1xf32> to vector<6400x64xf32>
    %sub3A_5 = arith.subf %slice3A, %sub3A : vector<6400x64xf32>
    %integer_pow3A = arith.mulf %sub3A_5, %sub3A_5 : vector<6400x64xf32>
    %reduce_sum3A_6 = arith.constant dense<0.000000e+00> : vector<6400xf32>
    %reduce_sum3A_7 = vector.multi_reduction <add>, %integer_pow3A, %reduce_sum3A_6 [1] : vector<6400x64xf32> to vector<6400xf32>
    %broadcast_in_dim3A_8 = vector.shape_cast %reduce_sum3A_7 : vector<6400xf32> to vector<6400x1xf32>
    %div3A_9 = arith.constant 6.400000e+01 : f32
    %div3A_10 = vector.broadcast %div3A_9 : f32 to vector<6400x1xf32>
    %div3A_11 = arith.divf %broadcast_in_dim3A_8, %div3A_10 : vector<6400x1xf32>
    %sub3A_12 = vector.broadcast %div3A_4 : vector<6400x1xf32> to vector<6400x64xf32>
    %sub3A_13 = arith.subf %slice3A, %sub3A_12 : vector<6400x64xf32>
    %add3A = arith.constant 9.99999974E-6 : f32
    %add3A_14 = vector.broadcast %add3A : f32 to vector<6400x1xf32>
    %add3A_15 = arith.addf %div3A_11, %add3A_14 : vector<6400x1xf32>
    %rsqrt3A = math.rsqrt %add3A_15 : vector<6400x1xf32>
    %mul3A = vector.broadcast %rsqrt3A : vector<6400x1xf32> to vector<6400x64xf32>
    %mul3A_16 = arith.mulf %sub3A_13, %mul3A : vector<6400x64xf32>
    %get3A_17 = arith.constant 0 : index
    %get3A_18 = arith.constant 0 : index
    %get3A_19 = vector.load %arg2[%get3A_17, %get3A_18] : memref<1x64xf32, #tpu.memory_space<vmem>>, vector<1x64xf32>
    %mul3A_20 = vector.broadcast %get3A_19 : vector<1x64xf32> to vector<6400x64xf32>
    %mul3A_21 = arith.mulf %mul3A_16, %mul3A_20 : vector<6400x64xf32>
    %get3A_22 = arith.constant 0 : index
    %get3A_23 = arith.constant 0 : index
    %get3A_24 = vector.load %arg3[%get3A_22, %get3A_23] : memref<1x64xf32, #tpu.memory_space<vmem>>, vector<1x64xf32>
    %add3A_25 = vector.broadcast %get3A_24 : vector<1x64xf32> to vector<6400x64xf32>
    %add3A_26 = arith.addf %mul3A_21, %add3A_25 : vector<6400x64xf32>
    %tanh3A = math.tanh %add3A_26 : vector<6400x64xf32>
    %swap3A = arith.constant 0 : index
    %swap3A_27 = arith.constant 0 : index
    %swap3A_28 = arith.constant 0 : index
    %swap3A_29 = vector.load %arg5[%swap3A, %swap3A_27, %swap3A_28] : memref<2x6400x64xf32, #tpu.memory_space<vmem>>, vector<1x6400x64xf32>
    %swap3A_30 = vector.shape_cast %swap3A_29 : vector<1x6400x64xf32> to vector<6400x64xf32>
    %swap3A_31 = vector.shape_cast %tanh3A : vector<6400x64xf32> to vector<1x6400x64xf32>
    tpu.vector_store %arg5[%swap3A, %swap3A_27, %swap3A_28], %swap3A_31 {strides = array<i32>} : memref<2x6400x64xf32, #tpu.memory_space<vmem>>, vector<1x6400x64xf32>,
    %slice3A_32 = vector.extract_strided_slice %get3A_1 {offsets = [0, 64], sizes = [6400, 64], strides = [1, 1]} : vector<6400x128xf32> to vector<6400x64xf32>
    %reduce_sum3A_33 = arith.constant dense<0.000000e+00> : vector<6400xf32>
    %reduce_sum3A_34 = vector.multi_reduction <add>, %slice3A_32, %reduce_sum3A_33 [1] : vector<6400x64xf32> to vector<6400xf32>
    %broadcast_in_dim3A_35 = vector.shape_cast %reduce_sum3A_34 : vector<6400xf32> to vector<6400x1xf32>
    %div3A_36 = arith.constant 6.400000e+01 : f32
    %div3A_37 = vector.broadcast %div3A_36 : f32 to vector<6400x1xf32>
    %div3A_38 = arith.divf %broadcast_in_dim3A_35, %div3A_37 : vector<6400x1xf32>
    %sub3A_39 = vector.broadcast %div3A_38 : vector<6400x1xf32> to vector<6400x64xf32>
    %sub3A_40 = arith.subf %slice3A_32, %sub3A_39 : vector<6400x64xf32>
    %integer_pow3A_41 = arith.mulf %sub3A_40, %sub3A_40 : vector<6400x64xf32>
    %reduce_sum3A_42 = arith.constant dense<0.000000e+00> : vector<6400xf32>
    %reduce_sum3A_43 = vector.multi_reduction <add>, %integer_pow3A_41, %reduce_sum3A_42 [1] : vector<6400x64xf32> to vector<6400xf32>
    %broadcast_in_dim3A_44 = vector.shape_cast %reduce_sum3A_43 : vector<6400xf32> to vector<6400x1xf32>
    %div3A_45 = arith.constant 6.400000e+01 : f32
    %div3A_46 = vector.broadcast %div3A_45 : f32 to vector<6400x1xf32>
    %div3A_47 = arith.divf %broadcast_in_dim3A_44, %div3A_46 : vector<6400x1xf32>
    %sub3A_48 = vector.broadcast %div3A_38 : vector<6400x1xf32> to vector<6400x64xf32>
    %sub3A_49 = arith.subf %slice3A_32, %sub3A_48 : vector<6400x64xf32>
    %add3A_50 = arith.constant 9.99999974E-6 : f32
    %add3A_51 = vector.broadcast %add3A_50 : f32 to vector<6400x1xf32>
    %add3A_52 = arith.addf %div3A_47, %add3A_51 : vector<6400x1xf32>
    %rsqrt3A_53 = math.rsqrt %add3A_52 : vector<6400x1xf32>
    %mul3A_54 = vector.broadcast %rsqrt3A_53 : vector<6400x1xf32> to vector<6400x64xf32>
    %mul3A_55 = arith.mulf %sub3A_49, %mul3A_54 : vector<6400x64xf32>
    %get3A_56 = arith.constant 0 : index
    %get3A_57 = arith.constant 0 : index
    %get3A_58 = vector.load %arg2[%get3A_56, %get3A_57] : memref<1x64xf32, #tpu.memory_space<vmem>>, vector<1x64xf32>
    %mul3A_59 = vector.broadcast %get3A_58 : vector<1x64xf32> to vector<6400x64xf32>
    %mul3A_60 = arith.mulf %mul3A_55, %mul3A_59 : vector<6400x64xf32>
    %get3A_61 = arith.constant 0 : index
    %get3A_62 = arith.constant 0 : index
    %get3A_63 = vector.load %arg3[%get3A_61, %get3A_62] : memref<1x64xf32, #tpu.memory_space<vmem>>, vector<1x64xf32>
    %add3A_64 = vector.broadcast %get3A_63 : vector<1x64xf32> to vector<6400x64xf32>
    %add3A_65 = arith.addf %mul3A_60, %add3A_64 : vector<6400x64xf32>
    %tanh3A_66 = math.tanh %add3A_65 : vector<6400x64xf32>
    %swap3A_67 = arith.constant 1 : index
    %swap3A_68 = arith.constant 0 : index
    %swap3A_69 = arith.constant 0 : index
    %swap3A_70 = vector.load %arg5[%swap3A_67, %swap3A_68, %swap3A_69] : memref<2x6400x64xf32, #tpu.memory_space<vmem>>, vector<1x6400x64xf32>
    %swap3A_71 = vector.shape_cast %swap3A_70 : vector<1x6400x64xf32> to vector<6400x64xf32>
    %swap3A_72 = vector.shape_cast %tanh3A_66 : vector<6400x64xf32> to vector<1x6400x64xf32>
    tpu.vector_store %arg5[%swap3A_67, %swap3A_68, %swap3A_69], %swap3A_72 {strides = array<i32>} : memref<2x6400x64xf32, #tpu.memory_space<vmem>>, vector<1x6400x64xf32>,
    return
  }
  func.func @transform_0(%arg0: i32) -> (i32, i32) {
    %c0_i32 = arith.constant 0 : i32
    %c0_i32_0 = arith.constant 0 : i32
    return %arg0, %c0_i32 : i32, i32
  }
  func.func @transform_1(%arg0: i32) -> (i32, i32) {
    %c0_i32 = arith.constant 0 : i32
    %c0_i32_0 = arith.constant 0 : i32
    %c0_i32_1 = arith.constant 0 : i32
    return %c0_i32, %c0_i32_0 : i32, i32
  }
  func.func @transform_2(%arg0: i32) -> (i32, i32) {
    %c0_i32 = arith.constant 0 : i32
    %c0_i32_0 = arith.constant 0 : i32
    %c0_i32_1 = arith.constant 0 : i32
    return %c0_i32, %c0_i32_0 : i32, i32
  }
  func.func @transform_4(%arg0: i32) -> (i32, i32, i32) {
    %add3A = arith.constant 5 : i32
    %add3A_0 = arith.addi %arg0, %add3A : i32
    %c0_i32 = arith.constant 0 : i32
    %c0_i32_1 = arith.constant 0 : i32
    %c0_i32_2 = arith.constant 0 : i32
    return %c0_i32, %add3A_0, %c0_i32_1 : i32, i32, i32
  }
}

module attributes {stable_mosaic.version = 14 : i64} {
  func.func @_edge_ln_body(%arg0: i32, %arg1: memref<6400x128xf32, #tpu.memory_space<vmem>>, %arg2: memref<1x64xf32, #tpu.memory_space<vmem>>, %arg3: memref<1x64xf32, #tpu.memory_space<vmem>>, %arg4: memref<2x160000x64xf32, #tpu.memory_space<any>>, %arg5: memref<2x6400x64xf32, #tpu.memory_space<vmem>>) attributes {dimension_semantics = [#tpu.dimension_semantics<arbitrary>], iteration_bounds = array<i64: 5>, scalar_prefetch = 0 : i64, scratch_operands = 0 : i64, tpu.core_type = #tpu.core_type<tc>, window_params = [{transform_indices = @transform_0, window_bounds = array<i64: 6400, 128>}, {pipeline_mode = #tpu.pipeline_mode<synchronous>, transform_indices = @transform_1, window_bounds = array<i64: 1, 64>}, {pipeline_mode = #tpu.pipeline_mode<synchronous>, transform_indices = @transform_2, window_bounds = array<i64: 1, 64>}, {}, {transform_indices = @transform_4, window_bounds = array<i64: 2, 6400, 64>}]} {
    %get3A = arith.constant 0 : index
    %get3A_0 = arith.constant 0 : index
    %get3A_1 = vector.load %arg1[%get3A, %get3A_0] : memref<6400x128xf32, #tpu.memory_space<vmem>>, vector<6400x128xf32>
    %slice3A = vector.extract_strided_slice %get3A_1 {offsets = [0, 0], sizes = [6400, 64], strides = [1, 1]} : vector<6400x128xf32> to vector<6400x64xf32>
    %reduce_sum3A = arith.constant dense<0.000000e+00> : vector<6400xf32>
    %reduce_sum3A_2 = vector.multi_reduction <add>, %slice3A, %reduce_sum3A [1] : vector<6400x64xf32> to vector<6400xf32>
    %broadcast_in_dim3A = vector.shape_cast %reduce_sum3A_2 : vector<6400xf32> to vector<6400x1xf32>
    %div3A = arith.constant 6.400000e+01 : f32
    %div3A_3 = vector.broadcast %div3A : f32 to vector<6400x1xf32>
    %div3A_4 = arith.divf %broadcast_in_dim3A, %div3A_3 : vector<6400x1xf32>
    %sub3A = vector.broadcast %div3A_4 : vector<6400x1xf32> to vector<6400x64xf32>
    %sub3A_5 = arith.subf %slice3A, %sub3A : vector<6400x64xf32>
    %integer_pow3A = arith.mulf %sub3A_5, %sub3A_5 : vector<6400x64xf32>
    %reduce_sum3A_6 = arith.constant dense<0.000000e+00> : vector<6400xf32>
    %reduce_sum3A_7 = vector.multi_reduction <add>, %integer_pow3A, %reduce_sum3A_6 [1] : vector<6400x64xf32> to vector<6400xf32>
    %broadcast_in_dim3A_8 = vector.shape_cast %reduce_sum3A_7 : vector<6400xf32> to vector<6400x1xf32>
    %div3A_9 = arith.constant 6.400000e+01 : f32
    %div3A_10 = vector.broadcast %div3A_9 : f32 to vector<6400x1xf32>
    %div3A_11 = arith.divf %broadcast_in_dim3A_8, %div3A_10 : vector<6400x1xf32>
    %sub3A_12 = vector.broadcast %div3A_4 : vector<6400x1xf32> to vector<6400x64xf32>
    %sub3A_13 = arith.subf %slice3A, %sub3A_12 : vector<6400x64xf32>
    %add3A = arith.constant 9.99999974E-6 : f32
    %add3A_14 = vector.broadcast %add3A : f32 to vector<6400x1xf32>
    %add3A_15 = arith.addf %div3A_11, %add3A_14 : vector<6400x1xf32>
    %rsqrt3A = math.rsqrt %add3A_15 : vector<6400x1xf32>
    %mul3A = vector.broadcast %rsqrt3A : vector<6400x1xf32> to vector<6400x64xf32>
    %mul3A_16 = arith.mulf %sub3A_13, %mul3A : vector<6400x64xf32>
    %get3A_17 = arith.constant 0 : index
    %get3A_18 = arith.constant 0 : index
    %get3A_19 = vector.load %arg2[%get3A_17, %get3A_18] : memref<1x64xf32, #tpu.memory_space<vmem>>, vector<1x64xf32>
    %mul3A_20 = vector.broadcast %get3A_19 : vector<1x64xf32> to vector<6400x64xf32>
    %mul3A_21 = arith.mulf %mul3A_16, %mul3A_20 : vector<6400x64xf32>
    %get3A_22 = arith.constant 0 : index
    %get3A_23 = arith.constant 0 : index
    %get3A_24 = vector.load %arg3[%get3A_22, %get3A_23] : memref<1x64xf32, #tpu.memory_space<vmem>>, vector<1x64xf32>
    %add3A_25 = vector.broadcast %get3A_24 : vector<1x64xf32> to vector<6400x64xf32>
    %add3A_26 = arith.addf %mul3A_21, %add3A_25 : vector<6400x64xf32>
    %tanh3A = math.tanh %add3A_26 : vector<6400x64xf32>
    %swap3A = arith.constant 0 : index
    %swap3A_27 = arith.constant 0 : index
    %swap3A_28 = arith.constant 0 : index
    %swap3A_29 = vector.load %arg5[%swap3A, %swap3A_27, %swap3A_28] : memref<2x6400x64xf32, #tpu.memory_space<vmem>>, vector<1x6400x64xf32>
    %swap3A_30 = vector.shape_cast %swap3A_29 : vector<1x6400x64xf32> to vector<6400x64xf32>
    %swap3A_31 = vector.shape_cast %tanh3A : vector<6400x64xf32> to vector<1x6400x64xf32>
    tpu.vector_store %arg5[%swap3A, %swap3A_27, %swap3A_28], %swap3A_31 {strides = array<i32>} : memref<2x6400x64xf32, #tpu.memory_space<vmem>>, vector<1x6400x64xf32>,
    %slice3A_32 = vector.extract_strided_slice %get3A_1 {offsets = [0, 64], sizes = [6400, 64], strides = [1, 1]} : vector<6400x128xf32> to vector<6400x64xf32>
    %reduce_sum3A_33 = arith.constant dense<0.000000e+00> : vector<6400xf32>
    %reduce_sum3A_34 = vector.multi_reduction <add>, %slice3A_32, %reduce_sum3A_33 [1] : vector<6400x64xf32> to vector<6400xf32>
    %broadcast_in_dim3A_35 = vector.shape_cast %reduce_sum3A_34 : vector<6400xf32> to vector<6400x1xf32>
    %div3A_36 = arith.constant 6.400000e+01 : f32
    %div3A_37 = vector.broadcast %div3A_36 : f32 to vector<6400x1xf32>
    %div3A_38 = arith.divf %broadcast_in_dim3A_35, %div3A_37 : vector<6400x1xf32>
    %sub3A_39 = vector.broadcast %div3A_38 : vector<6400x1xf32> to vector<6400x64xf32>
    %sub3A_40 = arith.subf %slice3A_32, %sub3A_39 : vector<6400x64xf32>
    %integer_pow3A_41 = arith.mulf %sub3A_40, %sub3A_40 : vector<6400x64xf32>
    %reduce_sum3A_42 = arith.constant dense<0.000000e+00> : vector<6400xf32>
    %reduce_sum3A_43 = vector.multi_reduction <add>, %integer_pow3A_41, %reduce_sum3A_42 [1] : vector<6400x64xf32> to vector<6400xf32>
    %broadcast_in_dim3A_44 = vector.shape_cast %reduce_sum3A_43 : vector<6400xf32> to vector<6400x1xf32>
    %div3A_45 = arith.constant 6.400000e+01 : f32
    %div3A_46 = vector.broadcast %div3A_45 : f32 to vector<6400x1xf32>
    %div3A_47 = arith.divf %broadcast_in_dim3A_44, %div3A_46 : vector<6400x1xf32>
    %sub3A_48 = vector.broadcast %div3A_38 : vector<6400x1xf32> to vector<6400x64xf32>
    %sub3A_49 = arith.subf %slice3A_32, %sub3A_48 : vector<6400x64xf32>
    %add3A_50 = arith.constant 9.99999974E-6 : f32
    %add3A_51 = vector.broadcast %add3A_50 : f32 to vector<6400x1xf32>
    %add3A_52 = arith.addf %div3A_47, %add3A_51 : vector<6400x1xf32>
    %rsqrt3A_53 = math.rsqrt %add3A_52 : vector<6400x1xf32>
    %mul3A_54 = vector.broadcast %rsqrt3A_53 : vector<6400x1xf32> to vector<6400x64xf32>
    %mul3A_55 = arith.mulf %sub3A_49, %mul3A_54 : vector<6400x64xf32>
    %get3A_56 = arith.constant 0 : index
    %get3A_57 = arith.constant 0 : index
    %get3A_58 = vector.load %arg2[%get3A_56, %get3A_57] : memref<1x64xf32, #tpu.memory_space<vmem>>, vector<1x64xf32>
    %mul3A_59 = vector.broadcast %get3A_58 : vector<1x64xf32> to vector<6400x64xf32>
    %mul3A_60 = arith.mulf %mul3A_55, %mul3A_59 : vector<6400x64xf32>
    %get3A_61 = arith.constant 0 : index
    %get3A_62 = arith.constant 0 : index
    %get3A_63 = vector.load %arg3[%get3A_61, %get3A_62] : memref<1x64xf32, #tpu.memory_space<vmem>>, vector<1x64xf32>
    %add3A_64 = vector.broadcast %get3A_63 : vector<1x64xf32> to vector<6400x64xf32>
    %add3A_65 = arith.addf %mul3A_60, %add3A_64 : vector<6400x64xf32>
    %tanh3A_66 = math.tanh %add3A_65 : vector<6400x64xf32>
    %swap3A_67 = arith.constant 1 : index
    %swap3A_68 = arith.constant 0 : index
    %swap3A_69 = arith.constant 0 : index
    %swap3A_70 = vector.load %arg5[%swap3A_67, %swap3A_68, %swap3A_69] : memref<2x6400x64xf32, #tpu.memory_space<vmem>>, vector<1x6400x64xf32>
    %swap3A_71 = vector.shape_cast %swap3A_70 : vector<1x6400x64xf32> to vector<6400x64xf32>
    %swap3A_72 = vector.shape_cast %tanh3A_66 : vector<6400x64xf32> to vector<1x6400x64xf32>
    tpu.vector_store %arg5[%swap3A_67, %swap3A_68, %swap3A_69], %swap3A_72 {strides = array<i32>} : memref<2x6400x64xf32, #tpu.memory_space<vmem>>, vector<1x6400x64xf32>,
    return
  }
  func.func @transform_0(%arg0: i32) -> (i32, i32) {
    %c0_i32 = arith.constant 0 : i32
    %c0_i32_0 = arith.constant 0 : i32
    return %arg0, %c0_i32 : i32, i32
  }
  func.func @transform_1(%arg0: i32) -> (i32, i32) {
    %c0_i32 = arith.constant 0 : i32
    %c0_i32_0 = arith.constant 0 : i32
    %c0_i32_1 = arith.constant 0 : i32
    return %c0_i32, %c0_i32_0 : i32, i32
  }
  func.func @transform_2(%arg0: i32) -> (i32, i32) {
    %c0_i32 = arith.constant 0 : i32
    %c0_i32_0 = arith.constant 0 : i32
    %c0_i32_1 = arith.constant 0 : i32
    return %c0_i32, %c0_i32_0 : i32, i32
  }
  func.func @transform_4(%arg0: i32) -> (i32, i32, i32) {
    %add3A = arith.constant 10 : i32
    %add3A_0 = arith.addi %arg0, %add3A : i32
    %c0_i32 = arith.constant 0 : i32
    %c0_i32_1 = arith.constant 0 : i32
    %c0_i32_2 = arith.constant 0 : i32
    return %c0_i32, %add3A_0, %c0_i32_1 : i32, i32, i32
  }
}

module attributes {stable_mosaic.version = 14 : i64} {
  func.func @_edge_ln_body(%arg0: i32, %arg1: memref<6400x128xf32, #tpu.memory_space<vmem>>, %arg2: memref<1x64xf32, #tpu.memory_space<vmem>>, %arg3: memref<1x64xf32, #tpu.memory_space<vmem>>, %arg4: memref<2x160000x64xf32, #tpu.memory_space<any>>, %arg5: memref<2x6400x64xf32, #tpu.memory_space<vmem>>) attributes {dimension_semantics = [#tpu.dimension_semantics<arbitrary>], iteration_bounds = array<i64: 5>, scalar_prefetch = 0 : i64, scratch_operands = 0 : i64, tpu.core_type = #tpu.core_type<tc>, window_params = [{transform_indices = @transform_0, window_bounds = array<i64: 6400, 128>}, {pipeline_mode = #tpu.pipeline_mode<synchronous>, transform_indices = @transform_1, window_bounds = array<i64: 1, 64>}, {pipeline_mode = #tpu.pipeline_mode<synchronous>, transform_indices = @transform_2, window_bounds = array<i64: 1, 64>}, {}, {transform_indices = @transform_4, window_bounds = array<i64: 2, 6400, 64>}]} {
    %get3A = arith.constant 0 : index
    %get3A_0 = arith.constant 0 : index
    %get3A_1 = vector.load %arg1[%get3A, %get3A_0] : memref<6400x128xf32, #tpu.memory_space<vmem>>, vector<6400x128xf32>
    %slice3A = vector.extract_strided_slice %get3A_1 {offsets = [0, 0], sizes = [6400, 64], strides = [1, 1]} : vector<6400x128xf32> to vector<6400x64xf32>
    %reduce_sum3A = arith.constant dense<0.000000e+00> : vector<6400xf32>
    %reduce_sum3A_2 = vector.multi_reduction <add>, %slice3A, %reduce_sum3A [1] : vector<6400x64xf32> to vector<6400xf32>
    %broadcast_in_dim3A = vector.shape_cast %reduce_sum3A_2 : vector<6400xf32> to vector<6400x1xf32>
    %div3A = arith.constant 6.400000e+01 : f32
    %div3A_3 = vector.broadcast %div3A : f32 to vector<6400x1xf32>
    %div3A_4 = arith.divf %broadcast_in_dim3A, %div3A_3 : vector<6400x1xf32>
    %sub3A = vector.broadcast %div3A_4 : vector<6400x1xf32> to vector<6400x64xf32>
    %sub3A_5 = arith.subf %slice3A, %sub3A : vector<6400x64xf32>
    %integer_pow3A = arith.mulf %sub3A_5, %sub3A_5 : vector<6400x64xf32>
    %reduce_sum3A_6 = arith.constant dense<0.000000e+00> : vector<6400xf32>
    %reduce_sum3A_7 = vector.multi_reduction <add>, %integer_pow3A, %reduce_sum3A_6 [1] : vector<6400x64xf32> to vector<6400xf32>
    %broadcast_in_dim3A_8 = vector.shape_cast %reduce_sum3A_7 : vector<6400xf32> to vector<6400x1xf32>
    %div3A_9 = arith.constant 6.400000e+01 : f32
    %div3A_10 = vector.broadcast %div3A_9 : f32 to vector<6400x1xf32>
    %div3A_11 = arith.divf %broadcast_in_dim3A_8, %div3A_10 : vector<6400x1xf32>
    %sub3A_12 = vector.broadcast %div3A_4 : vector<6400x1xf32> to vector<6400x64xf32>
    %sub3A_13 = arith.subf %slice3A, %sub3A_12 : vector<6400x64xf32>
    %add3A = arith.constant 9.99999974E-6 : f32
    %add3A_14 = vector.broadcast %add3A : f32 to vector<6400x1xf32>
    %add3A_15 = arith.addf %div3A_11, %add3A_14 : vector<6400x1xf32>
    %rsqrt3A = math.rsqrt %add3A_15 : vector<6400x1xf32>
    %mul3A = vector.broadcast %rsqrt3A : vector<6400x1xf32> to vector<6400x64xf32>
    %mul3A_16 = arith.mulf %sub3A_13, %mul3A : vector<6400x64xf32>
    %get3A_17 = arith.constant 0 : index
    %get3A_18 = arith.constant 0 : index
    %get3A_19 = vector.load %arg2[%get3A_17, %get3A_18] : memref<1x64xf32, #tpu.memory_space<vmem>>, vector<1x64xf32>
    %mul3A_20 = vector.broadcast %get3A_19 : vector<1x64xf32> to vector<6400x64xf32>
    %mul3A_21 = arith.mulf %mul3A_16, %mul3A_20 : vector<6400x64xf32>
    %get3A_22 = arith.constant 0 : index
    %get3A_23 = arith.constant 0 : index
    %get3A_24 = vector.load %arg3[%get3A_22, %get3A_23] : memref<1x64xf32, #tpu.memory_space<vmem>>, vector<1x64xf32>
    %add3A_25 = vector.broadcast %get3A_24 : vector<1x64xf32> to vector<6400x64xf32>
    %add3A_26 = arith.addf %mul3A_21, %add3A_25 : vector<6400x64xf32>
    %tanh3A = math.tanh %add3A_26 : vector<6400x64xf32>
    %swap3A = arith.constant 0 : index
    %swap3A_27 = arith.constant 0 : index
    %swap3A_28 = arith.constant 0 : index
    %swap3A_29 = vector.load %arg5[%swap3A, %swap3A_27, %swap3A_28] : memref<2x6400x64xf32, #tpu.memory_space<vmem>>, vector<1x6400x64xf32>
    %swap3A_30 = vector.shape_cast %swap3A_29 : vector<1x6400x64xf32> to vector<6400x64xf32>
    %swap3A_31 = vector.shape_cast %tanh3A : vector<6400x64xf32> to vector<1x6400x64xf32>
    tpu.vector_store %arg5[%swap3A, %swap3A_27, %swap3A_28], %swap3A_31 {strides = array<i32>} : memref<2x6400x64xf32, #tpu.memory_space<vmem>>, vector<1x6400x64xf32>,
    %slice3A_32 = vector.extract_strided_slice %get3A_1 {offsets = [0, 64], sizes = [6400, 64], strides = [1, 1]} : vector<6400x128xf32> to vector<6400x64xf32>
    %reduce_sum3A_33 = arith.constant dense<0.000000e+00> : vector<6400xf32>
    %reduce_sum3A_34 = vector.multi_reduction <add>, %slice3A_32, %reduce_sum3A_33 [1] : vector<6400x64xf32> to vector<6400xf32>
    %broadcast_in_dim3A_35 = vector.shape_cast %reduce_sum3A_34 : vector<6400xf32> to vector<6400x1xf32>
    %div3A_36 = arith.constant 6.400000e+01 : f32
    %div3A_37 = vector.broadcast %div3A_36 : f32 to vector<6400x1xf32>
    %div3A_38 = arith.divf %broadcast_in_dim3A_35, %div3A_37 : vector<6400x1xf32>
    %sub3A_39 = vector.broadcast %div3A_38 : vector<6400x1xf32> to vector<6400x64xf32>
    %sub3A_40 = arith.subf %slice3A_32, %sub3A_39 : vector<6400x64xf32>
    %integer_pow3A_41 = arith.mulf %sub3A_40, %sub3A_40 : vector<6400x64xf32>
    %reduce_sum3A_42 = arith.constant dense<0.000000e+00> : vector<6400xf32>
    %reduce_sum3A_43 = vector.multi_reduction <add>, %integer_pow3A_41, %reduce_sum3A_42 [1] : vector<6400x64xf32> to vector<6400xf32>
    %broadcast_in_dim3A_44 = vector.shape_cast %reduce_sum3A_43 : vector<6400xf32> to vector<6400x1xf32>
    %div3A_45 = arith.constant 6.400000e+01 : f32
    %div3A_46 = vector.broadcast %div3A_45 : f32 to vector<6400x1xf32>
    %div3A_47 = arith.divf %broadcast_in_dim3A_44, %div3A_46 : vector<6400x1xf32>
    %sub3A_48 = vector.broadcast %div3A_38 : vector<6400x1xf32> to vector<6400x64xf32>
    %sub3A_49 = arith.subf %slice3A_32, %sub3A_48 : vector<6400x64xf32>
    %add3A_50 = arith.constant 9.99999974E-6 : f32
    %add3A_51 = vector.broadcast %add3A_50 : f32 to vector<6400x1xf32>
    %add3A_52 = arith.addf %div3A_47, %add3A_51 : vector<6400x1xf32>
    %rsqrt3A_53 = math.rsqrt %add3A_52 : vector<6400x1xf32>
    %mul3A_54 = vector.broadcast %rsqrt3A_53 : vector<6400x1xf32> to vector<6400x64xf32>
    %mul3A_55 = arith.mulf %sub3A_49, %mul3A_54 : vector<6400x64xf32>
    %get3A_56 = arith.constant 0 : index
    %get3A_57 = arith.constant 0 : index
    %get3A_58 = vector.load %arg2[%get3A_56, %get3A_57] : memref<1x64xf32, #tpu.memory_space<vmem>>, vector<1x64xf32>
    %mul3A_59 = vector.broadcast %get3A_58 : vector<1x64xf32> to vector<6400x64xf32>
    %mul3A_60 = arith.mulf %mul3A_55, %mul3A_59 : vector<6400x64xf32>
    %get3A_61 = arith.constant 0 : index
    %get3A_62 = arith.constant 0 : index
    %get3A_63 = vector.load %arg3[%get3A_61, %get3A_62] : memref<1x64xf32, #tpu.memory_space<vmem>>, vector<1x64xf32>
    %add3A_64 = vector.broadcast %get3A_63 : vector<1x64xf32> to vector<6400x64xf32>
    %add3A_65 = arith.addf %mul3A_60, %add3A_64 : vector<6400x64xf32>
    %tanh3A_66 = math.tanh %add3A_65 : vector<6400x64xf32>
    %swap3A_67 = arith.constant 1 : index
    %swap3A_68 = arith.constant 0 : index
    %swap3A_69 = arith.constant 0 : index
    %swap3A_70 = vector.load %arg5[%swap3A_67, %swap3A_68, %swap3A_69] : memref<2x6400x64xf32, #tpu.memory_space<vmem>>, vector<1x6400x64xf32>
    %swap3A_71 = vector.shape_cast %swap3A_70 : vector<1x6400x64xf32> to vector<6400x64xf32>
    %swap3A_72 = vector.shape_cast %tanh3A_66 : vector<6400x64xf32> to vector<1x6400x64xf32>
    tpu.vector_store %arg5[%swap3A_67, %swap3A_68, %swap3A_69], %swap3A_72 {strides = array<i32>} : memref<2x6400x64xf32, #tpu.memory_space<vmem>>, vector<1x6400x64xf32>,
    return
  }
  func.func @transform_0(%arg0: i32) -> (i32, i32) {
    %c0_i32 = arith.constant 0 : i32
    %c0_i32_0 = arith.constant 0 : i32
    return %arg0, %c0_i32 : i32, i32
  }
  func.func @transform_1(%arg0: i32) -> (i32, i32) {
    %c0_i32 = arith.constant 0 : i32
    %c0_i32_0 = arith.constant 0 : i32
    %c0_i32_1 = arith.constant 0 : i32
    return %c0_i32, %c0_i32_0 : i32, i32
  }
  func.func @transform_2(%arg0: i32) -> (i32, i32) {
    %c0_i32 = arith.constant 0 : i32
    %c0_i32_0 = arith.constant 0 : i32
    %c0_i32_1 = arith.constant 0 : i32
    return %c0_i32, %c0_i32_0 : i32, i32
  }
  func.func @transform_4(%arg0: i32) -> (i32, i32, i32) {
    %add3A = arith.constant 15 : i32
    %add3A_0 = arith.addi %arg0, %add3A : i32
    %c0_i32 = arith.constant 0 : i32
    %c0_i32_1 = arith.constant 0 : i32
    %c0_i32_2 = arith.constant 0 : i32
    return %c0_i32, %add3A_0, %c0_i32_1 : i32, i32, i32
  }
}

module attributes {stable_mosaic.version = 14 : i64} {
  func.func @_edge_ln_body(%arg0: i32, %arg1: memref<6400x128xf32, #tpu.memory_space<vmem>>, %arg2: memref<1x64xf32, #tpu.memory_space<vmem>>, %arg3: memref<1x64xf32, #tpu.memory_space<vmem>>, %arg4: memref<2x160000x64xf32, #tpu.memory_space<any>>, %arg5: memref<2x6400x64xf32, #tpu.memory_space<vmem>>) attributes {dimension_semantics = [#tpu.dimension_semantics<arbitrary>], iteration_bounds = array<i64: 5>, scalar_prefetch = 0 : i64, scratch_operands = 0 : i64, tpu.core_type = #tpu.core_type<tc>, window_params = [{transform_indices = @transform_0, window_bounds = array<i64: 6400, 128>}, {pipeline_mode = #tpu.pipeline_mode<synchronous>, transform_indices = @transform_1, window_bounds = array<i64: 1, 64>}, {pipeline_mode = #tpu.pipeline_mode<synchronous>, transform_indices = @transform_2, window_bounds = array<i64: 1, 64>}, {}, {transform_indices = @transform_4, window_bounds = array<i64: 2, 6400, 64>}]} {
    %get3A = arith.constant 0 : index
    %get3A_0 = arith.constant 0 : index
    %get3A_1 = vector.load %arg1[%get3A, %get3A_0] : memref<6400x128xf32, #tpu.memory_space<vmem>>, vector<6400x128xf32>
    %slice3A = vector.extract_strided_slice %get3A_1 {offsets = [0, 0], sizes = [6400, 64], strides = [1, 1]} : vector<6400x128xf32> to vector<6400x64xf32>
    %reduce_sum3A = arith.constant dense<0.000000e+00> : vector<6400xf32>
    %reduce_sum3A_2 = vector.multi_reduction <add>, %slice3A, %reduce_sum3A [1] : vector<6400x64xf32> to vector<6400xf32>
    %broadcast_in_dim3A = vector.shape_cast %reduce_sum3A_2 : vector<6400xf32> to vector<6400x1xf32>
    %div3A = arith.constant 6.400000e+01 : f32
    %div3A_3 = vector.broadcast %div3A : f32 to vector<6400x1xf32>
    %div3A_4 = arith.divf %broadcast_in_dim3A, %div3A_3 : vector<6400x1xf32>
    %sub3A = vector.broadcast %div3A_4 : vector<6400x1xf32> to vector<6400x64xf32>
    %sub3A_5 = arith.subf %slice3A, %sub3A : vector<6400x64xf32>
    %integer_pow3A = arith.mulf %sub3A_5, %sub3A_5 : vector<6400x64xf32>
    %reduce_sum3A_6 = arith.constant dense<0.000000e+00> : vector<6400xf32>
    %reduce_sum3A_7 = vector.multi_reduction <add>, %integer_pow3A, %reduce_sum3A_6 [1] : vector<6400x64xf32> to vector<6400xf32>
    %broadcast_in_dim3A_8 = vector.shape_cast %reduce_sum3A_7 : vector<6400xf32> to vector<6400x1xf32>
    %div3A_9 = arith.constant 6.400000e+01 : f32
    %div3A_10 = vector.broadcast %div3A_9 : f32 to vector<6400x1xf32>
    %div3A_11 = arith.divf %broadcast_in_dim3A_8, %div3A_10 : vector<6400x1xf32>
    %sub3A_12 = vector.broadcast %div3A_4 : vector<6400x1xf32> to vector<6400x64xf32>
    %sub3A_13 = arith.subf %slice3A, %sub3A_12 : vector<6400x64xf32>
    %add3A = arith.constant 9.99999974E-6 : f32
    %add3A_14 = vector.broadcast %add3A : f32 to vector<6400x1xf32>
    %add3A_15 = arith.addf %div3A_11, %add3A_14 : vector<6400x1xf32>
    %rsqrt3A = math.rsqrt %add3A_15 : vector<6400x1xf32>
    %mul3A = vector.broadcast %rsqrt3A : vector<6400x1xf32> to vector<6400x64xf32>
    %mul3A_16 = arith.mulf %sub3A_13, %mul3A : vector<6400x64xf32>
    %get3A_17 = arith.constant 0 : index
    %get3A_18 = arith.constant 0 : index
    %get3A_19 = vector.load %arg2[%get3A_17, %get3A_18] : memref<1x64xf32, #tpu.memory_space<vmem>>, vector<1x64xf32>
    %mul3A_20 = vector.broadcast %get3A_19 : vector<1x64xf32> to vector<6400x64xf32>
    %mul3A_21 = arith.mulf %mul3A_16, %mul3A_20 : vector<6400x64xf32>
    %get3A_22 = arith.constant 0 : index
    %get3A_23 = arith.constant 0 : index
    %get3A_24 = vector.load %arg3[%get3A_22, %get3A_23] : memref<1x64xf32, #tpu.memory_space<vmem>>, vector<1x64xf32>
    %add3A_25 = vector.broadcast %get3A_24 : vector<1x64xf32> to vector<6400x64xf32>
    %add3A_26 = arith.addf %mul3A_21, %add3A_25 : vector<6400x64xf32>
    %tanh3A = math.tanh %add3A_26 : vector<6400x64xf32>
    %swap3A = arith.constant 0 : index
    %swap3A_27 = arith.constant 0 : index
    %swap3A_28 = arith.constant 0 : index
    %swap3A_29 = vector.load %arg5[%swap3A, %swap3A_27, %swap3A_28] : memref<2x6400x64xf32, #tpu.memory_space<vmem>>, vector<1x6400x64xf32>
    %swap3A_30 = vector.shape_cast %swap3A_29 : vector<1x6400x64xf32> to vector<6400x64xf32>
    %swap3A_31 = vector.shape_cast %tanh3A : vector<6400x64xf32> to vector<1x6400x64xf32>
    tpu.vector_store %arg5[%swap3A, %swap3A_27, %swap3A_28], %swap3A_31 {strides = array<i32>} : memref<2x6400x64xf32, #tpu.memory_space<vmem>>, vector<1x6400x64xf32>,
    %slice3A_32 = vector.extract_strided_slice %get3A_1 {offsets = [0, 64], sizes = [6400, 64], strides = [1, 1]} : vector<6400x128xf32> to vector<6400x64xf32>
    %reduce_sum3A_33 = arith.constant dense<0.000000e+00> : vector<6400xf32>
    %reduce_sum3A_34 = vector.multi_reduction <add>, %slice3A_32, %reduce_sum3A_33 [1] : vector<6400x64xf32> to vector<6400xf32>
    %broadcast_in_dim3A_35 = vector.shape_cast %reduce_sum3A_34 : vector<6400xf32> to vector<6400x1xf32>
    %div3A_36 = arith.constant 6.400000e+01 : f32
    %div3A_37 = vector.broadcast %div3A_36 : f32 to vector<6400x1xf32>
    %div3A_38 = arith.divf %broadcast_in_dim3A_35, %div3A_37 : vector<6400x1xf32>
    %sub3A_39 = vector.broadcast %div3A_38 : vector<6400x1xf32> to vector<6400x64xf32>
    %sub3A_40 = arith.subf %slice3A_32, %sub3A_39 : vector<6400x64xf32>
    %integer_pow3A_41 = arith.mulf %sub3A_40, %sub3A_40 : vector<6400x64xf32>
    %reduce_sum3A_42 = arith.constant dense<0.000000e+00> : vector<6400xf32>
    %reduce_sum3A_43 = vector.multi_reduction <add>, %integer_pow3A_41, %reduce_sum3A_42 [1] : vector<6400x64xf32> to vector<6400xf32>
    %broadcast_in_dim3A_44 = vector.shape_cast %reduce_sum3A_43 : vector<6400xf32> to vector<6400x1xf32>
    %div3A_45 = arith.constant 6.400000e+01 : f32
    %div3A_46 = vector.broadcast %div3A_45 : f32 to vector<6400x1xf32>
    %div3A_47 = arith.divf %broadcast_in_dim3A_44, %div3A_46 : vector<6400x1xf32>
    %sub3A_48 = vector.broadcast %div3A_38 : vector<6400x1xf32> to vector<6400x64xf32>
    %sub3A_49 = arith.subf %slice3A_32, %sub3A_48 : vector<6400x64xf32>
    %add3A_50 = arith.constant 9.99999974E-6 : f32
    %add3A_51 = vector.broadcast %add3A_50 : f32 to vector<6400x1xf32>
    %add3A_52 = arith.addf %div3A_47, %add3A_51 : vector<6400x1xf32>
    %rsqrt3A_53 = math.rsqrt %add3A_52 : vector<6400x1xf32>
    %mul3A_54 = vector.broadcast %rsqrt3A_53 : vector<6400x1xf32> to vector<6400x64xf32>
    %mul3A_55 = arith.mulf %sub3A_49, %mul3A_54 : vector<6400x64xf32>
    %get3A_56 = arith.constant 0 : index
    %get3A_57 = arith.constant 0 : index
    %get3A_58 = vector.load %arg2[%get3A_56, %get3A_57] : memref<1x64xf32, #tpu.memory_space<vmem>>, vector<1x64xf32>
    %mul3A_59 = vector.broadcast %get3A_58 : vector<1x64xf32> to vector<6400x64xf32>
    %mul3A_60 = arith.mulf %mul3A_55, %mul3A_59 : vector<6400x64xf32>
    %get3A_61 = arith.constant 0 : index
    %get3A_62 = arith.constant 0 : index
    %get3A_63 = vector.load %arg3[%get3A_61, %get3A_62] : memref<1x64xf32, #tpu.memory_space<vmem>>, vector<1x64xf32>
    %add3A_64 = vector.broadcast %get3A_63 : vector<1x64xf32> to vector<6400x64xf32>
    %add3A_65 = arith.addf %mul3A_60, %add3A_64 : vector<6400x64xf32>
    %tanh3A_66 = math.tanh %add3A_65 : vector<6400x64xf32>
    %swap3A_67 = arith.constant 1 : index
    %swap3A_68 = arith.constant 0 : index
    %swap3A_69 = arith.constant 0 : index
    %swap3A_70 = vector.load %arg5[%swap3A_67, %swap3A_68, %swap3A_69] : memref<2x6400x64xf32, #tpu.memory_space<vmem>>, vector<1x6400x64xf32>
    %swap3A_71 = vector.shape_cast %swap3A_70 : vector<1x6400x64xf32> to vector<6400x64xf32>
    %swap3A_72 = vector.shape_cast %tanh3A_66 : vector<6400x64xf32> to vector<1x6400x64xf32>
    tpu.vector_store %arg5[%swap3A_67, %swap3A_68, %swap3A_69], %swap3A_72 {strides = array<i32>} : memref<2x6400x64xf32, #tpu.memory_space<vmem>>, vector<1x6400x64xf32>,
    return
  }
  func.func @transform_0(%arg0: i32) -> (i32, i32) {
    %c0_i32 = arith.constant 0 : i32
    %c0_i32_0 = arith.constant 0 : i32
    return %arg0, %c0_i32 : i32, i32
  }
  func.func @transform_1(%arg0: i32) -> (i32, i32) {
    %c0_i32 = arith.constant 0 : i32
    %c0_i32_0 = arith.constant 0 : i32
    %c0_i32_1 = arith.constant 0 : i32
    return %c0_i32, %c0_i32_0 : i32, i32
  }
  func.func @transform_2(%arg0: i32) -> (i32, i32) {
    %c0_i32 = arith.constant 0 : i32
    %c0_i32_0 = arith.constant 0 : i32
    %c0_i32_1 = arith.constant 0 : i32
    return %c0_i32, %c0_i32_0 : i32, i32
  }
  func.func @transform_4(%arg0: i32) -> (i32, i32, i32) {
    %add3A = arith.constant 20 : i32
    %add3A_0 = arith.addi %arg0, %add3A : i32
    %c0_i32 = arith.constant 0 : i32
    %c0_i32_1 = arith.constant 0 : i32
    %c0_i32_2 = arith.constant 0 : i32
    return %c0_i32, %add3A_0, %c0_i32_1 : i32, i32, i32
  }
}

</mosaic_0001>

<sc_bundles>
// kernel: kernel.13.cloned.1.call-start
scs
__scs_entry_jumppad:
0x0: {  	(pc) =	sbr.rel $0x88, $3  }
0x1: {  	(tag) =	ssettag $0x0;
	lr =	simm.s32 $0x1  }
0x2: {  	[smem:$0x3F97] =	sst lr;
	_ =	strace $0xD0000000  }
0x3: {  	_ = 	snop  }
0x4: {  	_ = 	snop  }
0x5: {  	_ = 	snop  }
0x6: {  	_ = 	snop  }
0x7: {  	_ = 	snop  }
__scs_overlays_trampoline_lowered:
0x8: {  	[smem:$0x3FA6] =	sst s0  }
0x9: {  	[smem:$0x3FA7] =	sst s1  }
0xa: {  	[smem:$0x3FA8] =	sst s2  }
0xb: {  	[smem:$0x3FA9] =	sst s3  }
0xc: {  	[smem:$0x3FAA] =	sst s4  }
0xd: {  	[smem:$0x3FAB] =	sst s5  }
0xe: {  	[smem:$0x3FAC] =	sst s6  }
0xf: {  	[smem:$0x3FAD] =	sst s7  }
0x10: {  	[smem:$0x3FAE] =	sst s8  }
0x11: {  	[smem:$0x3FAF] =	sst s9;
	s0 =	simm.s32 @!p0 $0x0  }
0x12: {  	s1 =	sld [smem:$0x3F95];
	s0 =	simm.s32 @p0 $0x1  }
0x13: {  	[smem:$0x3FB0] =	sst s0;
	s0 =	simm.s32 @!p1 $0x0  }
0x14: {  	s2 =	sld [smem:$0x3F94];
	s0 =	simm.s32 @p1 $0x1  }
0x15: {  	[smem:$0x3FB1] =	sst s0;
	s0 =	simm.s32 @!p2 $0x0  }
0x16: {  	s3 =	sld [smem:$0x3FDB];
	s0 =	simm.s32 @p2 $0x1  }
0x17: {  	s4 =	simm.s32 $0x1BF5;
	[smem:$0x3FB3] =	sst s0  }
0x18: {  	s0 =	sld [smem:$0x3F96];
	_ =	swait.ge [sflag:s4], $0x0  }
0x19: {  	s7 =	sld [smem:$0x3F97]  }
0x1a: {  	s8 =	sadd.s32 $0xFFFFE003, lr  }
0x1b: {  	s9 =	sadd.s32 $0xFFFFFEF7, lr;
	s5 =	simm.s32 $0xFFFFFFFF;
	p2 =	slt.u32 s8, $0xFFFFF086  }
0x1c: {  	p1 =	slt.u32 s9, $0xF7A;
	s5 =	simm.s32 @!p2 $0x0  }
0x1d: {  	s5 =	simm.s32 @p1 $0x1;
	p0 =	seq.s32 s7, s2  }
0x1e: {  	s7 =	smul.u32 @!p0 $0xF7A, s2;
	p2 =	seq.s32 @!p0 s5, $0x0  }
0x1f: {  	s9 =	smul.u32 $0xF7A, s1;
	s8 =	simm.s32 @!p0 $0x1BF5;
	p2 =	por !p2, p0  }
0x20: {  	[sflag:s8] =	ssyncset.s32 @!p0 $0xFFFFF086;
	s6 =	sadd.s32 @!p0 s3, s7;
	s7 =	simm.s32 @!p0 $0x108  }
0x21: {  	s3 =	sadd.s32 s3, s9;
	s6 =	sadd.s32 @!p0 $0x88, s6;
	s7 =	simm.s32 @p2 $0x1082  }
0x22: {  	[simem:s7], [sflag:s8] =	dma.local @!p0 [hbm:s6], $0xF7A  }
0x23: {  	s9 =	sor.u32 $0xD0000000, s2;
	s6 =	simm.s32 $0x108;
	_ =	swait.ge @!p0 [sflag:s8], $0x0  }
0x24: {  	s3 =	sadd.s32 $0x88, s3;
	s6 =	simm.s32 @!p1 $0x1082;
	[sflag:s4] =	ssyncset.s32 $0xFFFFF086  }
0x25: {  	[simem:s6], [sflag:s4] =	dma.local [hbm:s3], $0xF7A  }
0x26: {  	[smem:$0x3F97] =	sst s1;
	(tag) =	ssettag s2;
	_ =	strace s9  }
0x27: {  	s1 =	sld [smem:$0x3FA7]  }
0x28: {  	s2 =	sld [smem:$0x3FA8]  }
0x29: {  	s4 =	sld [smem:$0x3FAA]  }
0x2a: {  	p0 =	seq.s32 s5, $0x0;
	s5 =	sld [smem:$0x3FAB]  }
0x2b: {  	s6 =	sld [smem:$0x3FAC]  }
0x2c: {  	s7 =	sld [smem:$0x3FAD]  }
0x2d: {  	s3 =	simm.s32 $0x108;
	s8 =	sld [smem:$0x3FAE]  }
0x2e: {  	s3 =	simm.s32 @!p0 $0x1082;
	s9 =	sld [smem:$0x3FAF]  }
0x2f: {  	lr =	sadd.s32 s0, s3;
	s0 =	sld [smem:$0x3FA6]  }
0x30: {  	s3 =	sld [smem:$0x3FA9]  }
0x31: {  	[smem:$0x3FB2] =	sst s10  }
0x32: {  	s10 =	sld [smem:$0x3FB0];
	_ =	sdelay $0x3  }
0x33: {  	p0 =	seq.s32 s10, $0x1;
	s10 =	sld [smem:$0x3FB2];
	_ =	sdelay $0x3  }
0x34: {  	[smem:$0x3FB2] =	sst s10  }
0x35: {  	s10 =	sld [smem:$0x3FB1];
	_ =	sdelay $0x3  }
0x36: {  	p1 =	seq.s32 s10, $0x1;
	s10 =	sld [smem:$0x3FB2];
	_ =	sdelay $0x3  }
0x37: {  	[smem:$0x3FB2] =	sst s10  }
0x38: {  	s10 =	sld [smem:$0x3FB3]  }
0x39: {  	_ = 	snop;
	(pc) =	sbr.ind lr, $3  }
0x3a: {  	_ = 	snop  }
0x3b: {  	_ = 	snop  }
0x3c: {  	p2 =	seq.s32 s10, $0x1;
	s10 =	sld [smem:$0x3FB2]  }
0x3d: {  	_ =	shalt  }
0x3e: {  	_ =	shalt  }
0x3f: {  	_ =	shalt  }
0x40: {  	_ =	shalt  }
0x41: {  	_ =	shalt  }
0x42: {  	_ =	shalt  }
0x43: {  	_ =	shalt  }
0x44: {  	_ =	shalt  }
0x45: {  	_ =	shalt  }
0x46: {  	_ =	shalt  }
0x47: {  	_ =	shalt  }
0x48: {  	_ =	shalt  }
0x49: {  	_ =	shalt  }
0x4a: {  	_ =	shalt  }
0x4b: {  	_ =	shalt  }
0x4c: {  	_ =	shalt  }
0x4d: {  	_ =	shalt  }
0x4e: {  	_ =	shalt  }
0x4f: {  	_ =	shalt  }
0x50: {  	_ =	shalt  }
0x51: {  	_ =	shalt  }
0x52: {  	_ =	shalt  }
0x53: {  	_ =	shalt  }
0x54: {  	_ =	shalt  }
0x55: {  	_ =	shalt  }
0x56: {  	_ =	shalt  }
0x57: {  	_ =	shalt  }
0x58: {  	_ =	shalt  }
0x59: {  	_ =	shalt  }
0x5a: {  	_ =	shalt  }
0x5b: {  	_ =	shalt  }
0x5c: {  	_ =	shalt  }
0x5d: {  	_ =	shalt  }
0x5e: {  	_ =	shalt  }
0x5f: {  	_ =	shalt  }
0x60: {  	_ =	shalt  }
0x61: {  	_ =	shalt  }
0x62: {  	_ =	shalt  }
0x63: {  	_ =	shalt  }
0x64: {  	_ =	shalt  }
0x65: {  	_ =	shalt  }
0x66: {  	_ =	shalt  }
0x67: {  	_ =	shalt  }
0x68: {  	_ =	shalt  }
0x69: {  	_ =	shalt  }
0x6a: {  	_ =	shalt  }
0x6b: {  	_ =	shalt  }
0x6c: {  	_ =	shalt  }
0x6d: {  	_ =	shalt  }
0x6e: {  	_ =	shalt  }
0x6f: {  	_ =	shalt  }
0x70: {  	_ =	shalt  }
0x71: {  	_ =	shalt  }
0x72: {  	_ =	shalt  }
0x73: {  	_ =	shalt  }
0x74: {  	_ =	shalt  }
0x75: {  	_ =	shalt  }
0x76: {  	_ =	shalt  }
0x77: {  	_ =	shalt  }
0x78: {  	_ =	shalt  }
0x79: {  	_ =	shalt  }
0x7a: {  	_ =	shalt  }
0x7b: {  	_ =	shalt  }
0x7c: {  	_ =	shalt  }
0x7d: {  	_ =	shalt  }
0x7e: {  	_ =	shalt  }
0x7f: {  	_ =	shalt  }
0x80: {  	_ =	shalt  }
0x81: {  	_ =	shalt  }
0x82: {  	_ =	shalt  }
0x83: {  	_ =	shalt  }
0x84: {  	_ =	shalt  }
0x85: {  	_ =	shalt  }
0x86: {  	_ =	shalt  }
0x87: {  	_ =	shalt  }
.Lfunc_end0:
.L_simem_size_0:
called_computation.1_lowered:
.L_overlay_start_0:
0x88: {  	s2 =	sld [smem:$0x3FD9]  }
0x89: {  	s3 =	sld [smem:$0x3FFE];
	_ =	sdelay $0x1  }
0x8a: {  	s1 =	srdreg.scid  }
0x8b: {  	s0 =	sand.u32 $0x1, s1  }
0x8c: {  	s14 =	sshll.u32 s0, $0xA;
	s2 =	sadd.s32 s3, s2  }
0x8d: {  	s2 =	sadd.s32 s2, s14  }
0x8e: {  	[smem:$0x3FBE] =	sst s2  }
0x8f: {  	_ = 	snop  }
0x90: {  	s2 =	sld [smem:$0x3FD0];
	_ =	sdelay $0x2  }
0x91: {  	s15 =	simm.s32 $0xE;
	s4 =	simm.s32 $0x10  }
0x92: {  	[smem:s4], [sflag:s15] =	dma.local [hbm:s2], $0x1  }
0x93: {  	_ =	swait.eq [sflag:s15], $0x1  }
0x94: {  	[sflag:s15] =	ssyncset.done $0x0  }
0x95: {  	[sflag:s15] =	ssyncadd.s32 $0xFFFFFFFF  }
0x96: {  	s16 =	sld [smem:$0x10];
	(tm) =	ssettm $0x1  }
0x97: {  	s17 =	sld [smem:$0x3FFB];
	_ =	sdelay $0x3  }
0x98: {  	_ =	strace s17  }
0x99: {  	s3 =	sld [smem:$0x3FFC];
	_ =	sdelay $0x3  }
0x9a: {  	_ =	strace s3  }
0x9b: {  	s3 =	sld [smem:$0x3FFD];
	_ =	sdelay $0x3  }
0x9c: {  	_ =	strace s3  }
0x9d: {  	_ =	strace $0x8FFFFFFF  }
0x9e: {  	s18 =	sld [smem:$0x3FDB];
	_ =	sdelay $0x1  }
0x9f: {  	s19 =	simm.s32 $_scs_section_size  }
0xa0: {  	s5 =	simm.s32 $_size__tile_overlayer_lowered;
	s6 =	simm.s32 $_tile_overlayer_lowered  }
0xa1: {  	s22 =	simm.s32 $0x1BFF;
	s21 =	sshll.u32 s6, $0x1;
	s3 =	sadd.s32 s19, s18  }
0xa2: {  	s7 =	simm.s32 $0x0;
	s20 =	sshll.u32 s5, $0x1;
	s5 =	sadd.s32 s21, s3  }
0xa3: {  	[timem:s7], [sflag:s22] =	dma.local [hbm:s5], s20  }
0xa4: {  	_ =	swait.ge [sflag:s22], s20  }
0xa5: {  	s4 =	ssub.s32 $0x0, s20;
	[sflag:s22] =	ssyncset.done $0x0  }
0xa6: {  	[sflag:s22] =	ssyncadd.s32 s4;
	_ =	sdelay $0x1  }
0xa7: {  	s23 =	simm.s32 $0x1B8B  }
0xa8: {  	_ =	swait.ge [sflag:s23], $0x1  }
0xa9: {  	[sflag:s23] =	ssyncset.done $0x0  }
0xaa: {  	s25 =	simm.s32 $0x1B8E;
	s24 =	sld [smem:$0x3FFE];
	[sflag:s23] =	ssyncadd.s32 $0xFFFFFFFF  }
0xab: {  	s26 =	simm.s32 $execute0_lowered;
	[smem:$0x3FD2] =	sst s25  }
0xac: {  	s5 =	sshll.u32 s26, $0x1;
	_ =	strace $0x80000046;
	[dreg:$0x1] =	wrdreg $0xFFFFFFFF  }
0xad: {  	s28 =	simm.s32 $_size_execute0_lowered;
	s3 =	sadd.s32 s3, s5;
	[dreg:$0x0] =	wrdreg $0x0  }
0xae: {  	s5 =	sshll.u32 s28, $0x1;
	[dreg:$0x2] =	wrdreg s3  }
0xaf: {  	[dreg:$0x3] =	wrdreg s5  }
0xb0: {  	[dreg:$0x4] =	wrdreg $0xC0  }
0xb1: {  	_ =	task [dreg:s7], $0x5FFFF  }
0xb2: {  	[dreg:$0x1] =	wrdreg $0xFFFFFFFF  }
0xb3: {  	[dreg:$0x0] =	wrdreg $0x60  }
0xb4: {  	[dreg:$0x2] =	wrdreg s16  }
0xb5: {  	[dreg:$0x3] =	wrdreg s24  }
0xb6: {  	[dreg:$0x4] =	wrdreg $0x9  }
0xb7: {  	_ =	task.clear_ibuf [dreg:s7], $0x5FFFF;
	_ =	strace $0x90000046  }
0xb8: {  	s29 =	simm.s32 $0x9;
	_ =	strace $0x80000048  }
0xb9: {  	_ =	swait.ge [sflag:s29], $0x1  }
0xba: {  	[sflag:s29] =	ssyncadd.s32 $0xFFFFFFFF  }
0xbb: {  	_ =	strace $0x90000048  }
0xbc: {  	_ =	sfence  }
0xbd: {  	s30 =	sld [smem:$0x0];
	_ =	sdelay $0x2  }
0xbe: {  	s31 =	sshll.u32 s1, $0xD;
	s1 =	sshrl.u32 s1, $0x2  }
0xbf: {  	s3 =	sand.u32 $0x4000, s31;
	s1 =	sadd.s32 s1, s30  }
0xc0: {  	s0 =	sor.u32 s3, s0;
	s1 =	sshll.u32 s1, $0x11  }
0xc1: {  	s0 =	sor.u32 s1, s0  }
0xc2: {  	s0 =	sadd.s32 $0x8F2B, s0  }
0xc3: {  	[sflag:s0] =	ssyncadd.remote.s32 $0x1  }
0xc4: {  	_ =	sfence.sel $0xFFFF  }
0xc5: {  	[dreg:$0x0] =	wrdreg $0xFFFFFFFF;
	(pc) =	sbr.abs _section_cstart, $3  }
0xc6: {  	[dreg:$0x1] =	wrdreg $0xFFFFFFFF  }
0xc7: {  	_ =	task.clear_ibuf [dreg:s7], $0x2FFFF;
	_ =	strace $0x9FFFFFFF  }
0xc8: {  	(tm) =	ssettm $0x7FFFFFFF  }
0xc9: {  	_ =	shalt  }
tec
execute0_lowered:
.L_overlay_start_1:
0x0: {  	(tag) =	ssettag $0x1  }
0x1: {  	s0 =	srdreg.scid;
	s2 =	rddreg [dreg:$0x0]  }
0x2: {  	s5 =	stileid.u32;
	s3 =	rddreg [dreg:$0x1];
	s6 =	simm.s32 $0x0  }
0x3: {  	s29 =	simm.s32 $0x3;
	s30 =	simm.s32 $0x7;
	s31 =	simm.s32 $0xB  }
0x4: {  	s0 =	sand.u32 $0x1, s0;
	s1 =	sshll.u32 s5, $0x1;
	[smem:$0x7FF] =	sst s6  }
0x5: {  	s5 =	sshll.u32 s5, $0x3;
	s8 =	sadd.s32 $0x43000, s3;
	s6 =	simm.s32 $0x5  }
0x6: {  	s1 =	sor.u32 s0, s1;
	_ =	strace $0x80000047;
	s5 =	sand.u32 $0x40, s5  }
0x7: {  	s0 =	ssub.s32 $0x2, s0;
	s4 =	sand.u32 $0xF, s1;
	s1 =	smul.u32 $0xFA, s1  }
0x8: {  	[dreg:$0x3] =	wrdreg s8;
	s17 =	sshrl.u32 s0, $0x1;
	s16 =	smul.u32 $0x3E800, s4  }
0x9: {  	s4 =	sadd.s32 $0x2F600, s3;
	s0 =	ssub.s32 s0, s17;
	s17 =	simm.s32 $0x50  }
0xa: {  	s1 =	sadd.s32 s1, s3;
	s0 =	smax.u32 s0, $0x1;
	s5 =	sor.u32 s5, s16  }
0xb: {  	s19 =	sadd.s32 $0x6400, s1;
	s1 =	sadd.s32 $0x4400, s1;
	[dreg:$0x7] =	wrdreg s0  }
0xc: {  	s16 =	simm.s32 $0xC;
	s7 =	sadd.s32 $0x3C000, s5;
	[dreg:$0x4] =	wrdreg s19  }
0xd: {  	[dreg:$0x5] =	wrdreg s1;
	s21 =	sadd.s32 $0xFFFFD800, s5;
	s22 =	sshrl.u32 s5, $0x3  }
0xe: {  	s23 =	sadd.s32 $0x2800, s5;
	s24 =	sadd.s32 $0x7800, s5;
	s25 =	sadd.s32 $0x5000, s5  }
0xf: {  	s18 =	sshrl.u32 s7, $0x3;
	[dreg:$0x8] =	wrdreg s21;
	s0 =	sadd.s32 s22, s8  }
0x10: {  	s1 =	sshrl.u32 s24, $0x3;
	s28 =	sshrl.u32 s25, $0x3;
	s25 =	simm.s32 $0x40  }
0x11: {  	s7 =	simm.s32 $0x9;
	s24 =	simm.s32 $0x4BA0;
	s22 =	simm.s32 $0xFA0  }
0x12: {  	s20 =	sadd.s32 s8, s18;
	[dreg:$0x9] =	wrdreg s0;
	s0 =	sshrl.u32 s23, $0x3  }
0x13: {  	s26 =	sadd.s32 s1, s8;
	s1 =	simm.s32 $0x4;
	[dreg:$0x6] =	wrdreg s20  }
0x14: {  	s23 =	simm.s32 $0x37A0;
	s0 =	sadd.s32 s0, s8;
	[dreg:$0xb] =	wrdreg s26  }
0x15: {  	s26 =	simm.s32 $0x80;
	[dreg:$0xa] =	wrdreg s0;
	s0 =	sadd.s32 s28, s8  }
0x16: {  	s8 =	simm.s32 $0x0;
	[dreg:$0xc] =	wrdreg s0;
	s0 =	simm.s32 $0x8  }
.LBB2_1:
0x17: {  	[dreg:$0xd] =	wrdreg s8  }
0x18: {  	s3 =	simm.s32 $0x0;
	s5 =	rddreg [dreg:$0x4];
	s14 =	simm.s32 $0x10  }
0x19: {  	[tilespmem:s3], [sflag:$0x10] =	stream.linear.gather [hbm4b:s5+s3], $0x7D0, $0x38;
	[tilespmem:$0x73A0] =	vst v63  }
0x1a: {  	_ =	swait.ge [sflag:s14], $0x7D0  }
0x1b: {  	[sflag:s14] =	ssyncset.done $0x0  }
0x1c: {  	s9 =	simm.s32 $0x7D0;
	s15 =	rddreg [dreg:$0x5];
	[sflag:s14] =	ssyncadd.s32 $0xFFFFF830  }
0x1d: {  	[tilespmem:s9], [sflag:$0x10] =	stream.linear.gather [hbm4b:s15+s3], $0x7D0, $0x38;
	[tilespmem:$0x73A0] =	vst v63  }
0x1e: {  	_ =	swait.ge [sflag:s14], $0x7D0  }
0x1f: {  	[sflag:s14] =	ssyncset.done $0x0  }
0x20: {  	s11 =	simm.s32 $0xFA0;
	p0 =	por $0x1, $0x1;
	[sflag:s14] =	ssyncadd.s32 $0xFFFFF830  }
0x21: {  	[tilespmem:s11], [sflag:$0x1] =	stream.indirect.gather [hbm4b:s2+s17], $0x40, s3, s17, $0xb8;
	[tilespmem:$0x73A0] =	vst v63  }
0x22: {  	s12 =	simm.s32 $0x23A0;
	s3 =	simm.s32 @!p0 $0xD  }
0x23: {  	[tilespmem:s12], [sflag:$0x2] =	stream.indirect.gather [hbm4b:s2+s17], $0x40, s17, s17, $0xb8;
	[tilespmem:$0x73A0] =	vst v63  }
0x24: {  	_ =	swait.ge @!p0 [sflag:s3], $0x1400  }
0x25: {  	s18 =	simm.s32 $0xA0;
	[sflag:s3] =	ssyncset.done @!p0 $0x0  }
0x26: {  	s13 =	simm.s32 $0x37A0;
	s19 =	simm.s32 $0x1;
	[sflag:s3] =	ssyncadd.s32 @!p0 $0xFFFFEC00  }
0x27: {  	[tilespmem:s13], [sflag:$0x3] =	stream.indirect.gather [hbm4b:s2+s17], $0x40, s18, s17, $0xb8;
	[tilespmem:$0x73A0] =	vst v63  }
0x28: {  	_ =	swait.ge [sflag:s19], $0x1400  }
0x29: {  	[sflag:s19] =	ssyncset.done $0x0  }
0x2a: {  	s20 =	simm.s32 $0x7D0;
	s5 =	simm.s32 @!p0 $0xA;
	[sflag:s19] =	ssyncadd.s32 $0xFFFFEC00  }
0x2b: {  	[tilespmem:s11], [sflag:$0x6] =	stream.indirect.gather.add.f32 [hbm:s4], $0x40, s20, s17, $0xb8;
	[tilespmem:$0x73A0] =	vst v63  }
0x2c: {  	s8 =	simm.s32 @!p0 $0xE;
	_ =	swait.ge @!p0 [sflag:s5], $0x1400  }
0x2d: {  	s10 =	simm.s32 @!p0 $0x80;
	[sflag:s5] =	ssyncset.done @!p0 $0x0;
	s14 =	rddreg [dreg:$0x8]  }
0x2e: {  	s9 =	sshrl.u32 @!p0 s14, $0x3;
	[sflag:s5] =	ssyncadd.s32 @!p0 $0xFFFFEC00;
	s5 =	rddreg [dreg:$0x3]  }
0x2f: {  	s3 =	simm.s32 @!p0 $0x5FA0;
	s5 =	sadd.s32 @!p0 s5, s9;
	s9 =	simm.s32 @!p0 $0x40  }
0x30: {  	[hbm4b:s5+s9] =	stream.strided.scatter @!p0 [tilespmem:s3], [sflag:$0xF], $0x1400, s10, s9, $0x38;
	[tilespmem:$0x73A0] =	vst v63  }
0x31: {  	_ =	swait.ge @!p0 [sflag:s8], $0x1400  }
0x32: {  	s21 =	simm.s32 $0xF0;
	[sflag:s8] =	ssyncset.done @!p0 $0x0  }
0x33: {  	s28 =	simm.s32 $0x4BA0;
	s5 =	simm.s32 $0x2;
	[sflag:s8] =	ssyncadd.s32 @!p0 $0xFFFFEC00  }
0x34: {  	[tilespmem:s28], [sflag:$0x4] =	stream.indirect.gather [hbm4b:s2+s17], $0x40, s21, s17, $0xb8;
	[tilespmem:$0x73A0] =	vst v63  }
0x35: {  	_ =	swait.ge [sflag:s5], $0x1400  }
0x36: {  	[sflag:s5] =	ssyncset.done $0x0  }
0x37: {  	s9 =	simm.s32 $0x6;
	s8 =	simm.s32 $0x820;
	[sflag:s5] =	ssyncadd.s32 $0xFFFFEC00  }
0x38: {  	[tilespmem:s12], [sflag:$0x7] =	stream.indirect.gather.add.f32 [hbm:s4], $0x40, s8, s17, $0xb8;
	[tilespmem:$0x73A0] =	vst v63  }
0x39: {  	_ =	swait.ge [sflag:s9], $0x1400  }
0x3a: {  	[sflag:s9] =	ssyncset.done $0x0  }
0x3b: {  	s3 =	simm.s32 @!p0 $0xF;
	[sflag:s9] =	ssyncadd.s32 $0xFFFFEC00;
	s9 =	rddreg [dreg:$0x9]  }
0x3c: {  	[hbm4b:s9+s25] =	stream.strided.scatter [tilespmem:s11], [sflag:$0xB], $0x1400, s26, s25, $0x38;
	[tilespmem:$0x73A0] =	vst v63  }
0x3d: {  	_ =	swait.ge @!p0 [sflag:s3], $0x1400  }
0x3e: {  	[sflag:s3] =	ssyncset.done @!p0 $0x0  }
0x3f: {  	s18 =	simm.s32 $0x5FA0;
	s11 =	simm.s32 $0x140;
	[sflag:s3] =	ssyncadd.s32 @!p0 $0xFFFFEC00  }
0x40: {  	[tilespmem:s18], [sflag:$0x5] =	stream.indirect.gather [hbm4b:s2+s17], $0x40, s11, s17, $0xb8;
	[tilespmem:$0x73A0] =	vst v63  }
0x41: {  	_ =	swait.ge [sflag:s29], $0x1400  }
0x42: {  	[sflag:s29] =	ssyncset.done $0x0  }
0x43: {  	s15 =	simm.s32 $0x870;
	[sflag:s29] =	ssyncadd.s32 $0xFFFFEC00  }
0x44: {  	[tilespmem:s13], [sflag:$0x8] =	stream.indirect.gather.add.f32 [hbm:s4], $0x40, s15, s17, $0xb8;
	[tilespmem:$0x73A0] =	vst v63  }
0x45: {  	_ =	swait.ge [sflag:s30], $0x1400  }
0x46: {  	[sflag:s30] =	ssyncset.done $0x0  }
0x47: {  	s19 =	rddreg [dreg:$0xa];
	[sflag:s30] =	ssyncadd.s32 $0xFFFFEC00  }
0x48: {  	[hbm4b:s19+s25] =	stream.strided.scatter [tilespmem:s12], [sflag:$0xC], $0x1400, s26, s25, $0x38;
	[tilespmem:$0x73A0] =	vst v63  }
0x49: {  	p0 =	por $0x0, $0x0;
	_ =	swait.ge [sflag:s31], $0x1400  }
0x4a: {  	s3 =	simm.s32 @!p0 $0xFA0;
	[sflag:s31] =	ssyncset.done $0x0  }
0x4b: {  	s5 =	simm.s32 @!p0 $0x190;
	s8 =	simm.s32 @!p0 $0x50;
	[sflag:s31] =	ssyncadd.s32 $0xFFFFEC00  }
0x4c: {  	[tilespmem:s3], [sflag:$0x1] =	stream.indirect.gather @!p0 [hbm4b:s2+s8], $0x40, s5, s8, $0xb8;
	[tilespmem:$0x73A0] =	vst v63  }
0x4d: {  	_ =	swait.ge [sflag:s1], $0x1400  }
0x4e: {  	[sflag:s1] =	ssyncset.done $0x0  }
0x4f: {  	s20 =	simm.s32 $0x8C0;
	[sflag:s1] =	ssyncadd.s32 $0xFFFFEC00  }
0x50: {  	[tilespmem:s28], [sflag:$0x9] =	stream.indirect.gather.add.f32 [hbm:s4], $0x40, s20, s17, $0xb8;
	[tilespmem:$0x73A0] =	vst v63  }
0x51: {  	_ =	swait.ge [sflag:s0], $0x1400  }
0x52: {  	[sflag:s0] =	ssyncset.done $0x0  }
0x53: {  	s21 =	rddreg [dreg:$0xc];
	[sflag:s0] =	ssyncadd.s32 $0xFFFFEC00  }
0x54: {  	[hbm4b:s21+s25] =	stream.strided.scatter [tilespmem:s13], [sflag:$0xD], $0x1400, s26, s25, $0x38;
	[tilespmem:$0x73A0] =	vst v63  }
0x55: {  	_ =	swait.ge [sflag:s16], $0x1400  }
0x56: {  	[sflag:s16] =	ssyncset.done $0x0  }
0x57: {  	s3 =	simm.s32 @!p0 $0x1E0;
	s5 =	simm.s32 @!p0 $0x23A0;
	[sflag:s16] =	ssyncadd.s32 $0xFFFFEC00  }
0x58: {  	[tilespmem:s5], [sflag:$0x2] =	stream.indirect.gather @!p0 [hbm4b:s2+s8], $0x40, s3, s8, $0xb8;
	[tilespmem:$0x73A0] =	vst v63  }
0x59: {  	p1 =	por $0x0, $0x0;
	s14 =	sadd.s32 $0xC800, s14;
	_ =	swait.ge [sflag:s6], $0x1400  }
0x5a: {  	s10 =	simm.s32 $0x640;
	s11 =	sadd.s32 $0x1900, s19;
	[sflag:s6] =	ssyncset.done $0x0  }
0x5b: {  	s12 =	sadd.s32 $0x1900, s9;
	s28 =	simm.s32 $0x910;
	[sflag:s6] =	ssyncadd.s32 $0xFFFFEC00  }
0x5c: {  	[tilespmem:s18], [sflag:$0xA] =	stream.indirect.gather.add.f32 [hbm:s4], $0x40, s28, s17, $0xb8;
	[tilespmem:$0x73A0] =	vst v63  }
0x5d: {  	s13 =	simm.s32 $0xC80;
	s15 =	rddreg [dreg:$0xb];
	_ =	swait.ge [sflag:s7], $0x1400  }
0x5e: {  	s8 =	sadd.s32 $0x1900, s21;
	s3 =	sadd.s32 $0x1900, s15;
	[sflag:s7] =	ssyncset.done $0x0  }
.LBB2_2:
0x5f: {  	s18 =	simm.s32 @!p1 $0xD;
	[sflag:s7] =	ssyncadd.s32 $0xFFFFEC00  }
0x60: {  	[hbm4b:s15+s25] =	stream.strided.scatter [tilespmem:s24], [sflag:$0xE], $0x1400, s26, s25, $0x38;
	[tilespmem:$0x73A0] =	vst v63  }
0x61: {  	_ =	swait.ge @!p1 [sflag:s18], $0x1400  }
0x62: {  	s9 =	sshra.s32 s10, $0x2;
	[sflag:s18] =	ssyncset.done @!p1 $0x0  }
0x63: {  	s21 =	simm.s32 $0x1;
	s20 =	sadd.s32 $0xA0, s9;
	[sflag:s18] =	ssyncadd.s32 @!p1 $0xFFFFEC00  }
0x64: {  	[tilespmem:s23], [sflag:$0x3] =	stream.indirect.gather [hbm4b:s2+s17], $0x40, s20, s17, $0xb8;
	[tilespmem:$0x73A0] =	vst v63  }
0x65: {  	_ =	swait.ge [sflag:s21], $0x1400  }
0x66: {  	[sflag:s21] =	ssyncset.done $0x0  }
0x67: {  	s19 =	simm.s32 @!p1 $0xA;
	s28 =	sadd.s32 $0x7D0, s9;
	[sflag:s21] =	ssyncadd.s32 $0xFFFFEC00  }
0x68: {  	[tilespmem:s22], [sflag:$0x6] =	stream.indirect.gather.add.f32 [hbm:s4], $0x40, s28, s17, $0xb8;
	[tilespmem:$0x73A0] =	vst v63  }
0x69: {  	_ =	swait.ge @!p1 [sflag:s19], $0x1400  }
0x6a: {  	s18 =	simm.s32 @!p1 $0x5FA0;
	s20 =	sshrl.u32 @!p1 s14, $0x3;
	[sflag:s19] =	ssyncset.done @!p1 $0x0  }
0x6b: {  	s21 =	simm.s32 @!p1 $0x80;
	[sflag:s19] =	ssyncadd.s32 @!p1 $0xFFFFEC00;
	s19 =	rddreg [dreg:$0x3]  }
0x6c: {  	s28 =	simm.s32 @!p1 $0xE;
	s19 =	sadd.s32 @!p1 s19, s20;
	s20 =	simm.s32 @!p1 $0x40  }
0x6d: {  	[hbm4b:s19+s20] =	stream.strided.scatter @!p1 [tilespmem:s18], [sflag:$0xF], $0x1400, s21, s20, $0x38;
	[tilespmem:$0x73A0] =	vst v63  }
0x6e: {  	_ =	swait.ge @!p1 [sflag:s28], $0x1400  }
0x6f: {  	[sflag:s28] =	ssyncset.done @!p1 $0x0  }
0x70: {  	s19 =	sadd.s32 $0xF0, s9;
	s20 =	simm.s32 $0x2;
	[sflag:s28] =	ssyncadd.s32 @!p1 $0xFFFFEC00  }
0x71: {  	[tilespmem:s24], [sflag:$0x4] =	stream.indirect.gather [hbm4b:s2+s17], $0x40, s19, s17, $0xb8;
	[tilespmem:$0x73A0] =	vst v63  }
0x72: {  	_ =	swait.ge [sflag:s20], $0x1400  }
0x73: {  	s21 =	sadd.s32 $0x820, s9;
	[sflag:s20] =	ssyncset.done $0x0  }
0x74: {  	s28 =	simm.s32 $0x6;
	s19 =	simm.s32 $0x23A0;
	[sflag:s20] =	ssyncadd.s32 $0xFFFFEC00  }
0x75: {  	[tilespmem:s19], [sflag:$0x7] =	stream.indirect.gather.add.f32 [hbm:s4], $0x40, s21, s17, $0xb8;
	[tilespmem:$0x73A0] =	vst v63  }
0x76: {  	_ =	swait.ge [sflag:s28], $0x1400  }
0x77: {  	[sflag:s28] =	ssyncset.done $0x0  }
0x78: {  	s18 =	simm.s32 @!p1 $0xF;
	[sflag:s28] =	ssyncadd.s32 $0xFFFFEC00  }
0x79: {  	[hbm4b:s12+s25] =	stream.strided.scatter [tilespmem:s22], [sflag:$0xB], $0x1400, s26, s25, $0x38;
	[tilespmem:$0x73A0] =	vst v63  }
0x7a: {  	_ =	swait.ge @!p1 [sflag:s18], $0x1400  }
0x7b: {  	[sflag:s18] =	ssyncset.done @!p1 $0x0  }
0x7c: {  	s20 =	sadd.s32 $0x140, s9;
	s21 =	simm.s32 $0x5FA0;
	[sflag:s18] =	ssyncadd.s32 @!p1 $0xFFFFEC00  }
0x7d: {  	[tilespmem:s21], [sflag:$0x5] =	stream.indirect.gather [hbm4b:s2+s17], $0x40, s20, s17, $0xb8;
	[tilespmem:$0x73A0] =	vst v63  }
0x7e: {  	_ =	swait.ge [sflag:s29], $0x1400  }
0x7f: {  	[sflag:s29] =	ssyncset.done $0x0  }
0x80: {  	s28 =	sadd.s32 $0x870, s9;
	[sflag:s29] =	ssyncadd.s32 $0xFFFFEC00  }
0x81: {  	[tilespmem:s23], [sflag:$0x8] =	stream.indirect.gather.add.f32 [hbm:s4], $0x40, s28, s17, $0xb8;
	[tilespmem:$0x73A0] =	vst v63  }
0x82: {  	_ =	swait.ge [sflag:s30], $0x1400  }
0x83: {  	[sflag:s30] =	ssyncset.done $0x0  }
0x84: {  	[sflag:s30] =	ssyncadd.s32 $0xFFFFEC00  }
0x85: {  	[hbm4b:s11+s25] =	stream.strided.scatter [tilespmem:s19], [sflag:$0xC], $0x1400, s26, s25, $0x38;
	[tilespmem:$0x73A0] =	vst v63  }
0x86: {  	p1 =	seq.s32 s10, $0x1900;
	_ =	swait.ge [sflag:s31], $0x1400  }
0x87: {  	s10 =	sshra.s32 @!p1 s10, $0x2;
	s18 =	simm.s32 @!p1 $0xFA0;
	[sflag:s31] =	ssyncset.done $0x0  }
0x88: {  	s20 =	simm.s32 @!p1 $0x50;
	s19 =	sadd.s32 @!p1 $0x190, s10;
	[sflag:s31] =	ssyncadd.s32 $0xFFFFEC00  }
0x89: {  	[tilespmem:s18], [sflag:$0x1] =	stream.indirect.gather @!p1 [hbm4b:s2+s20], $0x40, s19, s20, $0xb8;
	[tilespmem:$0x73A0] =	vst v63  }
0x8a: {  	_ =	swait.ge [sflag:s1], $0x1400  }
0x8b: {  	[sflag:s1] =	ssyncset.done $0x0  }
0x8c: {  	s19 =	sadd.s32 $0x8C0, s9;
	[sflag:s1] =	ssyncadd.s32 $0xFFFFEC00  }
0x8d: {  	[tilespmem:s24], [sflag:$0x9] =	stream.indirect.gather.add.f32 [hbm:s4], $0x40, s19, s17, $0xb8;
	[tilespmem:$0x73A0] =	vst v63  }
0x8e: {  	_ =	swait.ge [sflag:s0], $0x1400  }
0x8f: {  	[sflag:s0] =	ssyncset.done $0x0  }
0x90: {  	[sflag:s0] =	ssyncadd.s32 $0xFFFFEC00  }
0x91: {  	[hbm4b:s8+s25] =	stream.strided.scatter [tilespmem:s23], [sflag:$0xD], $0x1400, s26, s25, $0x38;
	[tilespmem:$0x73A0] =	vst v63  }
0x92: {  	s5 =	smov.u32 s13;
	_ =	swait.ge [sflag:s16], $0x1400  }
0x93: {  	s13 =	sadd.s32 $0x640, s13;
	s18 =	sadd.s32 @!p1 $0x1E0, s10;
	[sflag:s16] =	ssyncset.done $0x0  }
0x94: {  	s10 =	smov.u32 s5;
	s5 =	simm.s32 @!p1 $0x23A0;
	[sflag:s16] =	ssyncadd.s32 $0xFFFFEC00  }
0x95: {  	[tilespmem:s5], [sflag:$0x2] =	stream.indirect.gather @!p1 [hbm4b:s2+s20], $0x40, s18, s20, $0xb8;
	[tilespmem:$0x73A0] =	vst v63  }
0x96: {  	p0 =	sne.s32 s13, $0x1F40;
	s15 =	smov.u32 s3;
	_ =	swait.ge [sflag:s6], $0x1400  }
.Ltmp0:
0x97: {  	s3 =	sadd.s32 $0x1900, s3;
	[sflag:s6] =	ssyncset.done $0x0;
	(pc) =	sbr.rel @p0 .LBB2_2-.Ltmp0, $4  }
0x98: {  	s14 =	sadd.s32 $0xC800, s14;
	s28 =	sadd.s32 $0x910, s9;
	[sflag:s6] =	ssyncadd.s32 $0xFFFFEC00  }
0x99: {  	[tilespmem:s21], [sflag:$0xA] =	stream.indirect.gather.add.f32 [hbm:s4], $0x40, s28, s17, $0xb8;
	[tilespmem:$0x73A0] =	vst v63  }
0x9a: {  	s12 =	sadd.s32 $0x1900, s12;
	s11 =	sadd.s32 $0x1900, s11;
	_ =	swait.ge [sflag:s7], $0x1400  }
0x9b: {  	s8 =	sadd.s32 $0x1900, s8;
	p1 =	seq.s32 s10, $0x0;
	[sflag:s7] =	ssyncset.done $0x0  }
0x9c: {  	s9 =	simm.s32 @!p1 $0xD;
	[sflag:s7] =	ssyncadd.s32 $0xFFFFEC00;
	s20 =	simm.s32 $0x4BA0  }
0x9d: {  	[hbm4b:s15+s25] =	stream.strided.scatter [tilespmem:s20], [sflag:$0xE], $0x1400, s26, s25, $0x38;
	[tilespmem:$0x73A0] =	vst v63  }
0x9e: {  	_ =	swait.ge @!p1 [sflag:s9], $0x1400  }
0x9f: {  	s5 =	sshra.s32 s10, $0x2;
	s19 =	simm.s32 $0x37A0;
	[sflag:s9] =	ssyncset.done @!p1 $0x0  }
0xa0: {  	s13 =	simm.s32 $0x1;
	s28 =	sadd.s32 $0xA0, s5;
	[sflag:s9] =	ssyncadd.s32 @!p1 $0xFFFFEC00  }
0xa1: {  	[tilespmem:s19], [sflag:$0x3] =	stream.indirect.gather [hbm4b:s2+s17], $0x40, s28, s17, $0xb8;
	[tilespmem:$0x73A0] =	vst v63  }
0xa2: {  	_ =	swait.ge [sflag:s13], $0x1400  }
0xa3: {  	s18 =	simm.s32 $0xFA0;
	[sflag:s13] =	ssyncset.done $0x0  }
0xa4: {  	s15 =	sadd.s32 $0x7D0, s5;
	[sflag:s13] =	ssyncadd.s32 $0xFFFFEC00;
	s13 =	simm.s32 @!p1 $0xA  }
0xa5: {  	[tilespmem:s18], [sflag:$0x6] =	stream.indirect.gather.add.f32 [hbm:s4], $0x40, s15, s17, $0xb8;
	[tilespmem:$0x73A0] =	vst v63  }
0xa6: {  	_ =	swait.ge @!p1 [sflag:s13], $0x1400  }
0xa7: {  	s14 =	sshrl.u32 @!p1 s14, $0x3;
	[sflag:s13] =	ssyncset.done @!p1 $0x0  }
0xa8: {  	s9 =	simm.s32 @!p1 $0x5FA0;
	[sflag:s13] =	ssyncadd.s32 @!p1 $0xFFFFEC00;
	s13 =	rddreg [dreg:$0x3]  }
0xa9: {  	s15 =	simm.s32 @!p1 $0x80;
	s13 =	sadd.s32 @!p1 s13, s14;
	s14 =	simm.s32 @!p1 $0x40  }
0xaa: {  	[hbm4b:s13+s14] =	stream.strided.scatter @!p1 [tilespmem:s9], [sflag:$0xF], $0x1400, s15, s14, $0x38;
	[tilespmem:$0x73A0] =	vst v63  }
0xab: {  	s9 =	simm.s32 @!p1 $0xE  }
0xac: {  	_ =	swait.ge @!p1 [sflag:s9], $0x1400  }
0xad: {  	[sflag:s9] =	ssyncset.done @!p1 $0x0  }
0xae: {  	s21 =	sadd.s32 $0xF0, s5;
	s28 =	simm.s32 $0x2;
	[sflag:s9] =	ssyncadd.s32 @!p1 $0xFFFFEC00  }
0xaf: {  	[tilespmem:s20], [sflag:$0x4] =	stream.indirect.gather [hbm4b:s2+s17], $0x40, s21, s17, $0xb8;
	[tilespmem:$0x73A0] =	vst v63  }
0xb0: {  	_ =	swait.ge [sflag:s28], $0x1400  }
0xb1: {  	s13 =	sadd.s32 $0x820, s5;
	[sflag:s28] =	ssyncset.done $0x0  }
0xb2: {  	s14 =	simm.s32 $0x23A0;
	s15 =	simm.s32 $0x6;
	[sflag:s28] =	ssyncadd.s32 $0xFFFFEC00  }
0xb3: {  	[tilespmem:s14], [sflag:$0x7] =	stream.indirect.gather.add.f32 [hbm:s4], $0x40, s13, s17, $0xb8;
	[tilespmem:$0x73A0] =	vst v63  }
0xb4: {  	_ =	swait.ge [sflag:s15], $0x1400  }
0xb5: {  	[sflag:s15] =	ssyncset.done $0x0  }
0xb6: {  	s9 =	simm.s32 @!p1 $0xF;
	[sflag:s15] =	ssyncadd.s32 $0xFFFFEC00  }
0xb7: {  	[hbm4b:s12+s25] =	stream.strided.scatter [tilespmem:s18], [sflag:$0xB], $0x1400, s26, s25, $0x38;
	[tilespmem:$0x73A0] =	vst v63  }
0xb8: {  	_ =	swait.ge @!p1 [sflag:s9], $0x1400  }
0xb9: {  	[sflag:s9] =	ssyncset.done @!p1 $0x0  }
0xba: {  	s21 =	simm.s32 $0x5FA0;
	s18 =	sadd.s32 $0x140, s5;
	[sflag:s9] =	ssyncadd.s32 @!p1 $0xFFFFEC00  }
0xbb: {  	[tilespmem:s21], [sflag:$0x5] =	stream.indirect.gather [hbm4b:s2+s17], $0x40, s18, s17, $0xb8;
	[tilespmem:$0x73A0] =	vst v63  }
0xbc: {  	_ =	swait.ge [sflag:s29], $0x1400  }
0xbd: {  	[sflag:s29] =	ssyncset.done $0x0  }
0xbe: {  	s28 =	sadd.s32 $0x870, s5;
	[sflag:s29] =	ssyncadd.s32 $0xFFFFEC00  }
0xbf: {  	[tilespmem:s19], [sflag:$0x8] =	stream.indirect.gather.add.f32 [hbm:s4], $0x40, s28, s17, $0xb8;
	[tilespmem:$0x73A0] =	vst v63  }
0xc0: {  	_ =	swait.ge [sflag:s30], $0x1400  }
0xc1: {  	[sflag:s30] =	ssyncset.done $0x0  }
0xc2: {  	[sflag:s30] =	ssyncadd.s32 $0xFFFFEC00  }
0xc3: {  	[hbm4b:s11+s25] =	stream.strided.scatter [tilespmem:s14], [sflag:$0xC], $0x1400, s26, s25, $0x38;
	[tilespmem:$0x73A0] =	vst v63  }
0xc4: {  	p0 =	seq.s32 s10, $0x1900;
	_ =	swait.ge [sflag:s31], $0x1400  }
0xc5: {  	s12 =	simm.s32 @!p0 $0x50;
	s9 =	sshra.s32 @!p0 s10, $0x2;
	[sflag:s31] =	ssyncset.done $0x0  }
0xc6: {  	s10 =	simm.s32 @!p0 $0xFA0;
	s11 =	sadd.s32 @!p0 $0x190, s9;
	[sflag:s31] =	ssyncadd.s32 $0xFFFFEC00  }
0xc7: {  	[tilespmem:s10], [sflag:$0x1] =	stream.indirect.gather @!p0 [hbm4b:s2+s12], $0x40, s11, s12, $0xb8;
	[tilespmem:$0x73A0] =	vst v63  }
0xc8: {  	_ =	swait.ge [sflag:s1], $0x1400  }
0xc9: {  	[sflag:s1] =	ssyncset.done $0x0  }
0xca: {  	s11 =	sadd.s32 $0x8C0, s5;
	[sflag:s1] =	ssyncadd.s32 $0xFFFFEC00  }
0xcb: {  	[tilespmem:s20], [sflag:$0x9] =	stream.indirect.gather.add.f32 [hbm:s4], $0x40, s11, s17, $0xb8;
	[tilespmem:$0x73A0] =	vst v63  }
0xcc: {  	_ =	swait.ge [sflag:s0], $0x1400  }
0xcd: {  	[sflag:s0] =	ssyncset.done $0x0  }
0xce: {  	[sflag:s0] =	ssyncadd.s32 $0xFFFFEC00  }
0xcf: {  	[hbm4b:s8+s25] =	stream.strided.scatter [tilespmem:s19], [sflag:$0xD], $0x1400, s26, s25, $0x38;
	[tilespmem:$0x73A0] =	vst v63  }
0xd0: {  	_ =	swait.ge [sflag:s16], $0x1400  }
0xd1: {  	[sflag:s16] =	ssyncset.done $0x0  }
0xd2: {  	s8 =	sadd.s32 @!p0 $0x1E0, s9;
	s9 =	simm.s32 @!p0 $0x23A0;
	[sflag:s16] =	ssyncadd.s32 $0xFFFFEC00  }
0xd3: {  	[tilespmem:s9], [sflag:$0x2] =	stream.indirect.gather @!p0 [hbm4b:s2+s12], $0x40, s8, s12, $0xb8;
	[tilespmem:$0x73A0] =	vst v63  }
0xd4: {  	_ =	swait.ge [sflag:s6], $0x1400  }
0xd5: {  	[sflag:s6] =	ssyncset.done $0x0  }
0xd6: {  	s5 =	sadd.s32 $0x910, s5;
	[sflag:s6] =	ssyncadd.s32 $0xFFFFEC00  }
0xd7: {  	[tilespmem:s21], [sflag:$0xA] =	stream.indirect.gather.add.f32 [hbm:s4], $0x40, s5, s17, $0xb8;
	[tilespmem:$0x73A0] =	vst v63  }
0xd8: {  	_ =	swait.ge [sflag:s7], $0x1400  }
0xd9: {  	[sflag:s7] =	ssyncset.done $0x0  }
0xda: {  	s13 =	simm.s32 $0xA;
	[sflag:s7] =	ssyncadd.s32 $0xFFFFEC00  }
0xdb: {  	[hbm4b:s3+s25] =	stream.strided.scatter [tilespmem:s20], [sflag:$0xE], $0x1400, s26, s25, $0x38;
	[tilespmem:$0x73A0] =	vst v63  }
0xdc: {  	_ =	swait.ge [sflag:s13], $0x1400  }
0xdd: {  	[sflag:s13] =	ssyncset.done $0x0  }
0xde: {  	s18 =	simm.s32 $0xD;
	s15 =	rddreg [dreg:$0x6];
	[sflag:s13] =	ssyncadd.s32 $0xFFFFEC00  }
0xdf: {  	[hbm4b:s15+s25] =	stream.strided.scatter [tilespmem:s21], [sflag:$0xF], $0x1400, s26, s25, $0x38;
	[tilespmem:$0x73A0] =	vst v63  }
0xe0: {  	_ =	swait.ge [sflag:s18], $0x1400  }
0xe1: {  	[sflag:s18] =	ssyncset.done $0x0  }
0xe2: {  	s19 =	simm.s32 $0xE;
	[sflag:s18] =	ssyncadd.s32 $0xFFFFEC00  }
0xe3: {  	_ =	swait.ge [sflag:s19], $0x1400  }
0xe4: {  	[sflag:s19] =	ssyncset.done $0x0  }
0xe5: {  	s20 =	simm.s32 $0xF;
	[sflag:s19] =	ssyncadd.s32 $0xFFFFEC00  }
0xe6: {  	_ =	swait.ge [sflag:s20], $0x1400  }
0xe7: {  	s21 =	rddreg [dreg:$0xd]  }
0xe8: {  	s28 =	rddreg [dreg:$0x7];
	s8 =	sadd.s32 $0x1, s21  }
0xe9: {  	p0 =	sne.s32 s8, s28  }
.Ltmp1:
0xea: {  	_ = 	snop;
	(pc) =	sbr.rel @p0 .LBB2_1-.Ltmp1, $3  }
0xeb: {  	_ =	sdelay $0x1  }
0xec: {  	[sflag:s20] =	ssyncset.done $0x0  }
0xed: {  	[sflag:s20] =	ssyncadd.s32 $0xFFFFEC00  }
0xee: {  	_ =	sfence.sel $0x180000  }
0xef: {  	[bflag:$0x0] =	sbarrier.arrive $0xFFFF  }
0xf0: {  	_ =	strace $0x90000047  }
0xf1: {  	s0 =	stileid.u32;
	[bflag:$0x2] =	sbarrier.arrive $0xFFFF  }
0xf2: {  	p0 =	sne.s32 s0, $0x0;
	s0 =	rddreg [dreg:$0x2]  }
0xf3: {  	s0 =	sadd.s32 @!p0 $0x100000, s0  }
0xf4: {  	[sflag:s0] =	ssyncadd.tile.s32 @!p0 $0x1;
	_ =	shalt  }
.Lfunc_end2:
_tile_overlayer_lowered:
.L_overlay_start_2:
0xf5: {  	(tag) =	ssettag $0x2  }
0xf6: {  	s0 =	rddreg [dreg:$0x0];
	s2 =	stileid.u32  }
0xf7: {  	s1 =	rddreg [dreg:$0x1];
	p0 =	sne.s32 s2, $0x0  }
0xf8: {  	s3 =	rddreg [dreg:$0x2];
	[bflag:$0x3] =	sbarrier.arrive $0xFFFF;
	s2 =	simm.s32 @!p0 $0x1C10  }
0xf9: {  	[timem:s3], [sflag:s2] =	dma.local @!p0 [hbm:s0], s1  }
0xfa: {  	s0 =	simm.s32 @!p0 $0x10  }
0xfb: {  	_ =	swait.ge @!p0 [sflag:s0], s1  }
0xfc: {  	s1 =	ssub.s32 @!p0 $0x0, s1;
	[sflag:s0] =	ssyncset.done @!p0 $0x0  }
0xfd: {  	[sflag:s0] =	ssyncadd.s32 @!p0 s1  }
0xfe: {  	[bflag:$0x3] =	sbarrier.arrive $0xFFFF  }
0xff: {  	_ =	shalt  }

// kernel: kernel.16.cloned.1.call-start
scs
__scs_entry_jumppad:
0x0: {  	(pc) =	sbr.rel $0x88, $3  }
0x1: {  	(tag) =	ssettag $0x0;
	lr =	simm.s32 $0x1  }
0x2: {  	[smem:$0x3F97] =	sst lr;
	_ =	strace $0xD0000000  }
0x3: {  	_ = 	snop  }
0x4: {  	_ = 	snop  }
0x5: {  	_ = 	snop  }
0x6: {  	_ = 	snop  }
0x7: {  	_ = 	snop  }
__scs_overlays_trampoline_lowered:
0x8: {  	[smem:$0x3FA6] =	sst s0  }
0x9: {  	[smem:$0x3FA7] =	sst s1  }
0xa: {  	[smem:$0x3FA8] =	sst s2  }
0xb: {  	[smem:$0x3FA9] =	sst s3  }
0xc: {  	[smem:$0x3FAA] =	sst s4  }
0xd: {  	[smem:$0x3FAB] =	sst s5  }
0xe: {  	[smem:$0x3FAC] =	sst s6  }
0xf: {  	[smem:$0x3FAD] =	sst s7  }
0x10: {  	[smem:$0x3FAE] =	sst s8  }
0x11: {  	[smem:$0x3FAF] =	sst s9;
	s0 =	simm.s32 @!p0 $0x0  }
0x12: {  	s1 =	sld [smem:$0x3F95];
	s0 =	simm.s32 @p0 $0x1  }
0x13: {  	[smem:$0x3FB0] =	sst s0;
	s0 =	simm.s32 @!p1 $0x0  }
0x14: {  	s2 =	sld [smem:$0x3F94];
	s0 =	simm.s32 @p1 $0x1  }
0x15: {  	[smem:$0x3FB1] =	sst s0;
	s0 =	simm.s32 @!p2 $0x0  }
0x16: {  	s3 =	sld [smem:$0x3FDB];
	s0 =	simm.s32 @p2 $0x1  }
0x17: {  	s4 =	simm.s32 $0x1BF5;
	[smem:$0x3FB3] =	sst s0  }
0x18: {  	s0 =	sld [smem:$0x3F96];
	_ =	swait.ge [sflag:s4], $0x0  }
0x19: {  	s7 =	sld [smem:$0x3F97]  }
0x1a: {  	s8 =	sadd.s32 $0xFFFFE003, lr  }
0x1b: {  	s9 =	sadd.s32 $0xFFFFFEF7, lr;
	s5 =	simm.s32 $0xFFFFFFFF;
	p2 =	slt.u32 s8, $0xFFFFF086  }
0x1c: {  	p1 =	slt.u32 s9, $0xF7A;
	s5 =	simm.s32 @!p2 $0x0  }
0x1d: {  	s5 =	simm.s32 @p1 $0x1;
	p0 =	seq.s32 s7, s2  }
0x1e: {  	s7 =	smul.u32 @!p0 $0xF7A, s2;
	p2 =	seq.s32 @!p0 s5, $0x0  }
0x1f: {  	s9 =	smul.u32 $0xF7A, s1;
	s8 =	simm.s32 @!p0 $0x1BF5;
	p2 =	por !p2, p0  }
0x20: {  	[sflag:s8] =	ssyncset.s32 @!p0 $0xFFFFF086;
	s6 =	sadd.s32 @!p0 s3, s7;
	s7 =	simm.s32 @!p0 $0x108  }
0x21: {  	s3 =	sadd.s32 s3, s9;
	s6 =	sadd.s32 @!p0 $0x88, s6;
	s7 =	simm.s32 @p2 $0x1082  }
0x22: {  	[simem:s7], [sflag:s8] =	dma.local @!p0 [hbm:s6], $0xF7A  }
0x23: {  	s9 =	sor.u32 $0xD0000000, s2;
	s6 =	simm.s32 $0x108;
	_ =	swait.ge @!p0 [sflag:s8], $0x0  }
0x24: {  	s3 =	sadd.s32 $0x88, s3;
	s6 =	simm.s32 @!p1 $0x1082;
	[sflag:s4] =	ssyncset.s32 $0xFFFFF086  }
0x25: {  	[simem:s6], [sflag:s4] =	dma.local [hbm:s3], $0xF7A  }
0x26: {  	[smem:$0x3F97] =	sst s1;
	(tag) =	ssettag s2;
	_ =	strace s9  }
0x27: {  	s1 =	sld [smem:$0x3FA7]  }
0x28: {  	s2 =	sld [smem:$0x3FA8]  }
0x29: {  	s4 =	sld [smem:$0x3FAA]  }
0x2a: {  	p0 =	seq.s32 s5, $0x0;
	s5 =	sld [smem:$0x3FAB]  }
0x2b: {  	s6 =	sld [smem:$0x3FAC]  }
0x2c: {  	s7 =	sld [smem:$0x3FAD]  }
0x2d: {  	s3 =	simm.s32 $0x108;
	s8 =	sld [smem:$0x3FAE]  }
0x2e: {  	s3 =	simm.s32 @!p0 $0x1082;
	s9 =	sld [smem:$0x3FAF]  }
0x2f: {  	lr =	sadd.s32 s0, s3;
	s0 =	sld [smem:$0x3FA6]  }
0x30: {  	s3 =	sld [smem:$0x3FA9]  }
0x31: {  	[smem:$0x3FB2] =	sst s10  }
0x32: {  	s10 =	sld [smem:$0x3FB0];
	_ =	sdelay $0x3  }
0x33: {  	p0 =	seq.s32 s10, $0x1;
	s10 =	sld [smem:$0x3FB2];
	_ =	sdelay $0x3  }
0x34: {  	[smem:$0x3FB2] =	sst s10  }
0x35: {  	s10 =	sld [smem:$0x3FB1];
	_ =	sdelay $0x3  }
0x36: {  	p1 =	seq.s32 s10, $0x1;
	s10 =	sld [smem:$0x3FB2];
	_ =	sdelay $0x3  }
0x37: {  	[smem:$0x3FB2] =	sst s10  }
0x38: {  	s10 =	sld [smem:$0x3FB3]  }
0x39: {  	_ = 	snop;
	(pc) =	sbr.ind lr, $3  }
0x3a: {  	_ = 	snop  }
0x3b: {  	_ = 	snop  }
0x3c: {  	p2 =	seq.s32 s10, $0x1;
	s10 =	sld [smem:$0x3FB2]  }
0x3d: {  	_ =	shalt  }
0x3e: {  	_ =	shalt  }
0x3f: {  	_ =	shalt  }
0x40: {  	_ =	shalt  }
0x41: {  	_ =	shalt  }
0x42: {  	_ =	shalt  }
0x43: {  	_ =	shalt  }
0x44: {  	_ =	shalt  }
0x45: {  	_ =	shalt  }
0x46: {  	_ =	shalt  }
0x47: {  	_ =	shalt  }
0x48: {  	_ =	shalt  }
0x49: {  	_ =	shalt  }
0x4a: {  	_ =	shalt  }
0x4b: {  	_ =	shalt  }
0x4c: {  	_ =	shalt  }
0x4d: {  	_ =	shalt  }
0x4e: {  	_ =	shalt  }
0x4f: {  	_ =	shalt  }
0x50: {  	_ =	shalt  }
0x51: {  	_ =	shalt  }
0x52: {  	_ =	shalt  }
0x53: {  	_ =	shalt  }
0x54: {  	_ =	shalt  }
0x55: {  	_ =	shalt  }
0x56: {  	_ =	shalt  }
0x57: {  	_ =	shalt  }
0x58: {  	_ =	shalt  }
0x59: {  	_ =	shalt  }
0x5a: {  	_ =	shalt  }
0x5b: {  	_ =	shalt  }
0x5c: {  	_ =	shalt  }
0x5d: {  	_ =	shalt  }
0x5e: {  	_ =	shalt  }
0x5f: {  	_ =	shalt  }
0x60: {  	_ =	shalt  }
0x61: {  	_ =	shalt  }
0x62: {  	_ =	shalt  }
0x63: {  	_ =	shalt  }
0x64: {  	_ =	shalt  }
0x65: {  	_ =	shalt  }
0x66: {  	_ =	shalt  }
0x67: {  	_ =	shalt  }
0x68: {  	_ =	shalt  }
0x69: {  	_ =	shalt  }
0x6a: {  	_ =	shalt  }
0x6b: {  	_ =	shalt  }
0x6c: {  	_ =	shalt  }
0x6d: {  	_ =	shalt  }
0x6e: {  	_ =	shalt  }
0x6f: {  	_ =	shalt  }
0x70: {  	_ =	shalt  }
0x71: {  	_ =	shalt  }
0x72: {  	_ =	shalt  }
0x73: {  	_ =	shalt  }
0x74: {  	_ =	shalt  }
0x75: {  	_ =	shalt  }
0x76: {  	_ =	shalt  }
0x77: {  	_ =	shalt  }
0x78: {  	_ =	shalt  }
0x79: {  	_ =	shalt  }
0x7a: {  	_ =	shalt  }
0x7b: {  	_ =	shalt  }
0x7c: {  	_ =	shalt  }
0x7d: {  	_ =	shalt  }
0x7e: {  	_ =	shalt  }
0x7f: {  	_ =	shalt  }
0x80: {  	_ =	shalt  }
0x81: {  	_ =	shalt  }
0x82: {  	_ =	shalt  }
0x83: {  	_ =	shalt  }
0x84: {  	_ =	shalt  }
0x85: {  	_ =	shalt  }
0x86: {  	_ =	shalt  }
0x87: {  	_ =	shalt  }
.Lfunc_end0:
.L_simem_size_0:
called_computation.2_lowered:
.L_overlay_start_0:
0x88: {  	s2 =	sld [smem:$0x3FD9]  }
0x89: {  	s3 =	sld [smem:$0x3FFE];
	_ =	sdelay $0x1  }
0x8a: {  	s1 =	srdreg.scid  }
0x8b: {  	s0 =	sand.u32 $0x1, s1  }
0x8c: {  	s15 =	sshll.u32 s0, $0xA;
	s2 =	sadd.s32 s3, s2  }
0x8d: {  	s2 =	sadd.s32 s2, s15  }
0x8e: {  	[smem:$0x3FBE] =	sst s2  }
0x8f: {  	_ = 	snop  }
0x90: {  	s2 =	sld [smem:$0x3FD0];
	_ =	sdelay $0x2  }
0x91: {  	s16 =	simm.s32 $0xE;
	s4 =	simm.s32 $0x10  }
0x92: {  	[smem:s4], [sflag:s16] =	dma.local [hbm:s2], $0x1  }
0x93: {  	_ =	swait.eq [sflag:s16], $0x1  }
0x94: {  	[sflag:s16] =	ssyncset.done $0x0  }
0x95: {  	[sflag:s16] =	ssyncadd.s32 $0xFFFFFFFF  }
0x96: {  	s17 =	sld [smem:$0x10];
	(tm) =	ssettm $0x1  }
0x97: {  	s18 =	sld [smem:$0x3FFB];
	_ =	sdelay $0x3  }
0x98: {  	_ =	strace s18  }
0x99: {  	s2 =	sld [smem:$0x3FFC];
	_ =	sdelay $0x3  }
0x9a: {  	_ =	strace s2  }
0x9b: {  	s2 =	sld [smem:$0x3FFD];
	_ =	sdelay $0x3  }
0x9c: {  	_ =	strace s2  }
0x9d: {  	_ =	strace $0x8FFFFFFF  }
0x9e: {  	s19 =	sld [smem:$0x3FDB];
	_ =	sdelay $0x1  }
0x9f: {  	s20 =	simm.s32 $_scs_section_size  }
0xa0: {  	s5 =	simm.s32 $_size__tile_overlayer_lowered;
	s6 =	simm.s32 $_tile_overlayer_lowered  }
0xa1: {  	s7 =	simm.s32 $0x1BFF;
	s21 =	sshll.u32 s6, $0x1;
	s4 =	sadd.s32 s20, s19  }
0xa2: {  	s22 =	simm.s32 $0x0;
	s5 =	sshll.u32 s5, $0x1;
	s6 =	sadd.s32 s21, s4  }
0xa3: {  	[timem:s22], [sflag:s7] =	dma.local [hbm:s6], s5  }
0xa4: {  	_ =	swait.ge [sflag:s7], s5  }
0xa5: {  	s5 =	ssub.s32 $0x0, s5;
	[sflag:s7] =	ssyncset.done $0x0  }
0xa6: {  	[sflag:s7] =	ssyncadd.s32 s5;
	_ =	sdelay $0x1  }
0xa7: {  	s23 =	simm.s32 $0x1B8B  }
0xa8: {  	_ =	swait.ge [sflag:s23], $0x1  }
0xa9: {  	[sflag:s23] =	ssyncset.done $0x0  }
0xaa: {  	[sflag:s23] =	ssyncadd.s32 $0xFFFFFFFF  }
0xab: {  	s5 =	sld [smem:$0x0]  }
0xac: {  	s6 =	sand.u32 $0xFFFFFFFE, s1  }
0xad: {  	p0 =	sne.s32 s1, s6  }
0xae: {  	s6 =	sshll.u32 @p0 s6, $0xE  }
0xaf: {  	s6 =	sadd.s32 @p0 $0x11B8D, s6;
	s7 =	sshll.u32 @p0 s5, $0x11  }
0xb0: {  	s6 =	sor.u32 @p0 s7, s6  }
0xb1: {  	[sflag:s6] =	ssyncadd.remote.s32 @p0 $0x1;
	_ =	sdelay $0x1  }
0xb2: {  	s6 =	simm.s32 @p0 $0x1B8D  }
0xb3: {  	_ =	swait.eq @p0 [sflag:s6], $0x1  }
0xb4: {  	[sflag:s6] =	ssyncadd.s32 @p0 $0xFFFFFFFF  }
0xb5: {  	s7 =	sshll.u32 @!p0 s1, $0xE  }
0xb6: {  	s7 =	sor.u32 @!p0 $0x4000, s7;
	s6 =	simm.s32 @!p0 $0x1B8D  }
0xb7: {  	s5 =	sshll.u32 @!p0 s5, $0x11;
	s7 =	sadd.s32 @!p0 $0x11B8D, s7;
	_ =	swait.eq @!p0 [sflag:s6], $0x1  }
0xb8: {  	s5 =	sor.u32 @!p0 s5, s7;
	[sflag:s6] =	ssyncadd.s32 @!p0 $0xFFFFFFFF  }
0xb9: {  	s25 =	simm.s32 $0x1B8E;
	s24 =	sld [smem:$0x3FFE];
	[sflag:s5] =	ssyncadd.remote.s32 @!p0 $0x1  }
0xba: {  	s26 =	simm.s32 $execute0_lowered;
	[smem:$0x3FD2] =	sst s25  }
0xbb: {  	s6 =	sshll.u32 s26, $0x1;
	_ =	strace $0x80000049;
	[dreg:$0x1] =	wrdreg $0xFFFFFFFF  }
0xbc: {  	s28 =	simm.s32 $_size_execute0_lowered;
	s4 =	sadd.s32 s4, s6;
	[dreg:$0x0] =	wrdreg $0x0  }
0xbd: {  	s6 =	sshll.u32 s28, $0x1;
	[dreg:$0x2] =	wrdreg s4  }
0xbe: {  	[dreg:$0x3] =	wrdreg s6  }
0xbf: {  	[dreg:$0x4] =	wrdreg $0xC0  }
0xc0: {  	_ =	task [dreg:s22], $0x5FFFF  }
0xc1: {  	[dreg:$0x1] =	wrdreg $0xFFFFFFFF  }
0xc2: {  	[dreg:$0x0] =	wrdreg $0x60  }
0xc3: {  	[dreg:$0x2] =	wrdreg s17  }
0xc4: {  	[dreg:$0x3] =	wrdreg s24  }
0xc5: {  	[dreg:$0x4] =	wrdreg $0xA  }
0xc6: {  	_ =	task.clear_ibuf [dreg:s22], $0x5FFFF;
	_ =	strace $0x90000049  }
0xc7: {  	s29 =	simm.s32 $0xA;
	_ =	strace $0x8000004B  }
0xc8: {  	_ =	swait.ge [sflag:s29], $0x1  }
0xc9: {  	[sflag:s29] =	ssyncadd.s32 $0xFFFFFFFF  }
0xca: {  	_ =	strace $0x9000004B  }
0xcb: {  	_ =	sfence  }
0xcc: {  	s30 =	sld [smem:$0x0];
	_ =	sdelay $0x2  }
0xcd: {  	s31 =	sshll.u32 s1, $0xD;
	s1 =	sshrl.u32 s1, $0x2  }
0xce: {  	s4 =	sand.u32 $0x4000, s31;
	s1 =	sadd.s32 s1, s30  }
0xcf: {  	s0 =	sor.u32 s4, s0;
	s1 =	sshll.u32 s1, $0x11  }
0xd0: {  	s0 =	sor.u32 s1, s0  }
0xd1: {  	s0 =	sadd.s32 $0x8F2B, s0  }
0xd2: {  	[sflag:s0] =	ssyncadd.remote.s32 $0x1  }
0xd3: {  	_ =	sfence.sel $0xFFFF  }
0xd4: {  	[dreg:$0x0] =	wrdreg $0xFFFFFFFF;
	(pc) =	sbr.abs _section_cstart, $3  }
0xd5: {  	[dreg:$0x1] =	wrdreg $0xFFFFFFFF  }
0xd6: {  	_ =	task.clear_ibuf [dreg:s22], $0x2FFFF;
	_ =	strace $0x9FFFFFFF  }
0xd7: {  	(tm) =	ssettm $0x7FFFFFFF  }
tec
execute0_lowered:
.L_overlay_start_1:
0x0: {  	(tag) =	ssettag $0x1  }
0x1: {  	s0 =	srdreg.scid;
	s2 =	rddreg [dreg:$0x0]  }
0x2: {  	s5 =	stileid.u32;
	s3 =	rddreg [dreg:$0x1];
	s6 =	simm.s32 $0x0  }
0x3: {  	s29 =	simm.s32 $0x3;
	s30 =	simm.s32 $0x7;
	s31 =	simm.s32 $0xB  }
0x4: {  	s0 =	sand.u32 $0x1, s0;
	s1 =	sshll.u32 s5, $0x1;
	[smem:$0x7FF] =	sst s6  }
0x5: {  	s5 =	sshll.u32 s5, $0x3;
	s8 =	sadd.s32 $0xC4000, s3;
	s6 =	simm.s32 $0x5  }
0x6: {  	s1 =	sor.u32 s0, s1;
	_ =	strace $0x8000004A;
	s5 =	sand.u32 $0x40, s5  }
0x7: {  	s0 =	ssub.s32 $0x2, s0;
	s4 =	sand.u32 $0xF, s1;
	s1 =	smul.u32 $0xFA, s1  }
0x8: {  	[dreg:$0x3] =	wrdreg s8;
	s17 =	sshrl.u32 s0, $0x1;
	s16 =	smul.u32 $0x3E800, s4  }
0x9: {  	s4 =	sadd.s32 $0x2F600, s3;
	s0 =	ssub.s32 s0, s17;
	s17 =	simm.s32 $0x50  }
0xa: {  	s1 =	sadd.s32 s1, s3;
	s0 =	smax.u32 s0, $0x1;
	s5 =	sor.u32 s5, s16  }
0xb: {  	s19 =	sadd.s32 $0xC2000, s1;
	s1 =	sadd.s32 $0xC0000, s1;
	[dreg:$0x7] =	wrdreg s0  }
0xc: {  	s16 =	simm.s32 $0xC;
	s7 =	sadd.s32 $0x3C000, s5;
	[dreg:$0x4] =	wrdreg s19  }
0xd: {  	[dreg:$0x5] =	wrdreg s1;
	s21 =	sadd.s32 $0xFFFFD800, s5;
	s22 =	sshrl.u32 s5, $0x3  }
0xe: {  	s23 =	sadd.s32 $0x2800, s5;
	s24 =	sadd.s32 $0x7800, s5;
	s25 =	sadd.s32 $0x5000, s5  }
0xf: {  	s18 =	sshrl.u32 s7, $0x3;
	[dreg:$0x8] =	wrdreg s21;
	s0 =	sadd.s32 s22, s8  }
0x10: {  	s1 =	sshrl.u32 s24, $0x3;
	s28 =	sshrl.u32 s25, $0x3;
	s25 =	simm.s32 $0x40  }
0x11: {  	s7 =	simm.s32 $0x9;
	s24 =	simm.s32 $0x4BA0;
	s22 =	simm.s32 $0xFA0  }
0x12: {  	s20 =	sadd.s32 s8, s18;
	[dreg:$0x9] =	wrdreg s0;
	s0 =	sshrl.u32 s23, $0x3  }
0x13: {  	s26 =	sadd.s32 s1, s8;
	s1 =	simm.s32 $0x4;
	[dreg:$0x6] =	wrdreg s20  }
0x14: {  	s23 =	simm.s32 $0x37A0;
	s0 =	sadd.s32 s0, s8;
	[dreg:$0xb] =	wrdreg s26  }
0x15: {  	s26 =	simm.s32 $0x80;
	[dreg:$0xa] =	wrdreg s0;
	s0 =	sadd.s32 s28, s8  }
0x16: {  	s8 =	simm.s32 $0x0;
	[dreg:$0xc] =	wrdreg s0;
	s0 =	simm.s32 $0x8  }
.LBB2_1:
0x17: {  	[dreg:$0xd] =	wrdreg s8  }
0x18: {  	s3 =	simm.s32 $0x0;
	s5 =	rddreg [dreg:$0x4];
	s14 =	simm.s32 $0x10  }
0x19: {  	[tilespmem:s3], [sflag:$0x10] =	stream.linear.gather [hbm4b:s5+s3], $0x7D0, $0x38;
	[tilespmem:$0x73A0] =	vst v63  }
0x1a: {  	_ =	swait.ge [sflag:s14], $0x7D0  }
0x1b: {  	[sflag:s14] =	ssyncset.done $0x0  }
0x1c: {  	s9 =	simm.s32 $0x7D0;
	s15 =	rddreg [dreg:$0x5];
	[sflag:s14] =	ssyncadd.s32 $0xFFFFF830  }
0x1d: {  	[tilespmem:s9], [sflag:$0x10] =	stream.linear.gather [hbm4b:s15+s3], $0x7D0, $0x38;
	[tilespmem:$0x73A0] =	vst v63  }
0x1e: {  	_ =	swait.ge [sflag:s14], $0x7D0  }
0x1f: {  	[sflag:s14] =	ssyncset.done $0x0  }
0x20: {  	s11 =	simm.s32 $0xFA0;
	p0 =	por $0x1, $0x1;
	[sflag:s14] =	ssyncadd.s32 $0xFFFFF830  }
0x21: {  	[tilespmem:s11], [sflag:$0x1] =	stream.indirect.gather [hbm4b:s2+s17], $0x40, s3, s17, $0xb8;
	[tilespmem:$0x73A0] =	vst v63  }
0x22: {  	s12 =	simm.s32 $0x23A0;
	s3 =	simm.s32 @!p0 $0xD  }
0x23: {  	[tilespmem:s12], [sflag:$0x2] =	stream.indirect.gather [hbm4b:s2+s17], $0x40, s17, s17, $0xb8;
	[tilespmem:$0x73A0] =	vst v63  }
0x24: {  	_ =	swait.ge @!p0 [sflag:s3], $0x1400  }
0x25: {  	s18 =	simm.s32 $0xA0;
	[sflag:s3] =	ssyncset.done @!p0 $0x0  }
0x26: {  	s13 =	simm.s32 $0x37A0;
	s19 =	simm.s32 $0x1;
	[sflag:s3] =	ssyncadd.s32 @!p0 $0xFFFFEC00  }
0x27: {  	[tilespmem:s13], [sflag:$0x3] =	stream.indirect.gather [hbm4b:s2+s17], $0x40, s18, s17, $0xb8;
	[tilespmem:$0x73A0] =	vst v63  }
0x28: {  	_ =	swait.ge [sflag:s19], $0x1400  }
0x29: {  	[sflag:s19] =	ssyncset.done $0x0  }
0x2a: {  	s20 =	simm.s32 $0x7D0;
	s5 =	simm.s32 @!p0 $0xA;
	[sflag:s19] =	ssyncadd.s32 $0xFFFFEC00  }
0x2b: {  	[tilespmem:s11], [sflag:$0x6] =	stream.indirect.gather.add.f32 [hbm:s4], $0x40, s20, s17, $0xb8;
	[tilespmem:$0x73A0] =	vst v63  }
0x2c: {  	s8 =	simm.s32 @!p0 $0xE;
	_ =	swait.ge @!p0 [sflag:s5], $0x1400  }
0x2d: {  	s10 =	simm.s32 @!p0 $0x80;
	[sflag:s5] =	ssyncset.done @!p0 $0x0;
	s14 =	rddreg [dreg:$0x8]  }
0x2e: {  	s9 =	sshrl.u32 @!p0 s14, $0x3;
	[sflag:s5] =	ssyncadd.s32 @!p0 $0xFFFFEC00;
	s5 =	rddreg [dreg:$0x3]  }
0x2f: {  	s3 =	simm.s32 @!p0 $0x5FA0;
	s5 =	sadd.s32 @!p0 s5, s9;
	s9 =	simm.s32 @!p0 $0x40  }
0x30: {  	[hbm4b:s5+s9] =	stream.strided.scatter @!p0 [tilespmem:s3], [sflag:$0xF], $0x1400, s10, s9, $0x38;
	[tilespmem:$0x73A0] =	vst v63  }
0x31: {  	_ =	swait.ge @!p0 [sflag:s8], $0x1400  }
0x32: {  	s21 =	simm.s32 $0xF0;
	[sflag:s8] =	ssyncset.done @!p0 $0x0  }
0x33: {  	s28 =	simm.s32 $0x4BA0;
	s5 =	simm.s32 $0x2;
	[sflag:s8] =	ssyncadd.s32 @!p0 $0xFFFFEC00  }
0x34: {  	[tilespmem:s28], [sflag:$0x4] =	stream.indirect.gather [hbm4b:s2+s17], $0x40, s21, s17, $0xb8;
	[tilespmem:$0x73A0] =	vst v63  }
0x35: {  	_ =	swait.ge [sflag:s5], $0x1400  }
0x36: {  	[sflag:s5] =	ssyncset.done $0x0  }
0x37: {  	s9 =	simm.s32 $0x6;
	s8 =	simm.s32 $0x820;
	[sflag:s5] =	ssyncadd.s32 $0xFFFFEC00  }
0x38: {  	[tilespmem:s12], [sflag:$0x7] =	stream.indirect.gather.add.f32 [hbm:s4], $0x40, s8, s17, $0xb8;
	[tilespmem:$0x73A0] =	vst v63  }
0x39: {  	_ =	swait.ge [sflag:s9], $0x1400  }
0x3a: {  	[sflag:s9] =	ssyncset.done $0x0  }
0x3b: {  	s3 =	simm.s32 @!p0 $0xF;
	[sflag:s9] =	ssyncadd.s32 $0xFFFFEC00;
	s9 =	rddreg [dreg:$0x9]  }
0x3c: {  	[hbm4b:s9+s25] =	stream.strided.scatter [tilespmem:s11], [sflag:$0xB], $0x1400, s26, s25, $0x38;
	[tilespmem:$0x73A0] =	vst v63  }
0x3d: {  	_ =	swait.ge @!p0 [sflag:s3], $0x1400  }
0x3e: {  	[sflag:s3] =	ssyncset.done @!p0 $0x0  }
0x3f: {  	s18 =	simm.s32 $0x5FA0;
	s11 =	simm.s32 $0x140;
	[sflag:s3] =	ssyncadd.s32 @!p0 $0xFFFFEC00  }
0x40: {  	[tilespmem:s18], [sflag:$0x5] =	stream.indirect.gather [hbm4b:s2+s17], $0x40, s11, s17, $0xb8;
	[tilespmem:$0x73A0] =	vst v63  }
0x41: {  	_ =	swait.ge [sflag:s29], $0x1400  }
0x42: {  	[sflag:s29] =	ssyncset.done $0x0  }
0x43: {  	s15 =	simm.s32 $0x870;
	[sflag:s29] =	ssyncadd.s32 $0xFFFFEC00  }
0x44: {  	[tilespmem:s13], [sflag:$0x8] =	stream.indirect.gather.add.f32 [hbm:s4], $0x40, s15, s17, $0xb8;
	[tilespmem:$0x73A0] =	vst v63  }
0x45: {  	_ =	swait.ge [sflag:s30], $0x1400  }
0x46: {  	[sflag:s30] =	ssyncset.done $0x0  }
0x47: {  	s19 =	rddreg [dreg:$0xa];
	[sflag:s30] =	ssyncadd.s32 $0xFFFFEC00  }
0x48: {  	[hbm4b:s19+s25] =	stream.strided.scatter [tilespmem:s12], [sflag:$0xC], $0x1400, s26, s25, $0x38;
	[tilespmem:$0x73A0] =	vst v63  }
0x49: {  	p0 =	por $0x0, $0x0;
	_ =	swait.ge [sflag:s31], $0x1400  }
0x4a: {  	s3 =	simm.s32 @!p0 $0xFA0;
	[sflag:s31] =	ssyncset.done $0x0  }
0x4b: {  	s5 =	simm.s32 @!p0 $0x190;
	s8 =	simm.s32 @!p0 $0x50;
	[sflag:s31] =	ssyncadd.s32 $0xFFFFEC00  }
0x4c: {  	[tilespmem:s3], [sflag:$0x1] =	stream.indirect.gather @!p0 [hbm4b:s2+s8], $0x40, s5, s8, $0xb8;
	[tilespmem:$0x73A0] =	vst v63  }
0x4d: {  	_ =	swait.ge [sflag:s1], $0x1400  }
0x4e: {  	[sflag:s1] =	ssyncset.done $0x0  }
0x4f: {  	s20 =	simm.s32 $0x8C0;
	[sflag:s1] =	ssyncadd.s32 $0xFFFFEC00  }
0x50: {  	[tilespmem:s28], [sflag:$0x9] =	stream.indirect.gather.add.f32 [hbm:s4], $0x40, s20, s17, $0xb8;
	[tilespmem:$0x73A0] =	vst v63  }
0x51: {  	_ =	swait.ge [sflag:s0], $0x1400  }
0x52: {  	[sflag:s0] =	ssyncset.done $0x0  }
0x53: {  	s21 =	rddreg [dreg:$0xc];
	[sflag:s0] =	ssyncadd.s32 $0xFFFFEC00  }
0x54: {  	[hbm4b:s21+s25] =	stream.strided.scatter [tilespmem:s13], [sflag:$0xD], $0x1400, s26, s25, $0x38;
	[tilespmem:$0x73A0] =	vst v63  }
0x55: {  	_ =	swait.ge [sflag:s16], $0x1400  }
0x56: {  	[sflag:s16] =	ssyncset.done $0x0  }
0x57: {  	s3 =	simm.s32 @!p0 $0x1E0;
	s5 =	simm.s32 @!p0 $0x23A0;
	[sflag:s16] =	ssyncadd.s32 $0xFFFFEC00  }
0x58: {  	[tilespmem:s5], [sflag:$0x2] =	stream.indirect.gather @!p0 [hbm4b:s2+s8], $0x40, s3, s8, $0xb8;
	[tilespmem:$0x73A0] =	vst v63  }
0x59: {  	p1 =	por $0x0, $0x0;
	s14 =	sadd.s32 $0xC800, s14;
	_ =	swait.ge [sflag:s6], $0x1400  }
0x5a: {  	s10 =	simm.s32 $0x640;
	s11 =	sadd.s32 $0x1900, s19;
	[sflag:s6] =	ssyncset.done $0x0  }
0x5b: {  	s12 =	sadd.s32 $0x1900, s9;
	s28 =	simm.s32 $0x910;
	[sflag:s6] =	ssyncadd.s32 $0xFFFFEC00  }
0x5c: {  	[tilespmem:s18], [sflag:$0xA] =	stream.indirect.gather.add.f32 [hbm:s4], $0x40, s28, s17, $0xb8;
	[tilespmem:$0x73A0] =	vst v63  }
0x5d: {  	s13 =	simm.s32 $0xC80;
	s15 =	rddreg [dreg:$0xb];
	_ =	swait.ge [sflag:s7], $0x1400  }
0x5e: {  	s8 =	sadd.s32 $0x1900, s21;
	s3 =	sadd.s32 $0x1900, s15;
	[sflag:s7] =	ssyncset.done $0x0  }
.LBB2_2:
0x5f: {  	s18 =	simm.s32 @!p1 $0xD;
	[sflag:s7] =	ssyncadd.s32 $0xFFFFEC00  }
0x60: {  	[hbm4b:s15+s25] =	stream.strided.scatter [tilespmem:s24], [sflag:$0xE], $0x1400, s26, s25, $0x38;
	[tilespmem:$0x73A0] =	vst v63  }
0x61: {  	_ =	swait.ge @!p1 [sflag:s18], $0x1400  }
0x62: {  	s9 =	sshra.s32 s10, $0x2;
	[sflag:s18] =	ssyncset.done @!p1 $0x0  }
0x63: {  	s21 =	simm.s32 $0x1;
	s20 =	sadd.s32 $0xA0, s9;
	[sflag:s18] =	ssyncadd.s32 @!p1 $0xFFFFEC00  }
0x64: {  	[tilespmem:s23], [sflag:$0x3] =	stream.indirect.gather [hbm4b:s2+s17], $0x40, s20, s17, $0xb8;
	[tilespmem:$0x73A0] =	vst v63  }
0x65: {  	_ =	swait.ge [sflag:s21], $0x1400  }
0x66: {  	[sflag:s21] =	ssyncset.done $0x0  }
0x67: {  	s19 =	simm.s32 @!p1 $0xA;
	s28 =	sadd.s32 $0x7D0, s9;
	[sflag:s21] =	ssyncadd.s32 $0xFFFFEC00  }
0x68: {  	[tilespmem:s22], [sflag:$0x6] =	stream.indirect.gather.add.f32 [hbm:s4], $0x40, s28, s17, $0xb8;
	[tilespmem:$0x73A0] =	vst v63  }
0x69: {  	_ =	swait.ge @!p1 [sflag:s19], $0x1400  }
0x6a: {  	s18 =	simm.s32 @!p1 $0x5FA0;
	s20 =	sshrl.u32 @!p1 s14, $0x3;
	[sflag:s19] =	ssyncset.done @!p1 $0x0  }
0x6b: {  	s21 =	simm.s32 @!p1 $0x80;
	[sflag:s19] =	ssyncadd.s32 @!p1 $0xFFFFEC00;
	s19 =	rddreg [dreg:$0x3]  }
0x6c: {  	s28 =	simm.s32 @!p1 $0xE;
	s19 =	sadd.s32 @!p1 s19, s20;
	s20 =	simm.s32 @!p1 $0x40  }
0x6d: {  	[hbm4b:s19+s20] =	stream.strided.scatter @!p1 [tilespmem:s18], [sflag:$0xF], $0x1400, s21, s20, $0x38;
	[tilespmem:$0x73A0] =	vst v63  }
0x6e: {  	_ =	swait.ge @!p1 [sflag:s28], $0x1400  }
0x6f: {  	[sflag:s28] =	ssyncset.done @!p1 $0x0  }
0x70: {  	s19 =	sadd.s32 $0xF0, s9;
	s20 =	simm.s32 $0x2;
	[sflag:s28] =	ssyncadd.s32 @!p1 $0xFFFFEC00  }
0x71: {  	[tilespmem:s24], [sflag:$0x4] =	stream.indirect.gather [hbm4b:s2+s17], $0x40, s19, s17, $0xb8;
	[tilespmem:$0x73A0] =	vst v63  }
0x72: {  	_ =	swait.ge [sflag:s20], $0x1400  }
0x73: {  	s21 =	sadd.s32 $0x820, s9;
	[sflag:s20] =	ssyncset.done $0x0  }
0x74: {  	s28 =	simm.s32 $0x6;
	s19 =	simm.s32 $0x23A0;
	[sflag:s20] =	ssyncadd.s32 $0xFFFFEC00  }
0x75: {  	[tilespmem:s19], [sflag:$0x7] =	stream.indirect.gather.add.f32 [hbm:s4], $0x40, s21, s17, $0xb8;
	[tilespmem:$0x73A0] =	vst v63  }
0x76: {  	_ =	swait.ge [sflag:s28], $0x1400  }
0x77: {  	[sflag:s28] =	ssyncset.done $0x0  }
0x78: {  	s18 =	simm.s32 @!p1 $0xF;
	[sflag:s28] =	ssyncadd.s32 $0xFFFFEC00  }
0x79: {  	[hbm4b:s12+s25] =	stream.strided.scatter [tilespmem:s22], [sflag:$0xB], $0x1400, s26, s25, $0x38;
	[tilespmem:$0x73A0] =	vst v63  }
0x7a: {  	_ =	swait.ge @!p1 [sflag:s18], $0x1400  }
0x7b: {  	[sflag:s18] =	ssyncset.done @!p1 $0x0  }
0x7c: {  	s20 =	sadd.s32 $0x140, s9;
	s21 =	simm.s32 $0x5FA0;
	[sflag:s18] =	ssyncadd.s32 @!p1 $0xFFFFEC00  }
0x7d: {  	[tilespmem:s21], [sflag:$0x5] =	stream.indirect.gather [hbm4b:s2+s17], $0x40, s20, s17, $0xb8;
	[tilespmem:$0x73A0] =	vst v63  }
0x7e: {  	_ =	swait.ge [sflag:s29], $0x1400  }
0x7f: {  	[sflag:s29] =	ssyncset.done $0x0  }
0x80: {  	s28 =	sadd.s32 $0x870, s9;
	[sflag:s29] =	ssyncadd.s32 $0xFFFFEC00  }
0x81: {  	[tilespmem:s23], [sflag:$0x8] =	stream.indirect.gather.add.f32 [hbm:s4], $0x40, s28, s17, $0xb8;
	[tilespmem:$0x73A0] =	vst v63  }
0x82: {  	_ =	swait.ge [sflag:s30], $0x1400  }
0x83: {  	[sflag:s30] =	ssyncset.done $0x0  }
0x84: {  	[sflag:s30] =	ssyncadd.s32 $0xFFFFEC00  }
0x85: {  	[hbm4b:s11+s25] =	stream.strided.scatter [tilespmem:s19], [sflag:$0xC], $0x1400, s26, s25, $0x38;
	[tilespmem:$0x73A0] =	vst v63  }
0x86: {  	p1 =	seq.s32 s10, $0x1900;
	_ =	swait.ge [sflag:s31], $0x1400  }
0x87: {  	s10 =	sshra.s32 @!p1 s10, $0x2;
	s18 =	simm.s32 @!p1 $0xFA0;
	[sflag:s31] =	ssyncset.done $0x0  }
0x88: {  	s20 =	simm.s32 @!p1 $0x50;
	s19 =	sadd.s32 @!p1 $0x190, s10;
	[sflag:s31] =	ssyncadd.s32 $0xFFFFEC00  }
0x89: {  	[tilespmem:s18], [sflag:$0x1] =	stream.indirect.gather @!p1 [hbm4b:s2+s20], $0x40, s19, s20, $0xb8;
	[tilespmem:$0x73A0] =	vst v63  }
0x8a: {  	_ =	swait.ge [sflag:s1], $0x1400  }
0x8b: {  	[sflag:s1] =	ssyncset.done $0x0  }
0x8c: {  	s19 =	sadd.s32 $0x8C0, s9;
	[sflag:s1] =	ssyncadd.s32 $0xFFFFEC00  }
0x8d: {  	[tilespmem:s24], [sflag:$0x9] =	stream.indirect.gather.add.f32 [hbm:s4], $0x40, s19, s17, $0xb8;
	[tilespmem:$0x73A0] =	vst v63  }
0x8e: {  	_ =	swait.ge [sflag:s0], $0x1400  }
0x8f: {  	[sflag:s0] =	ssyncset.done $0x0  }
0x90: {  	[sflag:s0] =	ssyncadd.s32 $0xFFFFEC00  }
0x91: {  	[hbm4b:s8+s25] =	stream.strided.scatter [tilespmem:s23], [sflag:$0xD], $0x1400, s26, s25, $0x38;
	[tilespmem:$0x73A0] =	vst v63  }
0x92: {  	s5 =	smov.u32 s13;
	_ =	swait.ge [sflag:s16], $0x1400  }
0x93: {  	s13 =	sadd.s32 $0x640, s13;
	s18 =	sadd.s32 @!p1 $0x1E0, s10;
	[sflag:s16] =	ssyncset.done $0x0  }
0x94: {  	s10 =	smov.u32 s5;
	s5 =	simm.s32 @!p1 $0x23A0;
	[sflag:s16] =	ssyncadd.s32 $0xFFFFEC00  }
0x95: {  	[tilespmem:s5], [sflag:$0x2] =	stream.indirect.gather @!p1 [hbm4b:s2+s20], $0x40, s18, s20, $0xb8;
	[tilespmem:$0x73A0] =	vst v63  }
0x96: {  	p0 =	sne.s32 s13, $0x1F40;
	s15 =	smov.u32 s3;
	_ =	swait.ge [sflag:s6], $0x1400  }
.Ltmp0:
0x97: {  	s3 =	sadd.s32 $0x1900, s3;
	[sflag:s6] =	ssyncset.done $0x0;
	(pc) =	sbr.rel @p0 .LBB2_2-.Ltmp0, $4  }
0x98: {  	s14 =	sadd.s32 $0xC800, s14;
	s28 =	sadd.s32 $0x910, s9;
	[sflag:s6] =	ssyncadd.s32 $0xFFFFEC00  }
0x99: {  	[tilespmem:s21], [sflag:$0xA] =	stream.indirect.gather.add.f32 [hbm:s4], $0x40, s28, s17, $0xb8;
	[tilespmem:$0x73A0] =	vst v63  }
0x9a: {  	s12 =	sadd.s32 $0x1900, s12;
	s11 =	sadd.s32 $0x1900, s11;
	_ =	swait.ge [sflag:s7], $0x1400  }
0x9b: {  	s8 =	sadd.s32 $0x1900, s8;
	p1 =	seq.s32 s10, $0x0;
	[sflag:s7] =	ssyncset.done $0x0  }
0x9c: {  	s9 =	simm.s32 @!p1 $0xD;
	[sflag:s7] =	ssyncadd.s32 $0xFFFFEC00;
	s20 =	simm.s32 $0x4BA0  }
0x9d: {  	[hbm4b:s15+s25] =	stream.strided.scatter [tilespmem:s20], [sflag:$0xE], $0x1400, s26, s25, $0x38;
	[tilespmem:$0x73A0] =	vst v63  }
0x9e: {  	_ =	swait.ge @!p1 [sflag:s9], $0x1400  }
0x9f: {  	s5 =	sshra.s32 s10, $0x2;
	s19 =	simm.s32 $0x37A0;
	[sflag:s9] =	ssyncset.done @!p1 $0x0  }
0xa0: {  	s13 =	simm.s32 $0x1;
	s28 =	sadd.s32 $0xA0, s5;
	[sflag:s9] =	ssyncadd.s32 @!p1 $0xFFFFEC00  }
0xa1: {  	[tilespmem:s19], [sflag:$0x3] =	stream.indirect.gather [hbm4b:s2+s17], $0x40, s28, s17, $0xb8;
	[tilespmem:$0x73A0] =	vst v63  }
0xa2: {  	_ =	swait.ge [sflag:s13], $0x1400  }
0xa3: {  	s18 =	simm.s32 $0xFA0;
	[sflag:s13] =	ssyncset.done $0x0  }
0xa4: {  	s15 =	sadd.s32 $0x7D0, s5;
	[sflag:s13] =	ssyncadd.s32 $0xFFFFEC00;
	s13 =	simm.s32 @!p1 $0xA  }
0xa5: {  	[tilespmem:s18], [sflag:$0x6] =	stream.indirect.gather.add.f32 [hbm:s4], $0x40, s15, s17, $0xb8;
	[tilespmem:$0x73A0] =	vst v63  }
0xa6: {  	_ =	swait.ge @!p1 [sflag:s13], $0x1400  }
0xa7: {  	s14 =	sshrl.u32 @!p1 s14, $0x3;
	[sflag:s13] =	ssyncset.done @!p1 $0x0  }
0xa8: {  	s9 =	simm.s32 @!p1 $0x5FA0;
	[sflag:s13] =	ssyncadd.s32 @!p1 $0xFFFFEC00;
	s13 =	rddreg [dreg:$0x3]  }
0xa9: {  	s15 =	simm.s32 @!p1 $0x80;
	s13 =	sadd.s32 @!p1 s13, s14;
	s14 =	simm.s32 @!p1 $0x40  }
0xaa: {  	[hbm4b:s13+s14] =	stream.strided.scatter @!p1 [tilespmem:s9], [sflag:$0xF], $0x1400, s15, s14, $0x38;
	[tilespmem:$0x73A0] =	vst v63  }
0xab: {  	s9 =	simm.s32 @!p1 $0xE  }
0xac: {  	_ =	swait.ge @!p1 [sflag:s9], $0x1400  }
0xad: {  	[sflag:s9] =	ssyncset.done @!p1 $0x0  }
0xae: {  	s21 =	sadd.s32 $0xF0, s5;
	s28 =	simm.s32 $0x2;
	[sflag:s9] =	ssyncadd.s32 @!p1 $0xFFFFEC00  }
0xaf: {  	[tilespmem:s20], [sflag:$0x4] =	stream.indirect.gather [hbm4b:s2+s17], $0x40, s21, s17, $0xb8;
	[tilespmem:$0x73A0] =	vst v63  }
0xb0: {  	_ =	swait.ge [sflag:s28], $0x1400  }
0xb1: {  	s13 =	sadd.s32 $0x820, s5;
	[sflag:s28] =	ssyncset.done $0x0  }
0xb2: {  	s14 =	simm.s32 $0x23A0;
	s15 =	simm.s32 $0x6;
	[sflag:s28] =	ssyncadd.s32 $0xFFFFEC00  }
0xb3: {  	[tilespmem:s14], [sflag:$0x7] =	stream.indirect.gather.add.f32 [hbm:s4], $0x40, s13, s17, $0xb8;
	[tilespmem:$0x73A0] =	vst v63  }
0xb4: {  	_ =	swait.ge [sflag:s15], $0x1400  }
0xb5: {  	[sflag:s15] =	ssyncset.done $0x0  }
0xb6: {  	s9 =	simm.s32 @!p1 $0xF;
	[sflag:s15] =	ssyncadd.s32 $0xFFFFEC00  }
0xb7: {  	[hbm4b:s12+s25] =	stream.strided.scatter [tilespmem:s18], [sflag:$0xB], $0x1400, s26, s25, $0x38;
	[tilespmem:$0x73A0] =	vst v63  }
0xb8: {  	_ =	swait.ge @!p1 [sflag:s9], $0x1400  }
0xb9: {  	[sflag:s9] =	ssyncset.done @!p1 $0x0  }
0xba: {  	s21 =	simm.s32 $0x5FA0;
	s18 =	sadd.s32 $0x140, s5;
	[sflag:s9] =	ssyncadd.s32 @!p1 $0xFFFFEC00  }
0xbb: {  	[tilespmem:s21], [sflag:$0x5] =	stream.indirect.gather [hbm4b:s2+s17], $0x40, s18, s17, $0xb8;
	[tilespmem:$0x73A0] =	vst v63  }
0xbc: {  	_ =	swait.ge [sflag:s29], $0x1400  }
0xbd: {  	[sflag:s29] =	ssyncset.done $0x0  }
0xbe: {  	s28 =	sadd.s32 $0x870, s5;
	[sflag:s29] =	ssyncadd.s32 $0xFFFFEC00  }
0xbf: {  	[tilespmem:s19], [sflag:$0x8] =	stream.indirect.gather.add.f32 [hbm:s4], $0x40, s28, s17, $0xb8;
	[tilespmem:$0x73A0] =	vst v63  }
0xc0: {  	_ =	swait.ge [sflag:s30], $0x1400  }
0xc1: {  	[sflag:s30] =	ssyncset.done $0x0  }
0xc2: {  	[sflag:s30] =	ssyncadd.s32 $0xFFFFEC00  }
0xc3: {  	[hbm4b:s11+s25] =	stream.strided.scatter [tilespmem:s14], [sflag:$0xC], $0x1400, s26, s25, $0x38;
	[tilespmem:$0x73A0] =	vst v63  }
0xc4: {  	p0 =	seq.s32 s10, $0x1900;
	_ =	swait.ge [sflag:s31], $0x1400  }
0xc5: {  	s12 =	simm.s32 @!p0 $0x50;
	s9 =	sshra.s32 @!p0 s10, $0x2;
	[sflag:s31] =	ssyncset.done $0x0  }
0xc6: {  	s10 =	simm.s32 @!p0 $0xFA0;
	s11 =	sadd.s32 @!p0 $0x190, s9;
	[sflag:s31] =	ssyncadd.s32 $0xFFFFEC00  }
0xc7: {  	[tilespmem:s10], [sflag:$0x1] =	stream.indirect.gather @!p0 [hbm4b:s2+s12], $0x40, s11, s12, $0xb8;
	[tilespmem:$0x73A0] =	vst v63  }
0xc8: {  	_ =	swait.ge [sflag:s1], $0x1400  }
0xc9: {  	[sflag:s1] =	ssyncset.done $0x0  }
0xca: {  	s11 =	sadd.s32 $0x8C0, s5;
	[sflag:s1] =	ssyncadd.s32 $0xFFFFEC00  }
0xcb: {  	[tilespmem:s20], [sflag:$0x9] =	stream.indirect.gather.add.f32 [hbm:s4], $0x40, s11, s17, $0xb8;
	[tilespmem:$0x73A0] =	vst v63  }
0xcc: {  	_ =	swait.ge [sflag:s0], $0x1400  }
0xcd: {  	[sflag:s0] =	ssyncset.done $0x0  }
0xce: {  	[sflag:s0] =	ssyncadd.s32 $0xFFFFEC00  }
0xcf: {  	[hbm4b:s8+s25] =	stream.strided.scatter [tilespmem:s19], [sflag:$0xD], $0x1400, s26, s25, $0x38;
	[tilespmem:$0x73A0] =	vst v63  }
0xd0: {  	_ =	swait.ge [sflag:s16], $0x1400  }
0xd1: {  	[sflag:s16] =	ssyncset.done $0x0  }
0xd2: {  	s8 =	sadd.s32 @!p0 $0x1E0, s9;
	s9 =	simm.s32 @!p0 $0x23A0;
	[sflag:s16] =	ssyncadd.s32 $0xFFFFEC00  }
0xd3: {  	[tilespmem:s9], [sflag:$0x2] =	stream.indirect.gather @!p0 [hbm4b:s2+s12], $0x40, s8, s12, $0xb8;
	[tilespmem:$0x73A0] =	vst v63  }
0xd4: {  	_ =	swait.ge [sflag:s6], $0x1400  }
0xd5: {  	[sflag:s6] =	ssyncset.done $0x0  }
0xd6: {  	s5 =	sadd.s32 $0x910, s5;
	[sflag:s6] =	ssyncadd.s32 $0xFFFFEC00  }
0xd7: {  	[tilespmem:s21], [sflag:$0xA] =	stream.indirect.gather.add.f32 [hbm:s4], $0x40, s5, s17, $0xb8;
	[tilespmem:$0x73A0] =	vst v63  }
0xd8: {  	_ =	swait.ge [sflag:s7], $0x1400  }
0xd9: {  	[sflag:s7] =	ssyncset.done $0x0  }
0xda: {  	s13 =	simm.s32 $0xA;
	[sflag:s7] =	ssyncadd.s32 $0xFFFFEC00  }
0xdb: {  	[hbm4b:s3+s25] =	stream.strided.scatter [tilespmem:s20], [sflag:$0xE], $0x1400, s26, s25, $0x38;
	[tilespmem:$0x73A0] =	vst v63  }
0xdc: {  	_ =	swait.ge [sflag:s13], $0x1400  }
0xdd: {  	[sflag:s13] =	ssyncset.done $0x0  }
0xde: {  	s18 =	simm.s32 $0xD;
	s15 =	rddreg [dreg:$0x6];
	[sflag:s13] =	ssyncadd.s32 $0xFFFFEC00  }
0xdf: {  	[hbm4b:s15+s25] =	stream.strided.scatter [tilespmem:s21], [sflag:$0xF], $0x1400, s26, s25, $0x38;
	[tilespmem:$0x73A0] =	vst v63  }
0xe0: {  	_ =	swait.ge [sflag:s18], $0x1400  }
0xe1: {  	[sflag:s18] =	ssyncset.done $0x0  }
0xe2: {  	s19 =	simm.s32 $0xE;
	[sflag:s18] =	ssyncadd.s32 $0xFFFFEC00  }
0xe3: {  	_ =	swait.ge [sflag:s19], $0x1400  }
0xe4: {  	[sflag:s19] =	ssyncset.done $0x0  }
0xe5: {  	s20 =	simm.s32 $0xF;
	[sflag:s19] =	ssyncadd.s32 $0xFFFFEC00  }
0xe6: {  	_ =	swait.ge [sflag:s20], $0x1400  }
0xe7: {  	s21 =	rddreg [dreg:$0xd]  }
0xe8: {  	s28 =	rddreg [dreg:$0x7];
	s8 =	sadd.s32 $0x1, s21  }
0xe9: {  	p0 =	sne.s32 s8, s28  }
.Ltmp1:
0xea: {  	_ = 	snop;
	(pc) =	sbr.rel @p0 .LBB2_1-.Ltmp1, $3  }
0xeb: {  	_ =	sdelay $0x1  }
0xec: {  	[sflag:s20] =	ssyncset.done $0x0  }
0xed: {  	[sflag:s20] =	ssyncadd.s32 $0xFFFFEC00  }
0xee: {  	_ =	sfence.sel $0x180000  }
0xef: {  	[bflag:$0x0] =	sbarrier.arrive $0xFFFF  }
0xf0: {  	_ =	strace $0x9000004A  }
0xf1: {  	s0 =	stileid.u32;
	[bflag:$0x2] =	sbarrier.arrive $0xFFFF  }
0xf2: {  	p0 =	sne.s32 s0, $0x0;
	s0 =	rddreg [dreg:$0x2]  }
0xf3: {  	s0 =	sadd.s32 @!p0 $0x100000, s0  }
0xf4: {  	[sflag:s0] =	ssyncadd.tile.s32 @!p0 $0x1;
	_ =	shalt  }
.Lfunc_end2:
_tile_overlayer_lowered:
.L_overlay_start_2:
0xf5: {  	(tag) =	ssettag $0x2  }
0xf6: {  	s0 =	rddreg [dreg:$0x0];
	s2 =	stileid.u32  }
0xf7: {  	s1 =	rddreg [dreg:$0x1];
	p0 =	sne.s32 s2, $0x0  }
0xf8: {  	s3 =	rddreg [dreg:$0x2];
	[bflag:$0x3] =	sbarrier.arrive $0xFFFF;
	s2 =	simm.s32 @!p0 $0x1C10  }
0xf9: {  	[timem:s3], [sflag:s2] =	dma.local @!p0 [hbm:s0], s1  }
0xfa: {  	s0 =	simm.s32 @!p0 $0x10  }
0xfb: {  	_ =	swait.ge @!p0 [sflag:s0], s1  }
0xfc: {  	s1 =	ssub.s32 @!p0 $0x0, s1;
	[sflag:s0] =	ssyncset.done @!p0 $0x0  }
0xfd: {  	[sflag:s0] =	ssyncadd.s32 @!p0 s1  }
0xfe: {  	[bflag:$0x3] =	sbarrier.arrive $0xFFFF  }
0xff: {  	_ =	shalt  }

// kernel: kernel.19.cloned.1.call-start
scs
__scs_entry_jumppad:
0x0: {  	(pc) =	sbr.rel $0x88, $3  }
0x1: {  	(tag) =	ssettag $0x0;
	lr =	simm.s32 $0x1  }
0x2: {  	[smem:$0x3F97] =	sst lr;
	_ =	strace $0xD0000000  }
0x3: {  	_ = 	snop  }
0x4: {  	_ = 	snop  }
0x5: {  	_ = 	snop  }
0x6: {  	_ = 	snop  }
0x7: {  	_ = 	snop  }
__scs_overlays_trampoline_lowered:
0x8: {  	[smem:$0x3FA6] =	sst s0  }
0x9: {  	[smem:$0x3FA7] =	sst s1  }
0xa: {  	[smem:$0x3FA8] =	sst s2  }
0xb: {  	[smem:$0x3FA9] =	sst s3  }
0xc: {  	[smem:$0x3FAA] =	sst s4  }
0xd: {  	[smem:$0x3FAB] =	sst s5  }
0xe: {  	[smem:$0x3FAC] =	sst s6  }
0xf: {  	[smem:$0x3FAD] =	sst s7  }
0x10: {  	[smem:$0x3FAE] =	sst s8  }
0x11: {  	[smem:$0x3FAF] =	sst s9;
	s0 =	simm.s32 @!p0 $0x0  }
0x12: {  	s1 =	sld [smem:$0x3F95];
	s0 =	simm.s32 @p0 $0x1  }
0x13: {  	[smem:$0x3FB0] =	sst s0;
	s0 =	simm.s32 @!p1 $0x0  }
0x14: {  	s2 =	sld [smem:$0x3F94];
	s0 =	simm.s32 @p1 $0x1  }
0x15: {  	[smem:$0x3FB1] =	sst s0;
	s0 =	simm.s32 @!p2 $0x0  }
0x16: {  	s3 =	sld [smem:$0x3FDB];
	s0 =	simm.s32 @p2 $0x1  }
0x17: {  	s4 =	simm.s32 $0x1BF5;
	[smem:$0x3FB3] =	sst s0  }
0x18: {  	s0 =	sld [smem:$0x3F96];
	_ =	swait.ge [sflag:s4], $0x0  }
0x19: {  	s7 =	sld [smem:$0x3F97]  }
0x1a: {  	s8 =	sadd.s32 $0xFFFFE003, lr  }
0x1b: {  	s9 =	sadd.s32 $0xFFFFFEF7, lr;
	s5 =	simm.s32 $0xFFFFFFFF;
	p2 =	slt.u32 s8, $0xFFFFF086  }
0x1c: {  	p1 =	slt.u32 s9, $0xF7A;
	s5 =	simm.s32 @!p2 $0x0  }
0x1d: {  	s5 =	simm.s32 @p1 $0x1;
	p0 =	seq.s32 s7, s2  }
0x1e: {  	s7 =	smul.u32 @!p0 $0xF7A, s2;
	p2 =	seq.s32 @!p0 s5, $0x0  }
0x1f: {  	s9 =	smul.u32 $0xF7A, s1;
	s8 =	simm.s32 @!p0 $0x1BF5;
	p2 =	por !p2, p0  }
0x20: {  	[sflag:s8] =	ssyncset.s32 @!p0 $0xFFFFF086;
	s6 =	sadd.s32 @!p0 s3, s7;
	s7 =	simm.s32 @!p0 $0x108  }
0x21: {  	s3 =	sadd.s32 s3, s9;
	s6 =	sadd.s32 @!p0 $0x88, s6;
	s7 =	simm.s32 @p2 $0x1082  }
0x22: {  	[simem:s7], [sflag:s8] =	dma.local @!p0 [hbm:s6], $0xF7A  }
0x23: {  	s9 =	sor.u32 $0xD0000000, s2;
	s6 =	simm.s32 $0x108;
	_ =	swait.ge @!p0 [sflag:s8], $0x0  }
0x24: {  	s3 =	sadd.s32 $0x88, s3;
	s6 =	simm.s32 @!p1 $0x1082;
	[sflag:s4] =	ssyncset.s32 $0xFFFFF086  }
0x25: {  	[simem:s6], [sflag:s4] =	dma.local [hbm:s3], $0xF7A  }
0x26: {  	[smem:$0x3F97] =	sst s1;
	(tag) =	ssettag s2;
	_ =	strace s9  }
0x27: {  	s1 =	sld [smem:$0x3FA7]  }
0x28: {  	s2 =	sld [smem:$0x3FA8]  }
0x29: {  	s4 =	sld [smem:$0x3FAA]  }
0x2a: {  	p0 =	seq.s32 s5, $0x0;
	s5 =	sld [smem:$0x3FAB]  }
0x2b: {  	s6 =	sld [smem:$0x3FAC]  }
0x2c: {  	s7 =	sld [smem:$0x3FAD]  }
0x2d: {  	s3 =	simm.s32 $0x108;
	s8 =	sld [smem:$0x3FAE]  }
0x2e: {  	s3 =	simm.s32 @!p0 $0x1082;
	s9 =	sld [smem:$0x3FAF]  }
0x2f: {  	lr =	sadd.s32 s0, s3;
	s0 =	sld [smem:$0x3FA6]  }
0x30: {  	s3 =	sld [smem:$0x3FA9]  }
0x31: {  	[smem:$0x3FB2] =	sst s10  }
0x32: {  	s10 =	sld [smem:$0x3FB0];
	_ =	sdelay $0x3  }
0x33: {  	p0 =	seq.s32 s10, $0x1;
	s10 =	sld [smem:$0x3FB2];
	_ =	sdelay $0x3  }
0x34: {  	[smem:$0x3FB2] =	sst s10  }
0x35: {  	s10 =	sld [smem:$0x3FB1];
	_ =	sdelay $0x3  }
0x36: {  	p1 =	seq.s32 s10, $0x1;
	s10 =	sld [smem:$0x3FB2];
	_ =	sdelay $0x3  }
0x37: {  	[smem:$0x3FB2] =	sst s10  }
0x38: {  	s10 =	sld [smem:$0x3FB3]  }
0x39: {  	_ = 	snop;
	(pc) =	sbr.ind lr, $3  }
0x3a: {  	_ = 	snop  }
0x3b: {  	_ = 	snop  }
0x3c: {  	p2 =	seq.s32 s10, $0x1;
	s10 =	sld [smem:$0x3FB2]  }
0x3d: {  	_ =	shalt  }
0x3e: {  	_ =	shalt  }
0x3f: {  	_ =	shalt  }
0x40: {  	_ =	shalt  }
0x41: {  	_ =	shalt  }
0x42: {  	_ =	shalt  }
0x43: {  	_ =	shalt  }
0x44: {  	_ =	shalt  }
0x45: {  	_ =	shalt  }
0x46: {  	_ =	shalt  }
0x47: {  	_ =	shalt  }
0x48: {  	_ =	shalt  }
0x49: {  	_ =	shalt  }
0x4a: {  	_ =	shalt  }
0x4b: {  	_ =	shalt  }
0x4c: {  	_ =	shalt  }
0x4d: {  	_ =	shalt  }
0x4e: {  	_ =	shalt  }
0x4f: {  	_ =	shalt  }
0x50: {  	_ =	shalt  }
0x51: {  	_ =	shalt  }
0x52: {  	_ =	shalt  }
0x53: {  	_ =	shalt  }
0x54: {  	_ =	shalt  }
0x55: {  	_ =	shalt  }
0x56: {  	_ =	shalt  }
0x57: {  	_ =	shalt  }
0x58: {  	_ =	shalt  }
0x59: {  	_ =	shalt  }
0x5a: {  	_ =	shalt  }
0x5b: {  	_ =	shalt  }
0x5c: {  	_ =	shalt  }
0x5d: {  	_ =	shalt  }
0x5e: {  	_ =	shalt  }
0x5f: {  	_ =	shalt  }
0x60: {  	_ =	shalt  }
0x61: {  	_ =	shalt  }
0x62: {  	_ =	shalt  }
0x63: {  	_ =	shalt  }
0x64: {  	_ =	shalt  }
0x65: {  	_ =	shalt  }
0x66: {  	_ =	shalt  }
0x67: {  	_ =	shalt  }
0x68: {  	_ =	shalt  }
0x69: {  	_ =	shalt  }
0x6a: {  	_ =	shalt  }
0x6b: {  	_ =	shalt  }
0x6c: {  	_ =	shalt  }
0x6d: {  	_ =	shalt  }
0x6e: {  	_ =	shalt  }
0x6f: {  	_ =	shalt  }
0x70: {  	_ =	shalt  }
0x71: {  	_ =	shalt  }
0x72: {  	_ =	shalt  }
0x73: {  	_ =	shalt  }
0x74: {  	_ =	shalt  }
0x75: {  	_ =	shalt  }
0x76: {  	_ =	shalt  }
0x77: {  	_ =	shalt  }
0x78: {  	_ =	shalt  }
0x79: {  	_ =	shalt  }
0x7a: {  	_ =	shalt  }
0x7b: {  	_ =	shalt  }
0x7c: {  	_ =	shalt  }
0x7d: {  	_ =	shalt  }
0x7e: {  	_ =	shalt  }
0x7f: {  	_ =	shalt  }
0x80: {  	_ =	shalt  }
0x81: {  	_ =	shalt  }
0x82: {  	_ =	shalt  }
0x83: {  	_ =	shalt  }
0x84: {  	_ =	shalt  }
0x85: {  	_ =	shalt  }
0x86: {  	_ =	shalt  }
0x87: {  	_ =	shalt  }
.Lfunc_end0:
.L_simem_size_0:
called_computation.3_lowered:
.L_overlay_start_0:
0x88: {  	s2 =	sld [smem:$0x3FD9]  }
0x89: {  	s3 =	sld [smem:$0x3FFE];
	_ =	sdelay $0x1  }
0x8a: {  	s1 =	srdreg.scid  }
0x8b: {  	s0 =	sand.u32 $0x1, s1  }
0x8c: {  	s15 =	sshll.u32 s0, $0xA;
	s2 =	sadd.s32 s3, s2  }
0x8d: {  	s2 =	sadd.s32 s2, s15  }
0x8e: {  	[smem:$0x3FBE] =	sst s2  }
0x8f: {  	_ = 	snop  }
0x90: {  	s2 =	sld [smem:$0x3FD0];
	_ =	sdelay $0x2  }
0x91: {  	s16 =	simm.s32 $0xE;
	s4 =	simm.s32 $0x10  }
0x92: {  	[smem:s4], [sflag:s16] =	dma.local [hbm:s2], $0x1  }
0x93: {  	_ =	swait.eq [sflag:s16], $0x1  }
0x94: {  	[sflag:s16] =	ssyncset.done $0x0  }
0x95: {  	[sflag:s16] =	ssyncadd.s32 $0xFFFFFFFF  }
0x96: {  	s17 =	sld [smem:$0x10];
	(tm) =	ssettm $0x1  }
0x97: {  	s18 =	sld [smem:$0x3FFB];
	_ =	sdelay $0x3  }
0x98: {  	_ =	strace s18  }
0x99: {  	s2 =	sld [smem:$0x3FFC];
	_ =	sdelay $0x3  }
0x9a: {  	_ =	strace s2  }
0x9b: {  	s2 =	sld [smem:$0x3FFD];
	_ =	sdelay $0x3  }
0x9c: {  	_ =	strace s2  }
0x9d: {  	_ =	strace $0x8FFFFFFF  }
0x9e: {  	s19 =	sld [smem:$0x3FDB];
	_ =	sdelay $0x1  }
0x9f: {  	s20 =	simm.s32 $_scs_section_size  }
0xa0: {  	s5 =	simm.s32 $_size__tile_overlayer_lowered;
	s6 =	simm.s32 $_tile_overlayer_lowered  }
0xa1: {  	s7 =	simm.s32 $0x1BFF;
	s21 =	sshll.u32 s6, $0x1;
	s4 =	sadd.s32 s20, s19  }
0xa2: {  	s22 =	simm.s32 $0x0;
	s5 =	sshll.u32 s5, $0x1;
	s6 =	sadd.s32 s21, s4  }
0xa3: {  	[timem:s22], [sflag:s7] =	dma.local [hbm:s6], s5  }
0xa4: {  	_ =	swait.ge [sflag:s7], s5  }
0xa5: {  	s5 =	ssub.s32 $0x0, s5;
	[sflag:s7] =	ssyncset.done $0x0  }
0xa6: {  	[sflag:s7] =	ssyncadd.s32 s5;
	_ =	sdelay $0x1  }
0xa7: {  	s23 =	simm.s32 $0x1B8B  }
0xa8: {  	_ =	swait.ge [sflag:s23], $0x1  }
0xa9: {  	[sflag:s23] =	ssyncset.done $0x0  }
0xaa: {  	[sflag:s23] =	ssyncadd.s32 $0xFFFFFFFF  }
0xab: {  	s5 =	sld [smem:$0x0]  }
0xac: {  	s6 =	sand.u32 $0xFFFFFFFE, s1  }
0xad: {  	p0 =	sne.s32 s1, s6  }
0xae: {  	s6 =	sshll.u32 @p0 s6, $0xE  }
0xaf: {  	s6 =	sadd.s32 @p0 $0x11B8D, s6;
	s7 =	sshll.u32 @p0 s5, $0x11  }
0xb0: {  	s6 =	sor.u32 @p0 s7, s6  }
0xb1: {  	[sflag:s6] =	ssyncadd.remote.s32 @p0 $0x1;
	_ =	sdelay $0x1  }
0xb2: {  	s6 =	simm.s32 @p0 $0x1B8D  }
0xb3: {  	_ =	swait.eq @p0 [sflag:s6], $0x1  }
0xb4: {  	[sflag:s6] =	ssyncadd.s32 @p0 $0xFFFFFFFF  }
0xb5: {  	s7 =	sshll.u32 @!p0 s1, $0xE  }
0xb6: {  	s7 =	sor.u32 @!p0 $0x4000, s7;
	s6 =	simm.s32 @!p0 $0x1B8D  }
0xb7: {  	s5 =	sshll.u32 @!p0 s5, $0x11;
	s7 =	sadd.s32 @!p0 $0x11B8D, s7;
	_ =	swait.eq @!p0 [sflag:s6], $0x1  }
0xb8: {  	s5 =	sor.u32 @!p0 s5, s7;
	[sflag:s6] =	ssyncadd.s32 @!p0 $0xFFFFFFFF  }
0xb9: {  	s25 =	simm.s32 $0x1B8E;
	s24 =	sld [smem:$0x3FFE];
	[sflag:s5] =	ssyncadd.remote.s32 @!p0 $0x1  }
0xba: {  	s26 =	simm.s32 $execute0_lowered;
	[smem:$0x3FD2] =	sst s25  }
0xbb: {  	s6 =	sshll.u32 s26, $0x1;
	_ =	strace $0x8000004C;
	[dreg:$0x1] =	wrdreg $0xFFFFFFFF  }
0xbc: {  	s28 =	simm.s32 $_size_execute0_lowered;
	s4 =	sadd.s32 s4, s6;
	[dreg:$0x0] =	wrdreg $0x0  }
0xbd: {  	s6 =	sshll.u32 s28, $0x1;
	[dreg:$0x2] =	wrdreg s4  }
0xbe: {  	[dreg:$0x3] =	wrdreg s6  }
0xbf: {  	[dreg:$0x4] =	wrdreg $0xC0  }
0xc0: {  	_ =	task [dreg:s22], $0x5FFFF  }
0xc1: {  	[dreg:$0x1] =	wrdreg $0xFFFFFFFF  }
0xc2: {  	[dreg:$0x0] =	wrdreg $0x60  }
0xc3: {  	[dreg:$0x2] =	wrdreg s17  }
0xc4: {  	[dreg:$0x3] =	wrdreg s24  }
0xc5: {  	[dreg:$0x4] =	wrdreg $0xB  }
0xc6: {  	_ =	task.clear_ibuf [dreg:s22], $0x5FFFF;
	_ =	strace $0x9000004C  }
0xc7: {  	s29 =	simm.s32 $0xB;
	_ =	strace $0x8000004E  }
0xc8: {  	_ =	swait.ge [sflag:s29], $0x1  }
0xc9: {  	[sflag:s29] =	ssyncadd.s32 $0xFFFFFFFF  }
0xca: {  	_ =	strace $0x9000004E  }
0xcb: {  	_ =	sfence  }
0xcc: {  	s30 =	sld [smem:$0x0];
	_ =	sdelay $0x2  }
0xcd: {  	s31 =	sshll.u32 s1, $0xD;
	s1 =	sshrl.u32 s1, $0x2  }
0xce: {  	s4 =	sand.u32 $0x4000, s31;
	s1 =	sadd.s32 s1, s30  }
0xcf: {  	s0 =	sor.u32 s4, s0;
	s1 =	sshll.u32 s1, $0x11  }
0xd0: {  	s0 =	sor.u32 s1, s0  }
0xd1: {  	s0 =	sadd.s32 $0x8F2B, s0  }
0xd2: {  	[sflag:s0] =	ssyncadd.remote.s32 $0x1  }
0xd3: {  	_ =	sfence.sel $0xFFFF  }
0xd4: {  	[dreg:$0x0] =	wrdreg $0xFFFFFFFF;
	(pc) =	sbr.abs _section_cstart, $3  }
0xd5: {  	[dreg:$0x1] =	wrdreg $0xFFFFFFFF  }
0xd6: {  	_ =	task.clear_ibuf [dreg:s22], $0x2FFFF;
	_ =	strace $0x9FFFFFFF  }
0xd7: {  	(tm) =	ssettm $0x7FFFFFFF  }
tec
execute0_lowered:
.L_overlay_start_1:
0x0: {  	(tag) =	ssettag $0x1  }
0x1: {  	s0 =	srdreg.scid;
	s2 =	rddreg [dreg:$0x0]  }
0x2: {  	s5 =	stileid.u32;
	s3 =	rddreg [dreg:$0x1];
	s6 =	simm.s32 $0x0  }
0x3: {  	s29 =	simm.s32 $0x3;
	s30 =	simm.s32 $0x7;
	s31 =	simm.s32 $0xB  }
0x4: {  	s0 =	sand.u32 $0x1, s0;
	s1 =	sshll.u32 s5, $0x1;
	[smem:$0x7FF] =	sst s6  }
0x5: {  	s5 =	sshll.u32 s5, $0x3;
	s8 =	sadd.s32 $0x145000, s3;
	s6 =	simm.s32 $0x5  }
0x6: {  	s1 =	sor.u32 s0, s1;
	_ =	strace $0x8000004D;
	s5 =	sand.u32 $0x40, s5  }
0x7: {  	s0 =	ssub.s32 $0x2, s0;
	s4 =	sand.u32 $0xF, s1;
	s1 =	smul.u32 $0xFA, s1  }
0x8: {  	[dreg:$0x3] =	wrdreg s8;
	s17 =	sshrl.u32 s0, $0x1;
	s16 =	smul.u32 $0x3E800, s4  }
0x9: {  	s4 =	sadd.s32 $0x2F600, s3;
	s0 =	ssub.s32 s0, s17;
	s17 =	simm.s32 $0x50  }
0xa: {  	s1 =	sadd.s32 s1, s3;
	s0 =	smax.u32 s0, $0x1;
	s5 =	sor.u32 s5, s16  }
0xb: {  	s19 =	sadd.s32 $0x143000, s1;
	s1 =	sadd.s32 $0x141000, s1;
	[dreg:$0x7] =	wrdreg s0  }
0xc: {  	s16 =	simm.s32 $0xC;
	s7 =	sadd.s32 $0x3C000, s5;
	[dreg:$0x4] =	wrdreg s19  }
0xd: {  	[dreg:$0x5] =	wrdreg s1;
	s21 =	sadd.s32 $0xFFFFD800, s5;
	s22 =	sshrl.u32 s5, $0x3  }
0xe: {  	s23 =	sadd.s32 $0x2800, s5;
	s24 =	sadd.s32 $0x7800, s5;
	s25 =	sadd.s32 $0x5000, s5  }
0xf: {  	s18 =	sshrl.u32 s7, $0x3;
	[dreg:$0x8] =	wrdreg s21;
	s0 =	sadd.s32 s22, s8  }
0x10: {  	s1 =	sshrl.u32 s24, $0x3;
	s28 =	sshrl.u32 s25, $0x3;
	s25 =	simm.s32 $0x40  }
0x11: {  	s7 =	simm.s32 $0x9;
	s24 =	simm.s32 $0x4BA0;
	s22 =	simm.s32 $0xFA0  }
0x12: {  	s20 =	sadd.s32 s8, s18;
	[dreg:$0x9] =	wrdreg s0;
	s0 =	sshrl.u32 s23, $0x3  }
0x13: {  	s26 =	sadd.s32 s1, s8;
	s1 =	simm.s32 $0x4;
	[dreg:$0x6] =	wrdreg s20  }
0x14: {  	s23 =	simm.s32 $0x37A0;
	s0 =	sadd.s32 s0, s8;
	[dreg:$0xb] =	wrdreg s26  }
0x15: {  	s26 =	simm.s32 $0x80;
	[dreg:$0xa] =	wrdreg s0;
	s0 =	sadd.s32 s28, s8  }
0x16: {  	s8 =	simm.s32 $0x0;
	[dreg:$0xc] =	wrdreg s0;
	s0 =	simm.s32 $0x8  }
.LBB2_1:
0x17: {  	[dreg:$0xd] =	wrdreg s8  }
0x18: {  	s3 =	simm.s32 $0x0;
	s5 =	rddreg [dreg:$0x4];
	s14 =	simm.s32 $0x10  }
0x19: {  	[tilespmem:s3], [sflag:$0x10] =	stream.linear.gather [hbm4b:s5+s3], $0x7D0, $0x38;
	[tilespmem:$0x73A0] =	vst v63  }
0x1a: {  	_ =	swait.ge [sflag:s14], $0x7D0  }
0x1b: {  	[sflag:s14] =	ssyncset.done $0x0  }
0x1c: {  	s9 =	simm.s32 $0x7D0;
	s15 =	rddreg [dreg:$0x5];
	[sflag:s14] =	ssyncadd.s32 $0xFFFFF830  }
0x1d: {  	[tilespmem:s9], [sflag:$0x10] =	stream.linear.gather [hbm4b:s15+s3], $0x7D0, $0x38;
	[tilespmem:$0x73A0] =	vst v63  }
0x1e: {  	_ =	swait.ge [sflag:s14], $0x7D0  }
0x1f: {  	[sflag:s14] =	ssyncset.done $0x0  }
0x20: {  	s11 =	simm.s32 $0xFA0;
	p0 =	por $0x1, $0x1;
	[sflag:s14] =	ssyncadd.s32 $0xFFFFF830  }
0x21: {  	[tilespmem:s11], [sflag:$0x1] =	stream.indirect.gather [hbm4b:s2+s17], $0x40, s3, s17, $0xb8;
	[tilespmem:$0x73A0] =	vst v63  }
0x22: {  	s12 =	simm.s32 $0x23A0;
	s3 =	simm.s32 @!p0 $0xD  }
0x23: {  	[tilespmem:s12], [sflag:$0x2] =	stream.indirect.gather [hbm4b:s2+s17], $0x40, s17, s17, $0xb8;
	[tilespmem:$0x73A0] =	vst v63  }
0x24: {  	_ =	swait.ge @!p0 [sflag:s3], $0x1400  }
0x25: {  	s18 =	simm.s32 $0xA0;
	[sflag:s3] =	ssyncset.done @!p0 $0x0  }
0x26: {  	s13 =	simm.s32 $0x37A0;
	s19 =	simm.s32 $0x1;
	[sflag:s3] =	ssyncadd.s32 @!p0 $0xFFFFEC00  }
0x27: {  	[tilespmem:s13], [sflag:$0x3] =	stream.indirect.gather [hbm4b:s2+s17], $0x40, s18, s17, $0xb8;
	[tilespmem:$0x73A0] =	vst v63  }
0x28: {  	_ =	swait.ge [sflag:s19], $0x1400  }
0x29: {  	[sflag:s19] =	ssyncset.done $0x0  }
0x2a: {  	s20 =	simm.s32 $0x7D0;
	s5 =	simm.s32 @!p0 $0xA;
	[sflag:s19] =	ssyncadd.s32 $0xFFFFEC00  }
0x2b: {  	[tilespmem:s11], [sflag:$0x6] =	stream.indirect.gather.add.f32 [hbm:s4], $0x40, s20, s17, $0xb8;
	[tilespmem:$0x73A0] =	vst v63  }
0x2c: {  	s8 =	simm.s32 @!p0 $0xE;
	_ =	swait.ge @!p0 [sflag:s5], $0x1400  }
0x2d: {  	s10 =	simm.s32 @!p0 $0x80;
	[sflag:s5] =	ssyncset.done @!p0 $0x0;
	s14 =	rddreg [dreg:$0x8]  }
0x2e: {  	s9 =	sshrl.u32 @!p0 s14, $0x3;
	[sflag:s5] =	ssyncadd.s32 @!p0 $0xFFFFEC00;
	s5 =	rddreg [dreg:$0x3]  }
0x2f: {  	s3 =	simm.s32 @!p0 $0x5FA0;
	s5 =	sadd.s32 @!p0 s5, s9;
	s9 =	simm.s32 @!p0 $0x40  }
0x30: {  	[hbm4b:s5+s9] =	stream.strided.scatter @!p0 [tilespmem:s3], [sflag:$0xF], $0x1400, s10, s9, $0x38;
	[tilespmem:$0x73A0] =	vst v63  }
0x31: {  	_ =	swait.ge @!p0 [sflag:s8], $0x1400  }
0x32: {  	s21 =	simm.s32 $0xF0;
	[sflag:s8] =	ssyncset.done @!p0 $0x0  }
0x33: {  	s28 =	simm.s32 $0x4BA0;
	s5 =	simm.s32 $0x2;
	[sflag:s8] =	ssyncadd.s32 @!p0 $0xFFFFEC00  }
0x34: {  	[tilespmem:s28], [sflag:$0x4] =	stream.indirect.gather [hbm4b:s2+s17], $0x40, s21, s17, $0xb8;
	[tilespmem:$0x73A0] =	vst v63  }
0x35: {  	_ =	swait.ge [sflag:s5], $0x1400  }
0x36: {  	[sflag:s5] =	ssyncset.done $0x0  }
0x37: {  	s9 =	simm.s32 $0x6;
	s8 =	simm.s32 $0x820;
	[sflag:s5] =	ssyncadd.s32 $0xFFFFEC00  }
0x38: {  	[tilespmem:s12], [sflag:$0x7] =	stream.indirect.gather.add.f32 [hbm:s4], $0x40, s8, s17, $0xb8;
	[tilespmem:$0x73A0] =	vst v63  }
0x39: {  	_ =	swait.ge [sflag:s9], $0x1400  }
0x3a: {  	[sflag:s9] =	ssyncset.done $0x0  }
0x3b: {  	s3 =	simm.s32 @!p0 $0xF;
	[sflag:s9] =	ssyncadd.s32 $0xFFFFEC00;
	s9 =	rddreg [dreg:$0x9]  }
0x3c: {  	[hbm4b:s9+s25] =	stream.strided.scatter [tilespmem:s11], [sflag:$0xB], $0x1400, s26, s25, $0x38;
	[tilespmem:$0x73A0] =	vst v63  }
0x3d: {  	_ =	swait.ge @!p0 [sflag:s3], $0x1400  }
0x3e: {  	[sflag:s3] =	ssyncset.done @!p0 $0x0  }
0x3f: {  	s18 =	simm.s32 $0x5FA0;
	s11 =	simm.s32 $0x140;
	[sflag:s3] =	ssyncadd.s32 @!p0 $0xFFFFEC00  }
0x40: {  	[tilespmem:s18], [sflag:$0x5] =	stream.indirect.gather [hbm4b:s2+s17], $0x40, s11, s17, $0xb8;
	[tilespmem:$0x73A0] =	vst v63  }
0x41: {  	_ =	swait.ge [sflag:s29], $0x1400  }
0x42: {  	[sflag:s29] =	ssyncset.done $0x0  }
0x43: {  	s15 =	simm.s32 $0x870;
	[sflag:s29] =	ssyncadd.s32 $0xFFFFEC00  }
0x44: {  	[tilespmem:s13], [sflag:$0x8] =	stream.indirect.gather.add.f32 [hbm:s4], $0x40, s15, s17, $0xb8;
	[tilespmem:$0x73A0] =	vst v63  }
0x45: {  	_ =	swait.ge [sflag:s30], $0x1400  }
0x46: {  	[sflag:s30] =	ssyncset.done $0x0  }
0x47: {  	s19 =	rddreg [dreg:$0xa];
	[sflag:s30] =	ssyncadd.s32 $0xFFFFEC00  }
0x48: {  	[hbm4b:s19+s25] =	stream.strided.scatter [tilespmem:s12], [sflag:$0xC], $0x1400, s26, s25, $0x38;
	[tilespmem:$0x73A0] =	vst v63  }
0x49: {  	p0 =	por $0x0, $0x0;
	_ =	swait.ge [sflag:s31], $0x1400  }
0x4a: {  	s3 =	simm.s32 @!p0 $0xFA0;
	[sflag:s31] =	ssyncset.done $0x0  }
0x4b: {  	s5 =	simm.s32 @!p0 $0x190;
	s8 =	simm.s32 @!p0 $0x50;
	[sflag:s31] =	ssyncadd.s32 $0xFFFFEC00  }
0x4c: {  	[tilespmem:s3], [sflag:$0x1] =	stream.indirect.gather @!p0 [hbm4b:s2+s8], $0x40, s5, s8, $0xb8;
	[tilespmem:$0x73A0] =	vst v63  }
0x4d: {  	_ =	swait.ge [sflag:s1], $0x1400  }
0x4e: {  	[sflag:s1] =	ssyncset.done $0x0  }
0x4f: {  	s20 =	simm.s32 $0x8C0;
	[sflag:s1] =	ssyncadd.s32 $0xFFFFEC00  }
0x50: {  	[tilespmem:s28], [sflag:$0x9] =	stream.indirect.gather.add.f32 [hbm:s4], $0x40, s20, s17, $0xb8;
	[tilespmem:$0x73A0] =	vst v63  }
0x51: {  	_ =	swait.ge [sflag:s0], $0x1400  }
0x52: {  	[sflag:s0] =	ssyncset.done $0x0  }
0x53: {  	s21 =	rddreg [dreg:$0xc];
	[sflag:s0] =	ssyncadd.s32 $0xFFFFEC00  }
0x54: {  	[hbm4b:s21+s25] =	stream.strided.scatter [tilespmem:s13], [sflag:$0xD], $0x1400, s26, s25, $0x38;
	[tilespmem:$0x73A0] =	vst v63  }
0x55: {  	_ =	swait.ge [sflag:s16], $0x1400  }
0x56: {  	[sflag:s16] =	ssyncset.done $0x0  }
0x57: {  	s3 =	simm.s32 @!p0 $0x1E0;
	s5 =	simm.s32 @!p0 $0x23A0;
	[sflag:s16] =	ssyncadd.s32 $0xFFFFEC00  }
0x58: {  	[tilespmem:s5], [sflag:$0x2] =	stream.indirect.gather @!p0 [hbm4b:s2+s8], $0x40, s3, s8, $0xb8;
	[tilespmem:$0x73A0] =	vst v63  }
0x59: {  	p1 =	por $0x0, $0x0;
	s14 =	sadd.s32 $0xC800, s14;
	_ =	swait.ge [sflag:s6], $0x1400  }
0x5a: {  	s10 =	simm.s32 $0x640;
	s11 =	sadd.s32 $0x1900, s19;
	[sflag:s6] =	ssyncset.done $0x0  }
0x5b: {  	s12 =	sadd.s32 $0x1900, s9;
	s28 =	simm.s32 $0x910;
	[sflag:s6] =	ssyncadd.s32 $0xFFFFEC00  }
0x5c: {  	[tilespmem:s18], [sflag:$0xA] =	stream.indirect.gather.add.f32 [hbm:s4], $0x40, s28, s17, $0xb8;
	[tilespmem:$0x73A0] =	vst v63  }
0x5d: {  	s13 =	simm.s32 $0xC80;
	s15 =	rddreg [dreg:$0xb];
	_ =	swait.ge [sflag:s7], $0x1400  }
0x5e: {  	s8 =	sadd.s32 $0x1900, s21;
	s3 =	sadd.s32 $0x1900, s15;
	[sflag:s7] =	ssyncset.done $0x0  }
.LBB2_2:
0x5f: {  	s18 =	simm.s32 @!p1 $0xD;
	[sflag:s7] =	ssyncadd.s32 $0xFFFFEC00  }
0x60: {  	[hbm4b:s15+s25] =	stream.strided.scatter [tilespmem:s24], [sflag:$0xE], $0x1400, s26, s25, $0x38;
	[tilespmem:$0x73A0] =	vst v63  }
0x61: {  	_ =	swait.ge @!p1 [sflag:s18], $0x1400  }
0x62: {  	s9 =	sshra.s32 s10, $0x2;
	[sflag:s18] =	ssyncset.done @!p1 $0x0  }
0x63: {  	s21 =	simm.s32 $0x1;
	s20 =	sadd.s32 $0xA0, s9;
	[sflag:s18] =	ssyncadd.s32 @!p1 $0xFFFFEC00  }
0x64: {  	[tilespmem:s23], [sflag:$0x3] =	stream.indirect.gather [hbm4b:s2+s17], $0x40, s20, s17, $0xb8;
	[tilespmem:$0x73A0] =	vst v63  }
0x65: {  	_ =	swait.ge [sflag:s21], $0x1400  }
0x66: {  	[sflag:s21] =	ssyncset.done $0x0  }
0x67: {  	s19 =	simm.s32 @!p1 $0xA;
	s28 =	sadd.s32 $0x7D0, s9;
	[sflag:s21] =	ssyncadd.s32 $0xFFFFEC00  }
0x68: {  	[tilespmem:s22], [sflag:$0x6] =	stream.indirect.gather.add.f32 [hbm:s4], $0x40, s28, s17, $0xb8;
	[tilespmem:$0x73A0] =	vst v63  }
0x69: {  	_ =	swait.ge @!p1 [sflag:s19], $0x1400  }
0x6a: {  	s18 =	simm.s32 @!p1 $0x5FA0;
	s20 =	sshrl.u32 @!p1 s14, $0x3;
	[sflag:s19] =	ssyncset.done @!p1 $0x0  }
0x6b: {  	s21 =	simm.s32 @!p1 $0x80;
	[sflag:s19] =	ssyncadd.s32 @!p1 $0xFFFFEC00;
	s19 =	rddreg [dreg:$0x3]  }
0x6c: {  	s28 =	simm.s32 @!p1 $0xE;
	s19 =	sadd.s32 @!p1 s19, s20;
	s20 =	simm.s32 @!p1 $0x40  }
0x6d: {  	[hbm4b:s19+s20] =	stream.strided.scatter @!p1 [tilespmem:s18], [sflag:$0xF], $0x1400, s21, s20, $0x38;
	[tilespmem:$0x73A0] =	vst v63  }
0x6e: {  	_ =	swait.ge @!p1 [sflag:s28], $0x1400  }
0x6f: {  	[sflag:s28] =	ssyncset.done @!p1 $0x0  }
0x70: {  	s19 =	sadd.s32 $0xF0, s9;
	s20 =	simm.s32 $0x2;
	[sflag:s28] =	ssyncadd.s32 @!p1 $0xFFFFEC00  }
0x71: {  	[tilespmem:s24], [sflag:$0x4] =	stream.indirect.gather [hbm4b:s2+s17], $0x40, s19, s17, $0xb8;
	[tilespmem:$0x73A0] =	vst v63  }
0x72: {  	_ =	swait.ge [sflag:s20], $0x1400  }
0x73: {  	s21 =	sadd.s32 $0x820, s9;
	[sflag:s20] =	ssyncset.done $0x0  }
0x74: {  	s28 =	simm.s32 $0x6;
	s19 =	simm.s32 $0x23A0;
	[sflag:s20] =	ssyncadd.s32 $0xFFFFEC00  }
0x75: {  	[tilespmem:s19], [sflag:$0x7] =	stream.indirect.gather.add.f32 [hbm:s4], $0x40, s21, s17, $0xb8;
	[tilespmem:$0x73A0] =	vst v63  }
0x76: {  	_ =	swait.ge [sflag:s28], $0x1400  }
0x77: {  	[sflag:s28] =	ssyncset.done $0x0  }
0x78: {  	s18 =	simm.s32 @!p1 $0xF;
	[sflag:s28] =	ssyncadd.s32 $0xFFFFEC00  }
0x79: {  	[hbm4b:s12+s25] =	stream.strided.scatter [tilespmem:s22], [sflag:$0xB], $0x1400, s26, s25, $0x38;
	[tilespmem:$0x73A0] =	vst v63  }
0x7a: {  	_ =	swait.ge @!p1 [sflag:s18], $0x1400  }
0x7b: {  	[sflag:s18] =	ssyncset.done @!p1 $0x0  }
0x7c: {  	s20 =	sadd.s32 $0x140, s9;
	s21 =	simm.s32 $0x5FA0;
	[sflag:s18] =	ssyncadd.s32 @!p1 $0xFFFFEC00  }
0x7d: {  	[tilespmem:s21], [sflag:$0x5] =	stream.indirect.gather [hbm4b:s2+s17], $0x40, s20, s17, $0xb8;
	[tilespmem:$0x73A0] =	vst v63  }
0x7e: {  	_ =	swait.ge [sflag:s29], $0x1400  }
0x7f: {  	[sflag:s29] =	ssyncset.done $0x0  }
0x80: {  	s28 =	sadd.s32 $0x870, s9;
	[sflag:s29] =	ssyncadd.s32 $0xFFFFEC00  }
0x81: {  	[tilespmem:s23], [sflag:$0x8] =	stream.indirect.gather.add.f32 [hbm:s4], $0x40, s28, s17, $0xb8;
	[tilespmem:$0x73A0] =	vst v63  }
0x82: {  	_ =	swait.ge [sflag:s30], $0x1400  }
0x83: {  	[sflag:s30] =	ssyncset.done $0x0  }
0x84: {  	[sflag:s30] =	ssyncadd.s32 $0xFFFFEC00  }
0x85: {  	[hbm4b:s11+s25] =	stream.strided.scatter [tilespmem:s19], [sflag:$0xC], $0x1400, s26, s25, $0x38;
	[tilespmem:$0x73A0] =	vst v63  }
0x86: {  	p1 =	seq.s32 s10, $0x1900;
	_ =	swait.ge [sflag:s31], $0x1400  }
0x87: {  	s10 =	sshra.s32 @!p1 s10, $0x2;
	s18 =	simm.s32 @!p1 $0xFA0;
	[sflag:s31] =	ssyncset.done $0x0  }
0x88: {  	s20 =	simm.s32 @!p1 $0x50;
	s19 =	sadd.s32 @!p1 $0x190, s10;
	[sflag:s31] =	ssyncadd.s32 $0xFFFFEC00  }
0x89: {  	[tilespmem:s18], [sflag:$0x1] =	stream.indirect.gather @!p1 [hbm4b:s2+s20], $0x40, s19, s20, $0xb8;
	[tilespmem:$0x73A0] =	vst v63  }
0x8a: {  	_ =	swait.ge [sflag:s1], $0x1400  }
0x8b: {  	[sflag:s1] =	ssyncset.done $0x0  }
0x8c: {  	s19 =	sadd.s32 $0x8C0, s9;
	[sflag:s1] =	ssyncadd.s32 $0xFFFFEC00  }
0x8d: {  	[tilespmem:s24], [sflag:$0x9] =	stream.indirect.gather.add.f32 [hbm:s4], $0x40, s19, s17, $0xb8;
	[tilespmem:$0x73A0] =	vst v63  }
0x8e: {  	_ =	swait.ge [sflag:s0], $0x1400  }
0x8f: {  	[sflag:s0] =	ssyncset.done $0x0  }
0x90: {  	[sflag:s0] =	ssyncadd.s32 $0xFFFFEC00  }
0x91: {  	[hbm4b:s8+s25] =	stream.strided.scatter [tilespmem:s23], [sflag:$0xD], $0x1400, s26, s25, $0x38;
	[tilespmem:$0x73A0] =	vst v63  }
0x92: {  	s5 =	smov.u32 s13;
	_ =	swait.ge [sflag:s16], $0x1400  }
0x93: {  	s13 =	sadd.s32 $0x640, s13;
	s18 =	sadd.s32 @!p1 $0x1E0, s10;
	[sflag:s16] =	ssyncset.done $0x0  }
0x94: {  	s10 =	smov.u32 s5;
	s5 =	simm.s32 @!p1 $0x23A0;
	[sflag:s16] =	ssyncadd.s32 $0xFFFFEC00  }
0x95: {  	[tilespmem:s5], [sflag:$0x2] =	stream.indirect.gather @!p1 [hbm4b:s2+s20], $0x40, s18, s20, $0xb8;
	[tilespmem:$0x73A0] =	vst v63  }
0x96: {  	p0 =	sne.s32 s13, $0x1F40;
	s15 =	smov.u32 s3;
	_ =	swait.ge [sflag:s6], $0x1400  }
.Ltmp0:
0x97: {  	s3 =	sadd.s32 $0x1900, s3;
	[sflag:s6] =	ssyncset.done $0x0;
	(pc) =	sbr.rel @p0 .LBB2_2-.Ltmp0, $4  }
0x98: {  	s14 =	sadd.s32 $0xC800, s14;
	s28 =	sadd.s32 $0x910, s9;
	[sflag:s6] =	ssyncadd.s32 $0xFFFFEC00  }
0x99: {  	[tilespmem:s21], [sflag:$0xA] =	stream.indirect.gather.add.f32 [hbm:s4], $0x40, s28, s17, $0xb8;
	[tilespmem:$0x73A0] =	vst v63  }
0x9a: {  	s12 =	sadd.s32 $0x1900, s12;
	s11 =	sadd.s32 $0x1900, s11;
	_ =	swait.ge [sflag:s7], $0x1400  }
0x9b: {  	s8 =	sadd.s32 $0x1900, s8;
	p1 =	seq.s32 s10, $0x0;
	[sflag:s7] =	ssyncset.done $0x0  }
0x9c: {  	s9 =	simm.s32 @!p1 $0xD;
	[sflag:s7] =	ssyncadd.s32 $0xFFFFEC00;
	s20 =	simm.s32 $0x4BA0  }
0x9d: {  	[hbm4b:s15+s25] =	stream.strided.scatter [tilespmem:s20], [sflag:$0xE], $0x1400, s26, s25, $0x38;
	[tilespmem:$0x73A0] =	vst v63  }
0x9e: {  	_ =	swait.ge @!p1 [sflag:s9], $0x1400  }
0x9f: {  	s5 =	sshra.s32 s10, $0x2;
	s19 =	simm.s32 $0x37A0;
	[sflag:s9] =	ssyncset.done @!p1 $0x0  }
0xa0: {  	s13 =	simm.s32 $0x1;
	s28 =	sadd.s32 $0xA0, s5;
	[sflag:s9] =	ssyncadd.s32 @!p1 $0xFFFFEC00  }
0xa1: {  	[tilespmem:s19], [sflag:$0x3] =	stream.indirect.gather [hbm4b:s2+s17], $0x40, s28, s17, $0xb8;
	[tilespmem:$0x73A0] =	vst v63  }
0xa2: {  	_ =	swait.ge [sflag:s13], $0x1400  }
0xa3: {  	s18 =	simm.s32 $0xFA0;
	[sflag:s13] =	ssyncset.done $0x0  }
0xa4: {  	s15 =	sadd.s32 $0x7D0, s5;
	[sflag:s13] =	ssyncadd.s32 $0xFFFFEC00;
	s13 =	simm.s32 @!p1 $0xA  }
0xa5: {  	[tilespmem:s18], [sflag:$0x6] =	stream.indirect.gather.add.f32 [hbm:s4], $0x40, s15, s17, $0xb8;
	[tilespmem:$0x73A0] =	vst v63  }
0xa6: {  	_ =	swait.ge @!p1 [sflag:s13], $0x1400  }
0xa7: {  	s14 =	sshrl.u32 @!p1 s14, $0x3;
	[sflag:s13] =	ssyncset.done @!p1 $0x0  }
0xa8: {  	s9 =	simm.s32 @!p1 $0x5FA0;
	[sflag:s13] =	ssyncadd.s32 @!p1 $0xFFFFEC00;
	s13 =	rddreg [dreg:$0x3]  }
0xa9: {  	s15 =	simm.s32 @!p1 $0x80;
	s13 =	sadd.s32 @!p1 s13, s14;
	s14 =	simm.s32 @!p1 $0x40  }
0xaa: {  	[hbm4b:s13+s14] =	stream.strided.scatter @!p1 [tilespmem:s9], [sflag:$0xF], $0x1400, s15, s14, $0x38;
	[tilespmem:$0x73A0] =	vst v63  }
0xab: {  	s9 =	simm.s32 @!p1 $0xE  }
0xac: {  	_ =	swait.ge @!p1 [sflag:s9], $0x1400  }
0xad: {  	[sflag:s9] =	ssyncset.done @!p1 $0x0  }
0xae: {  	s21 =	sadd.s32 $0xF0, s5;
	s28 =	simm.s32 $0x2;
	[sflag:s9] =	ssyncadd.s32 @!p1 $0xFFFFEC00  }
0xaf: {  	[tilespmem:s20], [sflag:$0x4] =	stream.indirect.gather [hbm4b:s2+s17], $0x40, s21, s17, $0xb8;
	[tilespmem:$0x73A0] =	vst v63  }
0xb0: {  	_ =	swait.ge [sflag:s28], $0x1400  }
0xb1: {  	s13 =	sadd.s32 $0x820, s5;
	[sflag:s28] =	ssyncset.done $0x0  }
0xb2: {  	s14 =	simm.s32 $0x23A0;
	s15 =	simm.s32 $0x6;
	[sflag:s28] =	ssyncadd.s32 $0xFFFFEC00  }
0xb3: {  	[tilespmem:s14], [sflag:$0x7] =	stream.indirect.gather.add.f32 [hbm:s4], $0x40, s13, s17, $0xb8;
	[tilespmem:$0x73A0] =	vst v63  }
0xb4: {  	_ =	swait.ge [sflag:s15], $0x1400  }
0xb5: {  	[sflag:s15] =	ssyncset.done $0x0  }
0xb6: {  	s9 =	simm.s32 @!p1 $0xF;
	[sflag:s15] =	ssyncadd.s32 $0xFFFFEC00  }
0xb7: {  	[hbm4b:s12+s25] =	stream.strided.scatter [tilespmem:s18], [sflag:$0xB], $0x1400, s26, s25, $0x38;
	[tilespmem:$0x73A0] =	vst v63  }
0xb8: {  	_ =	swait.ge @!p1 [sflag:s9], $0x1400  }
0xb9: {  	[sflag:s9] =	ssyncset.done @!p1 $0x0  }
0xba: {  	s21 =	simm.s32 $0x5FA0;
	s18 =	sadd.s32 $0x140, s5;
	[sflag:s9] =	ssyncadd.s32 @!p1 $0xFFFFEC00  }
0xbb: {  	[tilespmem:s21], [sflag:$0x5] =	stream.indirect.gather [hbm4b:s2+s17], $0x40, s18, s17, $0xb8;
	[tilespmem:$0x73A0] =	vst v63  }
0xbc: {  	_ =	swait.ge [sflag:s29], $0x1400  }
0xbd: {  	[sflag:s29] =	ssyncset.done $0x0  }
0xbe: {  	s28 =	sadd.s32 $0x870, s5;
	[sflag:s29] =	ssyncadd.s32 $0xFFFFEC00  }
0xbf: {  	[tilespmem:s19], [sflag:$0x8] =	stream.indirect.gather.add.f32 [hbm:s4], $0x40, s28, s17, $0xb8;
	[tilespmem:$0x73A0] =	vst v63  }
0xc0: {  	_ =	swait.ge [sflag:s30], $0x1400  }
0xc1: {  	[sflag:s30] =	ssyncset.done $0x0  }
0xc2: {  	[sflag:s30] =	ssyncadd.s32 $0xFFFFEC00  }
0xc3: {  	[hbm4b:s11+s25] =	stream.strided.scatter [tilespmem:s14], [sflag:$0xC], $0x1400, s26, s25, $0x38;
	[tilespmem:$0x73A0] =	vst v63  }
0xc4: {  	p0 =	seq.s32 s10, $0x1900;
	_ =	swait.ge [sflag:s31], $0x1400  }
0xc5: {  	s12 =	simm.s32 @!p0 $0x50;
	s9 =	sshra.s32 @!p0 s10, $0x2;
	[sflag:s31] =	ssyncset.done $0x0  }
0xc6: {  	s10 =	simm.s32 @!p0 $0xFA0;
	s11 =	sadd.s32 @!p0 $0x190, s9;
	[sflag:s31] =	ssyncadd.s32 $0xFFFFEC00  }
0xc7: {  	[tilespmem:s10], [sflag:$0x1] =	stream.indirect.gather @!p0 [hbm4b:s2+s12], $0x40, s11, s12, $0xb8;
	[tilespmem:$0x73A0] =	vst v63  }
0xc8: {  	_ =	swait.ge [sflag:s1], $0x1400  }
0xc9: {  	[sflag:s1] =	ssyncset.done $0x0  }
0xca: {  	s11 =	sadd.s32 $0x8C0, s5;
	[sflag:s1] =	ssyncadd.s32 $0xFFFFEC00  }
0xcb: {  	[tilespmem:s20], [sflag:$0x9] =	stream.indirect.gather.add.f32 [hbm:s4], $0x40, s11, s17, $0xb8;
	[tilespmem:$0x73A0] =	vst v63  }
0xcc: {  	_ =	swait.ge [sflag:s0], $0x1400  }
0xcd: {  	[sflag:s0] =	ssyncset.done $0x0  }
0xce: {  	[sflag:s0] =	ssyncadd.s32 $0xFFFFEC00  }
0xcf: {  	[hbm4b:s8+s25] =	stream.strided.scatter [tilespmem:s19], [sflag:$0xD], $0x1400, s26, s25, $0x38;
	[tilespmem:$0x73A0] =	vst v63  }
0xd0: {  	_ =	swait.ge [sflag:s16], $0x1400  }
0xd1: {  	[sflag:s16] =	ssyncset.done $0x0  }
0xd2: {  	s8 =	sadd.s32 @!p0 $0x1E0, s9;
	s9 =	simm.s32 @!p0 $0x23A0;
	[sflag:s16] =	ssyncadd.s32 $0xFFFFEC00  }
0xd3: {  	[tilespmem:s9], [sflag:$0x2] =	stream.indirect.gather @!p0 [hbm4b:s2+s12], $0x40, s8, s12, $0xb8;
	[tilespmem:$0x73A0] =	vst v63  }
0xd4: {  	_ =	swait.ge [sflag:s6], $0x1400  }
0xd5: {  	[sflag:s6] =	ssyncset.done $0x0  }
0xd6: {  	s5 =	sadd.s32 $0x910, s5;
	[sflag:s6] =	ssyncadd.s32 $0xFFFFEC00  }
0xd7: {  	[tilespmem:s21], [sflag:$0xA] =	stream.indirect.gather.add.f32 [hbm:s4], $0x40, s5, s17, $0xb8;
	[tilespmem:$0x73A0] =	vst v63  }
0xd8: {  	_ =	swait.ge [sflag:s7], $0x1400  }
0xd9: {  	[sflag:s7] =	ssyncset.done $0x0  }
0xda: {  	s13 =	simm.s32 $0xA;
	[sflag:s7] =	ssyncadd.s32 $0xFFFFEC00  }
0xdb: {  	[hbm4b:s3+s25] =	stream.strided.scatter [tilespmem:s20], [sflag:$0xE], $0x1400, s26, s25, $0x38;
	[tilespmem:$0x73A0] =	vst v63  }
0xdc: {  	_ =	swait.ge [sflag:s13], $0x1400  }
0xdd: {  	[sflag:s13] =	ssyncset.done $0x0  }
0xde: {  	s18 =	simm.s32 $0xD;
	s15 =	rddreg [dreg:$0x6];
	[sflag:s13] =	ssyncadd.s32 $0xFFFFEC00  }
0xdf: {  	[hbm4b:s15+s25] =	stream.strided.scatter [tilespmem:s21], [sflag:$0xF], $0x1400, s26, s25, $0x38;
	[tilespmem:$0x73A0] =	vst v63  }
0xe0: {  	_ =	swait.ge [sflag:s18], $0x1400  }
0xe1: {  	[sflag:s18] =	ssyncset.done $0x0  }
0xe2: {  	s19 =	simm.s32 $0xE;
	[sflag:s18] =	ssyncadd.s32 $0xFFFFEC00  }
0xe3: {  	_ =	swait.ge [sflag:s19], $0x1400  }
0xe4: {  	[sflag:s19] =	ssyncset.done $0x0  }
0xe5: {  	s20 =	simm.s32 $0xF;
	[sflag:s19] =	ssyncadd.s32 $0xFFFFEC00  }
0xe6: {  	_ =	swait.ge [sflag:s20], $0x1400  }
0xe7: {  	s21 =	rddreg [dreg:$0xd]  }
0xe8: {  	s28 =	rddreg [dreg:$0x7];
	s8 =	sadd.s32 $0x1, s21  }
0xe9: {  	p0 =	sne.s32 s8, s28  }
.Ltmp1:
0xea: {  	_ = 	snop;
	(pc) =	sbr.rel @p0 .LBB2_1-.Ltmp1, $3  }
0xeb: {  	_ =	sdelay $0x1  }
0xec: {  	[sflag:s20] =	ssyncset.done $0x0  }
0xed: {  	[sflag:s20] =	ssyncadd.s32 $0xFFFFEC00  }
0xee: {  	_ =	sfence.sel $0x180000  }
0xef: {  	[bflag:$0x0] =	sbarrier.arrive $0xFFFF  }
0xf0: {  	_ =	strace $0x9000004D  }
0xf1: {  	s0 =	stileid.u32;
	[bflag:$0x2] =	sbarrier.arrive $0xFFFF  }
0xf2: {  	p0 =	sne.s32 s0, $0x0;
	s0 =	rddreg [dreg:$0x2]  }
0xf3: {  	s0 =	sadd.s32 @!p0 $0x100000, s0  }
0xf4: {  	[sflag:s0] =	ssyncadd.tile.s32 @!p0 $0x1;
	_ =	shalt  }
.Lfunc_end2:
_tile_overlayer_lowered:
.L_overlay_start_2:
0xf5: {  	(tag) =	ssettag $0x2  }
0xf6: {  	s0 =	rddreg [dreg:$0x0];
	s2 =	stileid.u32  }
0xf7: {  	s1 =	rddreg [dreg:$0x1];
	p0 =	sne.s32 s2, $0x0  }
0xf8: {  	s3 =	rddreg [dreg:$0x2];
	[bflag:$0x3] =	sbarrier.arrive $0xFFFF;
	s2 =	simm.s32 @!p0 $0x1C10  }
0xf9: {  	[timem:s3], [sflag:s2] =	dma.local @!p0 [hbm:s0], s1  }
0xfa: {  	s0 =	simm.s32 @!p0 $0x10  }
0xfb: {  	_ =	swait.ge @!p0 [sflag:s0], s1  }
0xfc: {  	s1 =	ssub.s32 @!p0 $0x0, s1;
	[sflag:s0] =	ssyncset.done @!p0 $0x0  }
0xfd: {  	[sflag:s0] =	ssyncadd.s32 @!p0 s1  }
0xfe: {  	[bflag:$0x3] =	sbarrier.arrive $0xFFFF  }
0xff: {  	_ =	shalt  }

// kernel: kernel.22.cloned.1.call-start
scs
__scs_entry_jumppad:
0x0: {  	(pc) =	sbr.rel $0x88, $3  }
0x1: {  	(tag) =	ssettag $0x0;
	lr =	simm.s32 $0x1  }
0x2: {  	[smem:$0x3F97] =	sst lr;
	_ =	strace $0xD0000000  }
0x3: {  	_ = 	snop  }
0x4: {  	_ = 	snop  }
0x5: {  	_ = 	snop  }
0x6: {  	_ = 	snop  }
0x7: {  	_ = 	snop  }
__scs_overlays_trampoline_lowered:
0x8: {  	[smem:$0x3FA6] =	sst s0  }
0x9: {  	[smem:$0x3FA7] =	sst s1  }
0xa: {  	[smem:$0x3FA8] =	sst s2  }
0xb: {  	[smem:$0x3FA9] =	sst s3  }
0xc: {  	[smem:$0x3FAA] =	sst s4  }
0xd: {  	[smem:$0x3FAB] =	sst s5  }
0xe: {  	[smem:$0x3FAC] =	sst s6  }
0xf: {  	[smem:$0x3FAD] =	sst s7  }
0x10: {  	[smem:$0x3FAE] =	sst s8  }
0x11: {  	[smem:$0x3FAF] =	sst s9;
	s0 =	simm.s32 @!p0 $0x0  }
0x12: {  	s1 =	sld [smem:$0x3F95];
	s0 =	simm.s32 @p0 $0x1  }
0x13: {  	[smem:$0x3FB0] =	sst s0;
	s0 =	simm.s32 @!p1 $0x0  }
0x14: {  	s2 =	sld [smem:$0x3F94];
	s0 =	simm.s32 @p1 $0x1  }
0x15: {  	[smem:$0x3FB1] =	sst s0;
	s0 =	simm.s32 @!p2 $0x0  }
0x16: {  	s3 =	sld [smem:$0x3FDB];
	s0 =	simm.s32 @p2 $0x1  }
0x17: {  	s4 =	simm.s32 $0x1BF5;
	[smem:$0x3FB3] =	sst s0  }
0x18: {  	s0 =	sld [smem:$0x3F96];
	_ =	swait.ge [sflag:s4], $0x0  }
0x19: {  	s7 =	sld [smem:$0x3F97]  }
0x1a: {  	s8 =	sadd.s32 $0xFFFFE003, lr  }
0x1b: {  	s9 =	sadd.s32 $0xFFFFFEF7, lr;
	s5 =	simm.s32 $0xFFFFFFFF;
	p2 =	slt.u32 s8, $0xFFFFF086  }
0x1c: {  	p1 =	slt.u32 s9, $0xF7A;
	s5 =	simm.s32 @!p2 $0x0  }
0x1d: {  	s5 =	simm.s32 @p1 $0x1;
	p0 =	seq.s32 s7, s2  }
0x1e: {  	s7 =	smul.u32 @!p0 $0xF7A, s2;
	p2 =	seq.s32 @!p0 s5, $0x0  }
0x1f: {  	s9 =	smul.u32 $0xF7A, s1;
	s8 =	simm.s32 @!p0 $0x1BF5;
	p2 =	por !p2, p0  }
0x20: {  	[sflag:s8] =	ssyncset.s32 @!p0 $0xFFFFF086;
	s6 =	sadd.s32 @!p0 s3, s7;
	s7 =	simm.s32 @!p0 $0x108  }
0x21: {  	s3 =	sadd.s32 s3, s9;
	s6 =	sadd.s32 @!p0 $0x88, s6;
	s7 =	simm.s32 @p2 $0x1082  }
0x22: {  	[simem:s7], [sflag:s8] =	dma.local @!p0 [hbm:s6], $0xF7A  }
0x23: {  	s9 =	sor.u32 $0xD0000000, s2;
	s6 =	simm.s32 $0x108;
	_ =	swait.ge @!p0 [sflag:s8], $0x0  }
0x24: {  	s3 =	sadd.s32 $0x88, s3;
	s6 =	simm.s32 @!p1 $0x1082;
	[sflag:s4] =	ssyncset.s32 $0xFFFFF086  }
0x25: {  	[simem:s6], [sflag:s4] =	dma.local [hbm:s3], $0xF7A  }
0x26: {  	[smem:$0x3F97] =	sst s1;
	(tag) =	ssettag s2;
	_ =	strace s9  }
0x27: {  	s1 =	sld [smem:$0x3FA7]  }
0x28: {  	s2 =	sld [smem:$0x3FA8]  }
0x29: {  	s4 =	sld [smem:$0x3FAA]  }
0x2a: {  	p0 =	seq.s32 s5, $0x0;
	s5 =	sld [smem:$0x3FAB]  }
0x2b: {  	s6 =	sld [smem:$0x3FAC]  }
0x2c: {  	s7 =	sld [smem:$0x3FAD]  }
0x2d: {  	s3 =	simm.s32 $0x108;
	s8 =	sld [smem:$0x3FAE]  }
0x2e: {  	s3 =	simm.s32 @!p0 $0x1082;
	s9 =	sld [smem:$0x3FAF]  }
0x2f: {  	lr =	sadd.s32 s0, s3;
	s0 =	sld [smem:$0x3FA6]  }
0x30: {  	s3 =	sld [smem:$0x3FA9]  }
0x31: {  	[smem:$0x3FB2] =	sst s10  }
0x32: {  	s10 =	sld [smem:$0x3FB0];
	_ =	sdelay $0x3  }
0x33: {  	p0 =	seq.s32 s10, $0x1;
	s10 =	sld [smem:$0x3FB2];
	_ =	sdelay $0x3  }
0x34: {  	[smem:$0x3FB2] =	sst s10  }
0x35: {  	s10 =	sld [smem:$0x3FB1];
	_ =	sdelay $0x3  }
0x36: {  	p1 =	seq.s32 s10, $0x1;
	s10 =	sld [smem:$0x3FB2];
	_ =	sdelay $0x3  }
0x37: {  	[smem:$0x3FB2] =	sst s10  }
0x38: {  	s10 =	sld [smem:$0x3FB3]  }
0x39: {  	_ = 	snop;
	(pc) =	sbr.ind lr, $3  }
0x3a: {  	_ = 	snop  }
0x3b: {  	_ = 	snop  }
0x3c: {  	p2 =	seq.s32 s10, $0x1;
	s10 =	sld [smem:$0x3FB2]  }
0x3d: {  	_ =	shalt  }
0x3e: {  	_ =	shalt  }
0x3f: {  	_ =	shalt  }
0x40: {  	_ =	shalt  }
0x41: {  	_ =	shalt  }
0x42: {  	_ =	shalt  }
0x43: {  	_ =	shalt  }
0x44: {  	_ =	shalt  }
0x45: {  	_ =	shalt  }
0x46: {  	_ =	shalt  }
0x47: {  	_ =	shalt  }
0x48: {  	_ =	shalt  }
0x49: {  	_ =	shalt  }
0x4a: {  	_ =	shalt  }
0x4b: {  	_ =	shalt  }
0x4c: {  	_ =	shalt  }
0x4d: {  	_ =	shalt  }
0x4e: {  	_ =	shalt  }
0x4f: {  	_ =	shalt  }
0x50: {  	_ =	shalt  }
0x51: {  	_ =	shalt  }
0x52: {  	_ =	shalt  }
0x53: {  	_ =	shalt  }
0x54: {  	_ =	shalt  }
0x55: {  	_ =	shalt  }
0x56: {  	_ =	shalt  }
0x57: {  	_ =	shalt  }
0x58: {  	_ =	shalt  }
0x59: {  	_ =	shalt  }
0x5a: {  	_ =	shalt  }
0x5b: {  	_ =	shalt  }
0x5c: {  	_ =	shalt  }
0x5d: {  	_ =	shalt  }
0x5e: {  	_ =	shalt  }
0x5f: {  	_ =	shalt  }
0x60: {  	_ =	shalt  }
0x61: {  	_ =	shalt  }
0x62: {  	_ =	shalt  }
0x63: {  	_ =	shalt  }
0x64: {  	_ =	shalt  }
0x65: {  	_ =	shalt  }
0x66: {  	_ =	shalt  }
0x67: {  	_ =	shalt  }
0x68: {  	_ =	shalt  }
0x69: {  	_ =	shalt  }
0x6a: {  	_ =	shalt  }
0x6b: {  	_ =	shalt  }
0x6c: {  	_ =	shalt  }
0x6d: {  	_ =	shalt  }
0x6e: {  	_ =	shalt  }
0x6f: {  	_ =	shalt  }
0x70: {  	_ =	shalt  }
0x71: {  	_ =	shalt  }
0x72: {  	_ =	shalt  }
0x73: {  	_ =	shalt  }
0x74: {  	_ =	shalt  }
0x75: {  	_ =	shalt  }
0x76: {  	_ =	shalt  }
0x77: {  	_ =	shalt  }
0x78: {  	_ =	shalt  }
0x79: {  	_ =	shalt  }
0x7a: {  	_ =	shalt  }
0x7b: {  	_ =	shalt  }
0x7c: {  	_ =	shalt  }
0x7d: {  	_ =	shalt  }
0x7e: {  	_ =	shalt  }
0x7f: {  	_ =	shalt  }
0x80: {  	_ =	shalt  }
0x81: {  	_ =	shalt  }
0x82: {  	_ =	shalt  }
0x83: {  	_ =	shalt  }
0x84: {  	_ =	shalt  }
0x85: {  	_ =	shalt  }
0x86: {  	_ =	shalt  }
0x87: {  	_ =	shalt  }
.Lfunc_end0:
.L_simem_size_0:
called_computation.4_lowered:
.L_overlay_start_0:
0x88: {  	s2 =	sld [smem:$0x3FD9]  }
0x89: {  	s3 =	sld [smem:$0x3FFE];
	_ =	sdelay $0x1  }
0x8a: {  	s1 =	srdreg.scid  }
0x8b: {  	s0 =	sand.u32 $0x1, s1  }
0x8c: {  	s15 =	sshll.u32 s0, $0xA;
	s2 =	sadd.s32 s3, s2  }
0x8d: {  	s2 =	sadd.s32 s2, s15  }
0x8e: {  	[smem:$0x3FBE] =	sst s2  }
0x8f: {  	_ = 	snop  }
0x90: {  	s2 =	sld [smem:$0x3FD0];
	_ =	sdelay $0x2  }
0x91: {  	s16 =	simm.s32 $0xE;
	s4 =	simm.s32 $0x10  }
0x92: {  	[smem:s4], [sflag:s16] =	dma.local [hbm:s2], $0x1  }
0x93: {  	_ =	swait.eq [sflag:s16], $0x1  }
0x94: {  	[sflag:s16] =	ssyncset.done $0x0  }
0x95: {  	[sflag:s16] =	ssyncadd.s32 $0xFFFFFFFF  }
0x96: {  	s17 =	sld [smem:$0x10];
	(tm) =	ssettm $0x1  }
0x97: {  	s18 =	sld [smem:$0x3FFB];
	_ =	sdelay $0x3  }
0x98: {  	_ =	strace s18  }
0x99: {  	s2 =	sld [smem:$0x3FFC];
	_ =	sdelay $0x3  }
0x9a: {  	_ =	strace s2  }
0x9b: {  	s2 =	sld [smem:$0x3FFD];
	_ =	sdelay $0x3  }
0x9c: {  	_ =	strace s2  }
0x9d: {  	_ =	strace $0x8FFFFFFF  }
0x9e: {  	s19 =	sld [smem:$0x3FDB];
	_ =	sdelay $0x1  }
0x9f: {  	s20 =	simm.s32 $_scs_section_size  }
0xa0: {  	s5 =	simm.s32 $_size__tile_overlayer_lowered;
	s6 =	simm.s32 $_tile_overlayer_lowered  }
0xa1: {  	s7 =	simm.s32 $0x1BFF;
	s21 =	sshll.u32 s6, $0x1;
	s4 =	sadd.s32 s20, s19  }
0xa2: {  	s22 =	simm.s32 $0x0;
	s5 =	sshll.u32 s5, $0x1;
	s6 =	sadd.s32 s21, s4  }
0xa3: {  	[timem:s22], [sflag:s7] =	dma.local [hbm:s6], s5  }
0xa4: {  	_ =	swait.ge [sflag:s7], s5  }
0xa5: {  	s5 =	ssub.s32 $0x0, s5;
	[sflag:s7] =	ssyncset.done $0x0  }
0xa6: {  	[sflag:s7] =	ssyncadd.s32 s5;
	_ =	sdelay $0x1  }
0xa7: {  	s23 =	simm.s32 $0x1B8B  }
0xa8: {  	_ =	swait.ge [sflag:s23], $0x1  }
0xa9: {  	[sflag:s23] =	ssyncset.done $0x0  }
0xaa: {  	[sflag:s23] =	ssyncadd.s32 $0xFFFFFFFF  }
0xab: {  	s5 =	sld [smem:$0x0]  }
0xac: {  	s6 =	sand.u32 $0xFFFFFFFE, s1  }
0xad: {  	p0 =	sne.s32 s1, s6  }
0xae: {  	s6 =	sshll.u32 @p0 s6, $0xE  }
0xaf: {  	s6 =	sadd.s32 @p0 $0x11B8D, s6;
	s7 =	sshll.u32 @p0 s5, $0x11  }
0xb0: {  	s6 =	sor.u32 @p0 s7, s6  }
0xb1: {  	[sflag:s6] =	ssyncadd.remote.s32 @p0 $0x1;
	_ =	sdelay $0x1  }
0xb2: {  	s6 =	simm.s32 @p0 $0x1B8D  }
0xb3: {  	_ =	swait.eq @p0 [sflag:s6], $0x1  }
0xb4: {  	[sflag:s6] =	ssyncadd.s32 @p0 $0xFFFFFFFF  }
0xb5: {  	s7 =	sshll.u32 @!p0 s1, $0xE  }
0xb6: {  	s7 =	sor.u32 @!p0 $0x4000, s7;
	s6 =	simm.s32 @!p0 $0x1B8D  }
0xb7: {  	s5 =	sshll.u32 @!p0 s5, $0x11;
	s7 =	sadd.s32 @!p0 $0x11B8D, s7;
	_ =	swait.eq @!p0 [sflag:s6], $0x1  }
0xb8: {  	s5 =	sor.u32 @!p0 s5, s7;
	[sflag:s6] =	ssyncadd.s32 @!p0 $0xFFFFFFFF  }
0xb9: {  	s25 =	simm.s32 $0x1B8E;
	s24 =	sld [smem:$0x3FFE];
	[sflag:s5] =	ssyncadd.remote.s32 @!p0 $0x1  }
0xba: {  	s26 =	simm.s32 $execute0_lowered;
	[smem:$0x3FD2] =	sst s25  }
0xbb: {  	s6 =	sshll.u32 s26, $0x1;
	_ =	strace $0x8000004F;
	[dreg:$0x1] =	wrdreg $0xFFFFFFFF  }
0xbc: {  	s28 =	simm.s32 $_size_execute0_lowered;
	s4 =	sadd.s32 s4, s6;
	[dreg:$0x0] =	wrdreg $0x0  }
0xbd: {  	s6 =	sshll.u32 s28, $0x1;
	[dreg:$0x2] =	wrdreg s4  }
0xbe: {  	[dreg:$0x3] =	wrdreg s6  }
0xbf: {  	[dreg:$0x4] =	wrdreg $0xC0  }
0xc0: {  	_ =	task [dreg:s22], $0x5FFFF  }
0xc1: {  	[dreg:$0x1] =	wrdreg $0xFFFFFFFF  }
0xc2: {  	[dreg:$0x0] =	wrdreg $0x60  }
0xc3: {  	[dreg:$0x2] =	wrdreg s17  }
0xc4: {  	[dreg:$0x3] =	wrdreg s24  }
0xc5: {  	[dreg:$0x4] =	wrdreg $0xC  }
0xc6: {  	_ =	task.clear_ibuf [dreg:s22], $0x5FFFF;
	_ =	strace $0x9000004F  }
0xc7: {  	s29 =	simm.s32 $0xC;
	_ =	strace $0x80000051  }
0xc8: {  	_ =	swait.ge [sflag:s29], $0x1  }
0xc9: {  	[sflag:s29] =	ssyncadd.s32 $0xFFFFFFFF  }
0xca: {  	_ =	strace $0x90000051  }
0xcb: {  	_ =	sfence  }
0xcc: {  	s30 =	sld [smem:$0x0];
	_ =	sdelay $0x2  }
0xcd: {  	s31 =	sshll.u32 s1, $0xD;
	s1 =	sshrl.u32 s1, $0x2  }
0xce: {  	s4 =	sand.u32 $0x4000, s31;
	s1 =	sadd.s32 s1, s30  }
0xcf: {  	s0 =	sor.u32 s4, s0;
	s1 =	sshll.u32 s1, $0x11  }
0xd0: {  	s0 =	sor.u32 s1, s0  }
0xd1: {  	s0 =	sadd.s32 $0x8F2B, s0  }
0xd2: {  	[sflag:s0] =	ssyncadd.remote.s32 $0x1  }
0xd3: {  	_ =	sfence.sel $0xFFFF  }
0xd4: {  	[dreg:$0x0] =	wrdreg $0xFFFFFFFF;
	(pc) =	sbr.abs _section_cstart, $3  }
0xd5: {  	[dreg:$0x1] =	wrdreg $0xFFFFFFFF  }
0xd6: {  	_ =	task.clear_ibuf [dreg:s22], $0x2FFFF;
	_ =	strace $0x9FFFFFFF  }
0xd7: {  	(tm) =	ssettm $0x7FFFFFFF  }
tec
execute0_lowered:
.L_overlay_start_1:
0x0: {  	(tag) =	ssettag $0x1  }
0x1: {  	s0 =	srdreg.scid;
	s2 =	rddreg [dreg:$0x0]  }
0x2: {  	s5 =	stileid.u32;
	s3 =	rddreg [dreg:$0x1];
	s6 =	simm.s32 $0x0  }
0x3: {  	s29 =	simm.s32 $0x3;
	s30 =	simm.s32 $0x7;
	s31 =	simm.s32 $0xB  }
0x4: {  	s0 =	sand.u32 $0x1, s0;
	s1 =	sshll.u32 s5, $0x1;
	[smem:$0x7FF] =	sst s6  }
0x5: {  	s5 =	sshll.u32 s5, $0x3;
	s8 =	sadd.s32 $0x1C6000, s3;
	s6 =	simm.s32 $0x5  }
0x6: {  	s1 =	sor.u32 s0, s1;
	_ =	strace $0x80000050;
	s5 =	sand.u32 $0x40, s5  }
0x7: {  	s0 =	ssub.s32 $0x2, s0;
	s4 =	sand.u32 $0xF, s1;
	s1 =	smul.u32 $0xFA, s1  }
0x8: {  	[dreg:$0x3] =	wrdreg s8;
	s17 =	sshrl.u32 s0, $0x1;
	s16 =	smul.u32 $0x3E800, s4  }
0x9: {  	s4 =	sadd.s32 $0x2F600, s3;
	s0 =	ssub.s32 s0, s17;
	s17 =	simm.s32 $0x50  }
0xa: {  	s1 =	sadd.s32 s1, s3;
	s0 =	smax.u32 s0, $0x1;
	s5 =	sor.u32 s5, s16  }
0xb: {  	s19 =	sadd.s32 $0x1C4000, s1;
	s1 =	sadd.s32 $0x1C2000, s1;
	[dreg:$0x7] =	wrdreg s0  }
0xc: {  	s16 =	simm.s32 $0xC;
	s7 =	sadd.s32 $0x3C000, s5;
	[dreg:$0x4] =	wrdreg s19  }
0xd: {  	[dreg:$0x5] =	wrdreg s1;
	s21 =	sadd.s32 $0xFFFFD800, s5;
	s22 =	sshrl.u32 s5, $0x3  }
0xe: {  	s23 =	sadd.s32 $0x2800, s5;
	s24 =	sadd.s32 $0x7800, s5;
	s25 =	sadd.s32 $0x5000, s5  }
0xf: {  	s18 =	sshrl.u32 s7, $0x3;
	[dreg:$0x8] =	wrdreg s21;
	s0 =	sadd.s32 s22, s8  }
0x10: {  	s1 =	sshrl.u32 s24, $0x3;
	s28 =	sshrl.u32 s25, $0x3;
	s25 =	simm.s32 $0x40  }
0x11: {  	s7 =	simm.s32 $0x9;
	s24 =	simm.s32 $0x4BA0;
	s22 =	simm.s32 $0xFA0  }
0x12: {  	s20 =	sadd.s32 s8, s18;
	[dreg:$0x9] =	wrdreg s0;
	s0 =	sshrl.u32 s23, $0x3  }
0x13: {  	s26 =	sadd.s32 s1, s8;
	s1 =	simm.s32 $0x4;
	[dreg:$0x6] =	wrdreg s20  }
0x14: {  	s23 =	simm.s32 $0x37A0;
	s0 =	sadd.s32 s0, s8;
	[dreg:$0xb] =	wrdreg s26  }
0x15: {  	s26 =	simm.s32 $0x80;
	[dreg:$0xa] =	wrdreg s0;
	s0 =	sadd.s32 s28, s8  }
0x16: {  	s8 =	simm.s32 $0x0;
	[dreg:$0xc] =	wrdreg s0;
	s0 =	simm.s32 $0x8  }
.LBB2_1:
0x17: {  	[dreg:$0xd] =	wrdreg s8  }
0x18: {  	s3 =	simm.s32 $0x0;
	s5 =	rddreg [dreg:$0x4];
	s14 =	simm.s32 $0x10  }
0x19: {  	[tilespmem:s3], [sflag:$0x10] =	stream.linear.gather [hbm4b:s5+s3], $0x7D0, $0x38;
	[tilespmem:$0x73A0] =	vst v63  }
0x1a: {  	_ =	swait.ge [sflag:s14], $0x7D0  }
0x1b: {  	[sflag:s14] =	ssyncset.done $0x0  }
0x1c: {  	s9 =	simm.s32 $0x7D0;
	s15 =	rddreg [dreg:$0x5];
	[sflag:s14] =	ssyncadd.s32 $0xFFFFF830  }
0x1d: {  	[tilespmem:s9], [sflag:$0x10] =	stream.linear.gather [hbm4b:s15+s3], $0x7D0, $0x38;
	[tilespmem:$0x73A0] =	vst v63  }
0x1e: {  	_ =	swait.ge [sflag:s14], $0x7D0  }
0x1f: {  	[sflag:s14] =	ssyncset.done $0x0  }
0x20: {  	s11 =	simm.s32 $0xFA0;
	p0 =	por $0x1, $0x1;
	[sflag:s14] =	ssyncadd.s32 $0xFFFFF830  }
0x21: {  	[tilespmem:s11], [sflag:$0x1] =	stream.indirect.gather [hbm4b:s2+s17], $0x40, s3, s17, $0xb8;
	[tilespmem:$0x73A0] =	vst v63  }
0x22: {  	s12 =	simm.s32 $0x23A0;
	s3 =	simm.s32 @!p0 $0xD  }
0x23: {  	[tilespmem:s12], [sflag:$0x2] =	stream.indirect.gather [hbm4b:s2+s17], $0x40, s17, s17, $0xb8;
	[tilespmem:$0x73A0] =	vst v63  }
0x24: {  	_ =	swait.ge @!p0 [sflag:s3], $0x1400  }
0x25: {  	s18 =	simm.s32 $0xA0;
	[sflag:s3] =	ssyncset.done @!p0 $0x0  }
0x26: {  	s13 =	simm.s32 $0x37A0;
	s19 =	simm.s32 $0x1;
	[sflag:s3] =	ssyncadd.s32 @!p0 $0xFFFFEC00  }
0x27: {  	[tilespmem:s13], [sflag:$0x3] =	stream.indirect.gather [hbm4b:s2+s17], $0x40, s18, s17, $0xb8;
	[tilespmem:$0x73A0] =	vst v63  }
0x28: {  	_ =	swait.ge [sflag:s19], $0x1400  }
0x29: {  	[sflag:s19] =	ssyncset.done $0x0  }
0x2a: {  	s20 =	simm.s32 $0x7D0;
	s5 =	simm.s32 @!p0 $0xA;
	[sflag:s19] =	ssyncadd.s32 $0xFFFFEC00  }
0x2b: {  	[tilespmem:s11], [sflag:$0x6] =	stream.indirect.gather.add.f32 [hbm:s4], $0x40, s20, s17, $0xb8;
	[tilespmem:$0x73A0] =	vst v63  }
0x2c: {  	s8 =	simm.s32 @!p0 $0xE;
	_ =	swait.ge @!p0 [sflag:s5], $0x1400  }
0x2d: {  	s10 =	simm.s32 @!p0 $0x80;
	[sflag:s5] =	ssyncset.done @!p0 $0x0;
	s14 =	rddreg [dreg:$0x8]  }
0x2e: {  	s9 =	sshrl.u32 @!p0 s14, $0x3;
	[sflag:s5] =	ssyncadd.s32 @!p0 $0xFFFFEC00;
	s5 =	rddreg [dreg:$0x3]  }
0x2f: {  	s3 =	simm.s32 @!p0 $0x5FA0;
	s5 =	sadd.s32 @!p0 s5, s9;
	s9 =	simm.s32 @!p0 $0x40  }
0x30: {  	[hbm4b:s5+s9] =	stream.strided.scatter @!p0 [tilespmem:s3], [sflag:$0xF], $0x1400, s10, s9, $0x38;
	[tilespmem:$0x73A0] =	vst v63  }
0x31: {  	_ =	swait.ge @!p0 [sflag:s8], $0x1400  }
0x32: {  	s21 =	simm.s32 $0xF0;
	[sflag:s8] =	ssyncset.done @!p0 $0x0  }
0x33: {  	s28 =	simm.s32 $0x4BA0;
	s5 =	simm.s32 $0x2;
	[sflag:s8] =	ssyncadd.s32 @!p0 $0xFFFFEC00  }
0x34: {  	[tilespmem:s28], [sflag:$0x4] =	stream.indirect.gather [hbm4b:s2+s17], $0x40, s21, s17, $0xb8;
	[tilespmem:$0x73A0] =	vst v63  }
0x35: {  	_ =	swait.ge [sflag:s5], $0x1400  }
0x36: {  	[sflag:s5] =	ssyncset.done $0x0  }
0x37: {  	s9 =	simm.s32 $0x6;
	s8 =	simm.s32 $0x820;
	[sflag:s5] =	ssyncadd.s32 $0xFFFFEC00  }
0x38: {  	[tilespmem:s12], [sflag:$0x7] =	stream.indirect.gather.add.f32 [hbm:s4], $0x40, s8, s17, $0xb8;
	[tilespmem:$0x73A0] =	vst v63  }
0x39: {  	_ =	swait.ge [sflag:s9], $0x1400  }
0x3a: {  	[sflag:s9] =	ssyncset.done $0x0  }
0x3b: {  	s3 =	simm.s32 @!p0 $0xF;
	[sflag:s9] =	ssyncadd.s32 $0xFFFFEC00;
	s9 =	rddreg [dreg:$0x9]  }
0x3c: {  	[hbm4b:s9+s25] =	stream.strided.scatter [tilespmem:s11], [sflag:$0xB], $0x1400, s26, s25, $0x38;
	[tilespmem:$0x73A0] =	vst v63  }
0x3d: {  	_ =	swait.ge @!p0 [sflag:s3], $0x1400  }
0x3e: {  	[sflag:s3] =	ssyncset.done @!p0 $0x0  }
0x3f: {  	s18 =	simm.s32 $0x5FA0;
	s11 =	simm.s32 $0x140;
	[sflag:s3] =	ssyncadd.s32 @!p0 $0xFFFFEC00  }
0x40: {  	[tilespmem:s18], [sflag:$0x5] =	stream.indirect.gather [hbm4b:s2+s17], $0x40, s11, s17, $0xb8;
	[tilespmem:$0x73A0] =	vst v63  }
0x41: {  	_ =	swait.ge [sflag:s29], $0x1400  }
0x42: {  	[sflag:s29] =	ssyncset.done $0x0  }
0x43: {  	s15 =	simm.s32 $0x870;
	[sflag:s29] =	ssyncadd.s32 $0xFFFFEC00  }
0x44: {  	[tilespmem:s13], [sflag:$0x8] =	stream.indirect.gather.add.f32 [hbm:s4], $0x40, s15, s17, $0xb8;
	[tilespmem:$0x73A0] =	vst v63  }
0x45: {  	_ =	swait.ge [sflag:s30], $0x1400  }
0x46: {  	[sflag:s30] =	ssyncset.done $0x0  }
0x47: {  	s19 =	rddreg [dreg:$0xa];
	[sflag:s30] =	ssyncadd.s32 $0xFFFFEC00  }
0x48: {  	[hbm4b:s19+s25] =	stream.strided.scatter [tilespmem:s12], [sflag:$0xC], $0x1400, s26, s25, $0x38;
	[tilespmem:$0x73A0] =	vst v63  }
0x49: {  	p0 =	por $0x0, $0x0;
	_ =	swait.ge [sflag:s31], $0x1400  }
0x4a: {  	s3 =	simm.s32 @!p0 $0xFA0;
	[sflag:s31] =	ssyncset.done $0x0  }
0x4b: {  	s5 =	simm.s32 @!p0 $0x190;
	s8 =	simm.s32 @!p0 $0x50;
	[sflag:s31] =	ssyncadd.s32 $0xFFFFEC00  }
0x4c: {  	[tilespmem:s3], [sflag:$0x1] =	stream.indirect.gather @!p0 [hbm4b:s2+s8], $0x40, s5, s8, $0xb8;
	[tilespmem:$0x73A0] =	vst v63  }
0x4d: {  	_ =	swait.ge [sflag:s1], $0x1400  }
0x4e: {  	[sflag:s1] =	ssyncset.done $0x0  }
0x4f: {  	s20 =	simm.s32 $0x8C0;
	[sflag:s1] =	ssyncadd.s32 $0xFFFFEC00  }
0x50: {  	[tilespmem:s28], [sflag:$0x9] =	stream.indirect.gather.add.f32 [hbm:s4], $0x40, s20, s17, $0xb8;
	[tilespmem:$0x73A0] =	vst v63  }
0x51: {  	_ =	swait.ge [sflag:s0], $0x1400  }
0x52: {  	[sflag:s0] =	ssyncset.done $0x0  }
0x53: {  	s21 =	rddreg [dreg:$0xc];
	[sflag:s0] =	ssyncadd.s32 $0xFFFFEC00  }
0x54: {  	[hbm4b:s21+s25] =	stream.strided.scatter [tilespmem:s13], [sflag:$0xD], $0x1400, s26, s25, $0x38;
	[tilespmem:$0x73A0] =	vst v63  }
0x55: {  	_ =	swait.ge [sflag:s16], $0x1400  }
0x56: {  	[sflag:s16] =	ssyncset.done $0x0  }
0x57: {  	s3 =	simm.s32 @!p0 $0x1E0;
	s5 =	simm.s32 @!p0 $0x23A0;
	[sflag:s16] =	ssyncadd.s32 $0xFFFFEC00  }
0x58: {  	[tilespmem:s5], [sflag:$0x2] =	stream.indirect.gather @!p0 [hbm4b:s2+s8], $0x40, s3, s8, $0xb8;
	[tilespmem:$0x73A0] =	vst v63  }
0x59: {  	p1 =	por $0x0, $0x0;
	s14 =	sadd.s32 $0xC800, s14;
	_ =	swait.ge [sflag:s6], $0x1400  }
0x5a: {  	s10 =	simm.s32 $0x640;
	s11 =	sadd.s32 $0x1900, s19;
	[sflag:s6] =	ssyncset.done $0x0  }
0x5b: {  	s12 =	sadd.s32 $0x1900, s9;
	s28 =	simm.s32 $0x910;
	[sflag:s6] =	ssyncadd.s32 $0xFFFFEC00  }
0x5c: {  	[tilespmem:s18], [sflag:$0xA] =	stream.indirect.gather.add.f32 [hbm:s4], $0x40, s28, s17, $0xb8;
	[tilespmem:$0x73A0] =	vst v63  }
0x5d: {  	s13 =	simm.s32 $0xC80;
	s15 =	rddreg [dreg:$0xb];
	_ =	swait.ge [sflag:s7], $0x1400  }
0x5e: {  	s8 =	sadd.s32 $0x1900, s21;
	s3 =	sadd.s32 $0x1900, s15;
	[sflag:s7] =	ssyncset.done $0x0  }
.LBB2_2:
0x5f: {  	s18 =	simm.s32 @!p1 $0xD;
	[sflag:s7] =	ssyncadd.s32 $0xFFFFEC00  }
0x60: {  	[hbm4b:s15+s25] =	stream.strided.scatter [tilespmem:s24], [sflag:$0xE], $0x1400, s26, s25, $0x38;
	[tilespmem:$0x73A0] =	vst v63  }
0x61: {  	_ =	swait.ge @!p1 [sflag:s18], $0x1400  }
0x62: {  	s9 =	sshra.s32 s10, $0x2;
	[sflag:s18] =	ssyncset.done @!p1 $0x0  }
0x63: {  	s21 =	simm.s32 $0x1;
	s20 =	sadd.s32 $0xA0, s9;
	[sflag:s18] =	ssyncadd.s32 @!p1 $0xFFFFEC00  }
0x64: {  	[tilespmem:s23], [sflag:$0x3] =	stream.indirect.gather [hbm4b:s2+s17], $0x40, s20, s17, $0xb8;
	[tilespmem:$0x73A0] =	vst v63  }
0x65: {  	_ =	swait.ge [sflag:s21], $0x1400  }
0x66: {  	[sflag:s21] =	ssyncset.done $0x0  }
0x67: {  	s19 =	simm.s32 @!p1 $0xA;
	s28 =	sadd.s32 $0x7D0, s9;
	[sflag:s21] =	ssyncadd.s32 $0xFFFFEC00  }
0x68: {  	[tilespmem:s22], [sflag:$0x6] =	stream.indirect.gather.add.f32 [hbm:s4], $0x40, s28, s17, $0xb8;
	[tilespmem:$0x73A0] =	vst v63  }
0x69: {  	_ =	swait.ge @!p1 [sflag:s19], $0x1400  }
0x6a: {  	s18 =	simm.s32 @!p1 $0x5FA0;
	s20 =	sshrl.u32 @!p1 s14, $0x3;
	[sflag:s19] =	ssyncset.done @!p1 $0x0  }
0x6b: {  	s21 =	simm.s32 @!p1 $0x80;
	[sflag:s19] =	ssyncadd.s32 @!p1 $0xFFFFEC00;
	s19 =	rddreg [dreg:$0x3]  }
0x6c: {  	s28 =	simm.s32 @!p1 $0xE;
	s19 =	sadd.s32 @!p1 s19, s20;
	s20 =	simm.s32 @!p1 $0x40  }
0x6d: {  	[hbm4b:s19+s20] =	stream.strided.scatter @!p1 [tilespmem:s18], [sflag:$0xF], $0x1400, s21, s20, $0x38;
	[tilespmem:$0x73A0] =	vst v63  }
0x6e: {  	_ =	swait.ge @!p1 [sflag:s28], $0x1400  }
0x6f: {  	[sflag:s28] =	ssyncset.done @!p1 $0x0  }
0x70: {  	s19 =	sadd.s32 $0xF0, s9;
	s20 =	simm.s32 $0x2;
	[sflag:s28] =	ssyncadd.s32 @!p1 $0xFFFFEC00  }
0x71: {  	[tilespmem:s24], [sflag:$0x4] =	stream.indirect.gather [hbm4b:s2+s17], $0x40, s19, s17, $0xb8;
	[tilespmem:$0x73A0] =	vst v63  }
0x72: {  	_ =	swait.ge [sflag:s20], $0x1400  }
0x73: {  	s21 =	sadd.s32 $0x820, s9;
	[sflag:s20] =	ssyncset.done $0x0  }
0x74: {  	s28 =	simm.s32 $0x6;
	s19 =	simm.s32 $0x23A0;
	[sflag:s20] =	ssyncadd.s32 $0xFFFFEC00  }
0x75: {  	[tilespmem:s19], [sflag:$0x7] =	stream.indirect.gather.add.f32 [hbm:s4], $0x40, s21, s17, $0xb8;
	[tilespmem:$0x73A0] =	vst v63  }
0x76: {  	_ =	swait.ge [sflag:s28], $0x1400  }
0x77: {  	[sflag:s28] =	ssyncset.done $0x0  }
0x78: {  	s18 =	simm.s32 @!p1 $0xF;
	[sflag:s28] =	ssyncadd.s32 $0xFFFFEC00  }
0x79: {  	[hbm4b:s12+s25] =	stream.strided.scatter [tilespmem:s22], [sflag:$0xB], $0x1400, s26, s25, $0x38;
	[tilespmem:$0x73A0] =	vst v63  }
0x7a: {  	_ =	swait.ge @!p1 [sflag:s18], $0x1400  }
0x7b: {  	[sflag:s18] =	ssyncset.done @!p1 $0x0  }
0x7c: {  	s20 =	sadd.s32 $0x140, s9;
	s21 =	simm.s32 $0x5FA0;
	[sflag:s18] =	ssyncadd.s32 @!p1 $0xFFFFEC00  }
0x7d: {  	[tilespmem:s21], [sflag:$0x5] =	stream.indirect.gather [hbm4b:s2+s17], $0x40, s20, s17, $0xb8;
	[tilespmem:$0x73A0] =	vst v63  }
0x7e: {  	_ =	swait.ge [sflag:s29], $0x1400  }
0x7f: {  	[sflag:s29] =	ssyncset.done $0x0  }
0x80: {  	s28 =	sadd.s32 $0x870, s9;
	[sflag:s29] =	ssyncadd.s32 $0xFFFFEC00  }
0x81: {  	[tilespmem:s23], [sflag:$0x8] =	stream.indirect.gather.add.f32 [hbm:s4], $0x40, s28, s17, $0xb8;
	[tilespmem:$0x73A0] =	vst v63  }
0x82: {  	_ =	swait.ge [sflag:s30], $0x1400  }
0x83: {  	[sflag:s30] =	ssyncset.done $0x0  }
0x84: {  	[sflag:s30] =	ssyncadd.s32 $0xFFFFEC00  }
0x85: {  	[hbm4b:s11+s25] =	stream.strided.scatter [tilespmem:s19], [sflag:$0xC], $0x1400, s26, s25, $0x38;
	[tilespmem:$0x73A0] =	vst v63  }
0x86: {  	p1 =	seq.s32 s10, $0x1900;
	_ =	swait.ge [sflag:s31], $0x1400  }
0x87: {  	s10 =	sshra.s32 @!p1 s10, $0x2;
	s18 =	simm.s32 @!p1 $0xFA0;
	[sflag:s31] =	ssyncset.done $0x0  }
0x88: {  	s20 =	simm.s32 @!p1 $0x50;
	s19 =	sadd.s32 @!p1 $0x190, s10;
	[sflag:s31] =	ssyncadd.s32 $0xFFFFEC00  }
0x89: {  	[tilespmem:s18], [sflag:$0x1] =	stream.indirect.gather @!p1 [hbm4b:s2+s20], $0x40, s19, s20, $0xb8;
	[tilespmem:$0x73A0] =	vst v63  }
0x8a: {  	_ =	swait.ge [sflag:s1], $0x1400  }
0x8b: {  	[sflag:s1] =	ssyncset.done $0x0  }
0x8c: {  	s19 =	sadd.s32 $0x8C0, s9;
	[sflag:s1] =	ssyncadd.s32 $0xFFFFEC00  }
0x8d: {  	[tilespmem:s24], [sflag:$0x9] =	stream.indirect.gather.add.f32 [hbm:s4], $0x40, s19, s17, $0xb8;
	[tilespmem:$0x73A0] =	vst v63  }
0x8e: {  	_ =	swait.ge [sflag:s0], $0x1400  }
0x8f: {  	[sflag:s0] =	ssyncset.done $0x0  }
0x90: {  	[sflag:s0] =	ssyncadd.s32 $0xFFFFEC00  }
0x91: {  	[hbm4b:s8+s25] =	stream.strided.scatter [tilespmem:s23], [sflag:$0xD], $0x1400, s26, s25, $0x38;
	[tilespmem:$0x73A0] =	vst v63  }
0x92: {  	s5 =	smov.u32 s13;
	_ =	swait.ge [sflag:s16], $0x1400  }
0x93: {  	s13 =	sadd.s32 $0x640, s13;
	s18 =	sadd.s32 @!p1 $0x1E0, s10;
	[sflag:s16] =	ssyncset.done $0x0  }
0x94: {  	s10 =	smov.u32 s5;
	s5 =	simm.s32 @!p1 $0x23A0;
	[sflag:s16] =	ssyncadd.s32 $0xFFFFEC00  }
0x95: {  	[tilespmem:s5], [sflag:$0x2] =	stream.indirect.gather @!p1 [hbm4b:s2+s20], $0x40, s18, s20, $0xb8;
	[tilespmem:$0x73A0] =	vst v63  }
0x96: {  	p0 =	sne.s32 s13, $0x1F40;
	s15 =	smov.u32 s3;
	_ =	swait.ge [sflag:s6], $0x1400  }
.Ltmp0:
0x97: {  	s3 =	sadd.s32 $0x1900, s3;
	[sflag:s6] =	ssyncset.done $0x0;
	(pc) =	sbr.rel @p0 .LBB2_2-.Ltmp0, $4  }
0x98: {  	s14 =	sadd.s32 $0xC800, s14;
	s28 =	sadd.s32 $0x910, s9;
	[sflag:s6] =	ssyncadd.s32 $0xFFFFEC00  }
0x99: {  	[tilespmem:s21], [sflag:$0xA] =	stream.indirect.gather.add.f32 [hbm:s4], $0x40, s28, s17, $0xb8;
	[tilespmem:$0x73A0] =	vst v63  }
0x9a: {  	s12 =	sadd.s32 $0x1900, s12;
	s11 =	sadd.s32 $0x1900, s11;
	_ =	swait.ge [sflag:s7], $0x1400  }
0x9b: {  	s8 =	sadd.s32 $0x1900, s8;
	p1 =	seq.s32 s10, $0x0;
	[sflag:s7] =	ssyncset.done $0x0  }
0x9c: {  	s9 =	simm.s32 @!p1 $0xD;
	[sflag:s7] =	ssyncadd.s32 $0xFFFFEC00;
	s20 =	simm.s32 $0x4BA0  }
0x9d: {  	[hbm4b:s15+s25] =	stream.strided.scatter [tilespmem:s20], [sflag:$0xE], $0x1400, s26, s25, $0x38;
	[tilespmem:$0x73A0] =	vst v63  }
0x9e: {  	_ =	swait.ge @!p1 [sflag:s9], $0x1400  }
0x9f: {  	s5 =	sshra.s32 s10, $0x2;
	s19 =	simm.s32 $0x37A0;
	[sflag:s9] =	ssyncset.done @!p1 $0x0  }
0xa0: {  	s13 =	simm.s32 $0x1;
	s28 =	sadd.s32 $0xA0, s5;
	[sflag:s9] =	ssyncadd.s32 @!p1 $0xFFFFEC00  }
0xa1: {  	[tilespmem:s19], [sflag:$0x3] =	stream.indirect.gather [hbm4b:s2+s17], $0x40, s28, s17, $0xb8;
	[tilespmem:$0x73A0] =	vst v63  }
0xa2: {  	_ =	swait.ge [sflag:s13], $0x1400  }
0xa3: {  	s18 =	simm.s32 $0xFA0;
	[sflag:s13] =	ssyncset.done $0x0  }
0xa4: {  	s15 =	sadd.s32 $0x7D0, s5;
	[sflag:s13] =	ssyncadd.s32 $0xFFFFEC00;
	s13 =	simm.s32 @!p1 $0xA  }
0xa5: {  	[tilespmem:s18], [sflag:$0x6] =	stream.indirect.gather.add.f32 [hbm:s4], $0x40, s15, s17, $0xb8;
	[tilespmem:$0x73A0] =	vst v63  }
0xa6: {  	_ =	swait.ge @!p1 [sflag:s13], $0x1400  }
0xa7: {  	s14 =	sshrl.u32 @!p1 s14, $0x3;
	[sflag:s13] =	ssyncset.done @!p1 $0x0  }
0xa8: {  	s9 =	simm.s32 @!p1 $0x5FA0;
	[sflag:s13] =	ssyncadd.s32 @!p1 $0xFFFFEC00;
	s13 =	rddreg [dreg:$0x3]  }
0xa9: {  	s15 =	simm.s32 @!p1 $0x80;
	s13 =	sadd.s32 @!p1 s13, s14;
	s14 =	simm.s32 @!p1 $0x40  }
0xaa: {  	[hbm4b:s13+s14] =	stream.strided.scatter @!p1 [tilespmem:s9], [sflag:$0xF], $0x1400, s15, s14, $0x38;
	[tilespmem:$0x73A0] =	vst v63  }
0xab: {  	s9 =	simm.s32 @!p1 $0xE  }
0xac: {  	_ =	swait.ge @!p1 [sflag:s9], $0x1400  }
0xad: {  	[sflag:s9] =	ssyncset.done @!p1 $0x0  }
0xae: {  	s21 =	sadd.s32 $0xF0, s5;
	s28 =	simm.s32 $0x2;
	[sflag:s9] =	ssyncadd.s32 @!p1 $0xFFFFEC00  }
0xaf: {  	[tilespmem:s20], [sflag:$0x4] =	stream.indirect.gather [hbm4b:s2+s17], $0x40, s21, s17, $0xb8;
	[tilespmem:$0x73A0] =	vst v63  }
0xb0: {  	_ =	swait.ge [sflag:s28], $0x1400  }
0xb1: {  	s13 =	sadd.s32 $0x820, s5;
	[sflag:s28] =	ssyncset.done $0x0  }
0xb2: {  	s14 =	simm.s32 $0x23A0;
	s15 =	simm.s32 $0x6;
	[sflag:s28] =	ssyncadd.s32 $0xFFFFEC00  }
0xb3: {  	[tilespmem:s14], [sflag:$0x7] =	stream.indirect.gather.add.f32 [hbm:s4], $0x40, s13, s17, $0xb8;
	[tilespmem:$0x73A0] =	vst v63  }
0xb4: {  	_ =	swait.ge [sflag:s15], $0x1400  }
0xb5: {  	[sflag:s15] =	ssyncset.done $0x0  }
0xb6: {  	s9 =	simm.s32 @!p1 $0xF;
	[sflag:s15] =	ssyncadd.s32 $0xFFFFEC00  }
0xb7: {  	[hbm4b:s12+s25] =	stream.strided.scatter [tilespmem:s18], [sflag:$0xB], $0x1400, s26, s25, $0x38;
	[tilespmem:$0x73A0] =	vst v63  }
0xb8: {  	_ =	swait.ge @!p1 [sflag:s9], $0x1400  }
0xb9: {  	[sflag:s9] =	ssyncset.done @!p1 $0x0  }
0xba: {  	s21 =	simm.s32 $0x5FA0;
	s18 =	sadd.s32 $0x140, s5;
	[sflag:s9] =	ssyncadd.s32 @!p1 $0xFFFFEC00  }
0xbb: {  	[tilespmem:s21], [sflag:$0x5] =	stream.indirect.gather [hbm4b:s2+s17], $0x40, s18, s17, $0xb8;
	[tilespmem:$0x73A0] =	vst v63  }
0xbc: {  	_ =	swait.ge [sflag:s29], $0x1400  }
0xbd: {  	[sflag:s29] =	ssyncset.done $0x0  }
0xbe: {  	s28 =	sadd.s32 $0x870, s5;
	[sflag:s29] =	ssyncadd.s32 $0xFFFFEC00  }
0xbf: {  	[tilespmem:s19], [sflag:$0x8] =	stream.indirect.gather.add.f32 [hbm:s4], $0x40, s28, s17, $0xb8;
	[tilespmem:$0x73A0] =	vst v63  }
0xc0: {  	_ =	swait.ge [sflag:s30], $0x1400  }
0xc1: {  	[sflag:s30] =	ssyncset.done $0x0  }
0xc2: {  	[sflag:s30] =	ssyncadd.s32 $0xFFFFEC00  }
0xc3: {  	[hbm4b:s11+s25] =	stream.strided.scatter [tilespmem:s14], [sflag:$0xC], $0x1400, s26, s25, $0x38;
	[tilespmem:$0x73A0] =	vst v63  }
0xc4: {  	p0 =	seq.s32 s10, $0x1900;
	_ =	swait.ge [sflag:s31], $0x1400  }
0xc5: {  	s12 =	simm.s32 @!p0 $0x50;
	s9 =	sshra.s32 @!p0 s10, $0x2;
	[sflag:s31] =	ssyncset.done $0x0  }
0xc6: {  	s10 =	simm.s32 @!p0 $0xFA0;
	s11 =	sadd.s32 @!p0 $0x190, s9;
	[sflag:s31] =	ssyncadd.s32 $0xFFFFEC00  }
0xc7: {  	[tilespmem:s10], [sflag:$0x1] =	stream.indirect.gather @!p0 [hbm4b:s2+s12], $0x40, s11, s12, $0xb8;
	[tilespmem:$0x73A0] =	vst v63  }
0xc8: {  	_ =	swait.ge [sflag:s1], $0x1400  }
0xc9: {  	[sflag:s1] =	ssyncset.done $0x0  }
0xca: {  	s11 =	sadd.s32 $0x8C0, s5;
	[sflag:s1] =	ssyncadd.s32 $0xFFFFEC00  }
0xcb: {  	[tilespmem:s20], [sflag:$0x9] =	stream.indirect.gather.add.f32 [hbm:s4], $0x40, s11, s17, $0xb8;
	[tilespmem:$0x73A0] =	vst v63  }
0xcc: {  	_ =	swait.ge [sflag:s0], $0x1400  }
0xcd: {  	[sflag:s0] =	ssyncset.done $0x0  }
0xce: {  	[sflag:s0] =	ssyncadd.s32 $0xFFFFEC00  }
0xcf: {  	[hbm4b:s8+s25] =	stream.strided.scatter [tilespmem:s19], [sflag:$0xD], $0x1400, s26, s25, $0x38;
	[tilespmem:$0x73A0] =	vst v63  }
0xd0: {  	_ =	swait.ge [sflag:s16], $0x1400  }
0xd1: {  	[sflag:s16] =	ssyncset.done $0x0  }
0xd2: {  	s8 =	sadd.s32 @!p0 $0x1E0, s9;
	s9 =	simm.s32 @!p0 $0x23A0;
	[sflag:s16] =	ssyncadd.s32 $0xFFFFEC00  }
0xd3: {  	[tilespmem:s9], [sflag:$0x2] =	stream.indirect.gather @!p0 [hbm4b:s2+s12], $0x40, s8, s12, $0xb8;
	[tilespmem:$0x73A0] =	vst v63  }
0xd4: {  	_ =	swait.ge [sflag:s6], $0x1400  }
0xd5: {  	[sflag:s6] =	ssyncset.done $0x0  }
0xd6: {  	s5 =	sadd.s32 $0x910, s5;
	[sflag:s6] =	ssyncadd.s32 $0xFFFFEC00  }
0xd7: {  	[tilespmem:s21], [sflag:$0xA] =	stream.indirect.gather.add.f32 [hbm:s4], $0x40, s5, s17, $0xb8;
	[tilespmem:$0x73A0] =	vst v63  }
0xd8: {  	_ =	swait.ge [sflag:s7], $0x1400  }
0xd9: {  	[sflag:s7] =	ssyncset.done $0x0  }
0xda: {  	s13 =	simm.s32 $0xA;
	[sflag:s7] =	ssyncadd.s32 $0xFFFFEC00  }
0xdb: {  	[hbm4b:s3+s25] =	stream.strided.scatter [tilespmem:s20], [sflag:$0xE], $0x1400, s26, s25, $0x38;
	[tilespmem:$0x73A0] =	vst v63  }
0xdc: {  	_ =	swait.ge [sflag:s13], $0x1400  }
0xdd: {  	[sflag:s13] =	ssyncset.done $0x0  }
0xde: {  	s18 =	simm.s32 $0xD;
	s15 =	rddreg [dreg:$0x6];
	[sflag:s13] =	ssyncadd.s32 $0xFFFFEC00  }
0xdf: {  	[hbm4b:s15+s25] =	stream.strided.scatter [tilespmem:s21], [sflag:$0xF], $0x1400, s26, s25, $0x38;
	[tilespmem:$0x73A0] =	vst v63  }
0xe0: {  	_ =	swait.ge [sflag:s18], $0x1400  }
0xe1: {  	[sflag:s18] =	ssyncset.done $0x0  }
0xe2: {  	s19 =	simm.s32 $0xE;
	[sflag:s18] =	ssyncadd.s32 $0xFFFFEC00  }
0xe3: {  	_ =	swait.ge [sflag:s19], $0x1400  }
0xe4: {  	[sflag:s19] =	ssyncset.done $0x0  }
0xe5: {  	s20 =	simm.s32 $0xF;
	[sflag:s19] =	ssyncadd.s32 $0xFFFFEC00  }
0xe6: {  	_ =	swait.ge [sflag:s20], $0x1400  }
0xe7: {  	s21 =	rddreg [dreg:$0xd]  }
0xe8: {  	s28 =	rddreg [dreg:$0x7];
	s8 =	sadd.s32 $0x1, s21  }
0xe9: {  	p0 =	sne.s32 s8, s28  }
.Ltmp1:
0xea: {  	_ = 	snop;
	(pc) =	sbr.rel @p0 .LBB2_1-.Ltmp1, $3  }
0xeb: {  	_ =	sdelay $0x1  }
0xec: {  	[sflag:s20] =	ssyncset.done $0x0  }
0xed: {  	[sflag:s20] =	ssyncadd.s32 $0xFFFFEC00  }
0xee: {  	_ =	sfence.sel $0x180000  }
0xef: {  	[bflag:$0x0] =	sbarrier.arrive $0xFFFF  }
0xf0: {  	_ =	strace $0x90000050  }
0xf1: {  	s0 =	stileid.u32;
	[bflag:$0x2] =	sbarrier.arrive $0xFFFF  }
0xf2: {  	p0 =	sne.s32 s0, $0x0;
	s0 =	rddreg [dreg:$0x2]  }
0xf3: {  	s0 =	sadd.s32 @!p0 $0x100000, s0  }
0xf4: {  	[sflag:s0] =	ssyncadd.tile.s32 @!p0 $0x1;
	_ =	shalt  }
.Lfunc_end2:
_tile_overlayer_lowered:
.L_overlay_start_2:
0xf5: {  	(tag) =	ssettag $0x2  }
0xf6: {  	s0 =	rddreg [dreg:$0x0];
	s2 =	stileid.u32  }
0xf7: {  	s1 =	rddreg [dreg:$0x1];
	p0 =	sne.s32 s2, $0x0  }
0xf8: {  	s3 =	rddreg [dreg:$0x2];
	[bflag:$0x3] =	sbarrier.arrive $0xFFFF;
	s2 =	simm.s32 @!p0 $0x1C10  }
0xf9: {  	[timem:s3], [sflag:s2] =	dma.local @!p0 [hbm:s0], s1  }
0xfa: {  	s0 =	simm.s32 @!p0 $0x10  }
0xfb: {  	_ =	swait.ge @!p0 [sflag:s0], s1  }
0xfc: {  	s1 =	ssub.s32 @!p0 $0x0, s1;
	[sflag:s0] =	ssyncset.done @!p0 $0x0  }
0xfd: {  	[sflag:s0] =	ssyncadd.s32 @!p0 s1  }
0xfe: {  	[bflag:$0x3] =	sbarrier.arrive $0xFFFF  }
0xff: {  	_ =	shalt  }

// kernel: kernel.25.cloned.1.call-start
scs
__scs_entry_jumppad:
0x0: {  	(pc) =	sbr.rel $0x88, $3  }
0x1: {  	(tag) =	ssettag $0x0;
	lr =	simm.s32 $0x1  }
0x2: {  	[smem:$0x3F97] =	sst lr;
	_ =	strace $0xD0000000  }
0x3: {  	_ = 	snop  }
0x4: {  	_ = 	snop  }
0x5: {  	_ = 	snop  }
0x6: {  	_ = 	snop  }
0x7: {  	_ = 	snop  }
__scs_overlays_trampoline_lowered:
0x8: {  	[smem:$0x3FA6] =	sst s0  }
0x9: {  	[smem:$0x3FA7] =	sst s1  }
0xa: {  	[smem:$0x3FA8] =	sst s2  }
0xb: {  	[smem:$0x3FA9] =	sst s3  }
0xc: {  	[smem:$0x3FAA] =	sst s4  }
0xd: {  	[smem:$0x3FAB] =	sst s5  }
0xe: {  	[smem:$0x3FAC] =	sst s6  }
0xf: {  	[smem:$0x3FAD] =	sst s7  }
0x10: {  	[smem:$0x3FAE] =	sst s8  }
0x11: {  	[smem:$0x3FAF] =	sst s9;
	s0 =	simm.s32 @!p0 $0x0  }
0x12: {  	s1 =	sld [smem:$0x3F95];
	s0 =	simm.s32 @p0 $0x1  }
0x13: {  	[smem:$0x3FB0] =	sst s0;
	s0 =	simm.s32 @!p1 $0x0  }
0x14: {  	s2 =	sld [smem:$0x3F94];
	s0 =	simm.s32 @p1 $0x1  }
0x15: {  	[smem:$0x3FB1] =	sst s0;
	s0 =	simm.s32 @!p2 $0x0  }
0x16: {  	s3 =	sld [smem:$0x3FDB];
	s0 =	simm.s32 @p2 $0x1  }
0x17: {  	s4 =	simm.s32 $0x1BF5;
	[smem:$0x3FB3] =	sst s0  }
0x18: {  	s0 =	sld [smem:$0x3F96];
	_ =	swait.ge [sflag:s4], $0x0  }
0x19: {  	s7 =	sld [smem:$0x3F97]  }
0x1a: {  	s8 =	sadd.s32 $0xFFFFE003, lr  }
0x1b: {  	s9 =	sadd.s32 $0xFFFFFEF7, lr;
	s5 =	simm.s32 $0xFFFFFFFF;
	p2 =	slt.u32 s8, $0xFFFFF086  }
0x1c: {  	p1 =	slt.u32 s9, $0xF7A;
	s5 =	simm.s32 @!p2 $0x0  }
0x1d: {  	s5 =	simm.s32 @p1 $0x1;
	p0 =	seq.s32 s7, s2  }
0x1e: {  	s7 =	smul.u32 @!p0 $0xF7A, s2;
	p2 =	seq.s32 @!p0 s5, $0x0  }
0x1f: {  	s9 =	smul.u32 $0xF7A, s1;
	s8 =	simm.s32 @!p0 $0x1BF5;
	p2 =	por !p2, p0  }
0x20: {  	[sflag:s8] =	ssyncset.s32 @!p0 $0xFFFFF086;
	s6 =	sadd.s32 @!p0 s3, s7;
	s7 =	simm.s32 @!p0 $0x108  }
0x21: {  	s3 =	sadd.s32 s3, s9;
	s6 =	sadd.s32 @!p0 $0x88, s6;
	s7 =	simm.s32 @p2 $0x1082  }
0x22: {  	[simem:s7], [sflag:s8] =	dma.local @!p0 [hbm:s6], $0xF7A  }
0x23: {  	s9 =	sor.u32 $0xD0000000, s2;
	s6 =	simm.s32 $0x108;
	_ =	swait.ge @!p0 [sflag:s8], $0x0  }
0x24: {  	s3 =	sadd.s32 $0x88, s3;
	s6 =	simm.s32 @!p1 $0x1082;
	[sflag:s4] =	ssyncset.s32 $0xFFFFF086  }
0x25: {  	[simem:s6], [sflag:s4] =	dma.local [hbm:s3], $0xF7A  }
0x26: {  	[smem:$0x3F97] =	sst s1;
	(tag) =	ssettag s2;
	_ =	strace s9  }
0x27: {  	s1 =	sld [smem:$0x3FA7]  }
0x28: {  	s2 =	sld [smem:$0x3FA8]  }
0x29: {  	s4 =	sld [smem:$0x3FAA]  }
0x2a: {  	p0 =	seq.s32 s5, $0x0;
	s5 =	sld [smem:$0x3FAB]  }
0x2b: {  	s6 =	sld [smem:$0x3FAC]  }
0x2c: {  	s7 =	sld [smem:$0x3FAD]  }
0x2d: {  	s3 =	simm.s32 $0x108;
	s8 =	sld [smem:$0x3FAE]  }
0x2e: {  	s3 =	simm.s32 @!p0 $0x1082;
	s9 =	sld [smem:$0x3FAF]  }
0x2f: {  	lr =	sadd.s32 s0, s3;
	s0 =	sld [smem:$0x3FA6]  }
0x30: {  	s3 =	sld [smem:$0x3FA9]  }
0x31: {  	[smem:$0x3FB2] =	sst s10  }
0x32: {  	s10 =	sld [smem:$0x3FB0];
	_ =	sdelay $0x3  }
0x33: {  	p0 =	seq.s32 s10, $0x1;
	s10 =	sld [smem:$0x3FB2];
	_ =	sdelay $0x3  }
0x34: {  	[smem:$0x3FB2] =	sst s10  }
0x35: {  	s10 =	sld [smem:$0x3FB1];
	_ =	sdelay $0x3  }
0x36: {  	p1 =	seq.s32 s10, $0x1;
	s10 =	sld [smem:$0x3FB2];
	_ =	sdelay $0x3  }
0x37: {  	[smem:$0x3FB2] =	sst s10  }
0x38: {  	s10 =	sld [smem:$0x3FB3]  }
0x39: {  	_ = 	snop;
	(pc) =	sbr.ind lr, $3  }
0x3a: {  	_ = 	snop  }
0x3b: {  	_ = 	snop  }
0x3c: {  	p2 =	seq.s32 s10, $0x1;
	s10 =	sld [smem:$0x3FB2]  }
0x3d: {  	_ =	shalt  }
0x3e: {  	_ =	shalt  }
0x3f: {  	_ =	shalt  }
0x40: {  	_ =	shalt  }
0x41: {  	_ =	shalt  }
0x42: {  	_ =	shalt  }
0x43: {  	_ =	shalt  }
0x44: {  	_ =	shalt  }
0x45: {  	_ =	shalt  }
0x46: {  	_ =	shalt  }
0x47: {  	_ =	shalt  }
0x48: {  	_ =	shalt  }
0x49: {  	_ =	shalt  }
0x4a: {  	_ =	shalt  }
0x4b: {  	_ =	shalt  }
0x4c: {  	_ =	shalt  }
0x4d: {  	_ =	shalt  }
0x4e: {  	_ =	shalt  }
0x4f: {  	_ =	shalt  }
0x50: {  	_ =	shalt  }
0x51: {  	_ =	shalt  }
0x52: {  	_ =	shalt  }
0x53: {  	_ =	shalt  }
0x54: {  	_ =	shalt  }
0x55: {  	_ =	shalt  }
0x56: {  	_ =	shalt  }
0x57: {  	_ =	shalt  }
0x58: {  	_ =	shalt  }
0x59: {  	_ =	shalt  }
0x5a: {  	_ =	shalt  }
0x5b: {  	_ =	shalt  }
0x5c: {  	_ =	shalt  }
0x5d: {  	_ =	shalt  }
0x5e: {  	_ =	shalt  }
0x5f: {  	_ =	shalt  }
0x60: {  	_ =	shalt  }
0x61: {  	_ =	shalt  }
0x62: {  	_ =	shalt  }
0x63: {  	_ =	shalt  }
0x64: {  	_ =	shalt  }
0x65: {  	_ =	shalt  }
0x66: {  	_ =	shalt  }
0x67: {  	_ =	shalt  }
0x68: {  	_ =	shalt  }
0x69: {  	_ =	shalt  }
0x6a: {  	_ =	shalt  }
0x6b: {  	_ =	shalt  }
0x6c: {  	_ =	shalt  }
0x6d: {  	_ =	shalt  }
0x6e: {  	_ =	shalt  }
0x6f: {  	_ =	shalt  }
0x70: {  	_ =	shalt  }
0x71: {  	_ =	shalt  }
0x72: {  	_ =	shalt  }
0x73: {  	_ =	shalt  }
0x74: {  	_ =	shalt  }
0x75: {  	_ =	shalt  }
0x76: {  	_ =	shalt  }
0x77: {  	_ =	shalt  }
0x78: {  	_ =	shalt  }
0x79: {  	_ =	shalt  }
0x7a: {  	_ =	shalt  }
0x7b: {  	_ =	shalt  }
0x7c: {  	_ =	shalt  }
0x7d: {  	_ =	shalt  }
0x7e: {  	_ =	shalt  }
0x7f: {  	_ =	shalt  }
0x80: {  	_ =	shalt  }
0x81: {  	_ =	shalt  }
0x82: {  	_ =	shalt  }
0x83: {  	_ =	shalt  }
0x84: {  	_ =	shalt  }
0x85: {  	_ =	shalt  }
0x86: {  	_ =	shalt  }
0x87: {  	_ =	shalt  }
.Lfunc_end0:
.L_simem_size_0:
called_computation.5_lowered:
.L_overlay_start_0:
0x88: {  	s2 =	sld [smem:$0x3FD9]  }
0x89: {  	s3 =	sld [smem:$0x3FFE];
	_ =	sdelay $0x1  }
0x8a: {  	s1 =	srdreg.scid  }
0x8b: {  	s0 =	sand.u32 $0x1, s1  }
0x8c: {  	s15 =	sshll.u32 s0, $0xA;
	s2 =	sadd.s32 s3, s2  }
0x8d: {  	s2 =	sadd.s32 s2, s15  }
0x8e: {  	[smem:$0x3FBE] =	sst s2  }
0x8f: {  	_ = 	snop  }
0x90: {  	s2 =	sld [smem:$0x3FD0];
	_ =	sdelay $0x2  }
0x91: {  	s16 =	simm.s32 $0xE;
	s4 =	simm.s32 $0x10  }
0x92: {  	[smem:s4], [sflag:s16] =	dma.local [hbm:s2], $0x1  }
0x93: {  	_ =	swait.eq [sflag:s16], $0x1  }
0x94: {  	[sflag:s16] =	ssyncset.done $0x0  }
0x95: {  	s17 =	sld [smem:$0x10];
	[sflag:s16] =	ssyncadd.s32 $0xFFFFFFFF  }
0x96: {  	s18 =	sld [smem:$0x11];
	(tm) =	ssettm $0x1  }
0x97: {  	s19 =	sld [smem:$0x3FFB];
	_ =	sdelay $0x3  }
0x98: {  	_ =	strace s19  }
0x99: {  	s2 =	sld [smem:$0x3FFC];
	_ =	sdelay $0x3  }
0x9a: {  	_ =	strace s2  }
0x9b: {  	s2 =	sld [smem:$0x3FFD];
	_ =	sdelay $0x3  }
0x9c: {  	_ =	strace s2  }
0x9d: {  	_ =	strace $0x8FFFFFFF  }
0x9e: {  	s20 =	sld [smem:$0x3FDB];
	_ =	sdelay $0x1  }
0x9f: {  	s5 =	simm.s32 $_scs_section_size  }
0xa0: {  	s6 =	simm.s32 $_size__tile_overlayer_lowered;
	s7 =	simm.s32 $_tile_overlayer_lowered  }
0xa1: {  	s8 =	simm.s32 $0x1BFF;
	s21 =	sshll.u32 s7, $0x1;
	s5 =	sadd.s32 s5, s20  }
0xa2: {  	s22 =	simm.s32 $0x0;
	s6 =	sshll.u32 s6, $0x1;
	s7 =	sadd.s32 s21, s5  }
0xa3: {  	[timem:s22], [sflag:s8] =	dma.local [hbm:s7], s6  }
0xa4: {  	_ =	swait.ge [sflag:s8], s6  }
0xa5: {  	s6 =	ssub.s32 $0x0, s6;
	[sflag:s8] =	ssyncset.done $0x0  }
0xa6: {  	[sflag:s8] =	ssyncadd.s32 s6;
	_ =	sdelay $0x1  }
0xa7: {  	s23 =	simm.s32 $0x1B8B  }
0xa8: {  	_ =	swait.ge [sflag:s23], $0x1  }
0xa9: {  	[sflag:s23] =	ssyncset.done $0x0  }
0xaa: {  	[sflag:s23] =	ssyncadd.s32 $0xFFFFFFFF  }
0xab: {  	s6 =	sld [smem:$0x0]  }
0xac: {  	s7 =	sand.u32 $0xFFFFFFFE, s1  }
0xad: {  	p0 =	sne.s32 s1, s7  }
0xae: {  	s7 =	sshll.u32 @p0 s7, $0xE  }
0xaf: {  	s7 =	sadd.s32 @p0 $0x11B8D, s7;
	s8 =	sshll.u32 @p0 s6, $0x11  }
0xb0: {  	s7 =	sor.u32 @p0 s8, s7  }
0xb1: {  	[sflag:s7] =	ssyncadd.remote.s32 @p0 $0x1;
	_ =	sdelay $0x1  }
0xb2: {  	s7 =	simm.s32 @p0 $0x1B8D  }
0xb3: {  	_ =	swait.eq @p0 [sflag:s7], $0x1  }
0xb4: {  	[sflag:s7] =	ssyncadd.s32 @p0 $0xFFFFFFFF  }
0xb5: {  	s8 =	sshll.u32 @!p0 s1, $0xE  }
0xb6: {  	s8 =	sor.u32 @!p0 $0x4000, s8;
	s7 =	simm.s32 @!p0 $0x1B8D  }
0xb7: {  	s6 =	sshll.u32 @!p0 s6, $0x11;
	s8 =	sadd.s32 @!p0 $0x11B8D, s8;
	_ =	swait.eq @!p0 [sflag:s7], $0x1  }
0xb8: {  	s6 =	sor.u32 @!p0 s6, s8;
	[sflag:s7] =	ssyncadd.s32 @!p0 $0xFFFFFFFF  }
0xb9: {  	s25 =	simm.s32 $0x1B8E;
	s24 =	sld [smem:$0x3FFE];
	[sflag:s6] =	ssyncadd.remote.s32 @!p0 $0x1  }
0xba: {  	s26 =	simm.s32 $execute0_lowered;
	[smem:$0x3FD2] =	sst s25  }
0xbb: {  	s7 =	sshll.u32 s26, $0x1;
	_ =	strace $0x80000052;
	[dreg:$0x1] =	wrdreg $0xFFFFFFFF  }
0xbc: {  	s28 =	simm.s32 $_size_execute0_lowered;
	s5 =	sadd.s32 s5, s7;
	[dreg:$0x0] =	wrdreg $0x0  }
0xbd: {  	s7 =	sshll.u32 s28, $0x1;
	[dreg:$0x2] =	wrdreg s5  }
0xbe: {  	[dreg:$0x3] =	wrdreg s7  }
0xbf: {  	[dreg:$0x4] =	wrdreg $0xC0  }
0xc0: {  	_ =	task [dreg:s22], $0x5FFFF  }
0xc1: {  	[dreg:$0x1] =	wrdreg $0xFFFFFFFF  }
0xc2: {  	[dreg:$0x0] =	wrdreg $0x60  }
0xc3: {  	[dreg:$0x2] =	wrdreg s17  }
0xc4: {  	[dreg:$0x3] =	wrdreg s24  }
0xc5: {  	[dreg:$0x4] =	wrdreg s18  }
0xc6: {  	[dreg:$0x5] =	wrdreg $0xD  }
0xc7: {  	_ =	task.clear_ibuf [dreg:s22], $0x6FFFF;
	_ =	strace $0x90000052  }
0xc8: {  	s29 =	simm.s32 $0xD;
	_ =	strace $0x80000054  }
0xc9: {  	_ =	swait.ge [sflag:s29], $0x1  }
0xca: {  	[sflag:s29] =	ssyncadd.s32 $0xFFFFFFFF  }
0xcb: {  	_ =	strace $0x90000054  }
0xcc: {  	_ =	sfence  }
0xcd: {  	s30 =	sld [smem:$0x0];
	_ =	sdelay $0x2  }
0xce: {  	s31 =	sshll.u32 s1, $0xD;
	s1 =	sshrl.u32 s1, $0x2  }
0xcf: {  	s4 =	sand.u32 $0x4000, s31;
	s1 =	sadd.s32 s1, s30  }
0xd0: {  	s0 =	sor.u32 s4, s0;
	s1 =	sshll.u32 s1, $0x11  }
0xd1: {  	s0 =	sor.u32 s1, s0  }
0xd2: {  	s0 =	sadd.s32 $0x8F2B, s0  }
0xd3: {  	[sflag:s0] =	ssyncadd.remote.s32 $0x1  }
0xd4: {  	_ =	sfence.sel $0xFFFF  }
0xd5: {  	[dreg:$0x0] =	wrdreg $0xFFFFFFFF;
	(pc) =	sbr.abs _section_cstart, $3  }
0xd6: {  	[dreg:$0x1] =	wrdreg $0xFFFFFFFF  }
0xd7: {  	_ =	task.clear_ibuf [dreg:s22], $0x2FFFF;
	_ =	strace $0x9FFFFFFF  }
0xd8: {  	(tm) =	ssettm $0x7FFFFFFF  }
0xd9: {  	_ =	shalt  }
tec
execute0_lowered:
.L_overlay_start_1:
0x0: {  	(tag) =	ssettag $0x1  }
0x1: {  	s1 =	rddreg [dreg:$0x0];
	s0 =	srdreg.scid  }
0x2: {  	s5 =	stileid.u32;
	s2 =	rddreg [dreg:$0x1]  }
0x3: {  	s8 =	rddreg [dreg:$0x2];
	s6 =	simm.s32 $0x0;
	s29 =	simm.s32 $0x3  }
0x4: {  	s30 =	simm.s32 $0x7;
	s31 =	simm.s32 $0xB;
	s16 =	simm.s32 $0xC  }
0x5: {  	s0 =	sand.u32 $0x1, s0;
	s3 =	sshll.u32 s5, $0x1;
	[smem:$0x7FF] =	sst s6  }
0x6: {  	s5 =	sshll.u32 s5, $0x3;
	s6 =	simm.s32 $0x5;
	s3 =	sor.u32 s0, s3  }
0x7: {  	_ =	strace $0x80000053;
	s0 =	ssub.s32 $0x2, s0;
	s4 =	sand.u32 $0xF, s3  }
0x8: {  	s5 =	sand.u32 $0x40, s5;
	s17 =	sshrl.u32 s0, $0x1;
	s4 =	smul.u32 $0x3E800, s4  }
0x9: {  	s3 =	smul.u32 $0xFA, s3;
	s0 =	ssub.s32 s0, s17;
	s17 =	simm.s32 $0x50  }
0xa: {  	s0 =	smax.u32 s0, $0x1;
	s4 =	sor.u32 s5, s4;
	s5 =	sadd.s32 $0x2F600, s2  }
0xb: {  	s2 =	sadd.s32 s3, s2;
	[dreg:$0x7] =	wrdreg s0;
	s7 =	sadd.s32 $0x3C000, s4  }
0xc: {  	s19 =	sadd.s32 $0x245000, s2;
	s2 =	sadd.s32 $0x243000, s2;
	s21 =	sadd.s32 $0xFFFFD800, s4  }
0xd: {  	s22 =	sshrl.u32 s4, $0x3;
	s23 =	sadd.s32 $0x2800, s4;
	[dreg:$0x4] =	wrdreg s19  }
0xe: {  	s24 =	sadd.s32 $0x7800, s4;
	s25 =	sadd.s32 $0x5000, s4;
	[dreg:$0x5] =	wrdreg s2  }
0xf: {  	s18 =	sshrl.u32 s7, $0x3;
	[dreg:$0x8] =	wrdreg s21;
	s0 =	sadd.s32 s22, s8  }
0x10: {  	s2 =	sshrl.u32 s24, $0x3;
	s28 =	sshrl.u32 s25, $0x3;
	s25 =	simm.s32 $0x40  }
0x11: {  	s7 =	simm.s32 $0x9;
	s24 =	simm.s32 $0x4BA0;
	s22 =	simm.s32 $0xFA0  }
0x12: {  	s20 =	sadd.s32 s8, s18;
	[dreg:$0x9] =	wrdreg s0;
	s0 =	sshrl.u32 s23, $0x3  }
0x13: {  	s26 =	sadd.s32 s2, s8;
	s2 =	simm.s32 $0x4;
	[dreg:$0x6] =	wrdreg s20  }
0x14: {  	s23 =	simm.s32 $0x37A0;
	s0 =	sadd.s32 s0, s8;
	[dreg:$0xb] =	wrdreg s26  }
0x15: {  	s26 =	simm.s32 $0x80;
	[dreg:$0xa] =	wrdreg s0;
	s0 =	sadd.s32 s28, s8  }
0x16: {  	s8 =	simm.s32 $0x0;
	[dreg:$0xc] =	wrdreg s0;
	s0 =	simm.s32 $0x8  }
.LBB2_1:
0x17: {  	[dreg:$0xd] =	wrdreg s8  }
0x18: {  	s3 =	simm.s32 $0x0;
	s4 =	rddreg [dreg:$0x4];
	s14 =	simm.s32 $0x10  }
0x19: {  	[tilespmem:s3], [sflag:$0x10] =	stream.linear.gather [hbm4b:s4+s3], $0x7D0, $0x38;
	[tilespmem:$0x73A0] =	vst v63  }
0x1a: {  	_ =	swait.ge [sflag:s14], $0x7D0  }
0x1b: {  	[sflag:s14] =	ssyncset.done $0x0  }
0x1c: {  	s9 =	simm.s32 $0x7D0;
	s15 =	rddreg [dreg:$0x5];
	[sflag:s14] =	ssyncadd.s32 $0xFFFFF830  }
0x1d: {  	[tilespmem:s9], [sflag:$0x10] =	stream.linear.gather [hbm4b:s15+s3], $0x7D0, $0x38;
	[tilespmem:$0x73A0] =	vst v63  }
0x1e: {  	_ =	swait.ge [sflag:s14], $0x7D0  }
0x1f: {  	[sflag:s14] =	ssyncset.done $0x0  }
0x20: {  	s11 =	simm.s32 $0xFA0;
	p0 =	por $0x1, $0x1;
	[sflag:s14] =	ssyncadd.s32 $0xFFFFF830  }
0x21: {  	[tilespmem:s11], [sflag:$0x1] =	stream.indirect.gather [hbm4b:s1+s17], $0x40, s3, s17, $0xb8;
	[tilespmem:$0x73A0] =	vst v63  }
0x22: {  	s12 =	simm.s32 $0x23A0;
	s3 =	simm.s32 @!p0 $0xD  }
0x23: {  	[tilespmem:s12], [sflag:$0x2] =	stream.indirect.gather [hbm4b:s1+s17], $0x40, s17, s17, $0xb8;
	[tilespmem:$0x73A0] =	vst v63  }
0x24: {  	_ =	swait.ge @!p0 [sflag:s3], $0x1400  }
0x25: {  	s18 =	simm.s32 $0xA0;
	[sflag:s3] =	ssyncset.done @!p0 $0x0  }
0x26: {  	s13 =	simm.s32 $0x37A0;
	s19 =	simm.s32 $0x1;
	[sflag:s3] =	ssyncadd.s32 @!p0 $0xFFFFEC00  }
0x27: {  	[tilespmem:s13], [sflag:$0x3] =	stream.indirect.gather [hbm4b:s1+s17], $0x40, s18, s17, $0xb8;
	[tilespmem:$0x73A0] =	vst v63  }
0x28: {  	_ =	swait.ge [sflag:s19], $0x1400  }
0x29: {  	[sflag:s19] =	ssyncset.done $0x0  }
0x2a: {  	s20 =	simm.s32 $0x7D0;
	s4 =	simm.s32 @!p0 $0xA;
	[sflag:s19] =	ssyncadd.s32 $0xFFFFEC00  }
0x2b: {  	[tilespmem:s11], [sflag:$0x6] =	stream.indirect.gather.add.f32 [hbm:s5], $0x40, s20, s17, $0xb8;
	[tilespmem:$0x73A0] =	vst v63  }
0x2c: {  	_ =	swait.ge @!p0 [sflag:s4], $0x1400  }
0x2d: {  	[sflag:s4] =	ssyncset.done @!p0 $0x0  }
0x2e: {  	s8 =	simm.s32 @!p0 $0xE;
	s14 =	rddreg [dreg:$0x8];
	[sflag:s4] =	ssyncadd.s32 @!p0 $0xFFFFEC00  }
0x2f: {  	s10 =	simm.s32 @!p0 $0x80;
	s9 =	sshrl.u32 @!p0 s14, $0x3;
	s4 =	rddreg [dreg:$0x2]  }
0x30: {  	s3 =	simm.s32 @!p0 $0x5FA0;
	s4 =	sadd.s32 @!p0 s4, s9;
	s9 =	simm.s32 @!p0 $0x40  }
0x31: {  	[hbm4b:s4+s9] =	stream.strided.scatter @!p0 [tilespmem:s3], [sflag:$0xF], $0x1400, s10, s9, $0x38;
	[tilespmem:$0x73A0] =	vst v63  }
0x32: {  	_ =	swait.ge @!p0 [sflag:s8], $0x1400  }
0x33: {  	s21 =	simm.s32 $0xF0;
	[sflag:s8] =	ssyncset.done @!p0 $0x0  }
0x34: {  	s28 =	simm.s32 $0x4BA0;
	s4 =	simm.s32 $0x2;
	[sflag:s8] =	ssyncadd.s32 @!p0 $0xFFFFEC00  }
0x35: {  	[tilespmem:s28], [sflag:$0x4] =	stream.indirect.gather [hbm4b:s1+s17], $0x40, s21, s17, $0xb8;
	[tilespmem:$0x73A0] =	vst v63  }
0x36: {  	_ =	swait.ge [sflag:s4], $0x1400  }
0x37: {  	[sflag:s4] =	ssyncset.done $0x0  }
0x38: {  	s9 =	simm.s32 $0x6;
	s8 =	simm.s32 $0x820;
	[sflag:s4] =	ssyncadd.s32 $0xFFFFEC00  }
0x39: {  	[tilespmem:s12], [sflag:$0x7] =	stream.indirect.gather.add.f32 [hbm:s5], $0x40, s8, s17, $0xb8;
	[tilespmem:$0x73A0] =	vst v63  }
0x3a: {  	_ =	swait.ge [sflag:s9], $0x1400  }
0x3b: {  	[sflag:s9] =	ssyncset.done $0x0  }
0x3c: {  	s3 =	simm.s32 @!p0 $0xF;
	[sflag:s9] =	ssyncadd.s32 $0xFFFFEC00;
	s9 =	rddreg [dreg:$0x9]  }
0x3d: {  	[hbm4b:s9+s25] =	stream.strided.scatter [tilespmem:s11], [sflag:$0xB], $0x1400, s26, s25, $0x38;
	[tilespmem:$0x73A0] =	vst v63  }
0x3e: {  	_ =	swait.ge @!p0 [sflag:s3], $0x1400  }
0x3f: {  	[sflag:s3] =	ssyncset.done @!p0 $0x0  }
0x40: {  	s18 =	simm.s32 $0x5FA0;
	s11 =	simm.s32 $0x140;
	[sflag:s3] =	ssyncadd.s32 @!p0 $0xFFFFEC00  }
0x41: {  	[tilespmem:s18], [sflag:$0x5] =	stream.indirect.gather [hbm4b:s1+s17], $0x40, s11, s17, $0xb8;
	[tilespmem:$0x73A0] =	vst v63  }
0x42: {  	_ =	swait.ge [sflag:s29], $0x1400  }
0x43: {  	[sflag:s29] =	ssyncset.done $0x0  }
0x44: {  	s15 =	simm.s32 $0x870;
	[sflag:s29] =	ssyncadd.s32 $0xFFFFEC00  }
0x45: {  	[tilespmem:s13], [sflag:$0x8] =	stream.indirect.gather.add.f32 [hbm:s5], $0x40, s15, s17, $0xb8;
	[tilespmem:$0x73A0] =	vst v63  }
0x46: {  	_ =	swait.ge [sflag:s30], $0x1400  }
0x47: {  	[sflag:s30] =	ssyncset.done $0x0  }
0x48: {  	s19 =	rddreg [dreg:$0xa];
	[sflag:s30] =	ssyncadd.s32 $0xFFFFEC00  }
0x49: {  	[hbm4b:s19+s25] =	stream.strided.scatter [tilespmem:s12], [sflag:$0xC], $0x1400, s26, s25, $0x38;
	[tilespmem:$0x73A0] =	vst v63  }
0x4a: {  	p0 =	por $0x0, $0x0;
	_ =	swait.ge [sflag:s31], $0x1400  }
0x4b: {  	s3 =	simm.s32 @!p0 $0xFA0;
	[sflag:s31] =	ssyncset.done $0x0  }
0x4c: {  	s4 =	simm.s32 @!p0 $0x190;
	s8 =	simm.s32 @!p0 $0x50;
	[sflag:s31] =	ssyncadd.s32 $0xFFFFEC00  }
0x4d: {  	[tilespmem:s3], [sflag:$0x1] =	stream.indirect.gather @!p0 [hbm4b:s1+s8], $0x40, s4, s8, $0xb8;
	[tilespmem:$0x73A0] =	vst v63  }
0x4e: {  	_ =	swait.ge [sflag:s2], $0x1400  }
0x4f: {  	[sflag:s2] =	ssyncset.done $0x0  }
0x50: {  	s20 =	simm.s32 $0x8C0;
	[sflag:s2] =	ssyncadd.s32 $0xFFFFEC00  }
0x51: {  	[tilespmem:s28], [sflag:$0x9] =	stream.indirect.gather.add.f32 [hbm:s5], $0x40, s20, s17, $0xb8;
	[tilespmem:$0x73A0] =	vst v63  }
0x52: {  	_ =	swait.ge [sflag:s0], $0x1400  }
0x53: {  	[sflag:s0] =	ssyncset.done $0x0  }
0x54: {  	s21 =	rddreg [dreg:$0xc];
	[sflag:s0] =	ssyncadd.s32 $0xFFFFEC00  }
0x55: {  	[hbm4b:s21+s25] =	stream.strided.scatter [tilespmem:s13], [sflag:$0xD], $0x1400, s26, s25, $0x38;
	[tilespmem:$0x73A0] =	vst v63  }
0x56: {  	_ =	swait.ge [sflag:s16], $0x1400  }
0x57: {  	[sflag:s16] =	ssyncset.done $0x0  }
0x58: {  	s3 =	simm.s32 @!p0 $0x1E0;
	s4 =	simm.s32 @!p0 $0x23A0;
	[sflag:s16] =	ssyncadd.s32 $0xFFFFEC00  }
0x59: {  	[tilespmem:s4], [sflag:$0x2] =	stream.indirect.gather @!p0 [hbm4b:s1+s8], $0x40, s3, s8, $0xb8;
	[tilespmem:$0x73A0] =	vst v63  }
0x5a: {  	p1 =	por $0x0, $0x0;
	s14 =	sadd.s32 $0xC800, s14;
	_ =	swait.ge [sflag:s6], $0x1400  }
0x5b: {  	s10 =	simm.s32 $0x640;
	s11 =	sadd.s32 $0x1900, s19;
	[sflag:s6] =	ssyncset.done $0x0  }
0x5c: {  	s12 =	sadd.s32 $0x1900, s9;
	s28 =	simm.s32 $0x910;
	[sflag:s6] =	ssyncadd.s32 $0xFFFFEC00  }
0x5d: {  	[tilespmem:s18], [sflag:$0xA] =	stream.indirect.gather.add.f32 [hbm:s5], $0x40, s28, s17, $0xb8;
	[tilespmem:$0x73A0] =	vst v63  }
0x5e: {  	s13 =	simm.s32 $0xC80;
	s15 =	rddreg [dreg:$0xb];
	_ =	swait.ge [sflag:s7], $0x1400  }
0x5f: {  	s8 =	sadd.s32 $0x1900, s21;
	s4 =	sadd.s32 $0x1900, s15;
	[sflag:s7] =	ssyncset.done $0x0  }
.LBB2_2:
0x60: {  	s18 =	simm.s32 @!p1 $0xD;
	[sflag:s7] =	ssyncadd.s32 $0xFFFFEC00  }
0x61: {  	[hbm4b:s15+s25] =	stream.strided.scatter [tilespmem:s24], [sflag:$0xE], $0x1400, s26, s25, $0x38;
	[tilespmem:$0x73A0] =	vst v63  }
0x62: {  	_ =	swait.ge @!p1 [sflag:s18], $0x1400  }
0x63: {  	s9 =	sshra.s32 s10, $0x2;
	[sflag:s18] =	ssyncset.done @!p1 $0x0  }
0x64: {  	s21 =	simm.s32 $0x1;
	s20 =	sadd.s32 $0xA0, s9;
	[sflag:s18] =	ssyncadd.s32 @!p1 $0xFFFFEC00  }
0x65: {  	[tilespmem:s23], [sflag:$0x3] =	stream.indirect.gather [hbm4b:s1+s17], $0x40, s20, s17, $0xb8;
	[tilespmem:$0x73A0] =	vst v63  }
0x66: {  	_ =	swait.ge [sflag:s21], $0x1400  }
0x67: {  	[sflag:s21] =	ssyncset.done $0x0  }
0x68: {  	s19 =	simm.s32 @!p1 $0xA;
	s28 =	sadd.s32 $0x7D0, s9;
	[sflag:s21] =	ssyncadd.s32 $0xFFFFEC00  }
0x69: {  	[tilespmem:s22], [sflag:$0x6] =	stream.indirect.gather.add.f32 [hbm:s5], $0x40, s28, s17, $0xb8;
	[tilespmem:$0x73A0] =	vst v63  }
0x6a: {  	_ =	swait.ge @!p1 [sflag:s19], $0x1400  }
0x6b: {  	[sflag:s19] =	ssyncset.done @!p1 $0x0  }
0x6c: {  	s18 =	simm.s32 @!p1 $0x5FA0;
	[sflag:s19] =	ssyncadd.s32 @!p1 $0xFFFFEC00  }
0x6d: {  	s20 =	sshrl.u32 @!p1 s14, $0x3;
	s21 =	simm.s32 @!p1 $0x80;
	s19 =	rddreg [dreg:$0x2]  }
0x6e: {  	s28 =	simm.s32 @!p1 $0xE;
	s19 =	sadd.s32 @!p1 s19, s20;
	s20 =	simm.s32 @!p1 $0x40  }
0x6f: {  	[hbm4b:s19+s20] =	stream.strided.scatter @!p1 [tilespmem:s18], [sflag:$0xF], $0x1400, s21, s20, $0x38;
	[tilespmem:$0x73A0] =	vst v63  }
0x70: {  	_ =	swait.ge @!p1 [sflag:s28], $0x1400  }
0x71: {  	[sflag:s28] =	ssyncset.done @!p1 $0x0  }
0x72: {  	s19 =	sadd.s32 $0xF0, s9;
	s20 =	simm.s32 $0x2;
	[sflag:s28] =	ssyncadd.s32 @!p1 $0xFFFFEC00  }
0x73: {  	[tilespmem:s24], [sflag:$0x4] =	stream.indirect.gather [hbm4b:s1+s17], $0x40, s19, s17, $0xb8;
	[tilespmem:$0x73A0] =	vst v63  }
0x74: {  	_ =	swait.ge [sflag:s20], $0x1400  }
0x75: {  	s21 =	sadd.s32 $0x820, s9;
	[sflag:s20] =	ssyncset.done $0x0  }
0x76: {  	s28 =	simm.s32 $0x6;
	s19 =	simm.s32 $0x23A0;
	[sflag:s20] =	ssyncadd.s32 $0xFFFFEC00  }
0x77: {  	[tilespmem:s19], [sflag:$0x7] =	stream.indirect.gather.add.f32 [hbm:s5], $0x40, s21, s17, $0xb8;
	[tilespmem:$0x73A0] =	vst v63  }
0x78: {  	_ =	swait.ge [sflag:s28], $0x1400  }
0x79: {  	[sflag:s28] =	ssyncset.done $0x0  }
0x7a: {  	s18 =	simm.s32 @!p1 $0xF;
	[sflag:s28] =	ssyncadd.s32 $0xFFFFEC00  }
0x7b: {  	[hbm4b:s12+s25] =	stream.strided.scatter [tilespmem:s22], [sflag:$0xB], $0x1400, s26, s25, $0x38;
	[tilespmem:$0x73A0] =	vst v63  }
0x7c: {  	_ =	swait.ge @!p1 [sflag:s18], $0x1400  }
0x7d: {  	[sflag:s18] =	ssyncset.done @!p1 $0x0  }
0x7e: {  	s20 =	sadd.s32 $0x140, s9;
	s21 =	simm.s32 $0x5FA0;
	[sflag:s18] =	ssyncadd.s32 @!p1 $0xFFFFEC00  }
0x7f: {  	[tilespmem:s21], [sflag:$0x5] =	stream.indirect.gather [hbm4b:s1+s17], $0x40, s20, s17, $0xb8;
	[tilespmem:$0x73A0] =	vst v63  }
0x80: {  	_ =	swait.ge [sflag:s29], $0x1400  }
0x81: {  	[sflag:s29] =	ssyncset.done $0x0  }
0x82: {  	s28 =	sadd.s32 $0x870, s9;
	[sflag:s29] =	ssyncadd.s32 $0xFFFFEC00  }
0x83: {  	[tilespmem:s23], [sflag:$0x8] =	stream.indirect.gather.add.f32 [hbm:s5], $0x40, s28, s17, $0xb8;
	[tilespmem:$0x73A0] =	vst v63  }
0x84: {  	_ =	swait.ge [sflag:s30], $0x1400  }
0x85: {  	[sflag:s30] =	ssyncset.done $0x0  }
0x86: {  	[sflag:s30] =	ssyncadd.s32 $0xFFFFEC00  }
0x87: {  	[hbm4b:s11+s25] =	stream.strided.scatter [tilespmem:s19], [sflag:$0xC], $0x1400, s26, s25, $0x38;
	[tilespmem:$0x73A0] =	vst v63  }
0x88: {  	p1 =	seq.s32 s10, $0x1900;
	_ =	swait.ge [sflag:s31], $0x1400  }
0x89: {  	s10 =	sshra.s32 @!p1 s10, $0x2;
	s18 =	simm.s32 @!p1 $0xFA0;
	[sflag:s31] =	ssyncset.done $0x0  }
0x8a: {  	s20 =	simm.s32 @!p1 $0x50;
	s19 =	sadd.s32 @!p1 $0x190, s10;
	[sflag:s31] =	ssyncadd.s32 $0xFFFFEC00  }
0x8b: {  	[tilespmem:s18], [sflag:$0x1] =	stream.indirect.gather @!p1 [hbm4b:s1+s20], $0x40, s19, s20, $0xb8;
	[tilespmem:$0x73A0] =	vst v63  }
0x8c: {  	_ =	swait.ge [sflag:s2], $0x1400  }
0x8d: {  	[sflag:s2] =	ssyncset.done $0x0  }
0x8e: {  	s19 =	sadd.s32 $0x8C0, s9;
	[sflag:s2] =	ssyncadd.s32 $0xFFFFEC00  }
0x8f: {  	[tilespmem:s24], [sflag:$0x9] =	stream.indirect.gather.add.f32 [hbm:s5], $0x40, s19, s17, $0xb8;
	[tilespmem:$0x73A0] =	vst v63  }
0x90: {  	_ =	swait.ge [sflag:s0], $0x1400  }
0x91: {  	[sflag:s0] =	ssyncset.done $0x0  }
0x92: {  	[sflag:s0] =	ssyncadd.s32 $0xFFFFEC00  }
0x93: {  	[hbm4b:s8+s25] =	stream.strided.scatter [tilespmem:s23], [sflag:$0xD], $0x1400, s26, s25, $0x38;
	[tilespmem:$0x73A0] =	vst v63  }
0x94: {  	s3 =	smov.u32 s13;
	_ =	swait.ge [sflag:s16], $0x1400  }
0x95: {  	s13 =	sadd.s32 $0x640, s13;
	s18 =	sadd.s32 @!p1 $0x1E0, s10;
	[sflag:s16] =	ssyncset.done $0x0  }
0x96: {  	s10 =	smov.u32 s3;
	s3 =	simm.s32 @!p1 $0x23A0;
	[sflag:s16] =	ssyncadd.s32 $0xFFFFEC00  }
0x97: {  	[tilespmem:s3], [sflag:$0x2] =	stream.indirect.gather @!p1 [hbm4b:s1+s20], $0x40, s18, s20, $0xb8;
	[tilespmem:$0x73A0] =	vst v63  }
0x98: {  	p0 =	sne.s32 s13, $0x1F40;
	s15 =	smov.u32 s4;
	_ =	swait.ge [sflag:s6], $0x1400  }
.Ltmp0:
0x99: {  	s4 =	sadd.s32 $0x1900, s4;
	[sflag:s6] =	ssyncset.done $0x0;
	(pc) =	sbr.rel @p0 .LBB2_2-.Ltmp0, $4  }
0x9a: {  	s14 =	sadd.s32 $0xC800, s14;
	s28 =	sadd.s32 $0x910, s9;
	[sflag:s6] =	ssyncadd.s32 $0xFFFFEC00  }
0x9b: {  	[tilespmem:s21], [sflag:$0xA] =	stream.indirect.gather.add.f32 [hbm:s5], $0x40, s28, s17, $0xb8;
	[tilespmem:$0x73A0] =	vst v63  }
0x9c: {  	s12 =	sadd.s32 $0x1900, s12;
	s11 =	sadd.s32 $0x1900, s11;
	_ =	swait.ge [sflag:s7], $0x1400  }
0x9d: {  	s8 =	sadd.s32 $0x1900, s8;
	p1 =	seq.s32 s10, $0x0;
	[sflag:s7] =	ssyncset.done $0x0  }
0x9e: {  	s9 =	simm.s32 @!p1 $0xD;
	[sflag:s7] =	ssyncadd.s32 $0xFFFFEC00;
	s20 =	simm.s32 $0x4BA0  }
0x9f: {  	[hbm4b:s15+s25] =	stream.strided.scatter [tilespmem:s20], [sflag:$0xE], $0x1400, s26, s25, $0x38;
	[tilespmem:$0x73A0] =	vst v63  }
0xa0: {  	_ =	swait.ge @!p1 [sflag:s9], $0x1400  }
0xa1: {  	s3 =	sshra.s32 s10, $0x2;
	s19 =	simm.s32 $0x37A0;
	[sflag:s9] =	ssyncset.done @!p1 $0x0  }
0xa2: {  	s13 =	simm.s32 $0x1;
	s28 =	sadd.s32 $0xA0, s3;
	[sflag:s9] =	ssyncadd.s32 @!p1 $0xFFFFEC00  }
0xa3: {  	[tilespmem:s19], [sflag:$0x3] =	stream.indirect.gather [hbm4b:s1+s17], $0x40, s28, s17, $0xb8;
	[tilespmem:$0x73A0] =	vst v63  }
0xa4: {  	_ =	swait.ge [sflag:s13], $0x1400  }
0xa5: {  	s18 =	simm.s32 $0xFA0;
	[sflag:s13] =	ssyncset.done $0x0  }
0xa6: {  	s15 =	sadd.s32 $0x7D0, s3;
	[sflag:s13] =	ssyncadd.s32 $0xFFFFEC00;
	s13 =	simm.s32 @!p1 $0xA  }
0xa7: {  	[tilespmem:s18], [sflag:$0x6] =	stream.indirect.gather.add.f32 [hbm:s5], $0x40, s15, s17, $0xb8;
	[tilespmem:$0x73A0] =	vst v63  }
0xa8: {  	_ =	swait.ge @!p1 [sflag:s13], $0x1400  }
0xa9: {  	[sflag:s13] =	ssyncset.done @!p1 $0x0  }
0xaa: {  	[sflag:s13] =	ssyncadd.s32 @!p1 $0xFFFFEC00  }
0xab: {  	s14 =	sshrl.u32 @!p1 s14, $0x3;
	s9 =	simm.s32 @!p1 $0x5FA0;
	s13 =	rddreg [dreg:$0x2]  }
0xac: {  	s15 =	simm.s32 @!p1 $0x80;
	s13 =	sadd.s32 @!p1 s13, s14;
	s14 =	simm.s32 @!p1 $0x40  }
0xad: {  	[hbm4b:s13+s14] =	stream.strided.scatter @!p1 [tilespmem:s9], [sflag:$0xF], $0x1400, s15, s14, $0x38;
	[tilespmem:$0x73A0] =	vst v63  }
0xae: {  	s9 =	simm.s32 @!p1 $0xE  }
0xaf: {  	_ =	swait.ge @!p1 [sflag:s9], $0x1400  }
0xb0: {  	[sflag:s9] =	ssyncset.done @!p1 $0x0  }
0xb1: {  	s21 =	sadd.s32 $0xF0, s3;
	s28 =	simm.s32 $0x2;
	[sflag:s9] =	ssyncadd.s32 @!p1 $0xFFFFEC00  }
0xb2: {  	[tilespmem:s20], [sflag:$0x4] =	stream.indirect.gather [hbm4b:s1+s17], $0x40, s21, s17, $0xb8;
	[tilespmem:$0x73A0] =	vst v63  }
0xb3: {  	_ =	swait.ge [sflag:s28], $0x1400  }
0xb4: {  	s13 =	sadd.s32 $0x820, s3;
	[sflag:s28] =	ssyncset.done $0x0  }
0xb5: {  	s14 =	simm.s32 $0x23A0;
	s15 =	simm.s32 $0x6;
	[sflag:s28] =	ssyncadd.s32 $0xFFFFEC00  }
0xb6: {  	[tilespmem:s14], [sflag:$0x7] =	stream.indirect.gather.add.f32 [hbm:s5], $0x40, s13, s17, $0xb8;
	[tilespmem:$0x73A0] =	vst v63  }
0xb7: {  	_ =	swait.ge [sflag:s15], $0x1400  }
0xb8: {  	[sflag:s15] =	ssyncset.done $0x0  }
0xb9: {  	s9 =	simm.s32 @!p1 $0xF;
	[sflag:s15] =	ssyncadd.s32 $0xFFFFEC00  }
0xba: {  	[hbm4b:s12+s25] =	stream.strided.scatter [tilespmem:s18], [sflag:$0xB], $0x1400, s26, s25, $0x38;
	[tilespmem:$0x73A0] =	vst v63  }
0xbb: {  	_ =	swait.ge @!p1 [sflag:s9], $0x1400  }
0xbc: {  	[sflag:s9] =	ssyncset.done @!p1 $0x0  }
0xbd: {  	s21 =	simm.s32 $0x5FA0;
	s18 =	sadd.s32 $0x140, s3;
	[sflag:s9] =	ssyncadd.s32 @!p1 $0xFFFFEC00  }
0xbe: {  	[tilespmem:s21], [sflag:$0x5] =	stream.indirect.gather [hbm4b:s1+s17], $0x40, s18, s17, $0xb8;
	[tilespmem:$0x73A0] =	vst v63  }
0xbf: {  	_ =	swait.ge [sflag:s29], $0x1400  }
0xc0: {  	[sflag:s29] =	ssyncset.done $0x0  }
0xc1: {  	s28 =	sadd.s32 $0x870, s3;
	[sflag:s29] =	ssyncadd.s32 $0xFFFFEC00  }
0xc2: {  	[tilespmem:s19], [sflag:$0x8] =	stream.indirect.gather.add.f32 [hbm:s5], $0x40, s28, s17, $0xb8;
	[tilespmem:$0x73A0] =	vst v63  }
0xc3: {  	_ =	swait.ge [sflag:s30], $0x1400  }
0xc4: {  	[sflag:s30] =	ssyncset.done $0x0  }
0xc5: {  	[sflag:s30] =	ssyncadd.s32 $0xFFFFEC00  }
0xc6: {  	[hbm4b:s11+s25] =	stream.strided.scatter [tilespmem:s14], [sflag:$0xC], $0x1400, s26, s25, $0x38;
	[tilespmem:$0x73A0] =	vst v63  }
0xc7: {  	p0 =	seq.s32 s10, $0x1900;
	_ =	swait.ge [sflag:s31], $0x1400  }
0xc8: {  	s12 =	simm.s32 @!p0 $0x50;
	s9 =	sshra.s32 @!p0 s10, $0x2;
	[sflag:s31] =	ssyncset.done $0x0  }
0xc9: {  	s10 =	simm.s32 @!p0 $0xFA0;
	s11 =	sadd.s32 @!p0 $0x190, s9;
	[sflag:s31] =	ssyncadd.s32 $0xFFFFEC00  }
0xca: {  	[tilespmem:s10], [sflag:$0x1] =	stream.indirect.gather @!p0 [hbm4b:s1+s12], $0x40, s11, s12, $0xb8;
	[tilespmem:$0x73A0] =	vst v63  }
0xcb: {  	_ =	swait.ge [sflag:s2], $0x1400  }
0xcc: {  	[sflag:s2] =	ssyncset.done $0x0  }
0xcd: {  	s11 =	sadd.s32 $0x8C0, s3;
	[sflag:s2] =	ssyncadd.s32 $0xFFFFEC00  }
0xce: {  	[tilespmem:s20], [sflag:$0x9] =	stream.indirect.gather.add.f32 [hbm:s5], $0x40, s11, s17, $0xb8;
	[tilespmem:$0x73A0] =	vst v63  }
0xcf: {  	_ =	swait.ge [sflag:s0], $0x1400  }
0xd0: {  	[sflag:s0] =	ssyncset.done $0x0  }
0xd1: {  	[sflag:s0] =	ssyncadd.s32 $0xFFFFEC00  }
0xd2: {  	[hbm4b:s8+s25] =	stream.strided.scatter [tilespmem:s19], [sflag:$0xD], $0x1400, s26, s25, $0x38;
	[tilespmem:$0x73A0] =	vst v63  }
0xd3: {  	_ =	swait.ge [sflag:s16], $0x1400  }
0xd4: {  	[sflag:s16] =	ssyncset.done $0x0  }
0xd5: {  	s8 =	sadd.s32 @!p0 $0x1E0, s9;
	s9 =	simm.s32 @!p0 $0x23A0;
	[sflag:s16] =	ssyncadd.s32 $0xFFFFEC00  }
0xd6: {  	[tilespmem:s9], [sflag:$0x2] =	stream.indirect.gather @!p0 [hbm4b:s1+s12], $0x40, s8, s12, $0xb8;
	[tilespmem:$0x73A0] =	vst v63  }
0xd7: {  	_ =	swait.ge [sflag:s6], $0x1400  }
0xd8: {  	[sflag:s6] =	ssyncset.done $0x0  }
0xd9: {  	s3 =	sadd.s32 $0x910, s3;
	[sflag:s6] =	ssyncadd.s32 $0xFFFFEC00  }
0xda: {  	[tilespmem:s21], [sflag:$0xA] =	stream.indirect.gather.add.f32 [hbm:s5], $0x40, s3, s17, $0xb8;
	[tilespmem:$0x73A0] =	vst v63  }
0xdb: {  	_ =	swait.ge [sflag:s7], $0x1400  }
0xdc: {  	[sflag:s7] =	ssyncset.done $0x0  }
0xdd: {  	s13 =	simm.s32 $0xA;
	[sflag:s7] =	ssyncadd.s32 $0xFFFFEC00  }
0xde: {  	[hbm4b:s4+s25] =	stream.strided.scatter [tilespmem:s20], [sflag:$0xE], $0x1400, s26, s25, $0x38;
	[tilespmem:$0x73A0] =	vst v63  }
0xdf: {  	_ =	swait.ge [sflag:s13], $0x1400  }
0xe0: {  	[sflag:s13] =	ssyncset.done $0x0  }
0xe1: {  	s18 =	simm.s32 $0xD;
	s15 =	rddreg [dreg:$0x6];
	[sflag:s13] =	ssyncadd.s32 $0xFFFFEC00  }
0xe2: {  	[hbm4b:s15+s25] =	stream.strided.scatter [tilespmem:s21], [sflag:$0xF], $0x1400, s26, s25, $0x38;
	[tilespmem:$0x73A0] =	vst v63  }
0xe3: {  	_ =	swait.ge [sflag:s18], $0x1400  }
0xe4: {  	[sflag:s18] =	ssyncset.done $0x0  }
0xe5: {  	s19 =	simm.s32 $0xE;
	[sflag:s18] =	ssyncadd.s32 $0xFFFFEC00  }
0xe6: {  	_ =	swait.ge [sflag:s19], $0x1400  }
0xe7: {  	[sflag:s19] =	ssyncset.done $0x0  }
0xe8: {  	s20 =	simm.s32 $0xF;
	[sflag:s19] =	ssyncadd.s32 $0xFFFFEC00  }
0xe9: {  	_ =	swait.ge [sflag:s20], $0x1400  }
0xea: {  	s21 =	rddreg [dreg:$0xd]  }
0xeb: {  	s28 =	rddreg [dreg:$0x7];
	s8 =	sadd.s32 $0x1, s21  }
0xec: {  	p0 =	sne.s32 s8, s28  }
.Ltmp1:
0xed: {  	_ = 	snop;
	(pc) =	sbr.rel @p0 .LBB2_1-.Ltmp1, $3  }
0xee: {  	_ =	sdelay $0x1  }
0xef: {  	[sflag:s20] =	ssyncset.done $0x0  }
0xf0: {  	[sflag:s20] =	ssyncadd.s32 $0xFFFFEC00  }
0xf1: {  	_ =	sfence.sel $0x180000  }
0xf2: {  	[bflag:$0x0] =	sbarrier.arrive $0xFFFF  }
0xf3: {  	_ =	strace $0x90000053  }
0xf4: {  	s0 =	stileid.u32;
	[bflag:$0x2] =	sbarrier.arrive $0xFFFF  }
0xf5: {  	p0 =	sne.s32 s0, $0x0;
	s0 =	rddreg [dreg:$0x3]  }
0xf6: {  	s0 =	sadd.s32 @!p0 $0x100000, s0  }
0xf7: {  	[sflag:s0] =	ssyncadd.tile.s32 @!p0 $0x1;
	_ =	shalt  }
.Lfunc_end2:
_tile_overlayer_lowered:
.L_overlay_start_2:
0xf8: {  	(tag) =	ssettag $0x2  }
0xf9: {  	s0 =	rddreg [dreg:$0x0];
	s2 =	stileid.u32  }
0xfa: {  	s1 =	rddreg [dreg:$0x1];
	p0 =	sne.s32 s2, $0x0  }
0xfb: {  	s3 =	rddreg [dreg:$0x2];
	[bflag:$0x3] =	sbarrier.arrive $0xFFFF;
	s2 =	simm.s32 @!p0 $0x1C10  }
0xfc: {  	[timem:s3], [sflag:s2] =	dma.local @!p0 [hbm:s0], s1  }
0xfd: {  	s0 =	simm.s32 @!p0 $0x10  }
0xfe: {  	_ =	swait.ge @!p0 [sflag:s0], s1  }
0xff: {  	s1 =	ssub.s32 @!p0 $0x0, s1;
	[sflag:s0] =	ssyncset.done @!p0 $0x0  }
0x100: {  	[sflag:s0] =	ssyncadd.s32 @!p0 s1  }
0x101: {  	[bflag:$0x3] =	sbarrier.arrive $0xFFFF  }
0x102: {  	_ =	shalt  }

// kernel: sparse-core-data-format-call.cloned.1.call-start
scs
called_computation_lowered:
.L_overlay_start_0:
0x0: {  	s2 =	sld [smem:$0x3FD9]  }
0x1: {  	s3 =	sld [smem:$0x3FFE];
	_ =	sdelay $0x1  }
0x2: {  	s1 =	srdreg.scid  }
0x3: {  	s0 =	sand.u32 $0x1, s1  }
0x4: {  	s15 =	sshll.u32 s0, $0xA;
	s2 =	sadd.s32 s3, s2  }
0x5: {  	s2 =	sadd.s32 s2, s15  }
0x6: {  	[smem:$0x3FBE] =	sst s2  }
0x7: {  	_ = 	snop  }
0x8: {  	s2 =	sld [smem:$0x3FD0];
	_ =	sdelay $0x2  }
0x9: {  	s16 =	simm.s32 $0xE;
	s4 =	simm.s32 $0x10  }
0xa: {  	[smem:s4], [sflag:s16] =	dma.local [hbm:s2], $0x1  }
0xb: {  	_ =	swait.eq [sflag:s16], $0x1  }
0xc: {  	[sflag:s16] =	ssyncset.done $0x0  }
0xd: {  	[sflag:s16] =	ssyncadd.s32 $0xFFFFFFFF  }
0xe: {  	s17 =	sld [smem:$0x11];
	(tm) =	ssettm $0x1  }
0xf: {  	s18 =	sld [smem:$0x3FFB];
	_ =	sdelay $0x3  }
0x10: {  	_ =	strace s18  }
0x11: {  	s3 =	sld [smem:$0x3FFC];
	_ =	sdelay $0x3  }
0x12: {  	_ =	strace s3  }
0x13: {  	s3 =	sld [smem:$0x3FFD];
	_ =	sdelay $0x3  }
0x14: {  	_ =	strace s3  }
0x15: {  	_ =	strace $0x8FFFFFFF  }
0x16: {  	s19 =	sld [smem:$0x3FDB];
	_ =	sdelay $0x1  }
0x17: {  	s20 =	simm.s32 $_scs_section_size  }
0x18: {  	s5 =	simm.s32 $_size__tile_overlayer_lowered;
	s6 =	simm.s32 $_tile_overlayer_lowered  }
0x19: {  	s23 =	simm.s32 $0x1BFF;
	s22 =	sshll.u32 s6, $0x1;
	s3 =	sadd.s32 s20, s19  }
0x1a: {  	s7 =	simm.s32 $0x0;
	s21 =	sshll.u32 s5, $0x1;
	s5 =	sadd.s32 s22, s3  }
0x1b: {  	[timem:s7], [sflag:s23] =	dma.local [hbm:s5], s21  }
0x1c: {  	_ =	swait.ge [sflag:s23], s21  }
0x1d: {  	s4 =	ssub.s32 $0x0, s21;
	[sflag:s23] =	ssyncset.done $0x0  }
0x1e: {  	[sflag:s23] =	ssyncadd.s32 s4;
	_ =	sdelay $0x1  }
0x1f: {  	s24 =	simm.s32 $0x1B8B  }
0x20: {  	_ =	swait.ge [sflag:s24], $0x1  }
0x21: {  	[sflag:s24] =	ssyncset.done $0x0  }
0x22: {  	s26 =	simm.s32 $0x1B8E;
	s25 =	sld [smem:$0x3FFE];
	[sflag:s24] =	ssyncadd.s32 $0xFFFFFFFF  }
0x23: {  	s27 =	simm.s32 $execute0_lowered;
	[smem:$0x3FD2] =	sst s26  }
0x24: {  	s5 =	sshll.u32 s27, $0x1;
	_ =	strace $0x80000055;
	[dreg:$0x1] =	wrdreg $0xFFFFFFFF  }
0x25: {  	s28 =	simm.s32 $_size_execute0_lowered;
	s3 =	sadd.s32 s3, s5;
	[dreg:$0x0] =	wrdreg $0x0  }
0x26: {  	s5 =	sshll.u32 s28, $0x1;
	[dreg:$0x2] =	wrdreg s3  }
0x27: {  	[dreg:$0x3] =	wrdreg s5  }
0x28: {  	[dreg:$0x4] =	wrdreg $0xC0  }
0x29: {  	_ =	task [dreg:s7], $0x5FFFF  }
0x2a: {  	[dreg:$0x1] =	wrdreg $0xFFFFFFFF  }
0x2b: {  	[dreg:$0x0] =	wrdreg $0x60  }
0x2c: {  	[dreg:$0x2] =	wrdreg s25  }
0x2d: {  	[dreg:$0x3] =	wrdreg s17  }
0x2e: {  	[dreg:$0x4] =	wrdreg $0x9  }
0x2f: {  	_ =	task.clear_ibuf [dreg:s7], $0x5FFFF;
	_ =	strace $0x90000055  }
0x30: {  	s29 =	simm.s32 $0x9;
	_ =	strace $0x80000057  }
0x31: {  	_ =	swait.ge [sflag:s29], $0x1  }
0x32: {  	[sflag:s29] =	ssyncadd.s32 $0xFFFFFFFF  }
0x33: {  	_ =	strace $0x90000057  }
0x34: {  	_ =	sfence  }
0x35: {  	s30 =	sld [smem:$0x0];
	_ =	sdelay $0x2  }
0x36: {  	s31 =	sshll.u32 s1, $0xD;
	s1 =	sshrl.u32 s1, $0x2  }
0x37: {  	s3 =	sand.u32 $0x4000, s31;
	s1 =	sadd.s32 s1, s30  }
0x38: {  	s0 =	sor.u32 s3, s0;
	s1 =	sshll.u32 s1, $0x11  }
0x39: {  	s0 =	sor.u32 s1, s0  }
0x3a: {  	s0 =	sadd.s32 $0x8F2B, s0  }
0x3b: {  	[sflag:s0] =	ssyncadd.remote.s32 $0x1  }
0x3c: {  	_ =	sfence.sel $0xFFFF  }
0x3d: {  	[dreg:$0x0] =	wrdreg $0xFFFFFFFF;
	(pc) =	sbr.abs _section_cstart, $3  }
0x3e: {  	[dreg:$0x1] =	wrdreg $0xFFFFFFFF  }
0x3f: {  	_ =	task.clear_ibuf [dreg:s7], $0x2FFFF;
	_ =	strace $0x9FFFFFFF  }
0x40: {  	(tm) =	ssettm $0x7FFFFFFF  }
0x41: {  	_ =	shalt  }
tec
execute0_lowered:
.L_overlay_start_1:
0x0: {  	(tag) =	ssettag $0x1  }
0x1: {  	s0 =	srdreg.scid  }
0x2: {  	s1 =	sshll.u32 s0, $0x4  }
0x3: {  	s4 =	rddreg [dreg:$0x0];
	s0 =	stileid.u32;
	s1 =	sand.u32 $0x10, s1  }
0x4: {  	s2 =	rddreg [dreg:$0x1];
	s7 =	simm.s32 $0x1;
	s1 =	sor.u32 s0, s1  }
0x5: {  	s8 =	simm.s32 $0x2;
	s11 =	simm.s32 $0x0;
	s3 =	sshll.u32 s1, $0x7  }
0x6: {  	s10 =	simm.s32 $0x0;
	s4 =	sadd.s32 $0x247000, s4;
	s6 =	ssub.s32 $0x4E200, s3  }
.Ltmp0:
0x7: {  	s1 =	rddreg [dreg:$0x2];
	s5 =	sand.u32 $0xF80, s6;
	(pc) =	sbr.rel .LBB1_1-.Ltmp0, $4  }
0x8: {  	_ =	strace $0x80000056;
	s9 =	smov.u32 s3;
	p0 =	sne.s32 s5, $0x0  }
0x9: {  	s6 =	sshrl.u32 s6, $0xC;
	s5 =	simm.s32 $0x1;
	s7 =	simm.s32 @!p0 $0x0  }
0xa: {  	[sflag:s5] =	ssyncpa.u1 $0x0;
	p0 =	por $0x0, $0x0;
	s6 =	sadd.s32 s7, s6  }
0xb: {  	[sflag:s8] =	ssyncpa.u1 $0x0;
	s8 =	simm.s32 $0x271000;
	s7 =	sadd.s32 $0x1, s6  }
.LBB1_4:
0xc: {  	s14 =	sshll.u32 s11, $0x3  }
0xd: {  	s30 =	sand.u32 $0x7F, s11;
	s14 =	sand.u32 $0xFFFFFC00, s14  }
0xe: {  	s11 =	sor.u32 s30, s14  }
0xf: {  	s15 =	smulhi.u32 $0xD1B71759, s11;
	_ =	sdelay $0x1  }
0x10: {  	s14 =	smulhi.u32 $0xD1B71759, s14;
	s15 =	sshrl.u32 s15, $0x12  }
0x11: {  	s15 =	smul.u32 $0x4E200, s15  }
0x12: {  	s14 =	sshrl.u32 s14, $0x12  }
0x13: {  	s14 =	sand.u32 $0x3F, s14;
	s11 =	ssub.s32 s11, s15  }
0x14: {  	[tilespmem:s13+$0x810 ss:$0x81] =	vst.msk $0xffff, v2;
	s14 =	smul.u32 $0x9C40, s14;
	s15 =	sshrl.u32 s11, $0x3;
	s11 =	sand.u32 $0x7, s11  }
0x15: {  	[tilespmem:s13+$0x1020 ss:$0x81] =	vst.msk $0xffff, v0;
	s15 =	sadd.s32 s2, s15;
	s11 =	sshll.u32 s11, $0x12  }
0x16: {  	[tilespmem:s13+$0x0 ss:$0x81] =	vst.msk $0xffff, v1;
	s31 =	sadd.s32 s14, s15;
	s11 =	sor.u32 $0x400, s11  }
0x17: {  	[hbm4b:s31+s11] =	stream.strided.scatter [tilespmem:s12], [sflag:$0x2], $0x2000, s8, s11, $0x20;
	[tilespmem:$0x8080] =	vst v63  }
.LBB1_5:
0x18: {  	s13 =	sadd.s32 $0x1000, s9  }
0x19: {  	p2 =	sgt.s32 s13, $0x4E1FF  }
0x1a: {  	s13 =	smov.u32 @p2 s3;
	p2 =	sne.s32 s10, s7  }
.Ltmp1:
0x1b: {  	p1 =	slt.u32 s10, $0x2;
	(pc) =	sbr.rel @!p2 .LBB1_6-.Ltmp1, $4  }
0x1c: {  	s12 =	simm.s32 @!p1 $0x2  }
0x1d: {  	s14 =	sadd.s32 $0x1, s10;
	_ =	swait.ge @!p1 [sflag:s12], $0x2000  }
0x1e: {  	s11 =	smov.u32 s9;
	p0 =	por !p0, !p0;
	[sflag:s12] =	ssyncset.done @!p1 $0x0  }
0x1f: {  	s10 =	smov.u32 s14;
	s9 =	smov.u32 s13;
	[sflag:s12] =	ssyncadd.s32 @!p1 $0xFFFFE000  }
.LBB1_1:
0x20: {  	p1 =	sge.u32 s10, s6  }
0x21: {  	s12 =	sand.u32 @!p1 $0x1FFFFFF, s9  }
0x22: {  	s13 =	smulhi.u32 @!p1 $0x1A36E2F, s12;
	_ =	sdelay $0x1  }
0x23: {  	s13 =	sshrl.u32 @!p1 s13, $0xB  }
0x24: {  	s13 =	smul.u32 @!p1 $0x4E200, s13;
	_ =	sdelay $0x1  }
0x25: {  	s31 =	sadd.s32 $0xFFFFFFFF, s10;
	s14 =	sxor.u32 @!p1 $0xFFFFFFFF, s10;
	s12 =	ssub.s32 @!p1 s12, s13  }
0x26: {  	s15 =	simm.s32 @!p1 $0x80;
	s14 =	sshll.u32 @!p1 s14, $0xD;
	s12 =	sshll.u32 @!p1 s12, $0x4  }
0x27: {  	s13 =	sand.u32 @!p1 $0x2000, s14;
	s14 =	simm.s32 @!p1 $0x40;
	s12 =	sadd.s32 @!p1 s4, s12  }
0x28: {  	[tilespmem:s13], [sflag:$0x1] =	stream.strided.gather @!p1 [hbm4b:s12+s14], $0x2000, s15, s14, $0x38;
	[tilespmem:$0x8080] =	vst v63  }
0x29: {  	p1 =	sge.u32 s31, s6  }
.Ltmp2:
0x2a: {  	_ = 	snop;
	(pc) =	sbr.rel @p1 .LBB1_5-.Ltmp2, $1  }
0x2b: {  	_ =	sdelay $0x3  }
0x2c: {  	s12 =	simm.s32 $0x1  }
0x2d: {  	_ =	swait.ge [sflag:s5], $0x2000;
	s12 =	simm.s32 @!p0 $0x0  }
0x2e: {  	[sflag:s5] =	ssyncset.done $0x0;
	s13 =	sshll.u32 s12, $0xD  }
0x2f: {  	[sflag:s5] =	ssyncadd.s32 $0xFFFFE000;
	s16 =	sor.u32 $0x20, s13  }
0x30: {  	s12 =	smul.u32 $0x8100, s12;
	v3 =	vld [tilespmem:s16+$0x10]  }
0x31: {  	s30 =	sand.u32 $0x1, s10;
	v2 =	vld [tilespmem:s16+$0xFFFFFFF0]  }
0x32: {  	s13 =	smul.u32 $0x8100, s30;
	s12 =	sshrl.u32 s12, $0x2;
	v0 =	vld [tilespmem:s16+$0x0]  }
0x33: {  	v1 =	vld [tilespmem:s16+$0xFFFFFFE0];
	s14 =	sor.u32 $0x4000, s12  }
0x34: {  	s31 =	sshrl.u32 s13, $0x2;
	s13 =	sadd.s32 $0x0, s14  }
0x35: {  	s15 =	simm.s32 $0x4;
	s16 =	sadd.s32 $0x40, s16;
	s12 =	sor.u32 $0x4000, s31;
	[tilespmem:s13+$0x1830 ss:$0x81] =	vst.msk $0xffff, v3  }
.LBB1_3:
0x36: {  	v3 =	vld [tilespmem:s16+$0x10];
	p1 =	sne.s32 s15, $0x1FC;
	[tilespmem:s13+$0x810 ss:$0x81] =	vst.msk $0xffff, v2;
	s17 =	smov.u32 s15;
	s15 =	sadd.s32 $0x4, s15  }
.Ltmp3:
0x37: {  	v2 =	vld [tilespmem:s16+$0xFFFFFFF0];
	[tilespmem:s13+$0x1020 ss:$0x81] =	vst.msk $0xffff, v0;
	(pc) =	sbr.rel @p1 .LBB1_3-.Ltmp3, $4  }
0x38: {  	v0 =	vld [tilespmem:s16+$0x0];
	[tilespmem:s13+$0x0 ss:$0x81] =	vst.msk $0xffff, v1  }
0x39: {  	s13 =	sshra.s32 s17, $0x2;
	v1 =	vld [tilespmem:s16+$0xFFFFFFE0]  }
0x3a: {  	s13 =	sadd.s32 s13, s14  }
0x3b: {  	s16 =	sadd.s32 $0x40, s16;
	[tilespmem:s13+$0x1830 ss:$0x81] =	vst.msk $0xffff, v3  }
.Ltmp4:
0x3c: {  	_ = 	snop;
	(pc) =	sbr.rel .LBB1_4-.Ltmp4, $1  }
0x3d: {  	_ =	sdelay $0x3  }
.LBB1_6:
0x3e: {  	_ =	sfence.sel $0x180000  }
0x3f: {  	s2 =	simm.s32 $0x1;
	[bflag:$0x0] =	sbarrier.arrive $0xFFFF  }
0x40: {  	s31 =	simm.s32 $0x2;
	[sflag:s2] =	ssyncpa.u1 $0x1  }
0x41: {  	[sflag:s31] =	ssyncpa.u1 $0x1  }
0x42: {  	p0 =	sne.s32 s0, $0x0;
	_ =	strace $0x90000056  }
0x43: {  	s0 =	sadd.s32 @!p0 $0x100000, s1;
	[bflag:$0x2] =	sbarrier.arrive $0xFFFF  }
0x44: {  	[sflag:s0] =	ssyncadd.tile.s32 @!p0 $0x1;
	_ =	shalt  }
.Lfunc_end1:
_tile_overlayer_lowered:
.L_overlay_start_2:
0x45: {  	(tag) =	ssettag $0x2  }
0x46: {  	s0 =	rddreg [dreg:$0x0];
	s2 =	stileid.u32  }
0x47: {  	s1 =	rddreg [dreg:$0x1];
	p0 =	sne.s32 s2, $0x0  }
0x48: {  	s3 =	rddreg [dreg:$0x2];
	[bflag:$0x3] =	sbarrier.arrive $0xFFFF;
	s2 =	simm.s32 @!p0 $0x1C01  }
0x49: {  	[timem:s3], [sflag:s2] =	dma.local @!p0 [hbm:s0], s1  }
0x4a: {  	s0 =	simm.s32 @!p0 $0x1  }
0x4b: {  	_ =	swait.ge @!p0 [sflag:s0], s1  }
0x4c: {  	s1 =	ssub.s32 @!p0 $0x0, s1;
	[sflag:s0] =	ssyncset.done @!p0 $0x0  }
0x4d: {  	[sflag:s0] =	ssyncadd.s32 @!p0 s1  }
0x4e: {  	[bflag:$0x3] =	sbarrier.arrive $0xFFFF  }
0x4f: {  	_ =	shalt  }

</sc_bundles>
